<compile_context>
chip_gen: v7x
topology: tpu7x:2x2x1
jax: 0.10.2.dev20260603
libtpu: 0.0.44.dev20260713+nightly
codegen_flags: <defaults>
</compile_context>

<pallas_src>
import functools
import math

import jax
import jax.numpy as jnp
import numpy as np
from jax import lax
from jax.experimental import pallas as pl
from jax.experimental.pallas import tpu as pltpu
from jax.experimental.pallas import tpu_sc as plsc

_NW = 32
_CHUNK = 128
_NBUF = 6


def _pe_row_table(d_model: int, n: int) -> np.ndarray:
    dm = d_model // 2
    div = np.exp(np.arange(0.0, dm, 2) * -(math.log(10000.0) / dm))
    pos = np.arange(0.0, n)[:, None] * div
    tab = np.empty((n, dm), dtype=np.float32)
    tab[:, 0::2] = np.sin(pos).astype(np.float32)
    tab[:, 1::2] = np.cos(pos).astype(np.float32)
    return tab * np.float32(0.1)


def _sc_gather_add(x, idxi, table):
    nb, nl, d = x.shape
    d2 = d // 2
    w_per_b = _NW // nb if _NW >= nb else 1
    l_per_w = nl // (_NW // nb)
    c_pos = _CHUNK // 2
    n_chunks = l_per_w // c_pos
    mesh = plsc.VectorSubcoreMesh(core_axis_name="c", subcore_axis_name="s")

    @functools.partial(
        pl.kernel,
        out_type=jax.ShapeDtypeStruct((nb, nl, d), jnp.float32),
        mesh=mesh,
        scratch_types=[
            pltpu.VMEM((n_chunks, _CHUNK), jnp.int32),
            pltpu.VMEM((_NBUF, 2, c_pos, d2), jnp.float32),
            pltpu.VMEM_SHARED(table.shape, jnp.float32),
            pltpu.SemaphoreType.DMA,
            [pltpu.SemaphoreType.DMA] * (2 * _NBUF),
            [pltpu.SemaphoreType.DMA] * _NBUF,
            [pltpu.SemaphoreType.DMA] * (2 * _NBUF),
        ],
    )
    def k(x_hbm, idx_hbm, t_hbm, out_hbm, idx_v, xb, tsh, si, sl, sg, ss):
        w = lax.axis_index("s") * 2 + lax.axis_index("c")
        bb = w // w_per_b
        c0 = (w % w_per_b) * n_chunks
        l0 = (w % w_per_b) * l_per_w
        idma = pltpu.async_copy(idx_hbm.at[bb, pl.ds(c0, n_chunks)], idx_v, si)

        loads = [None] * n_chunks
        gathers = [None] * n_chunks
        stores = [None] * n_chunks

        def start_load(j):
            b = j % _NBUF
            ls = pl.ds(l0 + j * c_pos, c_pos)
            loads[j] = [
                pltpu.async_copy(
                    x_hbm.at[bb, ls, pl.ds(h * d2, d2)],
                    xb.at[b, h], sl[2 * b + h])
                for h in range(2)
            ]

        for j in range(min(_NBUF, n_chunks)):
            start_load(j)

        @pl.when(lax.axis_index("s") == 0)
        def _():
            pltpu.sync_copy(t_hbm, tsh)

        plsc.subcore_barrier()

        idma.wait()

        for j in range(n_chunks + 2):
            if _NBUF <= j < n_chunks:
                for st in stores[j - _NBUF]:
                    st.wait()
                start_load(j)
            if 1 <= j < n_chunks + 1:
                jj = j - 1
                b = jj % _NBUF
                for ld in loads[jj]:
                    ld.wait()
                gathers[jj] = pltpu.async_copy(
                    tsh.at[idx_v.at[jj]],
                    xb.at[b].reshape(_CHUNK, d2), sg[b], add=True)
            if j >= 2:
                jj = j - 2
                b = jj % _NBUF
                gathers[jj].wait()
                ls = pl.ds(l0 + jj * c_pos, c_pos)
                stores[jj] = [
                    pltpu.async_copy(
                        xb.at[b, h], out_hbm.at[bb, ls, pl.ds(h * d2, d2)],
                        ss[2 * b + h])
                    for h in range(2)
                ]
        for j in range(max(0, n_chunks - _NBUF), n_chunks):
            for st in stores[j]:
                st.wait()

    return k(x, idxi, table)


def kernel(x, coord, pe):
    nb, nl, d = x.shape
    table = jnp.asarray(_pe_row_table(d, pe.shape[1]))
    idx = (coord / 100.0).astype(jnp.int32)
    idxg = jnp.flip(idx, -1).reshape(nb, -1, 64, 2)
    idxg = idxg.transpose(0, 1, 3, 2).reshape(nb, -1, 128)
    return _sc_gather_add(x, idxg, table)

# --- scband reference (transcript-rebuilt; emitter-appended) ---
"""Pipeline reference for scband-fixed-positional-encoding-2d-17437567222345 (READ-ONLY COPY).

The authoritative reference and input builder live on the scoring server;
editing this copy changes nothing except your own understanding.
"""

import math
import jax, jax.numpy as jnp
import numpy as np

D_MODEL = 256
HEIGHT = 384
WIDTH = 384
B = 16
L = 2048


def positionalencoding2d(d_model, height, width):
    if d_model % 4 != 0:
        raise ValueError('d_model must be divisible by 4')
    pe = np.zeros((d_model, height, width), dtype=np.float32)
    dm = d_model // 2
    div_term = np.exp(np.arange(0.0, dm, 2) * -(math.log(10000.0) / dm))
    pos_w = np.arange(0.0, width)[:, None]
    pos_h = np.arange(0.0, height)[:, None]
    sw = np.sin(pos_w * div_term).T  # [dm/2, width]
    cw = np.cos(pos_w * div_term).T
    sh = np.sin(pos_h * div_term).T  # [dm/2, height]
    ch = np.cos(pos_h * div_term).T
    pe[0:dm:2, :, :] = np.repeat(sw[:, None, :], height, axis=1)
    pe[1:dm:2, :, :] = np.repeat(cw[:, None, :], height, axis=1)
    pe[dm::2, :, :] = np.repeat(sh[:, :, None], width, axis=2)
    pe[dm + 1::2, :, :] = np.repeat(ch[:, :, None], width, axis=2)
    return jnp.asarray(pe)


def setup_inputs(seed: int = 0) -> dict:
    key = jax.random.key(seed)
    k1, k2 = jax.random.split(key)
    x = jax.random.normal(k1, (B, L, D_MODEL), dtype=jnp.float32)
    coord = jax.random.randint(k2, (B, L, 2), 0, HEIGHT * 100).astype(jnp.float32)
    pe = positionalencoding2d(D_MODEL, HEIGHT, WIDTH)
    return {"x": x, "coord": coord, "pe": pe}


def reference(x, coord, pe):
    # (coord / 100).long() -> integer (h, w) indices
    idx = (coord / 100.0).astype(jnp.int32)  # [B, L, 2]
    ih = idx[..., 0]  # [B, L]
    iw = idx[..., 1]  # [B, L]
    # pe[:, h, w] for each (b, l): advanced indexing -> [d_model, B, L]
    pos = pe[:, ih, iw]
    pos = jnp.transpose(pos, (1, 2, 0))  # [B, L, d_model]
    return x + 0.1 * pos

if __name__ == "__main__":
    import jax
    _d = setup_inputs()
    print(jax.jit(kernel)(*tuple(_d.values())))

</pallas_src>

<mosaic_0001>
#map = affine_map<(d0, d1) -> (0, 0, 0)>
#map1 = affine_map<(d0, d1) -> (0, 0)>
module attributes {stable_mosaic.version = 14 : i64} {
  func.func @k(%arg0: i32, %arg1: i32, %arg2: memref<16x2048x256xf32, #tpu.memory_space<hbm>>, %arg3: memref<16x32x128xi32, #tpu.memory_space<hbm>>, %arg4: memref<384x128xf32, #tpu.memory_space<hbm>>, %arg5: memref<16x2048x256xf32, #tpu.memory_space<hbm>>, %arg6: memref<16x128xi32, #tpu.memory_space<vmem>>, %arg7: memref<6x2x64x128xf32, #tpu.memory_space<vmem>>, %arg8: memref<384x128xf32, #tpu.memory_space<vmem_shared>>, %arg9: memref<!tpu.dma_semaphore, #tpu.memory_space<semaphore_mem>>, %arg10: memref<!tpu.dma_semaphore, #tpu.memory_space<semaphore_mem>>, %arg11: memref<!tpu.dma_semaphore, #tpu.memory_space<semaphore_mem>>, %arg12: memref<!tpu.dma_semaphore, #tpu.memory_space<semaphore_mem>>, %arg13: memref<!tpu.dma_semaphore, #tpu.memory_space<semaphore_mem>>, %arg14: memref<!tpu.dma_semaphore, #tpu.memory_space<semaphore_mem>>, %arg15: memref<!tpu.dma_semaphore, #tpu.memory_space<semaphore_mem>>, %arg16: memref<!tpu.dma_semaphore, #tpu.memory_space<semaphore_mem>>, %arg17: memref<!tpu.dma_semaphore, #tpu.memory_space<semaphore_mem>>, %arg18: memref<!tpu.dma_semaphore, #tpu.memory_space<semaphore_mem>>, %arg19: memref<!tpu.dma_semaphore, #tpu.memory_space<semaphore_mem>>, %arg20: memref<!tpu.dma_semaphore, #tpu.memory_space<semaphore_mem>>, %arg21: memref<!tpu.dma_semaphore, #tpu.memory_space<semaphore_mem>>, %arg22: memref<!tpu.dma_semaphore, #tpu.memory_space<semaphore_mem>>, %arg23: memref<!tpu.dma_semaphore, #tpu.memory_space<semaphore_mem>>, %arg24: memref<!tpu.dma_semaphore, #tpu.memory_space<semaphore_mem>>, %arg25: memref<!tpu.dma_semaphore, #tpu.memory_space<semaphore_mem>>, %arg26: memref<!tpu.dma_semaphore, #tpu.memory_space<semaphore_mem>>, %arg27: memref<!tpu.dma_semaphore, #tpu.memory_space<semaphore_mem>>, %arg28: memref<!tpu.dma_semaphore, #tpu.memory_space<semaphore_mem>>, %arg29: memref<!tpu.dma_semaphore, #tpu.memory_space<semaphore_mem>>, %arg30: memref<!tpu.dma_semaphore, #tpu.memory_space<semaphore_mem>>, %arg31: memref<!tpu.dma_semaphore, #tpu.memory_space<semaphore_mem>>, %arg32: memref<!tpu.dma_semaphore, #tpu.memory_space<semaphore_mem>>, %arg33: memref<!tpu.dma_semaphore, #tpu.memory_space<semaphore_mem>>, %arg34: memref<!tpu.dma_semaphore, #tpu.memory_space<semaphore_mem>>, %arg35: memref<!tpu.dma_semaphore, #tpu.memory_space<semaphore_mem>>, %arg36: memref<!tpu.dma_semaphore, #tpu.memory_space<semaphore_mem>>, %arg37: memref<!tpu.dma_semaphore, #tpu.memory_space<semaphore_mem>>, %arg38: memref<!tpu.dma_semaphore, #tpu.memory_space<semaphore_mem>>, %arg39: memref<!tpu.dma_semaphore, #tpu.memory_space<semaphore_mem>>) attributes {dimension_semantics = [#tpu.dimension_semantics<core_parallel>, #tpu.dimension_semantics<subcore_parallel>], iteration_bounds = array<i64: 2, 16>, scalar_prefetch = 0 : i64, scratch_operands = 34 : i64, tpu.core_type = #tpu.core_type<sc_vector_subcore>, window_params = [{transform_indices = #map}, {transform_indices = #map}, {transform_indices = #map1}, {transform_indices = #map}]} {
    %mul3A = arith.constant 2 : i32
    %mul3A_0 = arith.muli %arg1, %mul3A : i32
    %add3A = arith.addi %mul3A_0, %arg0 : i32
    %jit3A = arith.constant 2 : i32
    %div3A = arith.divsi %add3A, %jit3A : i32
    %sign3A = arith.constant 0 : i32
    %sign3A_1 = arith.cmpi sgt, %add3A, %sign3A : i32
    %sign3A_2 = arith.extui %sign3A_1 : i1 to i32
    %sign3A_3 = arith.constant 0 : i32
    %sign3A_4 = arith.cmpi slt, %add3A, %sign3A_3 : i32
    %sign3A_5 = arith.extui %sign3A_4 : i1 to i32
    %sign3A_6 = arith.subi %sign3A_2, %sign3A_5 : i32
    %sign3A_7 = arith.constant 0 : i32
    %sign3A_8 = arith.cmpi sgt, %jit3A, %sign3A_7 : i32
    %sign3A_9 = arith.extui %sign3A_8 : i1 to i32
    %sign3A_10 = arith.constant 0 : i32
    %sign3A_11 = arith.cmpi slt, %jit3A, %sign3A_10 : i32
    %sign3A_12 = arith.extui %sign3A_11 : i1 to i32
    %sign3A_13 = arith.subi %sign3A_9, %sign3A_12 : i32
    %ne3A = arith.cmpi ne, %sign3A_6, %sign3A_13 : i32
    %rem3A = arith.remsi %add3A, %jit3A : i32
    %ne3A_14 = arith.constant 0 : i32
    %ne3A_15 = arith.cmpi ne, %rem3A, %ne3A_14 : i32
    %and3A = arith.andi %ne3A, %ne3A_15 : i1
    %sub3A = arith.constant 1 : i32
    %sub3A_16 = arith.subi %div3A, %sub3A : i32
    %select_n3A = arith.select %and3A, %sub3A_16, %div3A : i32
    %jit3A_17 = arith.constant 2 : i32
    %eq3A = arith.constant 0 : i32
    %eq3A_18 = arith.cmpi eq, %jit3A_17, %eq3A : i32
    %jit3A_19 = arith.constant 1 : i32
    %select_n3A_20 = arith.select %eq3A_18, %jit3A_19, %jit3A_17 : i32
    %rem3A_21 = arith.remsi %add3A, %select_n3A_20 : i32
    %ne3A_22 = arith.constant 0 : i32
    %ne3A_23 = arith.cmpi ne, %rem3A_21, %ne3A_22 : i32
    %lt3A = arith.constant 0 : i32
    %lt3A_24 = arith.cmpi slt, %rem3A_21, %lt3A : i32
    %lt3A_25 = arith.constant 0 : i32
    %lt3A_26 = arith.cmpi slt, %select_n3A_20, %lt3A_25 : i32
    %ne3A_27 = arith.xori %lt3A_24, %lt3A_26 : i1
    %and3A_28 = arith.andi %ne3A_27, %ne3A_23 : i1
    %add3A_29 = arith.addi %rem3A_21, %select_n3A_20 : i32
    %select_n3A_30 = arith.select %and3A_28, %add3A_29, %rem3A_21 : i32
    %mul3A_31 = arith.constant 16 : i32
    %mul3A_32 = arith.muli %select_n3A_30, %mul3A_31 : i32
    %jit3A_33 = arith.constant 2 : i32
    %eq3A_34 = arith.constant 0 : i32
    %eq3A_35 = arith.cmpi eq, %jit3A_33, %eq3A_34 : i32
    %jit3A_36 = arith.constant 1 : i32
    %select_n3A_37 = arith.select %eq3A_35, %jit3A_36, %jit3A_33 : i32
    %rem3A_38 = arith.remsi %add3A, %select_n3A_37 : i32
    %ne3A_39 = arith.constant 0 : i32
    %ne3A_40 = arith.cmpi ne, %rem3A_38, %ne3A_39 : i32
    %lt3A_41 = arith.constant 0 : i32
    %lt3A_42 = arith.cmpi slt, %rem3A_38, %lt3A_41 : i32
    %lt3A_43 = arith.constant 0 : i32
    %lt3A_44 = arith.cmpi slt, %select_n3A_37, %lt3A_43 : i32
    %ne3A_45 = arith.xori %lt3A_42, %lt3A_44 : i1
    %and3A_46 = arith.andi %ne3A_45, %ne3A_40 : i1
    %add3A_47 = arith.addi %rem3A_38, %select_n3A_37 : i32
    %select_n3A_48 = arith.select %and3A_46, %add3A_47, %rem3A_38 : i32
    %mul3A_49 = arith.constant 1024 : i32
    %mul3A_50 = arith.muli %select_n3A_48, %mul3A_49 : i32
    %dma_start3A = arith.constant 0 : i32
    %dma_start3A_51 = tpu.memref_slice %arg3[%select_n3A, %mul3A_32, %dma_start3A] : memref<16x32x128xi32, #tpu.memory_space<hbm>> -> memref<1x16x128xi32, #tpu.memory_space<hbm>>
    %dma_start3A_52 = tpu.memref_squeeze %dma_start3A_51 : memref<1x16x128xi32, #tpu.memory_space<hbm>> -> memref<16x128xi32, #tpu.memory_space<hbm>>
    %dma_start3A_53 = arith.constant 0 : i32
    %dma_start3A_54 = tpu.memref_slice %arg3[%select_n3A, %mul3A_32, %dma_start3A_53] : memref<16x32x128xi32, #tpu.memory_space<hbm>> -> memref<1x16x128xi32, #tpu.memory_space<hbm>>
    %dma_start3A_55 = tpu.memref_squeeze %dma_start3A_54 : memref<1x16x128xi32, #tpu.memory_space<hbm>> -> memref<16x128xi32, #tpu.memory_space<hbm>>
    tpu.enqueue_dma source(%dma_start3A_55 : memref<16x128xi32, #tpu.memory_space<hbm>>) target(%arg6 : memref<16x128xi32, #tpu.memory_space<vmem>>) target_semaphore(%arg9 : memref<!tpu.dma_semaphore, #tpu.memory_space<semaphore_mem>>)
    %add3A_56 = arith.constant 0 : i32
    %add3A_57 = arith.addi %mul3A_50, %add3A_56 : i32
    %dma_start3A_58 = arith.constant 0 : i32
    %dma_start3A_59 = arith.constant 0 : i32
    %dma_start3A_60 = arith.constant 0 : i32
    %dma_start3A_61 = arith.constant 0 : i32
    %dma_start3A_62 = tpu.memref_slice %arg7[%dma_start3A_58, %dma_start3A_59, %dma_start3A_60, %dma_start3A_61] : memref<6x2x64x128xf32, #tpu.memory_space<vmem>> -> memref<1x1x64x128xf32, #tpu.memory_space<vmem>>
    %dma_start3A_63 = tpu.memref_squeeze %dma_start3A_62 : memref<1x1x64x128xf32, #tpu.memory_space<vmem>> -> memref<64x128xf32, #tpu.memory_space<vmem>>
    %dma_start3A_64 = arith.constant 0 : i32
    %dma_start3A_65 = tpu.memref_slice %arg2[%select_n3A, %add3A_57, %dma_start3A_64] : memref<16x2048x256xf32, #tpu.memory_space<hbm>> -> memref<1x64x128xf32, #tpu.memory_space<hbm>>
    %dma_start3A_66 = tpu.memref_squeeze %dma_start3A_65 : memref<1x64x128xf32, #tpu.memory_space<hbm>> -> memref<64x128xf32, #tpu.memory_space<hbm>>
    %dma_start3A_67 = arith.constant 0 : i32
    %dma_start3A_68 = arith.constant 0 : i32
    %dma_start3A_69 = tpu.memref_slice %arg7[%dma_start3A_58, %dma_start3A_59, %dma_start3A_67, %dma_start3A_68] : memref<6x2x64x128xf32, #tpu.memory_space<vmem>> -> memref<1x1x64x128xf32, #tpu.memory_space<vmem>>
    %dma_start3A_70 = tpu.memref_squeeze %dma_start3A_69 : memref<1x1x64x128xf32, #tpu.memory_space<vmem>> -> memref<64x128xf32, #tpu.memory_space<vmem>>
    %dma_start3A_71 = arith.constant 0 : i32
    %dma_start3A_72 = tpu.memref_slice %arg2[%select_n3A, %add3A_57, %dma_start3A_71] : memref<16x2048x256xf32, #tpu.memory_space<hbm>> -> memref<1x64x128xf32, #tpu.memory_space<hbm>>
    %dma_start3A_73 = tpu.memref_squeeze %dma_start3A_72 : memref<1x64x128xf32, #tpu.memory_space<hbm>> -> memref<64x128xf32, #tpu.memory_space<hbm>>
    tpu.enqueue_dma source(%dma_start3A_73 : memref<64x128xf32, #tpu.memory_space<hbm>>) target(%dma_start3A_70 : memref<64x128xf32, #tpu.memory_space<vmem>>) target_semaphore(%arg10 : memref<!tpu.dma_semaphore, #tpu.memory_space<semaphore_mem>>)
    %dma_start3A_74 = arith.constant 0 : i32
    %dma_start3A_75 = arith.constant 1 : i32
    %dma_start3A_76 = arith.constant 0 : i32
    %dma_start3A_77 = arith.constant 0 : i32
    %dma_start3A_78 = tpu.memref_slice %arg7[%dma_start3A_74, %dma_start3A_75, %dma_start3A_76, %dma_start3A_77] : memref<6x2x64x128xf32, #tpu.memory_space<vmem>> -> memref<1x1x64x128xf32, #tpu.memory_space<vmem>>
    %dma_start3A_79 = tpu.memref_squeeze %dma_start3A_78 : memref<1x1x64x128xf32, #tpu.memory_space<vmem>> -> memref<64x128xf32, #tpu.memory_space<vmem>>
    %dma_start3A_80 = arith.constant 128 : i32
    %dma_start3A_81 = tpu.memref_slice %arg2[%select_n3A, %add3A_57, %dma_start3A_80] : memref<16x2048x256xf32, #tpu.memory_space<hbm>> -> memref<1x64x128xf32, #tpu.memory_space<hbm>>
    %dma_start3A_82 = tpu.memref_squeeze %dma_start3A_81 : memref<1x64x128xf32, #tpu.memory_space<hbm>> -> memref<64x128xf32, #tpu.memory_space<hbm>>
    %dma_start3A_83 = arith.constant 0 : i32
    %dma_start3A_84 = arith.constant 0 : i32
    %dma_start3A_85 = tpu.memref_slice %arg7[%dma_start3A_74, %dma_start3A_75, %dma_start3A_83, %dma_start3A_84] : memref<6x2x64x128xf32, #tpu.memory_space<vmem>> -> memref<1x1x64x128xf32, #tpu.memory_space<vmem>>
    %dma_start3A_86 = tpu.memref_squeeze %dma_start3A_85 : memref<1x1x64x128xf32, #tpu.memory_space<vmem>> -> memref<64x128xf32, #tpu.memory_space<vmem>>
    %dma_start3A_87 = arith.constant 128 : i32
    %dma_start3A_88 = tpu.memref_slice %arg2[%select_n3A, %add3A_57, %dma_start3A_87] : memref<16x2048x256xf32, #tpu.memory_space<hbm>> -> memref<1x64x128xf32, #tpu.memory_space<hbm>>
    %dma_start3A_89 = tpu.memref_squeeze %dma_start3A_88 : memref<1x64x128xf32, #tpu.memory_space<hbm>> -> memref<64x128xf32, #tpu.memory_space<hbm>>
    tpu.enqueue_dma source(%dma_start3A_89 : memref<64x128xf32, #tpu.memory_space<hbm>>) target(%dma_start3A_86 : memref<64x128xf32, #tpu.memory_space<vmem>>) target_semaphore(%arg11 : memref<!tpu.dma_semaphore, #tpu.memory_space<semaphore_mem>>)
    %add3A_90 = arith.constant 64 : i32
    %add3A_91 = arith.addi %mul3A_50, %add3A_90 : i32
    %dma_start3A_92 = arith.constant 1 : i32
    %dma_start3A_93 = arith.constant 0 : i32
    %dma_start3A_94 = arith.constant 0 : i32
    %dma_start3A_95 = arith.constant 0 : i32
    %dma_start3A_96 = tpu.memref_slice %arg7[%dma_start3A_92, %dma_start3A_93, %dma_start3A_94, %dma_start3A_95] : memref<6x2x64x128xf32, #tpu.memory_space<vmem>> -> memref<1x1x64x128xf32, #tpu.memory_space<vmem>>
    %dma_start3A_97 = tpu.memref_squeeze %dma_start3A_96 : memref<1x1x64x128xf32, #tpu.memory_space<vmem>> -> memref<64x128xf32, #tpu.memory_space<vmem>>
    %dma_start3A_98 = arith.constant 0 : i32
    %dma_start3A_99 = tpu.memref_slice %arg2[%select_n3A, %add3A_91, %dma_start3A_98] : memref<16x2048x256xf32, #tpu.memory_space<hbm>> -> memref<1x64x128xf32, #tpu.memory_space<hbm>>
    %dma_start3A_100 = tpu.memref_squeeze %dma_start3A_99 : memref<1x64x128xf32, #tpu.memory_space<hbm>> -> memref<64x128xf32, #tpu.memory_space<hbm>>
    %dma_start3A_101 = arith.constant 0 : i32
    %dma_start3A_102 = arith.constant 0 : i32
    %dma_start3A_103 = tpu.memref_slice %arg7[%dma_start3A_92, %dma_start3A_93, %dma_start3A_101, %dma_start3A_102] : memref<6x2x64x128xf32, #tpu.memory_space<vmem>> -> memref<1x1x64x128xf32, #tpu.memory_space<vmem>>
    %dma_start3A_104 = tpu.memref_squeeze %dma_start3A_103 : memref<1x1x64x128xf32, #tpu.memory_space<vmem>> -> memref<64x128xf32, #tpu.memory_space<vmem>>
    %dma_start3A_105 = arith.constant 0 : i32
    %dma_start3A_106 = tpu.memref_slice %arg2[%select_n3A, %add3A_91, %dma_start3A_105] : memref<16x2048x256xf32, #tpu.memory_space<hbm>> -> memref<1x64x128xf32, #tpu.memory_space<hbm>>
    %dma_start3A_107 = tpu.memref_squeeze %dma_start3A_106 : memref<1x64x128xf32, #tpu.memory_space<hbm>> -> memref<64x128xf32, #tpu.memory_space<hbm>>
    tpu.enqueue_dma source(%dma_start3A_107 : memref<64x128xf32, #tpu.memory_space<hbm>>) target(%dma_start3A_104 : memref<64x128xf32, #tpu.memory_space<vmem>>) target_semaphore(%arg12 : memref<!tpu.dma_semaphore, #tpu.memory_space<semaphore_mem>>)
    %dma_start3A_108 = arith.constant 1 : i32
    %dma_start3A_109 = arith.constant 1 : i32
    %dma_start3A_110 = arith.constant 0 : i32
    %dma_start3A_111 = arith.constant 0 : i32
    %dma_start3A_112 = tpu.memref_slice %arg7[%dma_start3A_108, %dma_start3A_109, %dma_start3A_110, %dma_start3A_111] : memref<6x2x64x128xf32, #tpu.memory_space<vmem>> -> memref<1x1x64x128xf32, #tpu.memory_space<vmem>>
    %dma_start3A_113 = tpu.memref_squeeze %dma_start3A_112 : memref<1x1x64x128xf32, #tpu.memory_space<vmem>> -> memref<64x128xf32, #tpu.memory_space<vmem>>
    %dma_start3A_114 = arith.constant 128 : i32
    %dma_start3A_115 = tpu.memref_slice %arg2[%select_n3A, %add3A_91, %dma_start3A_114] : memref<16x2048x256xf32, #tpu.memory_space<hbm>> -> memref<1x64x128xf32, #tpu.memory_space<hbm>>
    %dma_start3A_116 = tpu.memref_squeeze %dma_start3A_115 : memref<1x64x128xf32, #tpu.memory_space<hbm>> -> memref<64x128xf32, #tpu.memory_space<hbm>>
    %dma_start3A_117 = arith.constant 0 : i32
    %dma_start3A_118 = arith.constant 0 : i32
    %dma_start3A_119 = tpu.memref_slice %arg7[%dma_start3A_108, %dma_start3A_109, %dma_start3A_117, %dma_start3A_118] : memref<6x2x64x128xf32, #tpu.memory_space<vmem>> -> memref<1x1x64x128xf32, #tpu.memory_space<vmem>>
    %dma_start3A_120 = tpu.memref_squeeze %dma_start3A_119 : memref<1x1x64x128xf32, #tpu.memory_space<vmem>> -> memref<64x128xf32, #tpu.memory_space<vmem>>
    %dma_start3A_121 = arith.constant 128 : i32
    %dma_start3A_122 = tpu.memref_slice %arg2[%select_n3A, %add3A_91, %dma_start3A_121] : memref<16x2048x256xf32, #tpu.memory_space<hbm>> -> memref<1x64x128xf32, #tpu.memory_space<hbm>>
    %dma_start3A_123 = tpu.memref_squeeze %dma_start3A_122 : memref<1x64x128xf32, #tpu.memory_space<hbm>> -> memref<64x128xf32, #tpu.memory_space<hbm>>
    tpu.enqueue_dma source(%dma_start3A_123 : memref<64x128xf32, #tpu.memory_space<hbm>>) target(%dma_start3A_120 : memref<64x128xf32, #tpu.memory_space<vmem>>) target_semaphore(%arg13 : memref<!tpu.dma_semaphore, #tpu.memory_space<semaphore_mem>>)
    %add3A_124 = arith.constant 128 : i32
    %add3A_125 = arith.addi %mul3A_50, %add3A_124 : i32
    %dma_start3A_126 = arith.constant 2 : i32
    %dma_start3A_127 = arith.constant 0 : i32
    %dma_start3A_128 = arith.constant 0 : i32
    %dma_start3A_129 = arith.constant 0 : i32
    %dma_start3A_130 = tpu.memref_slice %arg7[%dma_start3A_126, %dma_start3A_127, %dma_start3A_128, %dma_start3A_129] : memref<6x2x64x128xf32, #tpu.memory_space<vmem>> -> memref<1x1x64x128xf32, #tpu.memory_space<vmem>>
    %dma_start3A_131 = tpu.memref_squeeze %dma_start3A_130 : memref<1x1x64x128xf32, #tpu.memory_space<vmem>> -> memref<64x128xf32, #tpu.memory_space<vmem>>
    %dma_start3A_132 = arith.constant 0 : i32
    %dma_start3A_133 = tpu.memref_slice %arg2[%select_n3A, %add3A_125, %dma_start3A_132] : memref<16x2048x256xf32, #tpu.memory_space<hbm>> -> memref<1x64x128xf32, #tpu.memory_space<hbm>>
    %dma_start3A_134 = tpu.memref_squeeze %dma_start3A_133 : memref<1x64x128xf32, #tpu.memory_space<hbm>> -> memref<64x128xf32, #tpu.memory_space<hbm>>
    %dma_start3A_135 = arith.constant 0 : i32
    %dma_start3A_136 = arith.constant 0 : i32
    %dma_start3A_137 = tpu.memref_slice %arg7[%dma_start3A_126, %dma_start3A_127, %dma_start3A_135, %dma_start3A_136] : memref<6x2x64x128xf32, #tpu.memory_space<vmem>> -> memref<1x1x64x128xf32, #tpu.memory_space<vmem>>
    %dma_start3A_138 = tpu.memref_squeeze %dma_start3A_137 : memref<1x1x64x128xf32, #tpu.memory_space<vmem>> -> memref<64x128xf32, #tpu.memory_space<vmem>>
    %dma_start3A_139 = arith.constant 0 : i32
    %dma_start3A_140 = tpu.memref_slice %arg2[%select_n3A, %add3A_125, %dma_start3A_139] : memref<16x2048x256xf32, #tpu.memory_space<hbm>> -> memref<1x64x128xf32, #tpu.memory_space<hbm>>
    %dma_start3A_141 = tpu.memref_squeeze %dma_start3A_140 : memref<1x64x128xf32, #tpu.memory_space<hbm>> -> memref<64x128xf32, #tpu.memory_space<hbm>>
    tpu.enqueue_dma source(%dma_start3A_141 : memref<64x128xf32, #tpu.memory_space<hbm>>) target(%dma_start3A_138 : memref<64x128xf32, #tpu.memory_space<vmem>>) target_semaphore(%arg14 : memref<!tpu.dma_semaphore, #tpu.memory_space<semaphore_mem>>)
    %dma_start3A_142 = arith.constant 2 : i32
    %dma_start3A_143 = arith.constant 1 : i32
    %dma_start3A_144 = arith.constant 0 : i32
    %dma_start3A_145 = arith.constant 0 : i32
    %dma_start3A_146 = tpu.memref_slice %arg7[%dma_start3A_142, %dma_start3A_143, %dma_start3A_144, %dma_start3A_145] : memref<6x2x64x128xf32, #tpu.memory_space<vmem>> -> memref<1x1x64x128xf32, #tpu.memory_space<vmem>>
    %dma_start3A_147 = tpu.memref_squeeze %dma_start3A_146 : memref<1x1x64x128xf32, #tpu.memory_space<vmem>> -> memref<64x128xf32, #tpu.memory_space<vmem>>
    %dma_start3A_148 = arith.constant 128 : i32
    %dma_start3A_149 = tpu.memref_slice %arg2[%select_n3A, %add3A_125, %dma_start3A_148] : memref<16x2048x256xf32, #tpu.memory_space<hbm>> -> memref<1x64x128xf32, #tpu.memory_space<hbm>>
    %dma_start3A_150 = tpu.memref_squeeze %dma_start3A_149 : memref<1x64x128xf32, #tpu.memory_space<hbm>> -> memref<64x128xf32, #tpu.memory_space<hbm>>
    %dma_start3A_151 = arith.constant 0 : i32
    %dma_start3A_152 = arith.constant 0 : i32
    %dma_start3A_153 = tpu.memref_slice %arg7[%dma_start3A_142, %dma_start3A_143, %dma_start3A_151, %dma_start3A_152] : memref<6x2x64x128xf32, #tpu.memory_space<vmem>> -> memref<1x1x64x128xf32, #tpu.memory_space<vmem>>
    %dma_start3A_154 = tpu.memref_squeeze %dma_start3A_153 : memref<1x1x64x128xf32, #tpu.memory_space<vmem>> -> memref<64x128xf32, #tpu.memory_space<vmem>>
    %dma_start3A_155 = arith.constant 128 : i32
    %dma_start3A_156 = tpu.memref_slice %arg2[%select_n3A, %add3A_125, %dma_start3A_155] : memref<16x2048x256xf32, #tpu.memory_space<hbm>> -> memref<1x64x128xf32, #tpu.memory_space<hbm>>
    %dma_start3A_157 = tpu.memref_squeeze %dma_start3A_156 : memref<1x64x128xf32, #tpu.memory_space<hbm>> -> memref<64x128xf32, #tpu.memory_space<hbm>>
    tpu.enqueue_dma source(%dma_start3A_157 : memref<64x128xf32, #tpu.memory_space<hbm>>) target(%dma_start3A_154 : memref<64x128xf32, #tpu.memory_space<vmem>>) target_semaphore(%arg15 : memref<!tpu.dma_semaphore, #tpu.memory_space<semaphore_mem>>)
    %add3A_158 = arith.constant 192 : i32
    %add3A_159 = arith.addi %mul3A_50, %add3A_158 : i32
    %dma_start3A_160 = arith.constant 3 : i32
    %dma_start3A_161 = arith.constant 0 : i32
    %dma_start3A_162 = arith.constant 0 : i32
    %dma_start3A_163 = arith.constant 0 : i32
    %dma_start3A_164 = tpu.memref_slice %arg7[%dma_start3A_160, %dma_start3A_161, %dma_start3A_162, %dma_start3A_163] : memref<6x2x64x128xf32, #tpu.memory_space<vmem>> -> memref<1x1x64x128xf32, #tpu.memory_space<vmem>>
    %dma_start3A_165 = tpu.memref_squeeze %dma_start3A_164 : memref<1x1x64x128xf32, #tpu.memory_space<vmem>> -> memref<64x128xf32, #tpu.memory_space<vmem>>
    %dma_start3A_166 = arith.constant 0 : i32
    %dma_start3A_167 = tpu.memref_slice %arg2[%select_n3A, %add3A_159, %dma_start3A_166] : memref<16x2048x256xf32, #tpu.memory_space<hbm>> -> memref<1x64x128xf32, #tpu.memory_space<hbm>>
    %dma_start3A_168 = tpu.memref_squeeze %dma_start3A_167 : memref<1x64x128xf32, #tpu.memory_space<hbm>> -> memref<64x128xf32, #tpu.memory_space<hbm>>
    %dma_start3A_169 = arith.constant 0 : i32
    %dma_start3A_170 = arith.constant 0 : i32
    %dma_start3A_171 = tpu.memref_slice %arg7[%dma_start3A_160, %dma_start3A_161, %dma_start3A_169, %dma_start3A_170] : memref<6x2x64x128xf32, #tpu.memory_space<vmem>> -> memref<1x1x64x128xf32, #tpu.memory_space<vmem>>
    %dma_start3A_172 = tpu.memref_squeeze %dma_start3A_171 : memref<1x1x64x128xf32, #tpu.memory_space<vmem>> -> memref<64x128xf32, #tpu.memory_space<vmem>>
    %dma_start3A_173 = arith.constant 0 : i32
    %dma_start3A_174 = tpu.memref_slice %arg2[%select_n3A, %add3A_159, %dma_start3A_173] : memref<16x2048x256xf32, #tpu.memory_space<hbm>> -> memref<1x64x128xf32, #tpu.memory_space<hbm>>
    %dma_start3A_175 = tpu.memref_squeeze %dma_start3A_174 : memref<1x64x128xf32, #tpu.memory_space<hbm>> -> memref<64x128xf32, #tpu.memory_space<hbm>>
    tpu.enqueue_dma source(%dma_start3A_175 : memref<64x128xf32, #tpu.memory_space<hbm>>) target(%dma_start3A_172 : memref<64x128xf32, #tpu.memory_space<vmem>>) target_semaphore(%arg16 : memref<!tpu.dma_semaphore, #tpu.memory_space<semaphore_mem>>)
    %dma_start3A_176 = arith.constant 3 : i32
    %dma_start3A_177 = arith.constant 1 : i32
    %dma_start3A_178 = arith.constant 0 : i32
    %dma_start3A_179 = arith.constant 0 : i32
    %dma_start3A_180 = tpu.memref_slice %arg7[%dma_start3A_176, %dma_start3A_177, %dma_start3A_178, %dma_start3A_179] : memref<6x2x64x128xf32, #tpu.memory_space<vmem>> -> memref<1x1x64x128xf32, #tpu.memory_space<vmem>>
    %dma_start3A_181 = tpu.memref_squeeze %dma_start3A_180 : memref<1x1x64x128xf32, #tpu.memory_space<vmem>> -> memref<64x128xf32, #tpu.memory_space<vmem>>
    %dma_start3A_182 = arith.constant 128 : i32
    %dma_start3A_183 = tpu.memref_slice %arg2[%select_n3A, %add3A_159, %dma_start3A_182] : memref<16x2048x256xf32, #tpu.memory_space<hbm>> -> memref<1x64x128xf32, #tpu.memory_space<hbm>>
    %dma_start3A_184 = tpu.memref_squeeze %dma_start3A_183 : memref<1x64x128xf32, #tpu.memory_space<hbm>> -> memref<64x128xf32, #tpu.memory_space<hbm>>
    %dma_start3A_185 = arith.constant 0 : i32
    %dma_start3A_186 = arith.constant 0 : i32
    %dma_start3A_187 = tpu.memref_slice %arg7[%dma_start3A_176, %dma_start3A_177, %dma_start3A_185, %dma_start3A_186] : memref<6x2x64x128xf32, #tpu.memory_space<vmem>> -> memref<1x1x64x128xf32, #tpu.memory_space<vmem>>
    %dma_start3A_188 = tpu.memref_squeeze %dma_start3A_187 : memref<1x1x64x128xf32, #tpu.memory_space<vmem>> -> memref<64x128xf32, #tpu.memory_space<vmem>>
    %dma_start3A_189 = arith.constant 128 : i32
    %dma_start3A_190 = tpu.memref_slice %arg2[%select_n3A, %add3A_159, %dma_start3A_189] : memref<16x2048x256xf32, #tpu.memory_space<hbm>> -> memref<1x64x128xf32, #tpu.memory_space<hbm>>
    %dma_start3A_191 = tpu.memref_squeeze %dma_start3A_190 : memref<1x64x128xf32, #tpu.memory_space<hbm>> -> memref<64x128xf32, #tpu.memory_space<hbm>>
    tpu.enqueue_dma source(%dma_start3A_191 : memref<64x128xf32, #tpu.memory_space<hbm>>) target(%dma_start3A_188 : memref<64x128xf32, #tpu.memory_space<vmem>>) target_semaphore(%arg17 : memref<!tpu.dma_semaphore, #tpu.memory_space<semaphore_mem>>)
    %add3A_192 = arith.constant 256 : i32
    %add3A_193 = arith.addi %mul3A_50, %add3A_192 : i32
    %dma_start3A_194 = arith.constant 4 : i32
    %dma_start3A_195 = arith.constant 0 : i32
    %dma_start3A_196 = arith.constant 0 : i32
    %dma_start3A_197 = arith.constant 0 : i32
    %dma_start3A_198 = tpu.memref_slice %arg7[%dma_start3A_194, %dma_start3A_195, %dma_start3A_196, %dma_start3A_197] : memref<6x2x64x128xf32, #tpu.memory_space<vmem>> -> memref<1x1x64x128xf32, #tpu.memory_space<vmem>>
    %dma_start3A_199 = tpu.memref_squeeze %dma_start3A_198 : memref<1x1x64x128xf32, #tpu.memory_space<vmem>> -> memref<64x128xf32, #tpu.memory_space<vmem>>
    %dma_start3A_200 = arith.constant 0 : i32
    %dma_start3A_201 = tpu.memref_slice %arg2[%select_n3A, %add3A_193, %dma_start3A_200] : memref<16x2048x256xf32, #tpu.memory_space<hbm>> -> memref<1x64x128xf32, #tpu.memory_space<hbm>>
    %dma_start3A_202 = tpu.memref_squeeze %dma_start3A_201 : memref<1x64x128xf32, #tpu.memory_space<hbm>> -> memref<64x128xf32, #tpu.memory_space<hbm>>
    %dma_start3A_203 = arith.constant 0 : i32
    %dma_start3A_204 = arith.constant 0 : i32
    %dma_start3A_205 = tpu.memref_slice %arg7[%dma_start3A_194, %dma_start3A_195, %dma_start3A_203, %dma_start3A_204] : memref<6x2x64x128xf32, #tpu.memory_space<vmem>> -> memref<1x1x64x128xf32, #tpu.memory_space<vmem>>
    %dma_start3A_206 = tpu.memref_squeeze %dma_start3A_205 : memref<1x1x64x128xf32, #tpu.memory_space<vmem>> -> memref<64x128xf32, #tpu.memory_space<vmem>>
    %dma_start3A_207 = arith.constant 0 : i32
    %dma_start3A_208 = tpu.memref_slice %arg2[%select_n3A, %add3A_193, %dma_start3A_207] : memref<16x2048x256xf32, #tpu.memory_space<hbm>> -> memref<1x64x128xf32, #tpu.memory_space<hbm>>
    %dma_start3A_209 = tpu.memref_squeeze %dma_start3A_208 : memref<1x64x128xf32, #tpu.memory_space<hbm>> -> memref<64x128xf32, #tpu.memory_space<hbm>>
    tpu.enqueue_dma source(%dma_start3A_209 : memref<64x128xf32, #tpu.memory_space<hbm>>) target(%dma_start3A_206 : memref<64x128xf32, #tpu.memory_space<vmem>>) target_semaphore(%arg18 : memref<!tpu.dma_semaphore, #tpu.memory_space<semaphore_mem>>)
    %dma_start3A_210 = arith.constant 4 : i32
    %dma_start3A_211 = arith.constant 1 : i32
    %dma_start3A_212 = arith.constant 0 : i32
    %dma_start3A_213 = arith.constant 0 : i32
    %dma_start3A_214 = tpu.memref_slice %arg7[%dma_start3A_210, %dma_start3A_211, %dma_start3A_212, %dma_start3A_213] : memref<6x2x64x128xf32, #tpu.memory_space<vmem>> -> memref<1x1x64x128xf32, #tpu.memory_space<vmem>>
    %dma_start3A_215 = tpu.memref_squeeze %dma_start3A_214 : memref<1x1x64x128xf32, #tpu.memory_space<vmem>> -> memref<64x128xf32, #tpu.memory_space<vmem>>
    %dma_start3A_216 = arith.constant 128 : i32
    %dma_start3A_217 = tpu.memref_slice %arg2[%select_n3A, %add3A_193, %dma_start3A_216] : memref<16x2048x256xf32, #tpu.memory_space<hbm>> -> memref<1x64x128xf32, #tpu.memory_space<hbm>>
    %dma_start3A_218 = tpu.memref_squeeze %dma_start3A_217 : memref<1x64x128xf32, #tpu.memory_space<hbm>> -> memref<64x128xf32, #tpu.memory_space<hbm>>
    %dma_start3A_219 = arith.constant 0 : i32
    %dma_start3A_220 = arith.constant 0 : i32
    %dma_start3A_221 = tpu.memref_slice %arg7[%dma_start3A_210, %dma_start3A_211, %dma_start3A_219, %dma_start3A_220] : memref<6x2x64x128xf32, #tpu.memory_space<vmem>> -> memref<1x1x64x128xf32, #tpu.memory_space<vmem>>
    %dma_start3A_222 = tpu.memref_squeeze %dma_start3A_221 : memref<1x1x64x128xf32, #tpu.memory_space<vmem>> -> memref<64x128xf32, #tpu.memory_space<vmem>>
    %dma_start3A_223 = arith.constant 128 : i32
    %dma_start3A_224 = tpu.memref_slice %arg2[%select_n3A, %add3A_193, %dma_start3A_223] : memref<16x2048x256xf32, #tpu.memory_space<hbm>> -> memref<1x64x128xf32, #tpu.memory_space<hbm>>
    %dma_start3A_225 = tpu.memref_squeeze %dma_start3A_224 : memref<1x64x128xf32, #tpu.memory_space<hbm>> -> memref<64x128xf32, #tpu.memory_space<hbm>>
    tpu.enqueue_dma source(%dma_start3A_225 : memref<64x128xf32, #tpu.memory_space<hbm>>) target(%dma_start3A_222 : memref<64x128xf32, #tpu.memory_space<vmem>>) target_semaphore(%arg19 : memref<!tpu.dma_semaphore, #tpu.memory_space<semaphore_mem>>)
    %add3A_226 = arith.constant 320 : i32
    %add3A_227 = arith.addi %mul3A_50, %add3A_226 : i32
    %dma_start3A_228 = arith.constant 5 : i32
    %dma_start3A_229 = arith.constant 0 : i32
    %dma_start3A_230 = arith.constant 0 : i32
    %dma_start3A_231 = arith.constant 0 : i32
    %dma_start3A_232 = tpu.memref_slice %arg7[%dma_start3A_228, %dma_start3A_229, %dma_start3A_230, %dma_start3A_231] : memref<6x2x64x128xf32, #tpu.memory_space<vmem>> -> memref<1x1x64x128xf32, #tpu.memory_space<vmem>>
    %dma_start3A_233 = tpu.memref_squeeze %dma_start3A_232 : memref<1x1x64x128xf32, #tpu.memory_space<vmem>> -> memref<64x128xf32, #tpu.memory_space<vmem>>
    %dma_start3A_234 = arith.constant 0 : i32
    %dma_start3A_235 = tpu.memref_slice %arg2[%select_n3A, %add3A_227, %dma_start3A_234] : memref<16x2048x256xf32, #tpu.memory_space<hbm>> -> memref<1x64x128xf32, #tpu.memory_space<hbm>>
    %dma_start3A_236 = tpu.memref_squeeze %dma_start3A_235 : memref<1x64x128xf32, #tpu.memory_space<hbm>> -> memref<64x128xf32, #tpu.memory_space<hbm>>
    %dma_start3A_237 = arith.constant 0 : i32
    %dma_start3A_238 = arith.constant 0 : i32
    %dma_start3A_239 = tpu.memref_slice %arg7[%dma_start3A_228, %dma_start3A_229, %dma_start3A_237, %dma_start3A_238] : memref<6x2x64x128xf32, #tpu.memory_space<vmem>> -> memref<1x1x64x128xf32, #tpu.memory_space<vmem>>
    %dma_start3A_240 = tpu.memref_squeeze %dma_start3A_239 : memref<1x1x64x128xf32, #tpu.memory_space<vmem>> -> memref<64x128xf32, #tpu.memory_space<vmem>>
    %dma_start3A_241 = arith.constant 0 : i32
    %dma_start3A_242 = tpu.memref_slice %arg2[%select_n3A, %add3A_227, %dma_start3A_241] : memref<16x2048x256xf32, #tpu.memory_space<hbm>> -> memref<1x64x128xf32, #tpu.memory_space<hbm>>
    %dma_start3A_243 = tpu.memref_squeeze %dma_start3A_242 : memref<1x64x128xf32, #tpu.memory_space<hbm>> -> memref<64x128xf32, #tpu.memory_space<hbm>>
    tpu.enqueue_dma source(%dma_start3A_243 : memref<64x128xf32, #tpu.memory_space<hbm>>) target(%dma_start3A_240 : memref<64x128xf32, #tpu.memory_space<vmem>>) target_semaphore(%arg20 : memref<!tpu.dma_semaphore, #tpu.memory_space<semaphore_mem>>)
    %dma_start3A_244 = arith.constant 5 : i32
    %dma_start3A_245 = arith.constant 1 : i32
    %dma_start3A_246 = arith.constant 0 : i32
    %dma_start3A_247 = arith.constant 0 : i32
    %dma_start3A_248 = tpu.memref_slice %arg7[%dma_start3A_244, %dma_start3A_245, %dma_start3A_246, %dma_start3A_247] : memref<6x2x64x128xf32, #tpu.memory_space<vmem>> -> memref<1x1x64x128xf32, #tpu.memory_space<vmem>>
    %dma_start3A_249 = tpu.memref_squeeze %dma_start3A_248 : memref<1x1x64x128xf32, #tpu.memory_space<vmem>> -> memref<64x128xf32, #tpu.memory_space<vmem>>
    %dma_start3A_250 = arith.constant 128 : i32
    %dma_start3A_251 = tpu.memref_slice %arg2[%select_n3A, %add3A_227, %dma_start3A_250] : memref<16x2048x256xf32, #tpu.memory_space<hbm>> -> memref<1x64x128xf32, #tpu.memory_space<hbm>>
    %dma_start3A_252 = tpu.memref_squeeze %dma_start3A_251 : memref<1x64x128xf32, #tpu.memory_space<hbm>> -> memref<64x128xf32, #tpu.memory_space<hbm>>
    %dma_start3A_253 = arith.constant 0 : i32
    %dma_start3A_254 = arith.constant 0 : i32
    %dma_start3A_255 = tpu.memref_slice %arg7[%dma_start3A_244, %dma_start3A_245, %dma_start3A_253, %dma_start3A_254] : memref<6x2x64x128xf32, #tpu.memory_space<vmem>> -> memref<1x1x64x128xf32, #tpu.memory_space<vmem>>
    %dma_start3A_256 = tpu.memref_squeeze %dma_start3A_255 : memref<1x1x64x128xf32, #tpu.memory_space<vmem>> -> memref<64x128xf32, #tpu.memory_space<vmem>>
    %dma_start3A_257 = arith.constant 128 : i32
    %dma_start3A_258 = tpu.memref_slice %arg2[%select_n3A, %add3A_227, %dma_start3A_257] : memref<16x2048x256xf32, #tpu.memory_space<hbm>> -> memref<1x64x128xf32, #tpu.memory_space<hbm>>
    %dma_start3A_259 = tpu.memref_squeeze %dma_start3A_258 : memref<1x64x128xf32, #tpu.memory_space<hbm>> -> memref<64x128xf32, #tpu.memory_space<hbm>>
    tpu.enqueue_dma source(%dma_start3A_259 : memref<64x128xf32, #tpu.memory_space<hbm>>) target(%dma_start3A_256 : memref<64x128xf32, #tpu.memory_space<vmem>>) target_semaphore(%arg21 : memref<!tpu.dma_semaphore, #tpu.memory_space<semaphore_mem>>)
    %eq3A_260 = arith.constant 0 : i32
    %eq3A_261 = arith.cmpi eq, %arg1, %eq3A_260 : i32
    %convert_element_type3A = arith.extui %eq3A_261 : i1 to i32
    %cond3A = arith.constant 0 : i32
    %cond3A_262 = arith.cmpi ne, %convert_element_type3A, %cond3A : i32
    scf.if %cond3A_262 {
      "tpu.region"() ({
        %run_scoped3A = tpu.sem_alloc : memref<!tpu.dma_semaphore, #tpu.memory_space<semaphore_mem>>
        tpu.enqueue_dma source(%arg4 : memref<384x128xf32, #tpu.memory_space<hbm>>) target(%arg8 : memref<384x128xf32, #tpu.memory_space<vmem_shared>>) target_semaphore(%run_scoped3A : memref<!tpu.dma_semaphore, #tpu.memory_space<semaphore_mem>>)
        tpu.wait_dma2 semaphore(%run_scoped3A : memref<!tpu.dma_semaphore, #tpu.memory_space<semaphore_mem>>) src(%arg4 : memref<384x128xf32, #tpu.memory_space<hbm>>) dst(%arg8 : memref<384x128xf32, #tpu.memory_space<vmem_shared>>)
        tpu.yield
      }) : () -> ()
    } else {
    }
    %barrier3A = arith.constant 0 : index
    tpu.barrier barrier_id(%barrier3A)
    %dma_wait3A = arith.constant 0 : i32
    %dma_wait3A_263 = tpu.memref_slice %arg3[%select_n3A, %mul3A_32, %dma_wait3A] : memref<16x32x128xi32, #tpu.memory_space<hbm>> -> memref<1x16x128xi32, #tpu.memory_space<hbm>>
    %dma_wait3A_264 = tpu.memref_squeeze %dma_wait3A_263 : memref<1x16x128xi32, #tpu.memory_space<hbm>> -> memref<16x128xi32, #tpu.memory_space<hbm>>
    %dma_wait3A_265 = arith.constant 0 : i32
    %dma_wait3A_266 = tpu.memref_slice %arg3[%select_n3A, %mul3A_32, %dma_wait3A_265] : memref<16x32x128xi32, #tpu.memory_space<hbm>> -> memref<1x16x128xi32, #tpu.memory_space<hbm>>
    %dma_wait3A_267 = tpu.memref_squeeze %dma_wait3A_266 : memref<1x16x128xi32, #tpu.memory_space<hbm>> -> memref<16x128xi32, #tpu.memory_space<hbm>>
    tpu.wait_dma2 semaphore(%arg9 : memref<!tpu.dma_semaphore, #tpu.memory_space<semaphore_mem>>) src(%dma_wait3A_267 : memref<16x128xi32, #tpu.memory_space<hbm>>) dst(%arg6 : memref<16x128xi32, #tpu.memory_space<vmem>>)
    %dma_wait3A_268 = arith.constant 0 : i32
    %dma_wait3A_269 = arith.constant 0 : i32
    %dma_wait3A_270 = arith.constant 0 : i32
    %dma_wait3A_271 = arith.constant 0 : i32
    %dma_wait3A_272 = tpu.memref_slice %arg7[%dma_wait3A_268, %dma_wait3A_269, %dma_wait3A_270, %dma_wait3A_271] : memref<6x2x64x128xf32, #tpu.memory_space<vmem>> -> memref<1x1x64x128xf32, #tpu.memory_space<vmem>>
    %dma_wait3A_273 = tpu.memref_squeeze %dma_wait3A_272 : memref<1x1x64x128xf32, #tpu.memory_space<vmem>> -> memref<64x128xf32, #tpu.memory_space<vmem>>
    %dma_wait3A_274 = arith.constant 0 : i32
    %dma_wait3A_275 = tpu.memref_slice %arg2[%select_n3A, %add3A_57, %dma_wait3A_274] : memref<16x2048x256xf32, #tpu.memory_space<hbm>> -> memref<1x64x128xf32, #tpu.memory_space<hbm>>
    %dma_wait3A_276 = tpu.memref_squeeze %dma_wait3A_275 : memref<1x64x128xf32, #tpu.memory_space<hbm>> -> memref<64x128xf32, #tpu.memory_space<hbm>>
    %dma_wait3A_277 = arith.constant 0 : i32
    %dma_wait3A_278 = arith.constant 0 : i32
    %dma_wait3A_279 = tpu.memref_slice %arg7[%dma_wait3A_268, %dma_wait3A_269, %dma_wait3A_277, %dma_wait3A_278] : memref<6x2x64x128xf32, #tpu.memory_space<vmem>> -> memref<1x1x64x128xf32, #tpu.memory_space<vmem>>
    %dma_wait3A_280 = tpu.memref_squeeze %dma_wait3A_279 : memref<1x1x64x128xf32, #tpu.memory_space<vmem>> -> memref<64x128xf32, #tpu.memory_space<vmem>>
    %dma_wait3A_281 = arith.constant 0 : i32
    %dma_wait3A_282 = tpu.memref_slice %arg2[%select_n3A, %add3A_57, %dma_wait3A_281] : memref<16x2048x256xf32, #tpu.memory_space<hbm>> -> memref<1x64x128xf32, #tpu.memory_space<hbm>>
    %dma_wait3A_283 = tpu.memref_squeeze %dma_wait3A_282 : memref<1x64x128xf32, #tpu.memory_space<hbm>> -> memref<64x128xf32, #tpu.memory_space<hbm>>
    tpu.wait_dma2 semaphore(%arg10 : memref<!tpu.dma_semaphore, #tpu.memory_space<semaphore_mem>>) src(%dma_wait3A_283 : memref<64x128xf32, #tpu.memory_space<hbm>>) dst(%dma_wait3A_280 : memref<64x128xf32, #tpu.memory_space<vmem>>)
    %dma_wait3A_284 = arith.constant 0 : i32
    %dma_wait3A_285 = arith.constant 1 : i32
    %dma_wait3A_286 = arith.constant 0 : i32
    %dma_wait3A_287 = arith.constant 0 : i32
    %dma_wait3A_288 = tpu.memref_slice %arg7[%dma_wait3A_284, %dma_wait3A_285, %dma_wait3A_286, %dma_wait3A_287] : memref<6x2x64x128xf32, #tpu.memory_space<vmem>> -> memref<1x1x64x128xf32, #tpu.memory_space<vmem>>
    %dma_wait3A_289 = tpu.memref_squeeze %dma_wait3A_288 : memref<1x1x64x128xf32, #tpu.memory_space<vmem>> -> memref<64x128xf32, #tpu.memory_space<vmem>>
    %dma_wait3A_290 = arith.constant 128 : i32
    %dma_wait3A_291 = tpu.memref_slice %arg2[%select_n3A, %add3A_57, %dma_wait3A_290] : memref<16x2048x256xf32, #tpu.memory_space<hbm>> -> memref<1x64x128xf32, #tpu.memory_space<hbm>>
    %dma_wait3A_292 = tpu.memref_squeeze %dma_wait3A_291 : memref<1x64x128xf32, #tpu.memory_space<hbm>> -> memref<64x128xf32, #tpu.memory_space<hbm>>
    %dma_wait3A_293 = arith.constant 0 : i32
    %dma_wait3A_294 = arith.constant 0 : i32
    %dma_wait3A_295 = tpu.memref_slice %arg7[%dma_wait3A_284, %dma_wait3A_285, %dma_wait3A_293, %dma_wait3A_294] : memref<6x2x64x128xf32, #tpu.memory_space<vmem>> -> memref<1x1x64x128xf32, #tpu.memory_space<vmem>>
    %dma_wait3A_296 = tpu.memref_squeeze %dma_wait3A_295 : memref<1x1x64x128xf32, #tpu.memory_space<vmem>> -> memref<64x128xf32, #tpu.memory_space<vmem>>
    %dma_wait3A_297 = arith.constant 128 : i32
    %dma_wait3A_298 = tpu.memref_slice %arg2[%select_n3A, %add3A_57, %dma_wait3A_297] : memref<16x2048x256xf32, #tpu.memory_space<hbm>> -> memref<1x64x128xf32, #tpu.memory_space<hbm>>
    %dma_wait3A_299 = tpu.memref_squeeze %dma_wait3A_298 : memref<1x64x128xf32, #tpu.memory_space<hbm>> -> memref<64x128xf32, #tpu.memory_space<hbm>>
    tpu.wait_dma2 semaphore(%arg11 : memref<!tpu.dma_semaphore, #tpu.memory_space<semaphore_mem>>) src(%dma_wait3A_299 : memref<64x128xf32, #tpu.memory_space<hbm>>) dst(%dma_wait3A_296 : memref<64x128xf32, #tpu.memory_space<vmem>>)
    %dma_start3A_300 = arith.constant 0 : i32
    %dma_start3A_301 = arith.constant 0 : i32
    %dma_start3A_302 = arith.constant 0 : i32
    %dma_start3A_303 = arith.constant 0 : i32
    %dma_start3A_304 = arith.constant 0 : i32
    %dma_start3A_305 = tpu.memref_slice %arg7[%dma_start3A_301, %dma_start3A_302, %dma_start3A_303, %dma_start3A_304] : memref<6x2x64x128xf32, #tpu.memory_space<vmem>> -> memref<1x2x64x128xf32, #tpu.memory_space<vmem>>
    %dma_start3A_306 = tpu.memref_squeeze %dma_start3A_305 : memref<1x2x64x128xf32, #tpu.memory_space<vmem>> -> memref<2x64x128xf32, #tpu.memory_space<vmem>>
    %dma_start3A_307 = tpu.memref_reshape %dma_start3A_306 : memref<2x64x128xf32, #tpu.memory_space<vmem>> -> memref<128x128xf32, #tpu.memory_space<vmem>>
    %dma_start3A_308 = arith.constant 0 : i32
    %dma_start3A_309 = tpu.memref_slice %arg6[%dma_start3A_300, %dma_start3A_308] : memref<16x128xi32, #tpu.memory_space<vmem>> -> memref<1x128xi32, #tpu.memory_space<vmem>>
    %dma_start3A_310 = tpu.memref_squeeze %dma_start3A_309 : memref<1x128xi32, #tpu.memory_space<vmem>> -> memref<128xi32, #tpu.memory_space<vmem>>
    %dma_start3A_311 = arith.constant 0 : i32
    %dma_start3A_312 = arith.constant 0 : i32
    %dma_start3A_313 = tpu.memref_slice %arg8[%dma_start3A_311, %dma_start3A_312] : memref<384x128xf32, #tpu.memory_space<vmem_shared>> -> memref<384x128xf32, #tpu.memory_space<vmem_shared>>
    tpu.enqueue_indirect_dma source(%dma_start3A_313 : memref<384x128xf32, #tpu.memory_space<vmem_shared>>) target(%dma_start3A_307 : memref<128x128xf32, #tpu.memory_space<vmem>>) offsets(%dma_start3A_310 : memref<128xi32, #tpu.memory_space<vmem>>) semaphore(%arg22 : memref<!tpu.dma_semaphore, #tpu.memory_space<semaphore_mem>>) {add = true}
    %dma_wait3A_314 = arith.constant 1 : i32
    %dma_wait3A_315 = arith.constant 0 : i32
    %dma_wait3A_316 = arith.constant 0 : i32
    %dma_wait3A_317 = arith.constant 0 : i32
    %dma_wait3A_318 = tpu.memref_slice %arg7[%dma_wait3A_314, %dma_wait3A_315, %dma_wait3A_316, %dma_wait3A_317] : memref<6x2x64x128xf32, #tpu.memory_space<vmem>> -> memref<1x1x64x128xf32, #tpu.memory_space<vmem>>
    %dma_wait3A_319 = tpu.memref_squeeze %dma_wait3A_318 : memref<1x1x64x128xf32, #tpu.memory_space<vmem>> -> memref<64x128xf32, #tpu.memory_space<vmem>>
    %dma_wait3A_320 = arith.constant 0 : i32
    %dma_wait3A_321 = tpu.memref_slice %arg2[%select_n3A, %add3A_91, %dma_wait3A_320] : memref<16x2048x256xf32, #tpu.memory_space<hbm>> -> memref<1x64x128xf32, #tpu.memory_space<hbm>>
    %dma_wait3A_322 = tpu.memref_squeeze %dma_wait3A_321 : memref<1x64x128xf32, #tpu.memory_space<hbm>> -> memref<64x128xf32, #tpu.memory_space<hbm>>
    %dma_wait3A_323 = arith.constant 0 : i32
    %dma_wait3A_324 = arith.constant 0 : i32
    %dma_wait3A_325 = tpu.memref_slice %arg7[%dma_wait3A_314, %dma_wait3A_315, %dma_wait3A_323, %dma_wait3A_324] : memref<6x2x64x128xf32, #tpu.memory_space<vmem>> -> memref<1x1x64x128xf32, #tpu.memory_space<vmem>>
    %dma_wait3A_326 = tpu.memref_squeeze %dma_wait3A_325 : memref<1x1x64x128xf32, #tpu.memory_space<vmem>> -> memref<64x128xf32, #tpu.memory_space<vmem>>
    %dma_wait3A_327 = arith.constant 0 : i32
    %dma_wait3A_328 = tpu.memref_slice %arg2[%select_n3A, %add3A_91, %dma_wait3A_327] : memref<16x2048x256xf32, #tpu.memory_space<hbm>> -> memref<1x64x128xf32, #tpu.memory_space<hbm>>
    %dma_wait3A_329 = tpu.memref_squeeze %dma_wait3A_328 : memref<1x64x128xf32, #tpu.memory_space<hbm>> -> memref<64x128xf32, #tpu.memory_space<hbm>>
    tpu.wait_dma2 semaphore(%arg12 : memref<!tpu.dma_semaphore, #tpu.memory_space<semaphore_mem>>) src(%dma_wait3A_329 : memref<64x128xf32, #tpu.memory_space<hbm>>) dst(%dma_wait3A_326 : memref<64x128xf32, #tpu.memory_space<vmem>>)
    %dma_wait3A_330 = arith.constant 1 : i32
    %dma_wait3A_331 = arith.constant 1 : i32
    %dma_wait3A_332 = arith.constant 0 : i32
    %dma_wait3A_333 = arith.constant 0 : i32
    %dma_wait3A_334 = tpu.memref_slice %arg7[%dma_wait3A_330, %dma_wait3A_331, %dma_wait3A_332, %dma_wait3A_333] : memref<6x2x64x128xf32, #tpu.memory_space<vmem>> -> memref<1x1x64x128xf32, #tpu.memory_space<vmem>>
    %dma_wait3A_335 = tpu.memref_squeeze %dma_wait3A_334 : memref<1x1x64x128xf32, #tpu.memory_space<vmem>> -> memref<64x128xf32, #tpu.memory_space<vmem>>
    %dma_wait3A_336 = arith.constant 128 : i32
    %dma_wait3A_337 = tpu.memref_slice %arg2[%select_n3A, %add3A_91, %dma_wait3A_336] : memref<16x2048x256xf32, #tpu.memory_space<hbm>> -> memref<1x64x128xf32, #tpu.memory_space<hbm>>
    %dma_wait3A_338 = tpu.memref_squeeze %dma_wait3A_337 : memref<1x64x128xf32, #tpu.memory_space<hbm>> -> memref<64x128xf32, #tpu.memory_space<hbm>>
    %dma_wait3A_339 = arith.constant 0 : i32
    %dma_wait3A_340 = arith.constant 0 : i32
    %dma_wait3A_341 = tpu.memref_slice %arg7[%dma_wait3A_330, %dma_wait3A_331, %dma_wait3A_339, %dma_wait3A_340] : memref<6x2x64x128xf32, #tpu.memory_space<vmem>> -> memref<1x1x64x128xf32, #tpu.memory_space<vmem>>
    %dma_wait3A_342 = tpu.memref_squeeze %dma_wait3A_341 : memref<1x1x64x128xf32, #tpu.memory_space<vmem>> -> memref<64x128xf32, #tpu.memory_space<vmem>>
    %dma_wait3A_343 = arith.constant 128 : i32
    %dma_wait3A_344 = tpu.memref_slice %arg2[%select_n3A, %add3A_91, %dma_wait3A_343] : memref<16x2048x256xf32, #tpu.memory_space<hbm>> -> memref<1x64x128xf32, #tpu.memory_space<hbm>>
    %dma_wait3A_345 = tpu.memref_squeeze %dma_wait3A_344 : memref<1x64x128xf32, #tpu.memory_space<hbm>> -> memref<64x128xf32, #tpu.memory_space<hbm>>
    tpu.wait_dma2 semaphore(%arg13 : memref<!tpu.dma_semaphore, #tpu.memory_space<semaphore_mem>>) src(%dma_wait3A_345 : memref<64x128xf32, #tpu.memory_space<hbm>>) dst(%dma_wait3A_342 : memref<64x128xf32, #tpu.memory_space<vmem>>)
    %dma_start3A_346 = arith.constant 1 : i32
    %dma_start3A_347 = arith.constant 1 : i32
    %dma_start3A_348 = arith.constant 0 : i32
    %dma_start3A_349 = arith.constant 0 : i32
    %dma_start3A_350 = arith.constant 0 : i32
    %dma_start3A_351 = tpu.memref_slice %arg7[%dma_start3A_347, %dma_start3A_348, %dma_start3A_349, %dma_start3A_350] : memref<6x2x64x128xf32, #tpu.memory_space<vmem>> -> memref<1x2x64x128xf32, #tpu.memory_space<vmem>>
    %dma_start3A_352 = tpu.memref_squeeze %dma_start3A_351 : memref<1x2x64x128xf32, #tpu.memory_space<vmem>> -> memref<2x64x128xf32, #tpu.memory_space<vmem>>
    %dma_start3A_353 = tpu.memref_reshape %dma_start3A_352 : memref<2x64x128xf32, #tpu.memory_space<vmem>> -> memref<128x128xf32, #tpu.memory_space<vmem>>
    %dma_start3A_354 = arith.constant 0 : i32
    %dma_start3A_355 = tpu.memref_slice %arg6[%dma_start3A_346, %dma_start3A_354] : memref<16x128xi32, #tpu.memory_space<vmem>> -> memref<1x128xi32, #tpu.memory_space<vmem>>
    %dma_start3A_356 = tpu.memref_squeeze %dma_start3A_355 : memref<1x128xi32, #tpu.memory_space<vmem>> -> memref<128xi32, #tpu.memory_space<vmem>>
    %dma_start3A_357 = arith.constant 0 : i32
    %dma_start3A_358 = arith.constant 0 : i32
    %dma_start3A_359 = tpu.memref_slice %arg8[%dma_start3A_357, %dma_start3A_358] : memref<384x128xf32, #tpu.memory_space<vmem_shared>> -> memref<384x128xf32, #tpu.memory_space<vmem_shared>>
    tpu.enqueue_indirect_dma source(%dma_start3A_359 : memref<384x128xf32, #tpu.memory_space<vmem_shared>>) target(%dma_start3A_353 : memref<128x128xf32, #tpu.memory_space<vmem>>) offsets(%dma_start3A_356 : memref<128xi32, #tpu.memory_space<vmem>>) semaphore(%arg23 : memref<!tpu.dma_semaphore, #tpu.memory_space<semaphore_mem>>) {add = true}
    %dma_wait3A_360 = arith.constant 0 : i32
    %dma_wait3A_361 = arith.constant 0 : i32
    %dma_wait3A_362 = arith.constant 0 : i32
    %dma_wait3A_363 = arith.constant 0 : i32
    %dma_wait3A_364 = arith.constant 0 : i32
    %dma_wait3A_365 = tpu.memref_slice %arg7[%dma_wait3A_361, %dma_wait3A_362, %dma_wait3A_363, %dma_wait3A_364] : memref<6x2x64x128xf32, #tpu.memory_space<vmem>> -> memref<1x2x64x128xf32, #tpu.memory_space<vmem>>
    %dma_wait3A_366 = tpu.memref_squeeze %dma_wait3A_365 : memref<1x2x64x128xf32, #tpu.memory_space<vmem>> -> memref<2x64x128xf32, #tpu.memory_space<vmem>>
    %dma_wait3A_367 = tpu.memref_reshape %dma_wait3A_366 : memref<2x64x128xf32, #tpu.memory_space<vmem>> -> memref<128x128xf32, #tpu.memory_space<vmem>>
    %dma_wait3A_368 = arith.constant 0 : i32
    %dma_wait3A_369 = tpu.memref_slice %arg6[%dma_wait3A_360, %dma_wait3A_368] : memref<16x128xi32, #tpu.memory_space<vmem>> -> memref<1x128xi32, #tpu.memory_space<vmem>>
    %dma_wait3A_370 = tpu.memref_squeeze %dma_wait3A_369 : memref<1x128xi32, #tpu.memory_space<vmem>> -> memref<128xi32, #tpu.memory_space<vmem>>
    %dma_wait3A_371 = arith.constant 0 : i32
    %dma_wait3A_372 = arith.constant 0 : i32
    %dma_wait3A_373 = tpu.memref_slice %arg8[%dma_wait3A_371, %dma_wait3A_372] : memref<384x128xf32, #tpu.memory_space<vmem_shared>> -> memref<384x128xf32, #tpu.memory_space<vmem_shared>>
    tpu.wait_indirect_dma semaphore(%arg22 : memref<!tpu.dma_semaphore, #tpu.memory_space<semaphore_mem>>) src(%dma_wait3A_373 : memref<384x128xf32, #tpu.memory_space<vmem_shared>>) dst(%dma_wait3A_367 : memref<128x128xf32, #tpu.memory_space<vmem>>)
    %add3A_374 = arith.constant 0 : i32
    %add3A_375 = arith.addi %mul3A_50, %add3A_374 : i32
    %dma_start3A_376 = arith.constant 0 : i32
    %dma_start3A_377 = arith.constant 0 : i32
    %dma_start3A_378 = arith.constant 0 : i32
    %dma_start3A_379 = arith.constant 0 : i32
    %dma_start3A_380 = tpu.memref_slice %arg7[%dma_start3A_376, %dma_start3A_377, %dma_start3A_378, %dma_start3A_379] : memref<6x2x64x128xf32, #tpu.memory_space<vmem>> -> memref<1x1x64x128xf32, #tpu.memory_space<vmem>>
    %dma_start3A_381 = tpu.memref_squeeze %dma_start3A_380 : memref<1x1x64x128xf32, #tpu.memory_space<vmem>> -> memref<64x128xf32, #tpu.memory_space<vmem>>
    %dma_start3A_382 = arith.constant 0 : i32
    %dma_start3A_383 = tpu.memref_slice %arg5[%select_n3A, %add3A_375, %dma_start3A_382] : memref<16x2048x256xf32, #tpu.memory_space<hbm>> -> memref<1x64x128xf32, #tpu.memory_space<hbm>>
    %dma_start3A_384 = tpu.memref_squeeze %dma_start3A_383 : memref<1x64x128xf32, #tpu.memory_space<hbm>> -> memref<64x128xf32, #tpu.memory_space<hbm>>
    %dma_start3A_385 = arith.constant 0 : i32
    %dma_start3A_386 = tpu.memref_slice %arg5[%select_n3A, %add3A_375, %dma_start3A_385] : memref<16x2048x256xf32, #tpu.memory_space<hbm>> -> memref<1x64x128xf32, #tpu.memory_space<hbm>>
    %dma_start3A_387 = tpu.memref_squeeze %dma_start3A_386 : memref<1x64x128xf32, #tpu.memory_space<hbm>> -> memref<64x128xf32, #tpu.memory_space<hbm>>
    %dma_start3A_388 = arith.constant 0 : i32
    %dma_start3A_389 = arith.constant 0 : i32
    %dma_start3A_390 = tpu.memref_slice %arg7[%dma_start3A_376, %dma_start3A_377, %dma_start3A_388, %dma_start3A_389] : memref<6x2x64x128xf32, #tpu.memory_space<vmem>> -> memref<1x1x64x128xf32, #tpu.memory_space<vmem>>
    %dma_start3A_391 = tpu.memref_squeeze %dma_start3A_390 : memref<1x1x64x128xf32, #tpu.memory_space<vmem>> -> memref<64x128xf32, #tpu.memory_space<vmem>>
    tpu.enqueue_dma source(%dma_start3A_391 : memref<64x128xf32, #tpu.memory_space<vmem>>) target(%dma_start3A_387 : memref<64x128xf32, #tpu.memory_space<hbm>>) target_semaphore(%arg28 : memref<!tpu.dma_semaphore, #tpu.memory_space<semaphore_mem>>)
    %dma_start3A_392 = arith.constant 0 : i32
    %dma_start3A_393 = arith.constant 1 : i32
    %dma_start3A_394 = arith.constant 0 : i32
    %dma_start3A_395 = arith.constant 0 : i32
    %dma_start3A_396 = tpu.memref_slice %arg7[%dma_start3A_392, %dma_start3A_393, %dma_start3A_394, %dma_start3A_395] : memref<6x2x64x128xf32, #tpu.memory_space<vmem>> -> memref<1x1x64x128xf32, #tpu.memory_space<vmem>>
    %dma_start3A_397 = tpu.memref_squeeze %dma_start3A_396 : memref<1x1x64x128xf32, #tpu.memory_space<vmem>> -> memref<64x128xf32, #tpu.memory_space<vmem>>
    %dma_start3A_398 = arith.constant 128 : i32
    %dma_start3A_399 = tpu.memref_slice %arg5[%select_n3A, %add3A_375, %dma_start3A_398] : memref<16x2048x256xf32, #tpu.memory_space<hbm>> -> memref<1x64x128xf32, #tpu.memory_space<hbm>>
    %dma_start3A_400 = tpu.memref_squeeze %dma_start3A_399 : memref<1x64x128xf32, #tpu.memory_space<hbm>> -> memref<64x128xf32, #tpu.memory_space<hbm>>
    %dma_start3A_401 = arith.constant 128 : i32
    %dma_start3A_402 = tpu.memref_slice %arg5[%select_n3A, %add3A_375, %dma_start3A_401] : memref<16x2048x256xf32, #tpu.memory_space<hbm>> -> memref<1x64x128xf32, #tpu.memory_space<hbm>>
    %dma_start3A_403 = tpu.memref_squeeze %dma_start3A_402 : memref<1x64x128xf32, #tpu.memory_space<hbm>> -> memref<64x128xf32, #tpu.memory_space<hbm>>
    %dma_start3A_404 = arith.constant 0 : i32
    %dma_start3A_405 = arith.constant 0 : i32
    %dma_start3A_406 = tpu.memref_slice %arg7[%dma_start3A_392, %dma_start3A_393, %dma_start3A_404, %dma_start3A_405] : memref<6x2x64x128xf32, #tpu.memory_space<vmem>> -> memref<1x1x64x128xf32, #tpu.memory_space<vmem>>
    %dma_start3A_407 = tpu.memref_squeeze %dma_start3A_406 : memref<1x1x64x128xf32, #tpu.memory_space<vmem>> -> memref<64x128xf32, #tpu.memory_space<vmem>>
    tpu.enqueue_dma source(%dma_start3A_407 : memref<64x128xf32, #tpu.memory_space<vmem>>) target(%dma_start3A_403 : memref<64x128xf32, #tpu.memory_space<hbm>>) target_semaphore(%arg29 : memref<!tpu.dma_semaphore, #tpu.memory_space<semaphore_mem>>)
    %dma_wait3A_408 = arith.constant 2 : i32
    %dma_wait3A_409 = arith.constant 0 : i32
    %dma_wait3A_410 = arith.constant 0 : i32
    %dma_wait3A_411 = arith.constant 0 : i32
    %dma_wait3A_412 = tpu.memref_slice %arg7[%dma_wait3A_408, %dma_wait3A_409, %dma_wait3A_410, %dma_wait3A_411] : memref<6x2x64x128xf32, #tpu.memory_space<vmem>> -> memref<1x1x64x128xf32, #tpu.memory_space<vmem>>
    %dma_wait3A_413 = tpu.memref_squeeze %dma_wait3A_412 : memref<1x1x64x128xf32, #tpu.memory_space<vmem>> -> memref<64x128xf32, #tpu.memory_space<vmem>>
    %dma_wait3A_414 = arith.constant 0 : i32
    %dma_wait3A_415 = tpu.memref_slice %arg2[%select_n3A, %add3A_125, %dma_wait3A_414] : memref<16x2048x256xf32, #tpu.memory_space<hbm>> -> memref<1x64x128xf32, #tpu.memory_space<hbm>>
    %dma_wait3A_416 = tpu.memref_squeeze %dma_wait3A_415 : memref<1x64x128xf32, #tpu.memory_space<hbm>> -> memref<64x128xf32, #tpu.memory_space<hbm>>
    %dma_wait3A_417 = arith.constant 0 : i32
    %dma_wait3A_418 = arith.constant 0 : i32
    %dma_wait3A_419 = tpu.memref_slice %arg7[%dma_wait3A_408, %dma_wait3A_409, %dma_wait3A_417, %dma_wait3A_418] : memref<6x2x64x128xf32, #tpu.memory_space<vmem>> -> memref<1x1x64x128xf32, #tpu.memory_space<vmem>>
    %dma_wait3A_420 = tpu.memref_squeeze %dma_wait3A_419 : memref<1x1x64x128xf32, #tpu.memory_space<vmem>> -> memref<64x128xf32, #tpu.memory_space<vmem>>
    %dma_wait3A_421 = arith.constant 0 : i32
    %dma_wait3A_422 = tpu.memref_slice %arg2[%select_n3A, %add3A_125, %dma_wait3A_421] : memref<16x2048x256xf32, #tpu.memory_space<hbm>> -> memref<1x64x128xf32, #tpu.memory_space<hbm>>
    %dma_wait3A_423 = tpu.memref_squeeze %dma_wait3A_422 : memref<1x64x128xf32, #tpu.memory_space<hbm>> -> memref<64x128xf32, #tpu.memory_space<hbm>>
    tpu.wait_dma2 semaphore(%arg14 : memref<!tpu.dma_semaphore, #tpu.memory_space<semaphore_mem>>) src(%dma_wait3A_423 : memref<64x128xf32, #tpu.memory_space<hbm>>) dst(%dma_wait3A_420 : memref<64x128xf32, #tpu.memory_space<vmem>>)
    %dma_wait3A_424 = arith.constant 2 : i32
    %dma_wait3A_425 = arith.constant 1 : i32
    %dma_wait3A_426 = arith.constant 0 : i32
    %dma_wait3A_427 = arith.constant 0 : i32
    %dma_wait3A_428 = tpu.memref_slice %arg7[%dma_wait3A_424, %dma_wait3A_425, %dma_wait3A_426, %dma_wait3A_427] : memref<6x2x64x128xf32, #tpu.memory_space<vmem>> -> memref<1x1x64x128xf32, #tpu.memory_space<vmem>>
    %dma_wait3A_429 = tpu.memref_squeeze %dma_wait3A_428 : memref<1x1x64x128xf32, #tpu.memory_space<vmem>> -> memref<64x128xf32, #tpu.memory_space<vmem>>
    %dma_wait3A_430 = arith.constant 128 : i32
    %dma_wait3A_431 = tpu.memref_slice %arg2[%select_n3A, %add3A_125, %dma_wait3A_430] : memref<16x2048x256xf32, #tpu.memory_space<hbm>> -> memref<1x64x128xf32, #tpu.memory_space<hbm>>
    %dma_wait3A_432 = tpu.memref_squeeze %dma_wait3A_431 : memref<1x64x128xf32, #tpu.memory_space<hbm>> -> memref<64x128xf32, #tpu.memory_space<hbm>>
    %dma_wait3A_433 = arith.constant 0 : i32
    %dma_wait3A_434 = arith.constant 0 : i32
    %dma_wait3A_435 = tpu.memref_slice %arg7[%dma_wait3A_424, %dma_wait3A_425, %dma_wait3A_433, %dma_wait3A_434] : memref<6x2x64x128xf32, #tpu.memory_space<vmem>> -> memref<1x1x64x128xf32, #tpu.memory_space<vmem>>
    %dma_wait3A_436 = tpu.memref_squeeze %dma_wait3A_435 : memref<1x1x64x128xf32, #tpu.memory_space<vmem>> -> memref<64x128xf32, #tpu.memory_space<vmem>>
    %dma_wait3A_437 = arith.constant 128 : i32
    %dma_wait3A_438 = tpu.memref_slice %arg2[%select_n3A, %add3A_125, %dma_wait3A_437] : memref<16x2048x256xf32, #tpu.memory_space<hbm>> -> memref<1x64x128xf32, #tpu.memory_space<hbm>>
    %dma_wait3A_439 = tpu.memref_squeeze %dma_wait3A_438 : memref<1x64x128xf32, #tpu.memory_space<hbm>> -> memref<64x128xf32, #tpu.memory_space<hbm>>
    tpu.wait_dma2 semaphore(%arg15 : memref<!tpu.dma_semaphore, #tpu.memory_space<semaphore_mem>>) src(%dma_wait3A_439 : memref<64x128xf32, #tpu.memory_space<hbm>>) dst(%dma_wait3A_436 : memref<64x128xf32, #tpu.memory_space<vmem>>)
    %dma_start3A_440 = arith.constant 2 : i32
    %dma_start3A_441 = arith.constant 2 : i32
    %dma_start3A_442 = arith.constant 0 : i32
    %dma_start3A_443 = arith.constant 0 : i32
    %dma_start3A_444 = arith.constant 0 : i32
    %dma_start3A_445 = tpu.memref_slice %arg7[%dma_start3A_441, %dma_start3A_442, %dma_start3A_443, %dma_start3A_444] : memref<6x2x64x128xf32, #tpu.memory_space<vmem>> -> memref<1x2x64x128xf32, #tpu.memory_space<vmem>>
    %dma_start3A_446 = tpu.memref_squeeze %dma_start3A_445 : memref<1x2x64x128xf32, #tpu.memory_space<vmem>> -> memref<2x64x128xf32, #tpu.memory_space<vmem>>
    %dma_start3A_447 = tpu.memref_reshape %dma_start3A_446 : memref<2x64x128xf32, #tpu.memory_space<vmem>> -> memref<128x128xf32, #tpu.memory_space<vmem>>
    %dma_start3A_448 = arith.constant 0 : i32
    %dma_start3A_449 = tpu.memref_slice %arg6[%dma_start3A_440, %dma_start3A_448] : memref<16x128xi32, #tpu.memory_space<vmem>> -> memref<1x128xi32, #tpu.memory_space<vmem>>
    %dma_start3A_450 = tpu.memref_squeeze %dma_start3A_449 : memref<1x128xi32, #tpu.memory_space<vmem>> -> memref<128xi32, #tpu.memory_space<vmem>>
    %dma_start3A_451 = arith.constant 0 : i32
    %dma_start3A_452 = arith.constant 0 : i32
    %dma_start3A_453 = tpu.memref_slice %arg8[%dma_start3A_451, %dma_start3A_452] : memref<384x128xf32, #tpu.memory_space<vmem_shared>> -> memref<384x128xf32, #tpu.memory_space<vmem_shared>>
    tpu.enqueue_indirect_dma source(%dma_start3A_453 : memref<384x128xf32, #tpu.memory_space<vmem_shared>>) target(%dma_start3A_447 : memref<128x128xf32, #tpu.memory_space<vmem>>) offsets(%dma_start3A_450 : memref<128xi32, #tpu.memory_space<vmem>>) semaphore(%arg24 : memref<!tpu.dma_semaphore, #tpu.memory_space<semaphore_mem>>) {add = true}
    %dma_wait3A_454 = arith.constant 1 : i32
    %dma_wait3A_455 = arith.constant 1 : i32
    %dma_wait3A_456 = arith.constant 0 : i32
    %dma_wait3A_457 = arith.constant 0 : i32
    %dma_wait3A_458 = arith.constant 0 : i32
    %dma_wait3A_459 = tpu.memref_slice %arg7[%dma_wait3A_455, %dma_wait3A_456, %dma_wait3A_457, %dma_wait3A_458] : memref<6x2x64x128xf32, #tpu.memory_space<vmem>> -> memref<1x2x64x128xf32, #tpu.memory_space<vmem>>
    %dma_wait3A_460 = tpu.memref_squeeze %dma_wait3A_459 : memref<1x2x64x128xf32, #tpu.memory_space<vmem>> -> memref<2x64x128xf32, #tpu.memory_space<vmem>>
    %dma_wait3A_461 = tpu.memref_reshape %dma_wait3A_460 : memref<2x64x128xf32, #tpu.memory_space<vmem>> -> memref<128x128xf32, #tpu.memory_space<vmem>>
    %dma_wait3A_462 = arith.constant 0 : i32
    %dma_wait3A_463 = tpu.memref_slice %arg6[%dma_wait3A_454, %dma_wait3A_462] : memref<16x128xi32, #tpu.memory_space<vmem>> -> memref<1x128xi32, #tpu.memory_space<vmem>>
    %dma_wait3A_464 = tpu.memref_squeeze %dma_wait3A_463 : memref<1x128xi32, #tpu.memory_space<vmem>> -> memref<128xi32, #tpu.memory_space<vmem>>
    %dma_wait3A_465 = arith.constant 0 : i32
    %dma_wait3A_466 = arith.constant 0 : i32
    %dma_wait3A_467 = tpu.memref_slice %arg8[%dma_wait3A_465, %dma_wait3A_466] : memref<384x128xf32, #tpu.memory_space<vmem_shared>> -> memref<384x128xf32, #tpu.memory_space<vmem_shared>>
    tpu.wait_indirect_dma semaphore(%arg23 : memref<!tpu.dma_semaphore, #tpu.memory_space<semaphore_mem>>) src(%dma_wait3A_467 : memref<384x128xf32, #tpu.memory_space<vmem_shared>>) dst(%dma_wait3A_461 : memref<128x128xf32, #tpu.memory_space<vmem>>)
    %add3A_468 = arith.constant 64 : i32
    %add3A_469 = arith.addi %mul3A_50, %add3A_468 : i32
    %dma_start3A_470 = arith.constant 1 : i32
    %dma_start3A_471 = arith.constant 0 : i32
    %dma_start3A_472 = arith.constant 0 : i32
    %dma_start3A_473 = arith.constant 0 : i32
    %dma_start3A_474 = tpu.memref_slice %arg7[%dma_start3A_470, %dma_start3A_471, %dma_start3A_472, %dma_start3A_473] : memref<6x2x64x128xf32, #tpu.memory_space<vmem>> -> memref<1x1x64x128xf32, #tpu.memory_space<vmem>>
    %dma_start3A_475 = tpu.memref_squeeze %dma_start3A_474 : memref<1x1x64x128xf32, #tpu.memory_space<vmem>> -> memref<64x128xf32, #tpu.memory_space<vmem>>
    %dma_start3A_476 = arith.constant 0 : i32
    %dma_start3A_477 = tpu.memref_slice %arg5[%select_n3A, %add3A_469, %dma_start3A_476] : memref<16x2048x256xf32, #tpu.memory_space<hbm>> -> memref<1x64x128xf32, #tpu.memory_space<hbm>>
    %dma_start3A_478 = tpu.memref_squeeze %dma_start3A_477 : memref<1x64x128xf32, #tpu.memory_space<hbm>> -> memref<64x128xf32, #tpu.memory_space<hbm>>
    %dma_start3A_479 = arith.constant 0 : i32
    %dma_start3A_480 = tpu.memref_slice %arg5[%select_n3A, %add3A_469, %dma_start3A_479] : memref<16x2048x256xf32, #tpu.memory_space<hbm>> -> memref<1x64x128xf32, #tpu.memory_space<hbm>>
    %dma_start3A_481 = tpu.memref_squeeze %dma_start3A_480 : memref<1x64x128xf32, #tpu.memory_space<hbm>> -> memref<64x128xf32, #tpu.memory_space<hbm>>
    %dma_start3A_482 = arith.constant 0 : i32
    %dma_start3A_483 = arith.constant 0 : i32
    %dma_start3A_484 = tpu.memref_slice %arg7[%dma_start3A_470, %dma_start3A_471, %dma_start3A_482, %dma_start3A_483] : memref<6x2x64x128xf32, #tpu.memory_space<vmem>> -> memref<1x1x64x128xf32, #tpu.memory_space<vmem>>
    %dma_start3A_485 = tpu.memref_squeeze %dma_start3A_484 : memref<1x1x64x128xf32, #tpu.memory_space<vmem>> -> memref<64x128xf32, #tpu.memory_space<vmem>>
    tpu.enqueue_dma source(%dma_start3A_485 : memref<64x128xf32, #tpu.memory_space<vmem>>) target(%dma_start3A_481 : memref<64x128xf32, #tpu.memory_space<hbm>>) target_semaphore(%arg30 : memref<!tpu.dma_semaphore, #tpu.memory_space<semaphore_mem>>)
    %dma_start3A_486 = arith.constant 1 : i32
    %dma_start3A_487 = arith.constant 1 : i32
    %dma_start3A_488 = arith.constant 0 : i32
    %dma_start3A_489 = arith.constant 0 : i32
    %dma_start3A_490 = tpu.memref_slice %arg7[%dma_start3A_486, %dma_start3A_487, %dma_start3A_488, %dma_start3A_489] : memref<6x2x64x128xf32, #tpu.memory_space<vmem>> -> memref<1x1x64x128xf32, #tpu.memory_space<vmem>>
    %dma_start3A_491 = tpu.memref_squeeze %dma_start3A_490 : memref<1x1x64x128xf32, #tpu.memory_space<vmem>> -> memref<64x128xf32, #tpu.memory_space<vmem>>
    %dma_start3A_492 = arith.constant 128 : i32
    %dma_start3A_493 = tpu.memref_slice %arg5[%select_n3A, %add3A_469, %dma_start3A_492] : memref<16x2048x256xf32, #tpu.memory_space<hbm>> -> memref<1x64x128xf32, #tpu.memory_space<hbm>>
    %dma_start3A_494 = tpu.memref_squeeze %dma_start3A_493 : memref<1x64x128xf32, #tpu.memory_space<hbm>> -> memref<64x128xf32, #tpu.memory_space<hbm>>
    %dma_start3A_495 = arith.constant 128 : i32
    %dma_start3A_496 = tpu.memref_slice %arg5[%select_n3A, %add3A_469, %dma_start3A_495] : memref<16x2048x256xf32, #tpu.memory_space<hbm>> -> memref<1x64x128xf32, #tpu.memory_space<hbm>>
    %dma_start3A_497 = tpu.memref_squeeze %dma_start3A_496 : memref<1x64x128xf32, #tpu.memory_space<hbm>> -> memref<64x128xf32, #tpu.memory_space<hbm>>
    %dma_start3A_498 = arith.constant 0 : i32
    %dma_start3A_499 = arith.constant 0 : i32
    %dma_start3A_500 = tpu.memref_slice %arg7[%dma_start3A_486, %dma_start3A_487, %dma_start3A_498, %dma_start3A_499] : memref<6x2x64x128xf32, #tpu.memory_space<vmem>> -> memref<1x1x64x128xf32, #tpu.memory_space<vmem>>
    %dma_start3A_501 = tpu.memref_squeeze %dma_start3A_500 : memref<1x1x64x128xf32, #tpu.memory_space<vmem>> -> memref<64x128xf32, #tpu.memory_space<vmem>>
    tpu.enqueue_dma source(%dma_start3A_501 : memref<64x128xf32, #tpu.memory_space<vmem>>) target(%dma_start3A_497 : memref<64x128xf32, #tpu.memory_space<hbm>>) target_semaphore(%arg31 : memref<!tpu.dma_semaphore, #tpu.memory_space<semaphore_mem>>)
    %dma_wait3A_502 = arith.constant 3 : i32
    %dma_wait3A_503 = arith.constant 0 : i32
    %dma_wait3A_504 = arith.constant 0 : i32
    %dma_wait3A_505 = arith.constant 0 : i32
    %dma_wait3A_506 = tpu.memref_slice %arg7[%dma_wait3A_502, %dma_wait3A_503, %dma_wait3A_504, %dma_wait3A_505] : memref<6x2x64x128xf32, #tpu.memory_space<vmem>> -> memref<1x1x64x128xf32, #tpu.memory_space<vmem>>
    %dma_wait3A_507 = tpu.memref_squeeze %dma_wait3A_506 : memref<1x1x64x128xf32, #tpu.memory_space<vmem>> -> memref<64x128xf32, #tpu.memory_space<vmem>>
    %dma_wait3A_508 = arith.constant 0 : i32
    %dma_wait3A_509 = tpu.memref_slice %arg2[%select_n3A, %add3A_159, %dma_wait3A_508] : memref<16x2048x256xf32, #tpu.memory_space<hbm>> -> memref<1x64x128xf32, #tpu.memory_space<hbm>>
    %dma_wait3A_510 = tpu.memref_squeeze %dma_wait3A_509 : memref<1x64x128xf32, #tpu.memory_space<hbm>> -> memref<64x128xf32, #tpu.memory_space<hbm>>
    %dma_wait3A_511 = arith.constant 0 : i32
    %dma_wait3A_512 = arith.constant 0 : i32
    %dma_wait3A_513 = tpu.memref_slice %arg7[%dma_wait3A_502, %dma_wait3A_503, %dma_wait3A_511, %dma_wait3A_512] : memref<6x2x64x128xf32, #tpu.memory_space<vmem>> -> memref<1x1x64x128xf32, #tpu.memory_space<vmem>>
    %dma_wait3A_514 = tpu.memref_squeeze %dma_wait3A_513 : memref<1x1x64x128xf32, #tpu.memory_space<vmem>> -> memref<64x128xf32, #tpu.memory_space<vmem>>
    %dma_wait3A_515 = arith.constant 0 : i32
    %dma_wait3A_516 = tpu.memref_slice %arg2[%select_n3A, %add3A_159, %dma_wait3A_515] : memref<16x2048x256xf32, #tpu.memory_space<hbm>> -> memref<1x64x128xf32, #tpu.memory_space<hbm>>
    %dma_wait3A_517 = tpu.memref_squeeze %dma_wait3A_516 : memref<1x64x128xf32, #tpu.memory_space<hbm>> -> memref<64x128xf32, #tpu.memory_space<hbm>>
    tpu.wait_dma2 semaphore(%arg16 : memref<!tpu.dma_semaphore, #tpu.memory_space<semaphore_mem>>) src(%dma_wait3A_517 : memref<64x128xf32, #tpu.memory_space<hbm>>) dst(%dma_wait3A_514 : memref<64x128xf32, #tpu.memory_space<vmem>>)
    %dma_wait3A_518 = arith.constant 3 : i32
    %dma_wait3A_519 = arith.constant 1 : i32
    %dma_wait3A_520 = arith.constant 0 : i32
    %dma_wait3A_521 = arith.constant 0 : i32
    %dma_wait3A_522 = tpu.memref_slice %arg7[%dma_wait3A_518, %dma_wait3A_519, %dma_wait3A_520, %dma_wait3A_521] : memref<6x2x64x128xf32, #tpu.memory_space<vmem>> -> memref<1x1x64x128xf32, #tpu.memory_space<vmem>>
    %dma_wait3A_523 = tpu.memref_squeeze %dma_wait3A_522 : memref<1x1x64x128xf32, #tpu.memory_space<vmem>> -> memref<64x128xf32, #tpu.memory_space<vmem>>
    %dma_wait3A_524 = arith.constant 128 : i32
    %dma_wait3A_525 = tpu.memref_slice %arg2[%select_n3A, %add3A_159, %dma_wait3A_524] : memref<16x2048x256xf32, #tpu.memory_space<hbm>> -> memref<1x64x128xf32, #tpu.memory_space<hbm>>
    %dma_wait3A_526 = tpu.memref_squeeze %dma_wait3A_525 : memref<1x64x128xf32, #tpu.memory_space<hbm>> -> memref<64x128xf32, #tpu.memory_space<hbm>>
    %dma_wait3A_527 = arith.constant 0 : i32
    %dma_wait3A_528 = arith.constant 0 : i32
    %dma_wait3A_529 = tpu.memref_slice %arg7[%dma_wait3A_518, %dma_wait3A_519, %dma_wait3A_527, %dma_wait3A_528] : memref<6x2x64x128xf32, #tpu.memory_space<vmem>> -> memref<1x1x64x128xf32, #tpu.memory_space<vmem>>
    %dma_wait3A_530 = tpu.memref_squeeze %dma_wait3A_529 : memref<1x1x64x128xf32, #tpu.memory_space<vmem>> -> memref<64x128xf32, #tpu.memory_space<vmem>>
    %dma_wait3A_531 = arith.constant 128 : i32
    %dma_wait3A_532 = tpu.memref_slice %arg2[%select_n3A, %add3A_159, %dma_wait3A_531] : memref<16x2048x256xf32, #tpu.memory_space<hbm>> -> memref<1x64x128xf32, #tpu.memory_space<hbm>>
    %dma_wait3A_533 = tpu.memref_squeeze %dma_wait3A_532 : memref<1x64x128xf32, #tpu.memory_space<hbm>> -> memref<64x128xf32, #tpu.memory_space<hbm>>
    tpu.wait_dma2 semaphore(%arg17 : memref<!tpu.dma_semaphore, #tpu.memory_space<semaphore_mem>>) src(%dma_wait3A_533 : memref<64x128xf32, #tpu.memory_space<hbm>>) dst(%dma_wait3A_530 : memref<64x128xf32, #tpu.memory_space<vmem>>)
    %dma_start3A_534 = arith.constant 3 : i32
    %dma_start3A_535 = arith.constant 3 : i32
    %dma_start3A_536 = arith.constant 0 : i32
    %dma_start3A_537 = arith.constant 0 : i32
    %dma_start3A_538 = arith.constant 0 : i32
    %dma_start3A_539 = tpu.memref_slice %arg7[%dma_start3A_535, %dma_start3A_536, %dma_start3A_537, %dma_start3A_538] : memref<6x2x64x128xf32, #tpu.memory_space<vmem>> -> memref<1x2x64x128xf32, #tpu.memory_space<vmem>>
    %dma_start3A_540 = tpu.memref_squeeze %dma_start3A_539 : memref<1x2x64x128xf32, #tpu.memory_space<vmem>> -> memref<2x64x128xf32, #tpu.memory_space<vmem>>
    %dma_start3A_541 = tpu.memref_reshape %dma_start3A_540 : memref<2x64x128xf32, #tpu.memory_space<vmem>> -> memref<128x128xf32, #tpu.memory_space<vmem>>
    %dma_start3A_542 = arith.constant 0 : i32
    %dma_start3A_543 = tpu.memref_slice %arg6[%dma_start3A_534, %dma_start3A_542] : memref<16x128xi32, #tpu.memory_space<vmem>> -> memref<1x128xi32, #tpu.memory_space<vmem>>
    %dma_start3A_544 = tpu.memref_squeeze %dma_start3A_543 : memref<1x128xi32, #tpu.memory_space<vmem>> -> memref<128xi32, #tpu.memory_space<vmem>>
    %dma_start3A_545 = arith.constant 0 : i32
    %dma_start3A_546 = arith.constant 0 : i32
    %dma_start3A_547 = tpu.memref_slice %arg8[%dma_start3A_545, %dma_start3A_546] : memref<384x128xf32, #tpu.memory_space<vmem_shared>> -> memref<384x128xf32, #tpu.memory_space<vmem_shared>>
    tpu.enqueue_indirect_dma source(%dma_start3A_547 : memref<384x128xf32, #tpu.memory_space<vmem_shared>>) target(%dma_start3A_541 : memref<128x128xf32, #tpu.memory_space<vmem>>) offsets(%dma_start3A_544 : memref<128xi32, #tpu.memory_space<vmem>>) semaphore(%arg25 : memref<!tpu.dma_semaphore, #tpu.memory_space<semaphore_mem>>) {add = true}
    %dma_wait3A_548 = arith.constant 2 : i32
    %dma_wait3A_549 = arith.constant 2 : i32
    %dma_wait3A_550 = arith.constant 0 : i32
    %dma_wait3A_551 = arith.constant 0 : i32
    %dma_wait3A_552 = arith.constant 0 : i32
    %dma_wait3A_553 = tpu.memref_slice %arg7[%dma_wait3A_549, %dma_wait3A_550, %dma_wait3A_551, %dma_wait3A_552] : memref<6x2x64x128xf32, #tpu.memory_space<vmem>> -> memref<1x2x64x128xf32, #tpu.memory_space<vmem>>
    %dma_wait3A_554 = tpu.memref_squeeze %dma_wait3A_553 : memref<1x2x64x128xf32, #tpu.memory_space<vmem>> -> memref<2x64x128xf32, #tpu.memory_space<vmem>>
    %dma_wait3A_555 = tpu.memref_reshape %dma_wait3A_554 : memref<2x64x128xf32, #tpu.memory_space<vmem>> -> memref<128x128xf32, #tpu.memory_space<vmem>>
    %dma_wait3A_556 = arith.constant 0 : i32
    %dma_wait3A_557 = tpu.memref_slice %arg6[%dma_wait3A_548, %dma_wait3A_556] : memref<16x128xi32, #tpu.memory_space<vmem>> -> memref<1x128xi32, #tpu.memory_space<vmem>>
    %dma_wait3A_558 = tpu.memref_squeeze %dma_wait3A_557 : memref<1x128xi32, #tpu.memory_space<vmem>> -> memref<128xi32, #tpu.memory_space<vmem>>
    %dma_wait3A_559 = arith.constant 0 : i32
    %dma_wait3A_560 = arith.constant 0 : i32
    %dma_wait3A_561 = tpu.memref_slice %arg8[%dma_wait3A_559, %dma_wait3A_560] : memref<384x128xf32, #tpu.memory_space<vmem_shared>> -> memref<384x128xf32, #tpu.memory_space<vmem_shared>>
    tpu.wait_indirect_dma semaphore(%arg24 : memref<!tpu.dma_semaphore, #tpu.memory_space<semaphore_mem>>) src(%dma_wait3A_561 : memref<384x128xf32, #tpu.memory_space<vmem_shared>>) dst(%dma_wait3A_555 : memref<128x128xf32, #tpu.memory_space<vmem>>)
    %add3A_562 = arith.constant 128 : i32
    %add3A_563 = arith.addi %mul3A_50, %add3A_562 : i32
    %dma_start3A_564 = arith.constant 2 : i32
    %dma_start3A_565 = arith.constant 0 : i32
    %dma_start3A_566 = arith.constant 0 : i32
    %dma_start3A_567 = arith.constant 0 : i32
    %dma_start3A_568 = tpu.memref_slice %arg7[%dma_start3A_564, %dma_start3A_565, %dma_start3A_566, %dma_start3A_567] : memref<6x2x64x128xf32, #tpu.memory_space<vmem>> -> memref<1x1x64x128xf32, #tpu.memory_space<vmem>>
    %dma_start3A_569 = tpu.memref_squeeze %dma_start3A_568 : memref<1x1x64x128xf32, #tpu.memory_space<vmem>> -> memref<64x128xf32, #tpu.memory_space<vmem>>
    %dma_start3A_570 = arith.constant 0 : i32
    %dma_start3A_571 = tpu.memref_slice %arg5[%select_n3A, %add3A_563, %dma_start3A_570] : memref<16x2048x256xf32, #tpu.memory_space<hbm>> -> memref<1x64x128xf32, #tpu.memory_space<hbm>>
    %dma_start3A_572 = tpu.memref_squeeze %dma_start3A_571 : memref<1x64x128xf32, #tpu.memory_space<hbm>> -> memref<64x128xf32, #tpu.memory_space<hbm>>
    %dma_start3A_573 = arith.constant 0 : i32
    %dma_start3A_574 = tpu.memref_slice %arg5[%select_n3A, %add3A_563, %dma_start3A_573] : memref<16x2048x256xf32, #tpu.memory_space<hbm>> -> memref<1x64x128xf32, #tpu.memory_space<hbm>>
    %dma_start3A_575 = tpu.memref_squeeze %dma_start3A_574 : memref<1x64x128xf32, #tpu.memory_space<hbm>> -> memref<64x128xf32, #tpu.memory_space<hbm>>
    %dma_start3A_576 = arith.constant 0 : i32
    %dma_start3A_577 = arith.constant 0 : i32
    %dma_start3A_578 = tpu.memref_slice %arg7[%dma_start3A_564, %dma_start3A_565, %dma_start3A_576, %dma_start3A_577] : memref<6x2x64x128xf32, #tpu.memory_space<vmem>> -> memref<1x1x64x128xf32, #tpu.memory_space<vmem>>
    %dma_start3A_579 = tpu.memref_squeeze %dma_start3A_578 : memref<1x1x64x128xf32, #tpu.memory_space<vmem>> -> memref<64x128xf32, #tpu.memory_space<vmem>>
    tpu.enqueue_dma source(%dma_start3A_579 : memref<64x128xf32, #tpu.memory_space<vmem>>) target(%dma_start3A_575 : memref<64x128xf32, #tpu.memory_space<hbm>>) target_semaphore(%arg32 : memref<!tpu.dma_semaphore, #tpu.memory_space<semaphore_mem>>)
    %dma_start3A_580 = arith.constant 2 : i32
    %dma_start3A_581 = arith.constant 1 : i32
    %dma_start3A_582 = arith.constant 0 : i32
    %dma_start3A_583 = arith.constant 0 : i32
    %dma_start3A_584 = tpu.memref_slice %arg7[%dma_start3A_580, %dma_start3A_581, %dma_start3A_582, %dma_start3A_583] : memref<6x2x64x128xf32, #tpu.memory_space<vmem>> -> memref<1x1x64x128xf32, #tpu.memory_space<vmem>>
    %dma_start3A_585 = tpu.memref_squeeze %dma_start3A_584 : memref<1x1x64x128xf32, #tpu.memory_space<vmem>> -> memref<64x128xf32, #tpu.memory_space<vmem>>
    %dma_start3A_586 = arith.constant 128 : i32
    %dma_start3A_587 = tpu.memref_slice %arg5[%select_n3A, %add3A_563, %dma_start3A_586] : memref<16x2048x256xf32, #tpu.memory_space<hbm>> -> memref<1x64x128xf32, #tpu.memory_space<hbm>>
    %dma_start3A_588 = tpu.memref_squeeze %dma_start3A_587 : memref<1x64x128xf32, #tpu.memory_space<hbm>> -> memref<64x128xf32, #tpu.memory_space<hbm>>
    %dma_start3A_589 = arith.constant 128 : i32
    %dma_start3A_590 = tpu.memref_slice %arg5[%select_n3A, %add3A_563, %dma_start3A_589] : memref<16x2048x256xf32, #tpu.memory_space<hbm>> -> memref<1x64x128xf32, #tpu.memory_space<hbm>>
    %dma_start3A_591 = tpu.memref_squeeze %dma_start3A_590 : memref<1x64x128xf32, #tpu.memory_space<hbm>> -> memref<64x128xf32, #tpu.memory_space<hbm>>
    %dma_start3A_592 = arith.constant 0 : i32
    %dma_start3A_593 = arith.constant 0 : i32
    %dma_start3A_594 = tpu.memref_slice %arg7[%dma_start3A_580, %dma_start3A_581, %dma_start3A_592, %dma_start3A_593] : memref<6x2x64x128xf32, #tpu.memory_space<vmem>> -> memref<1x1x64x128xf32, #tpu.memory_space<vmem>>
    %dma_start3A_595 = tpu.memref_squeeze %dma_start3A_594 : memref<1x1x64x128xf32, #tpu.memory_space<vmem>> -> memref<64x128xf32, #tpu.memory_space<vmem>>
    tpu.enqueue_dma source(%dma_start3A_595 : memref<64x128xf32, #tpu.memory_space<vmem>>) target(%dma_start3A_591 : memref<64x128xf32, #tpu.memory_space<hbm>>) target_semaphore(%arg33 : memref<!tpu.dma_semaphore, #tpu.memory_space<semaphore_mem>>)
    %dma_wait3A_596 = arith.constant 4 : i32
    %dma_wait3A_597 = arith.constant 0 : i32
    %dma_wait3A_598 = arith.constant 0 : i32
    %dma_wait3A_599 = arith.constant 0 : i32
    %dma_wait3A_600 = tpu.memref_slice %arg7[%dma_wait3A_596, %dma_wait3A_597, %dma_wait3A_598, %dma_wait3A_599] : memref<6x2x64x128xf32, #tpu.memory_space<vmem>> -> memref<1x1x64x128xf32, #tpu.memory_space<vmem>>
    %dma_wait3A_601 = tpu.memref_squeeze %dma_wait3A_600 : memref<1x1x64x128xf32, #tpu.memory_space<vmem>> -> memref<64x128xf32, #tpu.memory_space<vmem>>
    %dma_wait3A_602 = arith.constant 0 : i32
    %dma_wait3A_603 = tpu.memref_slice %arg2[%select_n3A, %add3A_193, %dma_wait3A_602] : memref<16x2048x256xf32, #tpu.memory_space<hbm>> -> memref<1x64x128xf32, #tpu.memory_space<hbm>>
    %dma_wait3A_604 = tpu.memref_squeeze %dma_wait3A_603 : memref<1x64x128xf32, #tpu.memory_space<hbm>> -> memref<64x128xf32, #tpu.memory_space<hbm>>
    %dma_wait3A_605 = arith.constant 0 : i32
    %dma_wait3A_606 = arith.constant 0 : i32
    %dma_wait3A_607 = tpu.memref_slice %arg7[%dma_wait3A_596, %dma_wait3A_597, %dma_wait3A_605, %dma_wait3A_606] : memref<6x2x64x128xf32, #tpu.memory_space<vmem>> -> memref<1x1x64x128xf32, #tpu.memory_space<vmem>>
    %dma_wait3A_608 = tpu.memref_squeeze %dma_wait3A_607 : memref<1x1x64x128xf32, #tpu.memory_space<vmem>> -> memref<64x128xf32, #tpu.memory_space<vmem>>
    %dma_wait3A_609 = arith.constant 0 : i32
    %dma_wait3A_610 = tpu.memref_slice %arg2[%select_n3A, %add3A_193, %dma_wait3A_609] : memref<16x2048x256xf32, #tpu.memory_space<hbm>> -> memref<1x64x128xf32, #tpu.memory_space<hbm>>
    %dma_wait3A_611 = tpu.memref_squeeze %dma_wait3A_610 : memref<1x64x128xf32, #tpu.memory_space<hbm>> -> memref<64x128xf32, #tpu.memory_space<hbm>>
    tpu.wait_dma2 semaphore(%arg18 : memref<!tpu.dma_semaphore, #tpu.memory_space<semaphore_mem>>) src(%dma_wait3A_611 : memref<64x128xf32, #tpu.memory_space<hbm>>) dst(%dma_wait3A_608 : memref<64x128xf32, #tpu.memory_space<vmem>>)
    %dma_wait3A_612 = arith.constant 4 : i32
    %dma_wait3A_613 = arith.constant 1 : i32
    %dma_wait3A_614 = arith.constant 0 : i32
    %dma_wait3A_615 = arith.constant 0 : i32
    %dma_wait3A_616 = tpu.memref_slice %arg7[%dma_wait3A_612, %dma_wait3A_613, %dma_wait3A_614, %dma_wait3A_615] : memref<6x2x64x128xf32, #tpu.memory_space<vmem>> -> memref<1x1x64x128xf32, #tpu.memory_space<vmem>>
    %dma_wait3A_617 = tpu.memref_squeeze %dma_wait3A_616 : memref<1x1x64x128xf32, #tpu.memory_space<vmem>> -> memref<64x128xf32, #tpu.memory_space<vmem>>
    %dma_wait3A_618 = arith.constant 128 : i32
    %dma_wait3A_619 = tpu.memref_slice %arg2[%select_n3A, %add3A_193, %dma_wait3A_618] : memref<16x2048x256xf32, #tpu.memory_space<hbm>> -> memref<1x64x128xf32, #tpu.memory_space<hbm>>
    %dma_wait3A_620 = tpu.memref_squeeze %dma_wait3A_619 : memref<1x64x128xf32, #tpu.memory_space<hbm>> -> memref<64x128xf32, #tpu.memory_space<hbm>>
    %dma_wait3A_621 = arith.constant 0 : i32
    %dma_wait3A_622 = arith.constant 0 : i32
    %dma_wait3A_623 = tpu.memref_slice %arg7[%dma_wait3A_612, %dma_wait3A_613, %dma_wait3A_621, %dma_wait3A_622] : memref<6x2x64x128xf32, #tpu.memory_space<vmem>> -> memref<1x1x64x128xf32, #tpu.memory_space<vmem>>
    %dma_wait3A_624 = tpu.memref_squeeze %dma_wait3A_623 : memref<1x1x64x128xf32, #tpu.memory_space<vmem>> -> memref<64x128xf32, #tpu.memory_space<vmem>>
    %dma_wait3A_625 = arith.constant 128 : i32
    %dma_wait3A_626 = tpu.memref_slice %arg2[%select_n3A, %add3A_193, %dma_wait3A_625] : memref<16x2048x256xf32, #tpu.memory_space<hbm>> -> memref<1x64x128xf32, #tpu.memory_space<hbm>>
    %dma_wait3A_627 = tpu.memref_squeeze %dma_wait3A_626 : memref<1x64x128xf32, #tpu.memory_space<hbm>> -> memref<64x128xf32, #tpu.memory_space<hbm>>
    tpu.wait_dma2 semaphore(%arg19 : memref<!tpu.dma_semaphore, #tpu.memory_space<semaphore_mem>>) src(%dma_wait3A_627 : memref<64x128xf32, #tpu.memory_space<hbm>>) dst(%dma_wait3A_624 : memref<64x128xf32, #tpu.memory_space<vmem>>)
    %dma_start3A_628 = arith.constant 4 : i32
    %dma_start3A_629 = arith.constant 4 : i32
    %dma_start3A_630 = arith.constant 0 : i32
    %dma_start3A_631 = arith.constant 0 : i32
    %dma_start3A_632 = arith.constant 0 : i32
    %dma_start3A_633 = tpu.memref_slice %arg7[%dma_start3A_629, %dma_start3A_630, %dma_start3A_631, %dma_start3A_632] : memref<6x2x64x128xf32, #tpu.memory_space<vmem>> -> memref<1x2x64x128xf32, #tpu.memory_space<vmem>>
    %dma_start3A_634 = tpu.memref_squeeze %dma_start3A_633 : memref<1x2x64x128xf32, #tpu.memory_space<vmem>> -> memref<2x64x128xf32, #tpu.memory_space<vmem>>
    %dma_start3A_635 = tpu.memref_reshape %dma_start3A_634 : memref<2x64x128xf32, #tpu.memory_space<vmem>> -> memref<128x128xf32, #tpu.memory_space<vmem>>
    %dma_start3A_636 = arith.constant 0 : i32
    %dma_start3A_637 = tpu.memref_slice %arg6[%dma_start3A_628, %dma_start3A_636] : memref<16x128xi32, #tpu.memory_space<vmem>> -> memref<1x128xi32, #tpu.memory_space<vmem>>
    %dma_start3A_638 = tpu.memref_squeeze %dma_start3A_637 : memref<1x128xi32, #tpu.memory_space<vmem>> -> memref<128xi32, #tpu.memory_space<vmem>>
    %dma_start3A_639 = arith.constant 0 : i32
    %dma_start3A_640 = arith.constant 0 : i32
    %dma_start3A_641 = tpu.memref_slice %arg8[%dma_start3A_639, %dma_start3A_640] : memref<384x128xf32, #tpu.memory_space<vmem_shared>> -> memref<384x128xf32, #tpu.memory_space<vmem_shared>>
    tpu.enqueue_indirect_dma source(%dma_start3A_641 : memref<384x128xf32, #tpu.memory_space<vmem_shared>>) target(%dma_start3A_635 : memref<128x128xf32, #tpu.memory_space<vmem>>) offsets(%dma_start3A_638 : memref<128xi32, #tpu.memory_space<vmem>>) semaphore(%arg26 : memref<!tpu.dma_semaphore, #tpu.memory_space<semaphore_mem>>) {add = true}
    %dma_wait3A_642 = arith.constant 3 : i32
    %dma_wait3A_643 = arith.constant 3 : i32
    %dma_wait3A_644 = arith.constant 0 : i32
    %dma_wait3A_645 = arith.constant 0 : i32
    %dma_wait3A_646 = arith.constant 0 : i32
    %dma_wait3A_647 = tpu.memref_slice %arg7[%dma_wait3A_643, %dma_wait3A_644, %dma_wait3A_645, %dma_wait3A_646] : memref<6x2x64x128xf32, #tpu.memory_space<vmem>> -> memref<1x2x64x128xf32, #tpu.memory_space<vmem>>
    %dma_wait3A_648 = tpu.memref_squeeze %dma_wait3A_647 : memref<1x2x64x128xf32, #tpu.memory_space<vmem>> -> memref<2x64x128xf32, #tpu.memory_space<vmem>>
    %dma_wait3A_649 = tpu.memref_reshape %dma_wait3A_648 : memref<2x64x128xf32, #tpu.memory_space<vmem>> -> memref<128x128xf32, #tpu.memory_space<vmem>>
    %dma_wait3A_650 = arith.constant 0 : i32
    %dma_wait3A_651 = tpu.memref_slice %arg6[%dma_wait3A_642, %dma_wait3A_650] : memref<16x128xi32, #tpu.memory_space<vmem>> -> memref<1x128xi32, #tpu.memory_space<vmem>>
    %dma_wait3A_652 = tpu.memref_squeeze %dma_wait3A_651 : memref<1x128xi32, #tpu.memory_space<vmem>> -> memref<128xi32, #tpu.memory_space<vmem>>
    %dma_wait3A_653 = arith.constant 0 : i32
    %dma_wait3A_654 = arith.constant 0 : i32
    %dma_wait3A_655 = tpu.memref_slice %arg8[%dma_wait3A_653, %dma_wait3A_654] : memref<384x128xf32, #tpu.memory_space<vmem_shared>> -> memref<384x128xf32, #tpu.memory_space<vmem_shared>>
    tpu.wait_indirect_dma semaphore(%arg25 : memref<!tpu.dma_semaphore, #tpu.memory_space<semaphore_mem>>) src(%dma_wait3A_655 : memref<384x128xf32, #tpu.memory_space<vmem_shared>>) dst(%dma_wait3A_649 : memref<128x128xf32, #tpu.memory_space<vmem>>)
    %add3A_656 = arith.constant 192 : i32
    %add3A_657 = arith.addi %mul3A_50, %add3A_656 : i32
    %dma_start3A_658 = arith.constant 3 : i32
    %dma_start3A_659 = arith.constant 0 : i32
    %dma_start3A_660 = arith.constant 0 : i32
    %dma_start3A_661 = arith.constant 0 : i32
    %dma_start3A_662 = tpu.memref_slice %arg7[%dma_start3A_658, %dma_start3A_659, %dma_start3A_660, %dma_start3A_661] : memref<6x2x64x128xf32, #tpu.memory_space<vmem>> -> memref<1x1x64x128xf32, #tpu.memory_space<vmem>>
    %dma_start3A_663 = tpu.memref_squeeze %dma_start3A_662 : memref<1x1x64x128xf32, #tpu.memory_space<vmem>> -> memref<64x128xf32, #tpu.memory_space<vmem>>
    %dma_start3A_664 = arith.constant 0 : i32
    %dma_start3A_665 = tpu.memref_slice %arg5[%select_n3A, %add3A_657, %dma_start3A_664] : memref<16x2048x256xf32, #tpu.memory_space<hbm>> -> memref<1x64x128xf32, #tpu.memory_space<hbm>>
    %dma_start3A_666 = tpu.memref_squeeze %dma_start3A_665 : memref<1x64x128xf32, #tpu.memory_space<hbm>> -> memref<64x128xf32, #tpu.memory_space<hbm>>
    %dma_start3A_667 = arith.constant 0 : i32
    %dma_start3A_668 = tpu.memref_slice %arg5[%select_n3A, %add3A_657, %dma_start3A_667] : memref<16x2048x256xf32, #tpu.memory_space<hbm>> -> memref<1x64x128xf32, #tpu.memory_space<hbm>>
    %dma_start3A_669 = tpu.memref_squeeze %dma_start3A_668 : memref<1x64x128xf32, #tpu.memory_space<hbm>> -> memref<64x128xf32, #tpu.memory_space<hbm>>
    %dma_start3A_670 = arith.constant 0 : i32
    %dma_start3A_671 = arith.constant 0 : i32
    %dma_start3A_672 = tpu.memref_slice %arg7[%dma_start3A_658, %dma_start3A_659, %dma_start3A_670, %dma_start3A_671] : memref<6x2x64x128xf32, #tpu.memory_space<vmem>> -> memref<1x1x64x128xf32, #tpu.memory_space<vmem>>
    %dma_start3A_673 = tpu.memref_squeeze %dma_start3A_672 : memref<1x1x64x128xf32, #tpu.memory_space<vmem>> -> memref<64x128xf32, #tpu.memory_space<vmem>>
    tpu.enqueue_dma source(%dma_start3A_673 : memref<64x128xf32, #tpu.memory_space<vmem>>) target(%dma_start3A_669 : memref<64x128xf32, #tpu.memory_space<hbm>>) target_semaphore(%arg34 : memref<!tpu.dma_semaphore, #tpu.memory_space<semaphore_mem>>)
    %dma_start3A_674 = arith.constant 3 : i32
    %dma_start3A_675 = arith.constant 1 : i32
    %dma_start3A_676 = arith.constant 0 : i32
    %dma_start3A_677 = arith.constant 0 : i32
    %dma_start3A_678 = tpu.memref_slice %arg7[%dma_start3A_674, %dma_start3A_675, %dma_start3A_676, %dma_start3A_677] : memref<6x2x64x128xf32, #tpu.memory_space<vmem>> -> memref<1x1x64x128xf32, #tpu.memory_space<vmem>>
    %dma_start3A_679 = tpu.memref_squeeze %dma_start3A_678 : memref<1x1x64x128xf32, #tpu.memory_space<vmem>> -> memref<64x128xf32, #tpu.memory_space<vmem>>
    %dma_start3A_680 = arith.constant 128 : i32
    %dma_start3A_681 = tpu.memref_slice %arg5[%select_n3A, %add3A_657, %dma_start3A_680] : memref<16x2048x256xf32, #tpu.memory_space<hbm>> -> memref<1x64x128xf32, #tpu.memory_space<hbm>>
    %dma_start3A_682 = tpu.memref_squeeze %dma_start3A_681 : memref<1x64x128xf32, #tpu.memory_space<hbm>> -> memref<64x128xf32, #tpu.memory_space<hbm>>
    %dma_start3A_683 = arith.constant 128 : i32
    %dma_start3A_684 = tpu.memref_slice %arg5[%select_n3A, %add3A_657, %dma_start3A_683] : memref<16x2048x256xf32, #tpu.memory_space<hbm>> -> memref<1x64x128xf32, #tpu.memory_space<hbm>>
    %dma_start3A_685 = tpu.memref_squeeze %dma_start3A_684 : memref<1x64x128xf32, #tpu.memory_space<hbm>> -> memref<64x128xf32, #tpu.memory_space<hbm>>
    %dma_start3A_686 = arith.constant 0 : i32
    %dma_start3A_687 = arith.constant 0 : i32
    %dma_start3A_688 = tpu.memref_slice %arg7[%dma_start3A_674, %dma_start3A_675, %dma_start3A_686, %dma_start3A_687] : memref<6x2x64x128xf32, #tpu.memory_space<vmem>> -> memref<1x1x64x128xf32, #tpu.memory_space<vmem>>
    %dma_start3A_689 = tpu.memref_squeeze %dma_start3A_688 : memref<1x1x64x128xf32, #tpu.memory_space<vmem>> -> memref<64x128xf32, #tpu.memory_space<vmem>>
    tpu.enqueue_dma source(%dma_start3A_689 : memref<64x128xf32, #tpu.memory_space<vmem>>) target(%dma_start3A_685 : memref<64x128xf32, #tpu.memory_space<hbm>>) target_semaphore(%arg35 : memref<!tpu.dma_semaphore, #tpu.memory_space<semaphore_mem>>)
    %dma_wait3A_690 = arith.constant 0 : i32
    %dma_wait3A_691 = arith.constant 0 : i32
    %dma_wait3A_692 = arith.constant 0 : i32
    %dma_wait3A_693 = arith.constant 0 : i32
    %dma_wait3A_694 = tpu.memref_slice %arg7[%dma_wait3A_690, %dma_wait3A_691, %dma_wait3A_692, %dma_wait3A_693] : memref<6x2x64x128xf32, #tpu.memory_space<vmem>> -> memref<1x1x64x128xf32, #tpu.memory_space<vmem>>
    %dma_wait3A_695 = tpu.memref_squeeze %dma_wait3A_694 : memref<1x1x64x128xf32, #tpu.memory_space<vmem>> -> memref<64x128xf32, #tpu.memory_space<vmem>>
    %dma_wait3A_696 = arith.constant 0 : i32
    %dma_wait3A_697 = tpu.memref_slice %arg5[%select_n3A, %add3A_375, %dma_wait3A_696] : memref<16x2048x256xf32, #tpu.memory_space<hbm>> -> memref<1x64x128xf32, #tpu.memory_space<hbm>>
    %dma_wait3A_698 = tpu.memref_squeeze %dma_wait3A_697 : memref<1x64x128xf32, #tpu.memory_space<hbm>> -> memref<64x128xf32, #tpu.memory_space<hbm>>
    %dma_wait3A_699 = arith.constant 0 : i32
    %dma_wait3A_700 = tpu.memref_slice %arg5[%select_n3A, %add3A_375, %dma_wait3A_699] : memref<16x2048x256xf32, #tpu.memory_space<hbm>> -> memref<1x64x128xf32, #tpu.memory_space<hbm>>
    %dma_wait3A_701 = tpu.memref_squeeze %dma_wait3A_700 : memref<1x64x128xf32, #tpu.memory_space<hbm>> -> memref<64x128xf32, #tpu.memory_space<hbm>>
    %dma_wait3A_702 = arith.constant 0 : i32
    %dma_wait3A_703 = arith.constant 0 : i32
    %dma_wait3A_704 = tpu.memref_slice %arg7[%dma_wait3A_690, %dma_wait3A_691, %dma_wait3A_702, %dma_wait3A_703] : memref<6x2x64x128xf32, #tpu.memory_space<vmem>> -> memref<1x1x64x128xf32, #tpu.memory_space<vmem>>
    %dma_wait3A_705 = tpu.memref_squeeze %dma_wait3A_704 : memref<1x1x64x128xf32, #tpu.memory_space<vmem>> -> memref<64x128xf32, #tpu.memory_space<vmem>>
    tpu.wait_dma2 semaphore(%arg28 : memref<!tpu.dma_semaphore, #tpu.memory_space<semaphore_mem>>) src(%dma_wait3A_705 : memref<64x128xf32, #tpu.memory_space<vmem>>) dst(%dma_wait3A_701 : memref<64x128xf32, #tpu.memory_space<hbm>>)
    %dma_wait3A_706 = arith.constant 0 : i32
    %dma_wait3A_707 = arith.constant 1 : i32
    %dma_wait3A_708 = arith.constant 0 : i32
    %dma_wait3A_709 = arith.constant 0 : i32
    %dma_wait3A_710 = tpu.memref_slice %arg7[%dma_wait3A_706, %dma_wait3A_707, %dma_wait3A_708, %dma_wait3A_709] : memref<6x2x64x128xf32, #tpu.memory_space<vmem>> -> memref<1x1x64x128xf32, #tpu.memory_space<vmem>>
    %dma_wait3A_711 = tpu.memref_squeeze %dma_wait3A_710 : memref<1x1x64x128xf32, #tpu.memory_space<vmem>> -> memref<64x128xf32, #tpu.memory_space<vmem>>
    %dma_wait3A_712 = arith.constant 128 : i32
    %dma_wait3A_713 = tpu.memref_slice %arg5[%select_n3A, %add3A_375, %dma_wait3A_712] : memref<16x2048x256xf32, #tpu.memory_space<hbm>> -> memref<1x64x128xf32, #tpu.memory_space<hbm>>
    %dma_wait3A_714 = tpu.memref_squeeze %dma_wait3A_713 : memref<1x64x128xf32, #tpu.memory_space<hbm>> -> memref<64x128xf32, #tpu.memory_space<hbm>>
    %dma_wait3A_715 = arith.constant 128 : i32
    %dma_wait3A_716 = tpu.memref_slice %arg5[%select_n3A, %add3A_375, %dma_wait3A_715] : memref<16x2048x256xf32, #tpu.memory_space<hbm>> -> memref<1x64x128xf32, #tpu.memory_space<hbm>>
    %dma_wait3A_717 = tpu.memref_squeeze %dma_wait3A_716 : memref<1x64x128xf32, #tpu.memory_space<hbm>> -> memref<64x128xf32, #tpu.memory_space<hbm>>
    %dma_wait3A_718 = arith.constant 0 : i32
    %dma_wait3A_719 = arith.constant 0 : i32
    %dma_wait3A_720 = tpu.memref_slice %arg7[%dma_wait3A_706, %dma_wait3A_707, %dma_wait3A_718, %dma_wait3A_719] : memref<6x2x64x128xf32, #tpu.memory_space<vmem>> -> memref<1x1x64x128xf32, #tpu.memory_space<vmem>>
    %dma_wait3A_721 = tpu.memref_squeeze %dma_wait3A_720 : memref<1x1x64x128xf32, #tpu.memory_space<vmem>> -> memref<64x128xf32, #tpu.memory_space<vmem>>
    tpu.wait_dma2 semaphore(%arg29 : memref<!tpu.dma_semaphore, #tpu.memory_space<semaphore_mem>>) src(%dma_wait3A_721 : memref<64x128xf32, #tpu.memory_space<vmem>>) dst(%dma_wait3A_717 : memref<64x128xf32, #tpu.memory_space<hbm>>)
    %add3A_722 = arith.constant 384 : i32
    %add3A_723 = arith.addi %mul3A_50, %add3A_722 : i32
    %dma_start3A_724 = arith.constant 0 : i32
    %dma_start3A_725 = arith.constant 0 : i32
    %dma_start3A_726 = arith.constant 0 : i32
    %dma_start3A_727 = arith.constant 0 : i32
    %dma_start3A_728 = tpu.memref_slice %arg7[%dma_start3A_724, %dma_start3A_725, %dma_start3A_726, %dma_start3A_727] : memref<6x2x64x128xf32, #tpu.memory_space<vmem>> -> memref<1x1x64x128xf32, #tpu.memory_space<vmem>>
    %dma_start3A_729 = tpu.memref_squeeze %dma_start3A_728 : memref<1x1x64x128xf32, #tpu.memory_space<vmem>> -> memref<64x128xf32, #tpu.memory_space<vmem>>
    %dma_start3A_730 = arith.constant 0 : i32
    %dma_start3A_731 = tpu.memref_slice %arg2[%select_n3A, %add3A_723, %dma_start3A_730] : memref<16x2048x256xf32, #tpu.memory_space<hbm>> -> memref<1x64x128xf32, #tpu.memory_space<hbm>>
    %dma_start3A_732 = tpu.memref_squeeze %dma_start3A_731 : memref<1x64x128xf32, #tpu.memory_space<hbm>> -> memref<64x128xf32, #tpu.memory_space<hbm>>
    %dma_start3A_733 = arith.constant 0 : i32
    %dma_start3A_734 = arith.constant 0 : i32
    %dma_start3A_735 = tpu.memref_slice %arg7[%dma_start3A_724, %dma_start3A_725, %dma_start3A_733, %dma_start3A_734] : memref<6x2x64x128xf32, #tpu.memory_space<vmem>> -> memref<1x1x64x128xf32, #tpu.memory_space<vmem>>
    %dma_start3A_736 = tpu.memref_squeeze %dma_start3A_735 : memref<1x1x64x128xf32, #tpu.memory_space<vmem>> -> memref<64x128xf32, #tpu.memory_space<vmem>>
    %dma_start3A_737 = arith.constant 0 : i32
    %dma_start3A_738 = tpu.memref_slice %arg2[%select_n3A, %add3A_723, %dma_start3A_737] : memref<16x2048x256xf32, #tpu.memory_space<hbm>> -> memref<1x64x128xf32, #tpu.memory_space<hbm>>
    %dma_start3A_739 = tpu.memref_squeeze %dma_start3A_738 : memref<1x64x128xf32, #tpu.memory_space<hbm>> -> memref<64x128xf32, #tpu.memory_space<hbm>>
    tpu.enqueue_dma source(%dma_start3A_739 : memref<64x128xf32, #tpu.memory_space<hbm>>) target(%dma_start3A_736 : memref<64x128xf32, #tpu.memory_space<vmem>>) target_semaphore(%arg10 : memref<!tpu.dma_semaphore, #tpu.memory_space<semaphore_mem>>)
    %dma_start3A_740 = arith.constant 0 : i32
    %dma_start3A_741 = arith.constant 1 : i32
    %dma_start3A_742 = arith.constant 0 : i32
    %dma_start3A_743 = arith.constant 0 : i32
    %dma_start3A_744 = tpu.memref_slice %arg7[%dma_start3A_740, %dma_start3A_741, %dma_start3A_742, %dma_start3A_743] : memref<6x2x64x128xf32, #tpu.memory_space<vmem>> -> memref<1x1x64x128xf32, #tpu.memory_space<vmem>>
    %dma_start3A_745 = tpu.memref_squeeze %dma_start3A_744 : memref<1x1x64x128xf32, #tpu.memory_space<vmem>> -> memref<64x128xf32, #tpu.memory_space<vmem>>
    %dma_start3A_746 = arith.constant 128 : i32
    %dma_start3A_747 = tpu.memref_slice %arg2[%select_n3A, %add3A_723, %dma_start3A_746] : memref<16x2048x256xf32, #tpu.memory_space<hbm>> -> memref<1x64x128xf32, #tpu.memory_space<hbm>>
    %dma_start3A_748 = tpu.memref_squeeze %dma_start3A_747 : memref<1x64x128xf32, #tpu.memory_space<hbm>> -> memref<64x128xf32, #tpu.memory_space<hbm>>
    %dma_start3A_749 = arith.constant 0 : i32
    %dma_start3A_750 = arith.constant 0 : i32
    %dma_start3A_751 = tpu.memref_slice %arg7[%dma_start3A_740, %dma_start3A_741, %dma_start3A_749, %dma_start3A_750] : memref<6x2x64x128xf32, #tpu.memory_space<vmem>> -> memref<1x1x64x128xf32, #tpu.memory_space<vmem>>
    %dma_start3A_752 = tpu.memref_squeeze %dma_start3A_751 : memref<1x1x64x128xf32, #tpu.memory_space<vmem>> -> memref<64x128xf32, #tpu.memory_space<vmem>>
    %dma_start3A_753 = arith.constant 128 : i32
    %dma_start3A_754 = tpu.memref_slice %arg2[%select_n3A, %add3A_723, %dma_start3A_753] : memref<16x2048x256xf32, #tpu.memory_space<hbm>> -> memref<1x64x128xf32, #tpu.memory_space<hbm>>
    %dma_start3A_755 = tpu.memref_squeeze %dma_start3A_754 : memref<1x64x128xf32, #tpu.memory_space<hbm>> -> memref<64x128xf32, #tpu.memory_space<hbm>>
    tpu.enqueue_dma source(%dma_start3A_755 : memref<64x128xf32, #tpu.memory_space<hbm>>) target(%dma_start3A_752 : memref<64x128xf32, #tpu.memory_space<vmem>>) target_semaphore(%arg11 : memref<!tpu.dma_semaphore, #tpu.memory_space<semaphore_mem>>)
    %dma_wait3A_756 = arith.constant 5 : i32
    %dma_wait3A_757 = arith.constant 0 : i32
    %dma_wait3A_758 = arith.constant 0 : i32
    %dma_wait3A_759 = arith.constant 0 : i32
    %dma_wait3A_760 = tpu.memref_slice %arg7[%dma_wait3A_756, %dma_wait3A_757, %dma_wait3A_758, %dma_wait3A_759] : memref<6x2x64x128xf32, #tpu.memory_space<vmem>> -> memref<1x1x64x128xf32, #tpu.memory_space<vmem>>
    %dma_wait3A_761 = tpu.memref_squeeze %dma_wait3A_760 : memref<1x1x64x128xf32, #tpu.memory_space<vmem>> -> memref<64x128xf32, #tpu.memory_space<vmem>>
    %dma_wait3A_762 = arith.constant 0 : i32
    %dma_wait3A_763 = tpu.memref_slice %arg2[%select_n3A, %add3A_227, %dma_wait3A_762] : memref<16x2048x256xf32, #tpu.memory_space<hbm>> -> memref<1x64x128xf32, #tpu.memory_space<hbm>>
    %dma_wait3A_764 = tpu.memref_squeeze %dma_wait3A_763 : memref<1x64x128xf32, #tpu.memory_space<hbm>> -> memref<64x128xf32, #tpu.memory_space<hbm>>
    %dma_wait3A_765 = arith.constant 0 : i32
    %dma_wait3A_766 = arith.constant 0 : i32
    %dma_wait3A_767 = tpu.memref_slice %arg7[%dma_wait3A_756, %dma_wait3A_757, %dma_wait3A_765, %dma_wait3A_766] : memref<6x2x64x128xf32, #tpu.memory_space<vmem>> -> memref<1x1x64x128xf32, #tpu.memory_space<vmem>>
    %dma_wait3A_768 = tpu.memref_squeeze %dma_wait3A_767 : memref<1x1x64x128xf32, #tpu.memory_space<vmem>> -> memref<64x128xf32, #tpu.memory_space<vmem>>
    %dma_wait3A_769 = arith.constant 0 : i32
    %dma_wait3A_770 = tpu.memref_slice %arg2[%select_n3A, %add3A_227, %dma_wait3A_769] : memref<16x2048x256xf32, #tpu.memory_space<hbm>> -> memref<1x64x128xf32, #tpu.memory_space<hbm>>
    %dma_wait3A_771 = tpu.memref_squeeze %dma_wait3A_770 : memref<1x64x128xf32, #tpu.memory_space<hbm>> -> memref<64x128xf32, #tpu.memory_space<hbm>>
    tpu.wait_dma2 semaphore(%arg20 : memref<!tpu.dma_semaphore, #tpu.memory_space<semaphore_mem>>) src(%dma_wait3A_771 : memref<64x128xf32, #tpu.memory_space<hbm>>) dst(%dma_wait3A_768 : memref<64x128xf32, #tpu.memory_space<vmem>>)
    %dma_wait3A_772 = arith.constant 5 : i32
    %dma_wait3A_773 = arith.constant 1 : i32
    %dma_wait3A_774 = arith.constant 0 : i32
    %dma_wait3A_775 = arith.constant 0 : i32
    %dma_wait3A_776 = tpu.memref_slice %arg7[%dma_wait3A_772, %dma_wait3A_773, %dma_wait3A_774, %dma_wait3A_775] : memref<6x2x64x128xf32, #tpu.memory_space<vmem>> -> memref<1x1x64x128xf32, #tpu.memory_space<vmem>>
    %dma_wait3A_777 = tpu.memref_squeeze %dma_wait3A_776 : memref<1x1x64x128xf32, #tpu.memory_space<vmem>> -> memref<64x128xf32, #tpu.memory_space<vmem>>
    %dma_wait3A_778 = arith.constant 128 : i32
    %dma_wait3A_779 = tpu.memref_slice %arg2[%select_n3A, %add3A_227, %dma_wait3A_778] : memref<16x2048x256xf32, #tpu.memory_space<hbm>> -> memref<1x64x128xf32, #tpu.memory_space<hbm>>
    %dma_wait3A_780 = tpu.memref_squeeze %dma_wait3A_779 : memref<1x64x128xf32, #tpu.memory_space<hbm>> -> memref<64x128xf32, #tpu.memory_space<hbm>>
    %dma_wait3A_781 = arith.constant 0 : i32
    %dma_wait3A_782 = arith.constant 0 : i32
    %dma_wait3A_783 = tpu.memref_slice %arg7[%dma_wait3A_772, %dma_wait3A_773, %dma_wait3A_781, %dma_wait3A_782] : memref<6x2x64x128xf32, #tpu.memory_space<vmem>> -> memref<1x1x64x128xf32, #tpu.memory_space<vmem>>
    %dma_wait3A_784 = tpu.memref_squeeze %dma_wait3A_783 : memref<1x1x64x128xf32, #tpu.memory_space<vmem>> -> memref<64x128xf32, #tpu.memory_space<vmem>>
    %dma_wait3A_785 = arith.constant 128 : i32
    %dma_wait3A_786 = tpu.memref_slice %arg2[%select_n3A, %add3A_227, %dma_wait3A_785] : memref<16x2048x256xf32, #tpu.memory_space<hbm>> -> memref<1x64x128xf32, #tpu.memory_space<hbm>>
    %dma_wait3A_787 = tpu.memref_squeeze %dma_wait3A_786 : memref<1x64x128xf32, #tpu.memory_space<hbm>> -> memref<64x128xf32, #tpu.memory_space<hbm>>
    tpu.wait_dma2 semaphore(%arg21 : memref<!tpu.dma_semaphore, #tpu.memory_space<semaphore_mem>>) src(%dma_wait3A_787 : memref<64x128xf32, #tpu.memory_space<hbm>>) dst(%dma_wait3A_784 : memref<64x128xf32, #tpu.memory_space<vmem>>)
    %dma_start3A_788 = arith.constant 5 : i32
    %dma_start3A_789 = arith.constant 5 : i32
    %dma_start3A_790 = arith.constant 0 : i32
    %dma_start3A_791 = arith.constant 0 : i32
    %dma_start3A_792 = arith.constant 0 : i32
    %dma_start3A_793 = tpu.memref_slice %arg7[%dma_start3A_789, %dma_start3A_790, %dma_start3A_791, %dma_start3A_792] : memref<6x2x64x128xf32, #tpu.memory_space<vmem>> -> memref<1x2x64x128xf32, #tpu.memory_space<vmem>>
    %dma_start3A_794 = tpu.memref_squeeze %dma_start3A_793 : memref<1x2x64x128xf32, #tpu.memory_space<vmem>> -> memref<2x64x128xf32, #tpu.memory_space<vmem>>
    %dma_start3A_795 = tpu.memref_reshape %dma_start3A_794 : memref<2x64x128xf32, #tpu.memory_space<vmem>> -> memref<128x128xf32, #tpu.memory_space<vmem>>
    %dma_start3A_796 = arith.constant 0 : i32
    %dma_start3A_797 = tpu.memref_slice %arg6[%dma_start3A_788, %dma_start3A_796] : memref<16x128xi32, #tpu.memory_space<vmem>> -> memref<1x128xi32, #tpu.memory_space<vmem>>
    %dma_start3A_798 = tpu.memref_squeeze %dma_start3A_797 : memref<1x128xi32, #tpu.memory_space<vmem>> -> memref<128xi32, #tpu.memory_space<vmem>>
    %dma_start3A_799 = arith.constant 0 : i32
    %dma_start3A_800 = arith.constant 0 : i32
    %dma_start3A_801 = tpu.memref_slice %arg8[%dma_start3A_799, %dma_start3A_800] : memref<384x128xf32, #tpu.memory_space<vmem_shared>> -> memref<384x128xf32, #tpu.memory_space<vmem_shared>>
    tpu.enqueue_indirect_dma source(%dma_start3A_801 : memref<384x128xf32, #tpu.memory_space<vmem_shared>>) target(%dma_start3A_795 : memref<128x128xf32, #tpu.memory_space<vmem>>) offsets(%dma_start3A_798 : memref<128xi32, #tpu.memory_space<vmem>>) semaphore(%arg27 : memref<!tpu.dma_semaphore, #tpu.memory_space<semaphore_mem>>) {add = true}
    %dma_wait3A_802 = arith.constant 4 : i32
    %dma_wait3A_803 = arith.constant 4 : i32
    %dma_wait3A_804 = arith.constant 0 : i32
    %dma_wait3A_805 = arith.constant 0 : i32
    %dma_wait3A_806 = arith.constant 0 : i32
    %dma_wait3A_807 = tpu.memref_slice %arg7[%dma_wait3A_803, %dma_wait3A_804, %dma_wait3A_805, %dma_wait3A_806] : memref<6x2x64x128xf32, #tpu.memory_space<vmem>> -> memref<1x2x64x128xf32, #tpu.memory_space<vmem>>
    %dma_wait3A_808 = tpu.memref_squeeze %dma_wait3A_807 : memref<1x2x64x128xf32, #tpu.memory_space<vmem>> -> memref<2x64x128xf32, #tpu.memory_space<vmem>>
    %dma_wait3A_809 = tpu.memref_reshape %dma_wait3A_808 : memref<2x64x128xf32, #tpu.memory_space<vmem>> -> memref<128x128xf32, #tpu.memory_space<vmem>>
    %dma_wait3A_810 = arith.constant 0 : i32
    %dma_wait3A_811 = tpu.memref_slice %arg6[%dma_wait3A_802, %dma_wait3A_810] : memref<16x128xi32, #tpu.memory_space<vmem>> -> memref<1x128xi32, #tpu.memory_space<vmem>>
    %dma_wait3A_812 = tpu.memref_squeeze %dma_wait3A_811 : memref<1x128xi32, #tpu.memory_space<vmem>> -> memref<128xi32, #tpu.memory_space<vmem>>
    %dma_wait3A_813 = arith.constant 0 : i32
    %dma_wait3A_814 = arith.constant 0 : i32
    %dma_wait3A_815 = tpu.memref_slice %arg8[%dma_wait3A_813, %dma_wait3A_814] : memref<384x128xf32, #tpu.memory_space<vmem_shared>> -> memref<384x128xf32, #tpu.memory_space<vmem_shared>>
    tpu.wait_indirect_dma semaphore(%arg26 : memref<!tpu.dma_semaphore, #tpu.memory_space<semaphore_mem>>) src(%dma_wait3A_815 : memref<384x128xf32, #tpu.memory_space<vmem_shared>>) dst(%dma_wait3A_809 : memref<128x128xf32, #tpu.memory_space<vmem>>)
    %add3A_816 = arith.constant 256 : i32
    %add3A_817 = arith.addi %mul3A_50, %add3A_816 : i32
    %dma_start3A_818 = arith.constant 4 : i32
    %dma_start3A_819 = arith.constant 0 : i32
    %dma_start3A_820 = arith.constant 0 : i32
    %dma_start3A_821 = arith.constant 0 : i32
    %dma_start3A_822 = tpu.memref_slice %arg7[%dma_start3A_818, %dma_start3A_819, %dma_start3A_820, %dma_start3A_821] : memref<6x2x64x128xf32, #tpu.memory_space<vmem>> -> memref<1x1x64x128xf32, #tpu.memory_space<vmem>>
    %dma_start3A_823 = tpu.memref_squeeze %dma_start3A_822 : memref<1x1x64x128xf32, #tpu.memory_space<vmem>> -> memref<64x128xf32, #tpu.memory_space<vmem>>
    %dma_start3A_824 = arith.constant 0 : i32
    %dma_start3A_825 = tpu.memref_slice %arg5[%select_n3A, %add3A_817, %dma_start3A_824] : memref<16x2048x256xf32, #tpu.memory_space<hbm>> -> memref<1x64x128xf32, #tpu.memory_space<hbm>>
    %dma_start3A_826 = tpu.memref_squeeze %dma_start3A_825 : memref<1x64x128xf32, #tpu.memory_space<hbm>> -> memref<64x128xf32, #tpu.memory_space<hbm>>
    %dma_start3A_827 = arith.constant 0 : i32
    %dma_start3A_828 = tpu.memref_slice %arg5[%select_n3A, %add3A_817, %dma_start3A_827] : memref<16x2048x256xf32, #tpu.memory_space<hbm>> -> memref<1x64x128xf32, #tpu.memory_space<hbm>>
    %dma_start3A_829 = tpu.memref_squeeze %dma_start3A_828 : memref<1x64x128xf32, #tpu.memory_space<hbm>> -> memref<64x128xf32, #tpu.memory_space<hbm>>
    %dma_start3A_830 = arith.constant 0 : i32
    %dma_start3A_831 = arith.constant 0 : i32
    %dma_start3A_832 = tpu.memref_slice %arg7[%dma_start3A_818, %dma_start3A_819, %dma_start3A_830, %dma_start3A_831] : memref<6x2x64x128xf32, #tpu.memory_space<vmem>> -> memref<1x1x64x128xf32, #tpu.memory_space<vmem>>
    %dma_start3A_833 = tpu.memref_squeeze %dma_start3A_832 : memref<1x1x64x128xf32, #tpu.memory_space<vmem>> -> memref<64x128xf32, #tpu.memory_space<vmem>>
    tpu.enqueue_dma source(%dma_start3A_833 : memref<64x128xf32, #tpu.memory_space<vmem>>) target(%dma_start3A_829 : memref<64x128xf32, #tpu.memory_space<hbm>>) target_semaphore(%arg36 : memref<!tpu.dma_semaphore, #tpu.memory_space<semaphore_mem>>)
    %dma_start3A_834 = arith.constant 4 : i32
    %dma_start3A_835 = arith.constant 1 : i32
    %dma_start3A_836 = arith.constant 0 : i32
    %dma_start3A_837 = arith.constant 0 : i32
    %dma_start3A_838 = tpu.memref_slice %arg7[%dma_start3A_834, %dma_start3A_835, %dma_start3A_836, %dma_start3A_837] : memref<6x2x64x128xf32, #tpu.memory_space<vmem>> -> memref<1x1x64x128xf32, #tpu.memory_space<vmem>>
    %dma_start3A_839 = tpu.memref_squeeze %dma_start3A_838 : memref<1x1x64x128xf32, #tpu.memory_space<vmem>> -> memref<64x128xf32, #tpu.memory_space<vmem>>
    %dma_start3A_840 = arith.constant 128 : i32
    %dma_start3A_841 = tpu.memref_slice %arg5[%select_n3A, %add3A_817, %dma_start3A_840] : memref<16x2048x256xf32, #tpu.memory_space<hbm>> -> memref<1x64x128xf32, #tpu.memory_space<hbm>>
    %dma_start3A_842 = tpu.memref_squeeze %dma_start3A_841 : memref<1x64x128xf32, #tpu.memory_space<hbm>> -> memref<64x128xf32, #tpu.memory_space<hbm>>
    %dma_start3A_843 = arith.constant 128 : i32
    %dma_start3A_844 = tpu.memref_slice %arg5[%select_n3A, %add3A_817, %dma_start3A_843] : memref<16x2048x256xf32, #tpu.memory_space<hbm>> -> memref<1x64x128xf32, #tpu.memory_space<hbm>>
    %dma_start3A_845 = tpu.memref_squeeze %dma_start3A_844 : memref<1x64x128xf32, #tpu.memory_space<hbm>> -> memref<64x128xf32, #tpu.memory_space<hbm>>
    %dma_start3A_846 = arith.constant 0 : i32
    %dma_start3A_847 = arith.constant 0 : i32
    %dma_start3A_848 = tpu.memref_slice %arg7[%dma_start3A_834, %dma_start3A_835, %dma_start3A_846, %dma_start3A_847] : memref<6x2x64x128xf32, #tpu.memory_space<vmem>> -> memref<1x1x64x128xf32, #tpu.memory_space<vmem>>
    %dma_start3A_849 = tpu.memref_squeeze %dma_start3A_848 : memref<1x1x64x128xf32, #tpu.memory_space<vmem>> -> memref<64x128xf32, #tpu.memory_space<vmem>>
    tpu.enqueue_dma source(%dma_start3A_849 : memref<64x128xf32, #tpu.memory_space<vmem>>) target(%dma_start3A_845 : memref<64x128xf32, #tpu.memory_space<hbm>>) target_semaphore(%arg37 : memref<!tpu.dma_semaphore, #tpu.memory_space<semaphore_mem>>)
    %dma_wait3A_850 = arith.constant 1 : i32
    %dma_wait3A_851 = arith.constant 0 : i32
    %dma_wait3A_852 = arith.constant 0 : i32
    %dma_wait3A_853 = arith.constant 0 : i32
    %dma_wait3A_854 = tpu.memref_slice %arg7[%dma_wait3A_850, %dma_wait3A_851, %dma_wait3A_852, %dma_wait3A_853] : memref<6x2x64x128xf32, #tpu.memory_space<vmem>> -> memref<1x1x64x128xf32, #tpu.memory_space<vmem>>
    %dma_wait3A_855 = tpu.memref_squeeze %dma_wait3A_854 : memref<1x1x64x128xf32, #tpu.memory_space<vmem>> -> memref<64x128xf32, #tpu.memory_space<vmem>>
    %dma_wait3A_856 = arith.constant 0 : i32
    %dma_wait3A_857 = tpu.memref_slice %arg5[%select_n3A, %add3A_469, %dma_wait3A_856] : memref<16x2048x256xf32, #tpu.memory_space<hbm>> -> memref<1x64x128xf32, #tpu.memory_space<hbm>>
    %dma_wait3A_858 = tpu.memref_squeeze %dma_wait3A_857 : memref<1x64x128xf32, #tpu.memory_space<hbm>> -> memref<64x128xf32, #tpu.memory_space<hbm>>
    %dma_wait3A_859 = arith.constant 0 : i32
    %dma_wait3A_860 = tpu.memref_slice %arg5[%select_n3A, %add3A_469, %dma_wait3A_859] : memref<16x2048x256xf32, #tpu.memory_space<hbm>> -> memref<1x64x128xf32, #tpu.memory_space<hbm>>
    %dma_wait3A_861 = tpu.memref_squeeze %dma_wait3A_860 : memref<1x64x128xf32, #tpu.memory_space<hbm>> -> memref<64x128xf32, #tpu.memory_space<hbm>>
    %dma_wait3A_862 = arith.constant 0 : i32
    %dma_wait3A_863 = arith.constant 0 : i32
    %dma_wait3A_864 = tpu.memref_slice %arg7[%dma_wait3A_850, %dma_wait3A_851, %dma_wait3A_862, %dma_wait3A_863] : memref<6x2x64x128xf32, #tpu.memory_space<vmem>> -> memref<1x1x64x128xf32, #tpu.memory_space<vmem>>
    %dma_wait3A_865 = tpu.memref_squeeze %dma_wait3A_864 : memref<1x1x64x128xf32, #tpu.memory_space<vmem>> -> memref<64x128xf32, #tpu.memory_space<vmem>>
    tpu.wait_dma2 semaphore(%arg30 : memref<!tpu.dma_semaphore, #tpu.memory_space<semaphore_mem>>) src(%dma_wait3A_865 : memref<64x128xf32, #tpu.memory_space<vmem>>) dst(%dma_wait3A_861 : memref<64x128xf32, #tpu.memory_space<hbm>>)
    %dma_wait3A_866 = arith.constant 1 : i32
    %dma_wait3A_867 = arith.constant 1 : i32
    %dma_wait3A_868 = arith.constant 0 : i32
    %dma_wait3A_869 = arith.constant 0 : i32
    %dma_wait3A_870 = tpu.memref_slice %arg7[%dma_wait3A_866, %dma_wait3A_867, %dma_wait3A_868, %dma_wait3A_869] : memref<6x2x64x128xf32, #tpu.memory_space<vmem>> -> memref<1x1x64x128xf32, #tpu.memory_space<vmem>>
    %dma_wait3A_871 = tpu.memref_squeeze %dma_wait3A_870 : memref<1x1x64x128xf32, #tpu.memory_space<vmem>> -> memref<64x128xf32, #tpu.memory_space<vmem>>
    %dma_wait3A_872 = arith.constant 128 : i32
    %dma_wait3A_873 = tpu.memref_slice %arg5[%select_n3A, %add3A_469, %dma_wait3A_872] : memref<16x2048x256xf32, #tpu.memory_space<hbm>> -> memref<1x64x128xf32, #tpu.memory_space<hbm>>
    %dma_wait3A_874 = tpu.memref_squeeze %dma_wait3A_873 : memref<1x64x128xf32, #tpu.memory_space<hbm>> -> memref<64x128xf32, #tpu.memory_space<hbm>>
    %dma_wait3A_875 = arith.constant 128 : i32
    %dma_wait3A_876 = tpu.memref_slice %arg5[%select_n3A, %add3A_469, %dma_wait3A_875] : memref<16x2048x256xf32, #tpu.memory_space<hbm>> -> memref<1x64x128xf32, #tpu.memory_space<hbm>>
    %dma_wait3A_877 = tpu.memref_squeeze %dma_wait3A_876 : memref<1x64x128xf32, #tpu.memory_space<hbm>> -> memref<64x128xf32, #tpu.memory_space<hbm>>
    %dma_wait3A_878 = arith.constant 0 : i32
    %dma_wait3A_879 = arith.constant 0 : i32
    %dma_wait3A_880 = tpu.memref_slice %arg7[%dma_wait3A_866, %dma_wait3A_867, %dma_wait3A_878, %dma_wait3A_879] : memref<6x2x64x128xf32, #tpu.memory_space<vmem>> -> memref<1x1x64x128xf32, #tpu.memory_space<vmem>>
    %dma_wait3A_881 = tpu.memref_squeeze %dma_wait3A_880 : memref<1x1x64x128xf32, #tpu.memory_space<vmem>> -> memref<64x128xf32, #tpu.memory_space<vmem>>
    tpu.wait_dma2 semaphore(%arg31 : memref<!tpu.dma_semaphore, #tpu.memory_space<semaphore_mem>>) src(%dma_wait3A_881 : memref<64x128xf32, #tpu.memory_space<vmem>>) dst(%dma_wait3A_877 : memref<64x128xf32, #tpu.memory_space<hbm>>)
    %add3A_882 = arith.constant 448 : i32
    %add3A_883 = arith.addi %mul3A_50, %add3A_882 : i32
    %dma_start3A_884 = arith.constant 1 : i32
    %dma_start3A_885 = arith.constant 0 : i32
    %dma_start3A_886 = arith.constant 0 : i32
    %dma_start3A_887 = arith.constant 0 : i32
    %dma_start3A_888 = tpu.memref_slice %arg7[%dma_start3A_884, %dma_start3A_885, %dma_start3A_886, %dma_start3A_887] : memref<6x2x64x128xf32, #tpu.memory_space<vmem>> -> memref<1x1x64x128xf32, #tpu.memory_space<vmem>>
    %dma_start3A_889 = tpu.memref_squeeze %dma_start3A_888 : memref<1x1x64x128xf32, #tpu.memory_space<vmem>> -> memref<64x128xf32, #tpu.memory_space<vmem>>
    %dma_start3A_890 = arith.constant 0 : i32
    %dma_start3A_891 = tpu.memref_slice %arg2[%select_n3A, %add3A_883, %dma_start3A_890] : memref<16x2048x256xf32, #tpu.memory_space<hbm>> -> memref<1x64x128xf32, #tpu.memory_space<hbm>>
    %dma_start3A_892 = tpu.memref_squeeze %dma_start3A_891 : memref<1x64x128xf32, #tpu.memory_space<hbm>> -> memref<64x128xf32, #tpu.memory_space<hbm>>
    %dma_start3A_893 = arith.constant 0 : i32
    %dma_start3A_894 = arith.constant 0 : i32
    %dma_start3A_895 = tpu.memref_slice %arg7[%dma_start3A_884, %dma_start3A_885, %dma_start3A_893, %dma_start3A_894] : memref<6x2x64x128xf32, #tpu.memory_space<vmem>> -> memref<1x1x64x128xf32, #tpu.memory_space<vmem>>
    %dma_start3A_896 = tpu.memref_squeeze %dma_start3A_895 : memref<1x1x64x128xf32, #tpu.memory_space<vmem>> -> memref<64x128xf32, #tpu.memory_space<vmem>>
    %dma_start3A_897 = arith.constant 0 : i32
    %dma_start3A_898 = tpu.memref_slice %arg2[%select_n3A, %add3A_883, %dma_start3A_897] : memref<16x2048x256xf32, #tpu.memory_space<hbm>> -> memref<1x64x128xf32, #tpu.memory_space<hbm>>
    %dma_start3A_899 = tpu.memref_squeeze %dma_start3A_898 : memref<1x64x128xf32, #tpu.memory_space<hbm>> -> memref<64x128xf32, #tpu.memory_space<hbm>>
    tpu.enqueue_dma source(%dma_start3A_899 : memref<64x128xf32, #tpu.memory_space<hbm>>) target(%dma_start3A_896 : memref<64x128xf32, #tpu.memory_space<vmem>>) target_semaphore(%arg12 : memref<!tpu.dma_semaphore, #tpu.memory_space<semaphore_mem>>)
    %dma_start3A_900 = arith.constant 1 : i32
    %dma_start3A_901 = arith.constant 1 : i32
    %dma_start3A_902 = arith.constant 0 : i32
    %dma_start3A_903 = arith.constant 0 : i32
    %dma_start3A_904 = tpu.memref_slice %arg7[%dma_start3A_900, %dma_start3A_901, %dma_start3A_902, %dma_start3A_903] : memref<6x2x64x128xf32, #tpu.memory_space<vmem>> -> memref<1x1x64x128xf32, #tpu.memory_space<vmem>>
    %dma_start3A_905 = tpu.memref_squeeze %dma_start3A_904 : memref<1x1x64x128xf32, #tpu.memory_space<vmem>> -> memref<64x128xf32, #tpu.memory_space<vmem>>
    %dma_start3A_906 = arith.constant 128 : i32
    %dma_start3A_907 = tpu.memref_slice %arg2[%select_n3A, %add3A_883, %dma_start3A_906] : memref<16x2048x256xf32, #tpu.memory_space<hbm>> -> memref<1x64x128xf32, #tpu.memory_space<hbm>>
    %dma_start3A_908 = tpu.memref_squeeze %dma_start3A_907 : memref<1x64x128xf32, #tpu.memory_space<hbm>> -> memref<64x128xf32, #tpu.memory_space<hbm>>
    %dma_start3A_909 = arith.constant 0 : i32
    %dma_start3A_910 = arith.constant 0 : i32
    %dma_start3A_911 = tpu.memref_slice %arg7[%dma_start3A_900, %dma_start3A_901, %dma_start3A_909, %dma_start3A_910] : memref<6x2x64x128xf32, #tpu.memory_space<vmem>> -> memref<1x1x64x128xf32, #tpu.memory_space<vmem>>
    %dma_start3A_912 = tpu.memref_squeeze %dma_start3A_911 : memref<1x1x64x128xf32, #tpu.memory_space<vmem>> -> memref<64x128xf32, #tpu.memory_space<vmem>>
    %dma_start3A_913 = arith.constant 128 : i32
    %dma_start3A_914 = tpu.memref_slice %arg2[%select_n3A, %add3A_883, %dma_start3A_913] : memref<16x2048x256xf32, #tpu.memory_space<hbm>> -> memref<1x64x128xf32, #tpu.memory_space<hbm>>
    %dma_start3A_915 = tpu.memref_squeeze %dma_start3A_914 : memref<1x64x128xf32, #tpu.memory_space<hbm>> -> memref<64x128xf32, #tpu.memory_space<hbm>>
    tpu.enqueue_dma source(%dma_start3A_915 : memref<64x128xf32, #tpu.memory_space<hbm>>) target(%dma_start3A_912 : memref<64x128xf32, #tpu.memory_space<vmem>>) target_semaphore(%arg13 : memref<!tpu.dma_semaphore, #tpu.memory_space<semaphore_mem>>)
    %dma_wait3A_916 = arith.constant 0 : i32
    %dma_wait3A_917 = arith.constant 0 : i32
    %dma_wait3A_918 = arith.constant 0 : i32
    %dma_wait3A_919 = arith.constant 0 : i32
    %dma_wait3A_920 = tpu.memref_slice %arg7[%dma_wait3A_916, %dma_wait3A_917, %dma_wait3A_918, %dma_wait3A_919] : memref<6x2x64x128xf32, #tpu.memory_space<vmem>> -> memref<1x1x64x128xf32, #tpu.memory_space<vmem>>
    %dma_wait3A_921 = tpu.memref_squeeze %dma_wait3A_920 : memref<1x1x64x128xf32, #tpu.memory_space<vmem>> -> memref<64x128xf32, #tpu.memory_space<vmem>>
    %dma_wait3A_922 = arith.constant 0 : i32
    %dma_wait3A_923 = tpu.memref_slice %arg2[%select_n3A, %add3A_723, %dma_wait3A_922] : memref<16x2048x256xf32, #tpu.memory_space<hbm>> -> memref<1x64x128xf32, #tpu.memory_space<hbm>>
    %dma_wait3A_924 = tpu.memref_squeeze %dma_wait3A_923 : memref<1x64x128xf32, #tpu.memory_space<hbm>> -> memref<64x128xf32, #tpu.memory_space<hbm>>
    %dma_wait3A_925 = arith.constant 0 : i32
    %dma_wait3A_926 = arith.constant 0 : i32
    %dma_wait3A_927 = tpu.memref_slice %arg7[%dma_wait3A_916, %dma_wait3A_917, %dma_wait3A_925, %dma_wait3A_926] : memref<6x2x64x128xf32, #tpu.memory_space<vmem>> -> memref<1x1x64x128xf32, #tpu.memory_space<vmem>>
    %dma_wait3A_928 = tpu.memref_squeeze %dma_wait3A_927 : memref<1x1x64x128xf32, #tpu.memory_space<vmem>> -> memref<64x128xf32, #tpu.memory_space<vmem>>
    %dma_wait3A_929 = arith.constant 0 : i32
    %dma_wait3A_930 = tpu.memref_slice %arg2[%select_n3A, %add3A_723, %dma_wait3A_929] : memref<16x2048x256xf32, #tpu.memory_space<hbm>> -> memref<1x64x128xf32, #tpu.memory_space<hbm>>
    %dma_wait3A_931 = tpu.memref_squeeze %dma_wait3A_930 : memref<1x64x128xf32, #tpu.memory_space<hbm>> -> memref<64x128xf32, #tpu.memory_space<hbm>>
    tpu.wait_dma2 semaphore(%arg10 : memref<!tpu.dma_semaphore, #tpu.memory_space<semaphore_mem>>) src(%dma_wait3A_931 : memref<64x128xf32, #tpu.memory_space<hbm>>) dst(%dma_wait3A_928 : memref<64x128xf32, #tpu.memory_space<vmem>>)
    %dma_wait3A_932 = arith.constant 0 : i32
    %dma_wait3A_933 = arith.constant 1 : i32
    %dma_wait3A_934 = arith.constant 0 : i32
    %dma_wait3A_935 = arith.constant 0 : i32
    %dma_wait3A_936 = tpu.memref_slice %arg7[%dma_wait3A_932, %dma_wait3A_933, %dma_wait3A_934, %dma_wait3A_935] : memref<6x2x64x128xf32, #tpu.memory_space<vmem>> -> memref<1x1x64x128xf32, #tpu.memory_space<vmem>>
    %dma_wait3A_937 = tpu.memref_squeeze %dma_wait3A_936 : memref<1x1x64x128xf32, #tpu.memory_space<vmem>> -> memref<64x128xf32, #tpu.memory_space<vmem>>
    %dma_wait3A_938 = arith.constant 128 : i32
    %dma_wait3A_939 = tpu.memref_slice %arg2[%select_n3A, %add3A_723, %dma_wait3A_938] : memref<16x2048x256xf32, #tpu.memory_space<hbm>> -> memref<1x64x128xf32, #tpu.memory_space<hbm>>
    %dma_wait3A_940 = tpu.memref_squeeze %dma_wait3A_939 : memref<1x64x128xf32, #tpu.memory_space<hbm>> -> memref<64x128xf32, #tpu.memory_space<hbm>>
    %dma_wait3A_941 = arith.constant 0 : i32
    %dma_wait3A_942 = arith.constant 0 : i32
    %dma_wait3A_943 = tpu.memref_slice %arg7[%dma_wait3A_932, %dma_wait3A_933, %dma_wait3A_941, %dma_wait3A_942] : memref<6x2x64x128xf32, #tpu.memory_space<vmem>> -> memref<1x1x64x128xf32, #tpu.memory_space<vmem>>
    %dma_wait3A_944 = tpu.memref_squeeze %dma_wait3A_943 : memref<1x1x64x128xf32, #tpu.memory_space<vmem>> -> memref<64x128xf32, #tpu.memory_space<vmem>>
    %dma_wait3A_945 = arith.constant 128 : i32
    %dma_wait3A_946 = tpu.memref_slice %arg2[%select_n3A, %add3A_723, %dma_wait3A_945] : memref<16x2048x256xf32, #tpu.memory_space<hbm>> -> memref<1x64x128xf32, #tpu.memory_space<hbm>>
    %dma_wait3A_947 = tpu.memref_squeeze %dma_wait3A_946 : memref<1x64x128xf32, #tpu.memory_space<hbm>> -> memref<64x128xf32, #tpu.memory_space<hbm>>
    tpu.wait_dma2 semaphore(%arg11 : memref<!tpu.dma_semaphore, #tpu.memory_space<semaphore_mem>>) src(%dma_wait3A_947 : memref<64x128xf32, #tpu.memory_space<hbm>>) dst(%dma_wait3A_944 : memref<64x128xf32, #tpu.memory_space<vmem>>)
    %dma_start3A_948 = arith.constant 6 : i32
    %dma_start3A_949 = arith.constant 0 : i32
    %dma_start3A_950 = arith.constant 0 : i32
    %dma_start3A_951 = arith.constant 0 : i32
    %dma_start3A_952 = arith.constant 0 : i32
    %dma_start3A_953 = tpu.memref_slice %arg7[%dma_start3A_949, %dma_start3A_950, %dma_start3A_951, %dma_start3A_952] : memref<6x2x64x128xf32, #tpu.memory_space<vmem>> -> memref<1x2x64x128xf32, #tpu.memory_space<vmem>>
    %dma_start3A_954 = tpu.memref_squeeze %dma_start3A_953 : memref<1x2x64x128xf32, #tpu.memory_space<vmem>> -> memref<2x64x128xf32, #tpu.memory_space<vmem>>
    %dma_start3A_955 = tpu.memref_reshape %dma_start3A_954 : memref<2x64x128xf32, #tpu.memory_space<vmem>> -> memref<128x128xf32, #tpu.memory_space<vmem>>
    %dma_start3A_956 = arith.constant 0 : i32
    %dma_start3A_957 = tpu.memref_slice %arg6[%dma_start3A_948, %dma_start3A_956] : memref<16x128xi32, #tpu.memory_space<vmem>> -> memref<1x128xi32, #tpu.memory_space<vmem>>
    %dma_start3A_958 = tpu.memref_squeeze %dma_start3A_957 : memref<1x128xi32, #tpu.memory_space<vmem>> -> memref<128xi32, #tpu.memory_space<vmem>>
    %dma_start3A_959 = arith.constant 0 : i32
    %dma_start3A_960 = arith.constant 0 : i32
    %dma_start3A_961 = tpu.memref_slice %arg8[%dma_start3A_959, %dma_start3A_960] : memref<384x128xf32, #tpu.memory_space<vmem_shared>> -> memref<384x128xf32, #tpu.memory_space<vmem_shared>>
    tpu.enqueue_indirect_dma source(%dma_start3A_961 : memref<384x128xf32, #tpu.memory_space<vmem_shared>>) target(%dma_start3A_955 : memref<128x128xf32, #tpu.memory_space<vmem>>) offsets(%dma_start3A_958 : memref<128xi32, #tpu.memory_space<vmem>>) semaphore(%arg22 : memref<!tpu.dma_semaphore, #tpu.memory_space<semaphore_mem>>) {add = true}
    %dma_wait3A_962 = arith.constant 5 : i32
    %dma_wait3A_963 = arith.constant 5 : i32
    %dma_wait3A_964 = arith.constant 0 : i32
    %dma_wait3A_965 = arith.constant 0 : i32
    %dma_wait3A_966 = arith.constant 0 : i32
    %dma_wait3A_967 = tpu.memref_slice %arg7[%dma_wait3A_963, %dma_wait3A_964, %dma_wait3A_965, %dma_wait3A_966] : memref<6x2x64x128xf32, #tpu.memory_space<vmem>> -> memref<1x2x64x128xf32, #tpu.memory_space<vmem>>
    %dma_wait3A_968 = tpu.memref_squeeze %dma_wait3A_967 : memref<1x2x64x128xf32, #tpu.memory_space<vmem>> -> memref<2x64x128xf32, #tpu.memory_space<vmem>>
    %dma_wait3A_969 = tpu.memref_reshape %dma_wait3A_968 : memref<2x64x128xf32, #tpu.memory_space<vmem>> -> memref<128x128xf32, #tpu.memory_space<vmem>>
    %dma_wait3A_970 = arith.constant 0 : i32
    %dma_wait3A_971 = tpu.memref_slice %arg6[%dma_wait3A_962, %dma_wait3A_970] : memref<16x128xi32, #tpu.memory_space<vmem>> -> memref<1x128xi32, #tpu.memory_space<vmem>>
    %dma_wait3A_972 = tpu.memref_squeeze %dma_wait3A_971 : memref<1x128xi32, #tpu.memory_space<vmem>> -> memref<128xi32, #tpu.memory_space<vmem>>
    %dma_wait3A_973 = arith.constant 0 : i32
    %dma_wait3A_974 = arith.constant 0 : i32
    %dma_wait3A_975 = tpu.memref_slice %arg8[%dma_wait3A_973, %dma_wait3A_974] : memref<384x128xf32, #tpu.memory_space<vmem_shared>> -> memref<384x128xf32, #tpu.memory_space<vmem_shared>>
    tpu.wait_indirect_dma semaphore(%arg27 : memref<!tpu.dma_semaphore, #tpu.memory_space<semaphore_mem>>) src(%dma_wait3A_975 : memref<384x128xf32, #tpu.memory_space<vmem_shared>>) dst(%dma_wait3A_969 : memref<128x128xf32, #tpu.memory_space<vmem>>)
    %add3A_976 = arith.constant 320 : i32
    %add3A_977 = arith.addi %mul3A_50, %add3A_976 : i32
    %dma_start3A_978 = arith.constant 5 : i32
    %dma_start3A_979 = arith.constant 0 : i32
    %dma_start3A_980 = arith.constant 0 : i32
    %dma_start3A_981 = arith.constant 0 : i32
    %dma_start3A_982 = tpu.memref_slice %arg7[%dma_start3A_978, %dma_start3A_979, %dma_start3A_980, %dma_start3A_981] : memref<6x2x64x128xf32, #tpu.memory_space<vmem>> -> memref<1x1x64x128xf32, #tpu.memory_space<vmem>>
    %dma_start3A_983 = tpu.memref_squeeze %dma_start3A_982 : memref<1x1x64x128xf32, #tpu.memory_space<vmem>> -> memref<64x128xf32, #tpu.memory_space<vmem>>
    %dma_start3A_984 = arith.constant 0 : i32
    %dma_start3A_985 = tpu.memref_slice %arg5[%select_n3A, %add3A_977, %dma_start3A_984] : memref<16x2048x256xf32, #tpu.memory_space<hbm>> -> memref<1x64x128xf32, #tpu.memory_space<hbm>>
    %dma_start3A_986 = tpu.memref_squeeze %dma_start3A_985 : memref<1x64x128xf32, #tpu.memory_space<hbm>> -> memref<64x128xf32, #tpu.memory_space<hbm>>
    %dma_start3A_987 = arith.constant 0 : i32
    %dma_start3A_988 = tpu.memref_slice %arg5[%select_n3A, %add3A_977, %dma_start3A_987] : memref<16x2048x256xf32, #tpu.memory_space<hbm>> -> memref<1x64x128xf32, #tpu.memory_space<hbm>>
    %dma_start3A_989 = tpu.memref_squeeze %dma_start3A_988 : memref<1x64x128xf32, #tpu.memory_space<hbm>> -> memref<64x128xf32, #tpu.memory_space<hbm>>
    %dma_start3A_990 = arith.constant 0 : i32
    %dma_start3A_991 = arith.constant 0 : i32
    %dma_start3A_992 = tpu.memref_slice %arg7[%dma_start3A_978, %dma_start3A_979, %dma_start3A_990, %dma_start3A_991] : memref<6x2x64x128xf32, #tpu.memory_space<vmem>> -> memref<1x1x64x128xf32, #tpu.memory_space<vmem>>
    %dma_start3A_993 = tpu.memref_squeeze %dma_start3A_992 : memref<1x1x64x128xf32, #tpu.memory_space<vmem>> -> memref<64x128xf32, #tpu.memory_space<vmem>>
    tpu.enqueue_dma source(%dma_start3A_993 : memref<64x128xf32, #tpu.memory_space<vmem>>) target(%dma_start3A_989 : memref<64x128xf32, #tpu.memory_space<hbm>>) target_semaphore(%arg38 : memref<!tpu.dma_semaphore, #tpu.memory_space<semaphore_mem>>)
    %dma_start3A_994 = arith.constant 5 : i32
    %dma_start3A_995 = arith.constant 1 : i32
    %dma_start3A_996 = arith.constant 0 : i32
    %dma_start3A_997 = arith.constant 0 : i32
    %dma_start3A_998 = tpu.memref_slice %arg7[%dma_start3A_994, %dma_start3A_995, %dma_start3A_996, %dma_start3A_997] : memref<6x2x64x128xf32, #tpu.memory_space<vmem>> -> memref<1x1x64x128xf32, #tpu.memory_space<vmem>>
    %dma_start3A_999 = tpu.memref_squeeze %dma_start3A_998 : memref<1x1x64x128xf32, #tpu.memory_space<vmem>> -> memref<64x128xf32, #tpu.memory_space<vmem>>
    %dma_start3A_1000 = arith.constant 128 : i32
    %dma_start3A_1001 = tpu.memref_slice %arg5[%select_n3A, %add3A_977, %dma_start3A_1000] : memref<16x2048x256xf32, #tpu.memory_space<hbm>> -> memref<1x64x128xf32, #tpu.memory_space<hbm>>
    %dma_start3A_1002 = tpu.memref_squeeze %dma_start3A_1001 : memref<1x64x128xf32, #tpu.memory_space<hbm>> -> memref<64x128xf32, #tpu.memory_space<hbm>>
    %dma_start3A_1003 = arith.constant 128 : i32
    %dma_start3A_1004 = tpu.memref_slice %arg5[%select_n3A, %add3A_977, %dma_start3A_1003] : memref<16x2048x256xf32, #tpu.memory_space<hbm>> -> memref<1x64x128xf32, #tpu.memory_space<hbm>>
    %dma_start3A_1005 = tpu.memref_squeeze %dma_start3A_1004 : memref<1x64x128xf32, #tpu.memory_space<hbm>> -> memref<64x128xf32, #tpu.memory_space<hbm>>
    %dma_start3A_1006 = arith.constant 0 : i32
    %dma_start3A_1007 = arith.constant 0 : i32
    %dma_start3A_1008 = tpu.memref_slice %arg7[%dma_start3A_994, %dma_start3A_995, %dma_start3A_1006, %dma_start3A_1007] : memref<6x2x64x128xf32, #tpu.memory_space<vmem>> -> memref<1x1x64x128xf32, #tpu.memory_space<vmem>>
    %dma_start3A_1009 = tpu.memref_squeeze %dma_start3A_1008 : memref<1x1x64x128xf32, #tpu.memory_space<vmem>> -> memref<64x128xf32, #tpu.memory_space<vmem>>
    tpu.enqueue_dma source(%dma_start3A_1009 : memref<64x128xf32, #tpu.memory_space<vmem>>) target(%dma_start3A_1005 : memref<64x128xf32, #tpu.memory_space<hbm>>) target_semaphore(%arg39 : memref<!tpu.dma_semaphore, #tpu.memory_space<semaphore_mem>>)
    %dma_wait3A_1010 = arith.constant 2 : i32
    %dma_wait3A_1011 = arith.constant 0 : i32
    %dma_wait3A_1012 = arith.constant 0 : i32
    %dma_wait3A_1013 = arith.constant 0 : i32
    %dma_wait3A_1014 = tpu.memref_slice %arg7[%dma_wait3A_1010, %dma_wait3A_1011, %dma_wait3A_1012, %dma_wait3A_1013] : memref<6x2x64x128xf32, #tpu.memory_space<vmem>> -> memref<1x1x64x128xf32, #tpu.memory_space<vmem>>
    %dma_wait3A_1015 = tpu.memref_squeeze %dma_wait3A_1014 : memref<1x1x64x128xf32, #tpu.memory_space<vmem>> -> memref<64x128xf32, #tpu.memory_space<vmem>>
    %dma_wait3A_1016 = arith.constant 0 : i32
    %dma_wait3A_1017 = tpu.memref_slice %arg5[%select_n3A, %add3A_563, %dma_wait3A_1016] : memref<16x2048x256xf32, #tpu.memory_space<hbm>> -> memref<1x64x128xf32, #tpu.memory_space<hbm>>
    %dma_wait3A_1018 = tpu.memref_squeeze %dma_wait3A_1017 : memref<1x64x128xf32, #tpu.memory_space<hbm>> -> memref<64x128xf32, #tpu.memory_space<hbm>>
    %dma_wait3A_1019 = arith.constant 0 : i32
    %dma_wait3A_1020 = tpu.memref_slice %arg5[%select_n3A, %add3A_563, %dma_wait3A_1019] : memref<16x2048x256xf32, #tpu.memory_space<hbm>> -> memref<1x64x128xf32, #tpu.memory_space<hbm>>
    %dma_wait3A_1021 = tpu.memref_squeeze %dma_wait3A_1020 : memref<1x64x128xf32, #tpu.memory_space<hbm>> -> memref<64x128xf32, #tpu.memory_space<hbm>>
    %dma_wait3A_1022 = arith.constant 0 : i32
    %dma_wait3A_1023 = arith.constant 0 : i32
    %dma_wait3A_1024 = tpu.memref_slice %arg7[%dma_wait3A_1010, %dma_wait3A_1011, %dma_wait3A_1022, %dma_wait3A_1023] : memref<6x2x64x128xf32, #tpu.memory_space<vmem>> -> memref<1x1x64x128xf32, #tpu.memory_space<vmem>>
    %dma_wait3A_1025 = tpu.memref_squeeze %dma_wait3A_1024 : memref<1x1x64x128xf32, #tpu.memory_space<vmem>> -> memref<64x128xf32, #tpu.memory_space<vmem>>
    tpu.wait_dma2 semaphore(%arg32 : memref<!tpu.dma_semaphore, #tpu.memory_space<semaphore_mem>>) src(%dma_wait3A_1025 : memref<64x128xf32, #tpu.memory_space<vmem>>) dst(%dma_wait3A_1021 : memref<64x128xf32, #tpu.memory_space<hbm>>)
    %dma_wait3A_1026 = arith.constant 2 : i32
    %dma_wait3A_1027 = arith.constant 1 : i32
    %dma_wait3A_1028 = arith.constant 0 : i32
    %dma_wait3A_1029 = arith.constant 0 : i32
    %dma_wait3A_1030 = tpu.memref_slice %arg7[%dma_wait3A_1026, %dma_wait3A_1027, %dma_wait3A_1028, %dma_wait3A_1029] : memref<6x2x64x128xf32, #tpu.memory_space<vmem>> -> memref<1x1x64x128xf32, #tpu.memory_space<vmem>>
    %dma_wait3A_1031 = tpu.memref_squeeze %dma_wait3A_1030 : memref<1x1x64x128xf32, #tpu.memory_space<vmem>> -> memref<64x128xf32, #tpu.memory_space<vmem>>
    %dma_wait3A_1032 = arith.constant 128 : i32
    %dma_wait3A_1033 = tpu.memref_slice %arg5[%select_n3A, %add3A_563, %dma_wait3A_1032] : memref<16x2048x256xf32, #tpu.memory_space<hbm>> -> memref<1x64x128xf32, #tpu.memory_space<hbm>>
    %dma_wait3A_1034 = tpu.memref_squeeze %dma_wait3A_1033 : memref<1x64x128xf32, #tpu.memory_space<hbm>> -> memref<64x128xf32, #tpu.memory_space<hbm>>
    %dma_wait3A_1035 = arith.constant 128 : i32
    %dma_wait3A_1036 = tpu.memref_slice %arg5[%select_n3A, %add3A_563, %dma_wait3A_1035] : memref<16x2048x256xf32, #tpu.memory_space<hbm>> -> memref<1x64x128xf32, #tpu.memory_space<hbm>>
    %dma_wait3A_1037 = tpu.memref_squeeze %dma_wait3A_1036 : memref<1x64x128xf32, #tpu.memory_space<hbm>> -> memref<64x128xf32, #tpu.memory_space<hbm>>
    %dma_wait3A_1038 = arith.constant 0 : i32
    %dma_wait3A_1039 = arith.constant 0 : i32
    %dma_wait3A_1040 = tpu.memref_slice %arg7[%dma_wait3A_1026, %dma_wait3A_1027, %dma_wait3A_1038, %dma_wait3A_1039] : memref<6x2x64x128xf32, #tpu.memory_space<vmem>> -> memref<1x1x64x128xf32, #tpu.memory_space<vmem>>
    %dma_wait3A_1041 = tpu.memref_squeeze %dma_wait3A_1040 : memref<1x1x64x128xf32, #tpu.memory_space<vmem>> -> memref<64x128xf32, #tpu.memory_space<vmem>>
    tpu.wait_dma2 semaphore(%arg33 : memref<!tpu.dma_semaphore, #tpu.memory_space<semaphore_mem>>) src(%dma_wait3A_1041 : memref<64x128xf32, #tpu.memory_space<vmem>>) dst(%dma_wait3A_1037 : memref<64x128xf32, #tpu.memory_space<hbm>>)
    %add3A_1042 = arith.constant 512 : i32
    %add3A_1043 = arith.addi %mul3A_50, %add3A_1042 : i32
    %dma_start3A_1044 = arith.constant 2 : i32
    %dma_start3A_1045 = arith.constant 0 : i32
    %dma_start3A_1046 = arith.constant 0 : i32
    %dma_start3A_1047 = arith.constant 0 : i32
    %dma_start3A_1048 = tpu.memref_slice %arg7[%dma_start3A_1044, %dma_start3A_1045, %dma_start3A_1046, %dma_start3A_1047] : memref<6x2x64x128xf32, #tpu.memory_space<vmem>> -> memref<1x1x64x128xf32, #tpu.memory_space<vmem>>
    %dma_start3A_1049 = tpu.memref_squeeze %dma_start3A_1048 : memref<1x1x64x128xf32, #tpu.memory_space<vmem>> -> memref<64x128xf32, #tpu.memory_space<vmem>>
    %dma_start3A_1050 = arith.constant 0 : i32
    %dma_start3A_1051 = tpu.memref_slice %arg2[%select_n3A, %add3A_1043, %dma_start3A_1050] : memref<16x2048x256xf32, #tpu.memory_space<hbm>> -> memref<1x64x128xf32, #tpu.memory_space<hbm>>
    %dma_start3A_1052 = tpu.memref_squeeze %dma_start3A_1051 : memref<1x64x128xf32, #tpu.memory_space<hbm>> -> memref<64x128xf32, #tpu.memory_space<hbm>>
    %dma_start3A_1053 = arith.constant 0 : i32
    %dma_start3A_1054 = arith.constant 0 : i32
    %dma_start3A_1055 = tpu.memref_slice %arg7[%dma_start3A_1044, %dma_start3A_1045, %dma_start3A_1053, %dma_start3A_1054] : memref<6x2x64x128xf32, #tpu.memory_space<vmem>> -> memref<1x1x64x128xf32, #tpu.memory_space<vmem>>
    %dma_start3A_1056 = tpu.memref_squeeze %dma_start3A_1055 : memref<1x1x64x128xf32, #tpu.memory_space<vmem>> -> memref<64x128xf32, #tpu.memory_space<vmem>>
    %dma_start3A_1057 = arith.constant 0 : i32
    %dma_start3A_1058 = tpu.memref_slice %arg2[%select_n3A, %add3A_1043, %dma_start3A_1057] : memref<16x2048x256xf32, #tpu.memory_space<hbm>> -> memref<1x64x128xf32, #tpu.memory_space<hbm>>
    %dma_start3A_1059 = tpu.memref_squeeze %dma_start3A_1058 : memref<1x64x128xf32, #tpu.memory_space<hbm>> -> memref<64x128xf32, #tpu.memory_space<hbm>>
    tpu.enqueue_dma source(%dma_start3A_1059 : memref<64x128xf32, #tpu.memory_space<hbm>>) target(%dma_start3A_1056 : memref<64x128xf32, #tpu.memory_space<vmem>>) target_semaphore(%arg14 : memref<!tpu.dma_semaphore, #tpu.memory_space<semaphore_mem>>)
    %dma_start3A_1060 = arith.constant 2 : i32
    %dma_start3A_1061 = arith.constant 1 : i32
    %dma_start3A_1062 = arith.constant 0 : i32
    %dma_start3A_1063 = arith.constant 0 : i32
    %dma_start3A_1064 = tpu.memref_slice %arg7[%dma_start3A_1060, %dma_start3A_1061, %dma_start3A_1062, %dma_start3A_1063] : memref<6x2x64x128xf32, #tpu.memory_space<vmem>> -> memref<1x1x64x128xf32, #tpu.memory_space<vmem>>
    %dma_start3A_1065 = tpu.memref_squeeze %dma_start3A_1064 : memref<1x1x64x128xf32, #tpu.memory_space<vmem>> -> memref<64x128xf32, #tpu.memory_space<vmem>>
    %dma_start3A_1066 = arith.constant 128 : i32
    %dma_start3A_1067 = tpu.memref_slice %arg2[%select_n3A, %add3A_1043, %dma_start3A_1066] : memref<16x2048x256xf32, #tpu.memory_space<hbm>> -> memref<1x64x128xf32, #tpu.memory_space<hbm>>
    %dma_start3A_1068 = tpu.memref_squeeze %dma_start3A_1067 : memref<1x64x128xf32, #tpu.memory_space<hbm>> -> memref<64x128xf32, #tpu.memory_space<hbm>>
    %dma_start3A_1069 = arith.constant 0 : i32
    %dma_start3A_1070 = arith.constant 0 : i32
    %dma_start3A_1071 = tpu.memref_slice %arg7[%dma_start3A_1060, %dma_start3A_1061, %dma_start3A_1069, %dma_start3A_1070] : memref<6x2x64x128xf32, #tpu.memory_space<vmem>> -> memref<1x1x64x128xf32, #tpu.memory_space<vmem>>
    %dma_start3A_1072 = tpu.memref_squeeze %dma_start3A_1071 : memref<1x1x64x128xf32, #tpu.memory_space<vmem>> -> memref<64x128xf32, #tpu.memory_space<vmem>>
    %dma_start3A_1073 = arith.constant 128 : i32
    %dma_start3A_1074 = tpu.memref_slice %arg2[%select_n3A, %add3A_1043, %dma_start3A_1073] : memref<16x2048x256xf32, #tpu.memory_space<hbm>> -> memref<1x64x128xf32, #tpu.memory_space<hbm>>
    %dma_start3A_1075 = tpu.memref_squeeze %dma_start3A_1074 : memref<1x64x128xf32, #tpu.memory_space<hbm>> -> memref<64x128xf32, #tpu.memory_space<hbm>>
    tpu.enqueue_dma source(%dma_start3A_1075 : memref<64x128xf32, #tpu.memory_space<hbm>>) target(%dma_start3A_1072 : memref<64x128xf32, #tpu.memory_space<vmem>>) target_semaphore(%arg15 : memref<!tpu.dma_semaphore, #tpu.memory_space<semaphore_mem>>)
    %dma_wait3A_1076 = arith.constant 1 : i32
    %dma_wait3A_1077 = arith.constant 0 : i32
    %dma_wait3A_1078 = arith.constant 0 : i32
    %dma_wait3A_1079 = arith.constant 0 : i32
    %dma_wait3A_1080 = tpu.memref_slice %arg7[%dma_wait3A_1076, %dma_wait3A_1077, %dma_wait3A_1078, %dma_wait3A_1079] : memref<6x2x64x128xf32, #tpu.memory_space<vmem>> -> memref<1x1x64x128xf32, #tpu.memory_space<vmem>>
    %dma_wait3A_1081 = tpu.memref_squeeze %dma_wait3A_1080 : memref<1x1x64x128xf32, #tpu.memory_space<vmem>> -> memref<64x128xf32, #tpu.memory_space<vmem>>
    %dma_wait3A_1082 = arith.constant 0 : i32
    %dma_wait3A_1083 = tpu.memref_slice %arg2[%select_n3A, %add3A_883, %dma_wait3A_1082] : memref<16x2048x256xf32, #tpu.memory_space<hbm>> -> memref<1x64x128xf32, #tpu.memory_space<hbm>>
    %dma_wait3A_1084 = tpu.memref_squeeze %dma_wait3A_1083 : memref<1x64x128xf32, #tpu.memory_space<hbm>> -> memref<64x128xf32, #tpu.memory_space<hbm>>
    %dma_wait3A_1085 = arith.constant 0 : i32
    %dma_wait3A_1086 = arith.constant 0 : i32
    %dma_wait3A_1087 = tpu.memref_slice %arg7[%dma_wait3A_1076, %dma_wait3A_1077, %dma_wait3A_1085, %dma_wait3A_1086] : memref<6x2x64x128xf32, #tpu.memory_space<vmem>> -> memref<1x1x64x128xf32, #tpu.memory_space<vmem>>
    %dma_wait3A_1088 = tpu.memref_squeeze %dma_wait3A_1087 : memref<1x1x64x128xf32, #tpu.memory_space<vmem>> -> memref<64x128xf32, #tpu.memory_space<vmem>>
    %dma_wait3A_1089 = arith.constant 0 : i32
    %dma_wait3A_1090 = tpu.memref_slice %arg2[%select_n3A, %add3A_883, %dma_wait3A_1089] : memref<16x2048x256xf32, #tpu.memory_space<hbm>> -> memref<1x64x128xf32, #tpu.memory_space<hbm>>
    %dma_wait3A_1091 = tpu.memref_squeeze %dma_wait3A_1090 : memref<1x64x128xf32, #tpu.memory_space<hbm>> -> memref<64x128xf32, #tpu.memory_space<hbm>>
    tpu.wait_dma2 semaphore(%arg12 : memref<!tpu.dma_semaphore, #tpu.memory_space<semaphore_mem>>) src(%dma_wait3A_1091 : memref<64x128xf32, #tpu.memory_space<hbm>>) dst(%dma_wait3A_1088 : memref<64x128xf32, #tpu.memory_space<vmem>>)
    %dma_wait3A_1092 = arith.constant 1 : i32
    %dma_wait3A_1093 = arith.constant 1 : i32
    %dma_wait3A_1094 = arith.constant 0 : i32
    %dma_wait3A_1095 = arith.constant 0 : i32
    %dma_wait3A_1096 = tpu.memref_slice %arg7[%dma_wait3A_1092, %dma_wait3A_1093, %dma_wait3A_1094, %dma_wait3A_1095] : memref<6x2x64x128xf32, #tpu.memory_space<vmem>> -> memref<1x1x64x128xf32, #tpu.memory_space<vmem>>
    %dma_wait3A_1097 = tpu.memref_squeeze %dma_wait3A_1096 : memref<1x1x64x128xf32, #tpu.memory_space<vmem>> -> memref<64x128xf32, #tpu.memory_space<vmem>>
    %dma_wait3A_1098 = arith.constant 128 : i32
    %dma_wait3A_1099 = tpu.memref_slice %arg2[%select_n3A, %add3A_883, %dma_wait3A_1098] : memref<16x2048x256xf32, #tpu.memory_space<hbm>> -> memref<1x64x128xf32, #tpu.memory_space<hbm>>
    %dma_wait3A_1100 = tpu.memref_squeeze %dma_wait3A_1099 : memref<1x64x128xf32, #tpu.memory_space<hbm>> -> memref<64x128xf32, #tpu.memory_space<hbm>>
    %dma_wait3A_1101 = arith.constant 0 : i32
    %dma_wait3A_1102 = arith.constant 0 : i32
    %dma_wait3A_1103 = tpu.memref_slice %arg7[%dma_wait3A_1092, %dma_wait3A_1093, %dma_wait3A_1101, %dma_wait3A_1102] : memref<6x2x64x128xf32, #tpu.memory_space<vmem>> -> memref<1x1x64x128xf32, #tpu.memory_space<vmem>>
    %dma_wait3A_1104 = tpu.memref_squeeze %dma_wait3A_1103 : memref<1x1x64x128xf32, #tpu.memory_space<vmem>> -> memref<64x128xf32, #tpu.memory_space<vmem>>
    %dma_wait3A_1105 = arith.constant 128 : i32
    %dma_wait3A_1106 = tpu.memref_slice %arg2[%select_n3A, %add3A_883, %dma_wait3A_1105] : memref<16x2048x256xf32, #tpu.memory_space<hbm>> -> memref<1x64x128xf32, #tpu.memory_space<hbm>>
    %dma_wait3A_1107 = tpu.memref_squeeze %dma_wait3A_1106 : memref<1x64x128xf32, #tpu.memory_space<hbm>> -> memref<64x128xf32, #tpu.memory_space<hbm>>
    tpu.wait_dma2 semaphore(%arg13 : memref<!tpu.dma_semaphore, #tpu.memory_space<semaphore_mem>>) src(%dma_wait3A_1107 : memref<64x128xf32, #tpu.memory_space<hbm>>) dst(%dma_wait3A_1104 : memref<64x128xf32, #tpu.memory_space<vmem>>)
    %dma_start3A_1108 = arith.constant 7 : i32
    %dma_start3A_1109 = arith.constant 1 : i32
    %dma_start3A_1110 = arith.constant 0 : i32
    %dma_start3A_1111 = arith.constant 0 : i32
    %dma_start3A_1112 = arith.constant 0 : i32
    %dma_start3A_1113 = tpu.memref_slice %arg7[%dma_start3A_1109, %dma_start3A_1110, %dma_start3A_1111, %dma_start3A_1112] : memref<6x2x64x128xf32, #tpu.memory_space<vmem>> -> memref<1x2x64x128xf32, #tpu.memory_space<vmem>>
    %dma_start3A_1114 = tpu.memref_squeeze %dma_start3A_1113 : memref<1x2x64x128xf32, #tpu.memory_space<vmem>> -> memref<2x64x128xf32, #tpu.memory_space<vmem>>
    %dma_start3A_1115 = tpu.memref_reshape %dma_start3A_1114 : memref<2x64x128xf32, #tpu.memory_space<vmem>> -> memref<128x128xf32, #tpu.memory_space<vmem>>
    %dma_start3A_1116 = arith.constant 0 : i32
    %dma_start3A_1117 = tpu.memref_slice %arg6[%dma_start3A_1108, %dma_start3A_1116] : memref<16x128xi32, #tpu.memory_space<vmem>> -> memref<1x128xi32, #tpu.memory_space<vmem>>
    %dma_start3A_1118 = tpu.memref_squeeze %dma_start3A_1117 : memref<1x128xi32, #tpu.memory_space<vmem>> -> memref<128xi32, #tpu.memory_space<vmem>>
    %dma_start3A_1119 = arith.constant 0 : i32
    %dma_start3A_1120 = arith.constant 0 : i32
    %dma_start3A_1121 = tpu.memref_slice %arg8[%dma_start3A_1119, %dma_start3A_1120] : memref<384x128xf32, #tpu.memory_space<vmem_shared>> -> memref<384x128xf32, #tpu.memory_space<vmem_shared>>
    tpu.enqueue_indirect_dma source(%dma_start3A_1121 : memref<384x128xf32, #tpu.memory_space<vmem_shared>>) target(%dma_start3A_1115 : memref<128x128xf32, #tpu.memory_space<vmem>>) offsets(%dma_start3A_1118 : memref<128xi32, #tpu.memory_space<vmem>>) semaphore(%arg23 : memref<!tpu.dma_semaphore, #tpu.memory_space<semaphore_mem>>) {add = true}
    %dma_wait3A_1122 = arith.constant 6 : i32
    %dma_wait3A_1123 = arith.constant 0 : i32
    %dma_wait3A_1124 = arith.constant 0 : i32
    %dma_wait3A_1125 = arith.constant 0 : i32
    %dma_wait3A_1126 = arith.constant 0 : i32
    %dma_wait3A_1127 = tpu.memref_slice %arg7[%dma_wait3A_1123, %dma_wait3A_1124, %dma_wait3A_1125, %dma_wait3A_1126] : memref<6x2x64x128xf32, #tpu.memory_space<vmem>> -> memref<1x2x64x128xf32, #tpu.memory_space<vmem>>
    %dma_wait3A_1128 = tpu.memref_squeeze %dma_wait3A_1127 : memref<1x2x64x128xf32, #tpu.memory_space<vmem>> -> memref<2x64x128xf32, #tpu.memory_space<vmem>>
    %dma_wait3A_1129 = tpu.memref_reshape %dma_wait3A_1128 : memref<2x64x128xf32, #tpu.memory_space<vmem>> -> memref<128x128xf32, #tpu.memory_space<vmem>>
    %dma_wait3A_1130 = arith.constant 0 : i32
    %dma_wait3A_1131 = tpu.memref_slice %arg6[%dma_wait3A_1122, %dma_wait3A_1130] : memref<16x128xi32, #tpu.memory_space<vmem>> -> memref<1x128xi32, #tpu.memory_space<vmem>>
    %dma_wait3A_1132 = tpu.memref_squeeze %dma_wait3A_1131 : memref<1x128xi32, #tpu.memory_space<vmem>> -> memref<128xi32, #tpu.memory_space<vmem>>
    %dma_wait3A_1133 = arith.constant 0 : i32
    %dma_wait3A_1134 = arith.constant 0 : i32
    %dma_wait3A_1135 = tpu.memref_slice %arg8[%dma_wait3A_1133, %dma_wait3A_1134] : memref<384x128xf32, #tpu.memory_space<vmem_shared>> -> memref<384x128xf32, #tpu.memory_space<vmem_shared>>
    tpu.wait_indirect_dma semaphore(%arg22 : memref<!tpu.dma_semaphore, #tpu.memory_space<semaphore_mem>>) src(%dma_wait3A_1135 : memref<384x128xf32, #tpu.memory_space<vmem_shared>>) dst(%dma_wait3A_1129 : memref<128x128xf32, #tpu.memory_space<vmem>>)
    %add3A_1136 = arith.constant 384 : i32
    %add3A_1137 = arith.addi %mul3A_50, %add3A_1136 : i32
    %dma_start3A_1138 = arith.constant 0 : i32
    %dma_start3A_1139 = arith.constant 0 : i32
    %dma_start3A_1140 = arith.constant 0 : i32
    %dma_start3A_1141 = arith.constant 0 : i32
    %dma_start3A_1142 = tpu.memref_slice %arg7[%dma_start3A_1138, %dma_start3A_1139, %dma_start3A_1140, %dma_start3A_1141] : memref<6x2x64x128xf32, #tpu.memory_space<vmem>> -> memref<1x1x64x128xf32, #tpu.memory_space<vmem>>
    %dma_start3A_1143 = tpu.memref_squeeze %dma_start3A_1142 : memref<1x1x64x128xf32, #tpu.memory_space<vmem>> -> memref<64x128xf32, #tpu.memory_space<vmem>>
    %dma_start3A_1144 = arith.constant 0 : i32
    %dma_start3A_1145 = tpu.memref_slice %arg5[%select_n3A, %add3A_1137, %dma_start3A_1144] : memref<16x2048x256xf32, #tpu.memory_space<hbm>> -> memref<1x64x128xf32, #tpu.memory_space<hbm>>
    %dma_start3A_1146 = tpu.memref_squeeze %dma_start3A_1145 : memref<1x64x128xf32, #tpu.memory_space<hbm>> -> memref<64x128xf32, #tpu.memory_space<hbm>>
    %dma_start3A_1147 = arith.constant 0 : i32
    %dma_start3A_1148 = tpu.memref_slice %arg5[%select_n3A, %add3A_1137, %dma_start3A_1147] : memref<16x2048x256xf32, #tpu.memory_space<hbm>> -> memref<1x64x128xf32, #tpu.memory_space<hbm>>
    %dma_start3A_1149 = tpu.memref_squeeze %dma_start3A_1148 : memref<1x64x128xf32, #tpu.memory_space<hbm>> -> memref<64x128xf32, #tpu.memory_space<hbm>>
    %dma_start3A_1150 = arith.constant 0 : i32
    %dma_start3A_1151 = arith.constant 0 : i32
    %dma_start3A_1152 = tpu.memref_slice %arg7[%dma_start3A_1138, %dma_start3A_1139, %dma_start3A_1150, %dma_start3A_1151] : memref<6x2x64x128xf32, #tpu.memory_space<vmem>> -> memref<1x1x64x128xf32, #tpu.memory_space<vmem>>
    %dma_start3A_1153 = tpu.memref_squeeze %dma_start3A_1152 : memref<1x1x64x128xf32, #tpu.memory_space<vmem>> -> memref<64x128xf32, #tpu.memory_space<vmem>>
    tpu.enqueue_dma source(%dma_start3A_1153 : memref<64x128xf32, #tpu.memory_space<vmem>>) target(%dma_start3A_1149 : memref<64x128xf32, #tpu.memory_space<hbm>>) target_semaphore(%arg28 : memref<!tpu.dma_semaphore, #tpu.memory_space<semaphore_mem>>)
    %dma_start3A_1154 = arith.constant 0 : i32
    %dma_start3A_1155 = arith.constant 1 : i32
    %dma_start3A_1156 = arith.constant 0 : i32
    %dma_start3A_1157 = arith.constant 0 : i32
    %dma_start3A_1158 = tpu.memref_slice %arg7[%dma_start3A_1154, %dma_start3A_1155, %dma_start3A_1156, %dma_start3A_1157] : memref<6x2x64x128xf32, #tpu.memory_space<vmem>> -> memref<1x1x64x128xf32, #tpu.memory_space<vmem>>
    %dma_start3A_1159 = tpu.memref_squeeze %dma_start3A_1158 : memref<1x1x64x128xf32, #tpu.memory_space<vmem>> -> memref<64x128xf32, #tpu.memory_space<vmem>>
    %dma_start3A_1160 = arith.constant 128 : i32
    %dma_start3A_1161 = tpu.memref_slice %arg5[%select_n3A, %add3A_1137, %dma_start3A_1160] : memref<16x2048x256xf32, #tpu.memory_space<hbm>> -> memref<1x64x128xf32, #tpu.memory_space<hbm>>
    %dma_start3A_1162 = tpu.memref_squeeze %dma_start3A_1161 : memref<1x64x128xf32, #tpu.memory_space<hbm>> -> memref<64x128xf32, #tpu.memory_space<hbm>>
    %dma_start3A_1163 = arith.constant 128 : i32
    %dma_start3A_1164 = tpu.memref_slice %arg5[%select_n3A, %add3A_1137, %dma_start3A_1163] : memref<16x2048x256xf32, #tpu.memory_space<hbm>> -> memref<1x64x128xf32, #tpu.memory_space<hbm>>
    %dma_start3A_1165 = tpu.memref_squeeze %dma_start3A_1164 : memref<1x64x128xf32, #tpu.memory_space<hbm>> -> memref<64x128xf32, #tpu.memory_space<hbm>>
    %dma_start3A_1166 = arith.constant 0 : i32
    %dma_start3A_1167 = arith.constant 0 : i32
    %dma_start3A_1168 = tpu.memref_slice %arg7[%dma_start3A_1154, %dma_start3A_1155, %dma_start3A_1166, %dma_start3A_1167] : memref<6x2x64x128xf32, #tpu.memory_space<vmem>> -> memref<1x1x64x128xf32, #tpu.memory_space<vmem>>
    %dma_start3A_1169 = tpu.memref_squeeze %dma_start3A_1168 : memref<1x1x64x128xf32, #tpu.memory_space<vmem>> -> memref<64x128xf32, #tpu.memory_space<vmem>>
    tpu.enqueue_dma source(%dma_start3A_1169 : memref<64x128xf32, #tpu.memory_space<vmem>>) target(%dma_start3A_1165 : memref<64x128xf32, #tpu.memory_space<hbm>>) target_semaphore(%arg29 : memref<!tpu.dma_semaphore, #tpu.memory_space<semaphore_mem>>)
    %dma_wait3A_1170 = arith.constant 3 : i32
    %dma_wait3A_1171 = arith.constant 0 : i32
    %dma_wait3A_1172 = arith.constant 0 : i32
    %dma_wait3A_1173 = arith.constant 0 : i32
    %dma_wait3A_1174 = tpu.memref_slice %arg7[%dma_wait3A_1170, %dma_wait3A_1171, %dma_wait3A_1172, %dma_wait3A_1173] : memref<6x2x64x128xf32, #tpu.memory_space<vmem>> -> memref<1x1x64x128xf32, #tpu.memory_space<vmem>>
    %dma_wait3A_1175 = tpu.memref_squeeze %dma_wait3A_1174 : memref<1x1x64x128xf32, #tpu.memory_space<vmem>> -> memref<64x128xf32, #tpu.memory_space<vmem>>
    %dma_wait3A_1176 = arith.constant 0 : i32
    %dma_wait3A_1177 = tpu.memref_slice %arg5[%select_n3A, %add3A_657, %dma_wait3A_1176] : memref<16x2048x256xf32, #tpu.memory_space<hbm>> -> memref<1x64x128xf32, #tpu.memory_space<hbm>>
    %dma_wait3A_1178 = tpu.memref_squeeze %dma_wait3A_1177 : memref<1x64x128xf32, #tpu.memory_space<hbm>> -> memref<64x128xf32, #tpu.memory_space<hbm>>
    %dma_wait3A_1179 = arith.constant 0 : i32
    %dma_wait3A_1180 = tpu.memref_slice %arg5[%select_n3A, %add3A_657, %dma_wait3A_1179] : memref<16x2048x256xf32, #tpu.memory_space<hbm>> -> memref<1x64x128xf32, #tpu.memory_space<hbm>>
    %dma_wait3A_1181 = tpu.memref_squeeze %dma_wait3A_1180 : memref<1x64x128xf32, #tpu.memory_space<hbm>> -> memref<64x128xf32, #tpu.memory_space<hbm>>
    %dma_wait3A_1182 = arith.constant 0 : i32
    %dma_wait3A_1183 = arith.constant 0 : i32
    %dma_wait3A_1184 = tpu.memref_slice %arg7[%dma_wait3A_1170, %dma_wait3A_1171, %dma_wait3A_1182, %dma_wait3A_1183] : memref<6x2x64x128xf32, #tpu.memory_space<vmem>> -> memref<1x1x64x128xf32, #tpu.memory_space<vmem>>
    %dma_wait3A_1185 = tpu.memref_squeeze %dma_wait3A_1184 : memref<1x1x64x128xf32, #tpu.memory_space<vmem>> -> memref<64x128xf32, #tpu.memory_space<vmem>>
    tpu.wait_dma2 semaphore(%arg34 : memref<!tpu.dma_semaphore, #tpu.memory_space<semaphore_mem>>) src(%dma_wait3A_1185 : memref<64x128xf32, #tpu.memory_space<vmem>>) dst(%dma_wait3A_1181 : memref<64x128xf32, #tpu.memory_space<hbm>>)
    %dma_wait3A_1186 = arith.constant 3 : i32
    %dma_wait3A_1187 = arith.constant 1 : i32
    %dma_wait3A_1188 = arith.constant 0 : i32
    %dma_wait3A_1189 = arith.constant 0 : i32
    %dma_wait3A_1190 = tpu.memref_slice %arg7[%dma_wait3A_1186, %dma_wait3A_1187, %dma_wait3A_1188, %dma_wait3A_1189] : memref<6x2x64x128xf32, #tpu.memory_space<vmem>> -> memref<1x1x64x128xf32, #tpu.memory_space<vmem>>
    %dma_wait3A_1191 = tpu.memref_squeeze %dma_wait3A_1190 : memref<1x1x64x128xf32, #tpu.memory_space<vmem>> -> memref<64x128xf32, #tpu.memory_space<vmem>>
    %dma_wait3A_1192 = arith.constant 128 : i32
    %dma_wait3A_1193 = tpu.memref_slice %arg5[%select_n3A, %add3A_657, %dma_wait3A_1192] : memref<16x2048x256xf32, #tpu.memory_space<hbm>> -> memref<1x64x128xf32, #tpu.memory_space<hbm>>
    %dma_wait3A_1194 = tpu.memref_squeeze %dma_wait3A_1193 : memref<1x64x128xf32, #tpu.memory_space<hbm>> -> memref<64x128xf32, #tpu.memory_space<hbm>>
    %dma_wait3A_1195 = arith.constant 128 : i32
    %dma_wait3A_1196 = tpu.memref_slice %arg5[%select_n3A, %add3A_657, %dma_wait3A_1195] : memref<16x2048x256xf32, #tpu.memory_space<hbm>> -> memref<1x64x128xf32, #tpu.memory_space<hbm>>
    %dma_wait3A_1197 = tpu.memref_squeeze %dma_wait3A_1196 : memref<1x64x128xf32, #tpu.memory_space<hbm>> -> memref<64x128xf32, #tpu.memory_space<hbm>>
    %dma_wait3A_1198 = arith.constant 0 : i32
    %dma_wait3A_1199 = arith.constant 0 : i32
    %dma_wait3A_1200 = tpu.memref_slice %arg7[%dma_wait3A_1186, %dma_wait3A_1187, %dma_wait3A_1198, %dma_wait3A_1199] : memref<6x2x64x128xf32, #tpu.memory_space<vmem>> -> memref<1x1x64x128xf32, #tpu.memory_space<vmem>>
    %dma_wait3A_1201 = tpu.memref_squeeze %dma_wait3A_1200 : memref<1x1x64x128xf32, #tpu.memory_space<vmem>> -> memref<64x128xf32, #tpu.memory_space<vmem>>
    tpu.wait_dma2 semaphore(%arg35 : memref<!tpu.dma_semaphore, #tpu.memory_space<semaphore_mem>>) src(%dma_wait3A_1201 : memref<64x128xf32, #tpu.memory_space<vmem>>) dst(%dma_wait3A_1197 : memref<64x128xf32, #tpu.memory_space<hbm>>)
    %add3A_1202 = arith.constant 576 : i32
    %add3A_1203 = arith.addi %mul3A_50, %add3A_1202 : i32
    %dma_start3A_1204 = arith.constant 3 : i32
    %dma_start3A_1205 = arith.constant 0 : i32
    %dma_start3A_1206 = arith.constant 0 : i32
    %dma_start3A_1207 = arith.constant 0 : i32
    %dma_start3A_1208 = tpu.memref_slice %arg7[%dma_start3A_1204, %dma_start3A_1205, %dma_start3A_1206, %dma_start3A_1207] : memref<6x2x64x128xf32, #tpu.memory_space<vmem>> -> memref<1x1x64x128xf32, #tpu.memory_space<vmem>>
    %dma_start3A_1209 = tpu.memref_squeeze %dma_start3A_1208 : memref<1x1x64x128xf32, #tpu.memory_space<vmem>> -> memref<64x128xf32, #tpu.memory_space<vmem>>
    %dma_start3A_1210 = arith.constant 0 : i32
    %dma_start3A_1211 = tpu.memref_slice %arg2[%select_n3A, %add3A_1203, %dma_start3A_1210] : memref<16x2048x256xf32, #tpu.memory_space<hbm>> -> memref<1x64x128xf32, #tpu.memory_space<hbm>>
    %dma_start3A_1212 = tpu.memref_squeeze %dma_start3A_1211 : memref<1x64x128xf32, #tpu.memory_space<hbm>> -> memref<64x128xf32, #tpu.memory_space<hbm>>
    %dma_start3A_1213 = arith.constant 0 : i32
    %dma_start3A_1214 = arith.constant 0 : i32
    %dma_start3A_1215 = tpu.memref_slice %arg7[%dma_start3A_1204, %dma_start3A_1205, %dma_start3A_1213, %dma_start3A_1214] : memref<6x2x64x128xf32, #tpu.memory_space<vmem>> -> memref<1x1x64x128xf32, #tpu.memory_space<vmem>>
    %dma_start3A_1216 = tpu.memref_squeeze %dma_start3A_1215 : memref<1x1x64x128xf32, #tpu.memory_space<vmem>> -> memref<64x128xf32, #tpu.memory_space<vmem>>
    %dma_start3A_1217 = arith.constant 0 : i32
    %dma_start3A_1218 = tpu.memref_slice %arg2[%select_n3A, %add3A_1203, %dma_start3A_1217] : memref<16x2048x256xf32, #tpu.memory_space<hbm>> -> memref<1x64x128xf32, #tpu.memory_space<hbm>>
    %dma_start3A_1219 = tpu.memref_squeeze %dma_start3A_1218 : memref<1x64x128xf32, #tpu.memory_space<hbm>> -> memref<64x128xf32, #tpu.memory_space<hbm>>
    tpu.enqueue_dma source(%dma_start3A_1219 : memref<64x128xf32, #tpu.memory_space<hbm>>) target(%dma_start3A_1216 : memref<64x128xf32, #tpu.memory_space<vmem>>) target_semaphore(%arg16 : memref<!tpu.dma_semaphore, #tpu.memory_space<semaphore_mem>>)
    %dma_start3A_1220 = arith.constant 3 : i32
    %dma_start3A_1221 = arith.constant 1 : i32
    %dma_start3A_1222 = arith.constant 0 : i32
    %dma_start3A_1223 = arith.constant 0 : i32
    %dma_start3A_1224 = tpu.memref_slice %arg7[%dma_start3A_1220, %dma_start3A_1221, %dma_start3A_1222, %dma_start3A_1223] : memref<6x2x64x128xf32, #tpu.memory_space<vmem>> -> memref<1x1x64x128xf32, #tpu.memory_space<vmem>>
    %dma_start3A_1225 = tpu.memref_squeeze %dma_start3A_1224 : memref<1x1x64x128xf32, #tpu.memory_space<vmem>> -> memref<64x128xf32, #tpu.memory_space<vmem>>
    %dma_start3A_1226 = arith.constant 128 : i32
    %dma_start3A_1227 = tpu.memref_slice %arg2[%select_n3A, %add3A_1203, %dma_start3A_1226] : memref<16x2048x256xf32, #tpu.memory_space<hbm>> -> memref<1x64x128xf32, #tpu.memory_space<hbm>>
    %dma_start3A_1228 = tpu.memref_squeeze %dma_start3A_1227 : memref<1x64x128xf32, #tpu.memory_space<hbm>> -> memref<64x128xf32, #tpu.memory_space<hbm>>
    %dma_start3A_1229 = arith.constant 0 : i32
    %dma_start3A_1230 = arith.constant 0 : i32
    %dma_start3A_1231 = tpu.memref_slice %arg7[%dma_start3A_1220, %dma_start3A_1221, %dma_start3A_1229, %dma_start3A_1230] : memref<6x2x64x128xf32, #tpu.memory_space<vmem>> -> memref<1x1x64x128xf32, #tpu.memory_space<vmem>>
    %dma_start3A_1232 = tpu.memref_squeeze %dma_start3A_1231 : memref<1x1x64x128xf32, #tpu.memory_space<vmem>> -> memref<64x128xf32, #tpu.memory_space<vmem>>
    %dma_start3A_1233 = arith.constant 128 : i32
    %dma_start3A_1234 = tpu.memref_slice %arg2[%select_n3A, %add3A_1203, %dma_start3A_1233] : memref<16x2048x256xf32, #tpu.memory_space<hbm>> -> memref<1x64x128xf32, #tpu.memory_space<hbm>>
    %dma_start3A_1235 = tpu.memref_squeeze %dma_start3A_1234 : memref<1x64x128xf32, #tpu.memory_space<hbm>> -> memref<64x128xf32, #tpu.memory_space<hbm>>
    tpu.enqueue_dma source(%dma_start3A_1235 : memref<64x128xf32, #tpu.memory_space<hbm>>) target(%dma_start3A_1232 : memref<64x128xf32, #tpu.memory_space<vmem>>) target_semaphore(%arg17 : memref<!tpu.dma_semaphore, #tpu.memory_space<semaphore_mem>>)
    %dma_wait3A_1236 = arith.constant 2 : i32
    %dma_wait3A_1237 = arith.constant 0 : i32
    %dma_wait3A_1238 = arith.constant 0 : i32
    %dma_wait3A_1239 = arith.constant 0 : i32
    %dma_wait3A_1240 = tpu.memref_slice %arg7[%dma_wait3A_1236, %dma_wait3A_1237, %dma_wait3A_1238, %dma_wait3A_1239] : memref<6x2x64x128xf32, #tpu.memory_space<vmem>> -> memref<1x1x64x128xf32, #tpu.memory_space<vmem>>
    %dma_wait3A_1241 = tpu.memref_squeeze %dma_wait3A_1240 : memref<1x1x64x128xf32, #tpu.memory_space<vmem>> -> memref<64x128xf32, #tpu.memory_space<vmem>>
    %dma_wait3A_1242 = arith.constant 0 : i32
    %dma_wait3A_1243 = tpu.memref_slice %arg2[%select_n3A, %add3A_1043, %dma_wait3A_1242] : memref<16x2048x256xf32, #tpu.memory_space<hbm>> -> memref<1x64x128xf32, #tpu.memory_space<hbm>>
    %dma_wait3A_1244 = tpu.memref_squeeze %dma_wait3A_1243 : memref<1x64x128xf32, #tpu.memory_space<hbm>> -> memref<64x128xf32, #tpu.memory_space<hbm>>
    %dma_wait3A_1245 = arith.constant 0 : i32
    %dma_wait3A_1246 = arith.constant 0 : i32
    %dma_wait3A_1247 = tpu.memref_slice %arg7[%dma_wait3A_1236, %dma_wait3A_1237, %dma_wait3A_1245, %dma_wait3A_1246] : memref<6x2x64x128xf32, #tpu.memory_space<vmem>> -> memref<1x1x64x128xf32, #tpu.memory_space<vmem>>
    %dma_wait3A_1248 = tpu.memref_squeeze %dma_wait3A_1247 : memref<1x1x64x128xf32, #tpu.memory_space<vmem>> -> memref<64x128xf32, #tpu.memory_space<vmem>>
    %dma_wait3A_1249 = arith.constant 0 : i32
    %dma_wait3A_1250 = tpu.memref_slice %arg2[%select_n3A, %add3A_1043, %dma_wait3A_1249] : memref<16x2048x256xf32, #tpu.memory_space<hbm>> -> memref<1x64x128xf32, #tpu.memory_space<hbm>>
    %dma_wait3A_1251 = tpu.memref_squeeze %dma_wait3A_1250 : memref<1x64x128xf32, #tpu.memory_space<hbm>> -> memref<64x128xf32, #tpu.memory_space<hbm>>
    tpu.wait_dma2 semaphore(%arg14 : memref<!tpu.dma_semaphore, #tpu.memory_space<semaphore_mem>>) src(%dma_wait3A_1251 : memref<64x128xf32, #tpu.memory_space<hbm>>) dst(%dma_wait3A_1248 : memref<64x128xf32, #tpu.memory_space<vmem>>)
    %dma_wait3A_1252 = arith.constant 2 : i32
    %dma_wait3A_1253 = arith.constant 1 : i32
    %dma_wait3A_1254 = arith.constant 0 : i32
    %dma_wait3A_1255 = arith.constant 0 : i32
    %dma_wait3A_1256 = tpu.memref_slice %arg7[%dma_wait3A_1252, %dma_wait3A_1253, %dma_wait3A_1254, %dma_wait3A_1255] : memref<6x2x64x128xf32, #tpu.memory_space<vmem>> -> memref<1x1x64x128xf32, #tpu.memory_space<vmem>>
    %dma_wait3A_1257 = tpu.memref_squeeze %dma_wait3A_1256 : memref<1x1x64x128xf32, #tpu.memory_space<vmem>> -> memref<64x128xf32, #tpu.memory_space<vmem>>
    %dma_wait3A_1258 = arith.constant 128 : i32
    %dma_wait3A_1259 = tpu.memref_slice %arg2[%select_n3A, %add3A_1043, %dma_wait3A_1258] : memref<16x2048x256xf32, #tpu.memory_space<hbm>> -> memref<1x64x128xf32, #tpu.memory_space<hbm>>
    %dma_wait3A_1260 = tpu.memref_squeeze %dma_wait3A_1259 : memref<1x64x128xf32, #tpu.memory_space<hbm>> -> memref<64x128xf32, #tpu.memory_space<hbm>>
    %dma_wait3A_1261 = arith.constant 0 : i32
    %dma_wait3A_1262 = arith.constant 0 : i32
    %dma_wait3A_1263 = tpu.memref_slice %arg7[%dma_wait3A_1252, %dma_wait3A_1253, %dma_wait3A_1261, %dma_wait3A_1262] : memref<6x2x64x128xf32, #tpu.memory_space<vmem>> -> memref<1x1x64x128xf32, #tpu.memory_space<vmem>>
    %dma_wait3A_1264 = tpu.memref_squeeze %dma_wait3A_1263 : memref<1x1x64x128xf32, #tpu.memory_space<vmem>> -> memref<64x128xf32, #tpu.memory_space<vmem>>
    %dma_wait3A_1265 = arith.constant 128 : i32
    %dma_wait3A_1266 = tpu.memref_slice %arg2[%select_n3A, %add3A_1043, %dma_wait3A_1265] : memref<16x2048x256xf32, #tpu.memory_space<hbm>> -> memref<1x64x128xf32, #tpu.memory_space<hbm>>
    %dma_wait3A_1267 = tpu.memref_squeeze %dma_wait3A_1266 : memref<1x64x128xf32, #tpu.memory_space<hbm>> -> memref<64x128xf32, #tpu.memory_space<hbm>>
    tpu.wait_dma2 semaphore(%arg15 : memref<!tpu.dma_semaphore, #tpu.memory_space<semaphore_mem>>) src(%dma_wait3A_1267 : memref<64x128xf32, #tpu.memory_space<hbm>>) dst(%dma_wait3A_1264 : memref<64x128xf32, #tpu.memory_space<vmem>>)
    %dma_start3A_1268 = arith.constant 8 : i32
    %dma_start3A_1269 = arith.constant 2 : i32
    %dma_start3A_1270 = arith.constant 0 : i32
    %dma_start3A_1271 = arith.constant 0 : i32
    %dma_start3A_1272 = arith.constant 0 : i32
    %dma_start3A_1273 = tpu.memref_slice %arg7[%dma_start3A_1269, %dma_start3A_1270, %dma_start3A_1271, %dma_start3A_1272] : memref<6x2x64x128xf32, #tpu.memory_space<vmem>> -> memref<1x2x64x128xf32, #tpu.memory_space<vmem>>
    %dma_start3A_1274 = tpu.memref_squeeze %dma_start3A_1273 : memref<1x2x64x128xf32, #tpu.memory_space<vmem>> -> memref<2x64x128xf32, #tpu.memory_space<vmem>>
    %dma_start3A_1275 = tpu.memref_reshape %dma_start3A_1274 : memref<2x64x128xf32, #tpu.memory_space<vmem>> -> memref<128x128xf32, #tpu.memory_space<vmem>>
    %dma_start3A_1276 = arith.constant 0 : i32
    %dma_start3A_1277 = tpu.memref_slice %arg6[%dma_start3A_1268, %dma_start3A_1276] : memref<16x128xi32, #tpu.memory_space<vmem>> -> memref<1x128xi32, #tpu.memory_space<vmem>>
    %dma_start3A_1278 = tpu.memref_squeeze %dma_start3A_1277 : memref<1x128xi32, #tpu.memory_space<vmem>> -> memref<128xi32, #tpu.memory_space<vmem>>
    %dma_start3A_1279 = arith.constant 0 : i32
    %dma_start3A_1280 = arith.constant 0 : i32
    %dma_start3A_1281 = tpu.memref_slice %arg8[%dma_start3A_1279, %dma_start3A_1280] : memref<384x128xf32, #tpu.memory_space<vmem_shared>> -> memref<384x128xf32, #tpu.memory_space<vmem_shared>>
    tpu.enqueue_indirect_dma source(%dma_start3A_1281 : memref<384x128xf32, #tpu.memory_space<vmem_shared>>) target(%dma_start3A_1275 : memref<128x128xf32, #tpu.memory_space<vmem>>) offsets(%dma_start3A_1278 : memref<128xi32, #tpu.memory_space<vmem>>) semaphore(%arg24 : memref<!tpu.dma_semaphore, #tpu.memory_space<semaphore_mem>>) {add = true}
    %dma_wait3A_1282 = arith.constant 7 : i32
    %dma_wait3A_1283 = arith.constant 1 : i32
    %dma_wait3A_1284 = arith.constant 0 : i32
    %dma_wait3A_1285 = arith.constant 0 : i32
    %dma_wait3A_1286 = arith.constant 0 : i32
    %dma_wait3A_1287 = tpu.memref_slice %arg7[%dma_wait3A_1283, %dma_wait3A_1284, %dma_wait3A_1285, %dma_wait3A_1286] : memref<6x2x64x128xf32, #tpu.memory_space<vmem>> -> memref<1x2x64x128xf32, #tpu.memory_space<vmem>>
    %dma_wait3A_1288 = tpu.memref_squeeze %dma_wait3A_1287 : memref<1x2x64x128xf32, #tpu.memory_space<vmem>> -> memref<2x64x128xf32, #tpu.memory_space<vmem>>
    %dma_wait3A_1289 = tpu.memref_reshape %dma_wait3A_1288 : memref<2x64x128xf32, #tpu.memory_space<vmem>> -> memref<128x128xf32, #tpu.memory_space<vmem>>
    %dma_wait3A_1290 = arith.constant 0 : i32
    %dma_wait3A_1291 = tpu.memref_slice %arg6[%dma_wait3A_1282, %dma_wait3A_1290] : memref<16x128xi32, #tpu.memory_space<vmem>> -> memref<1x128xi32, #tpu.memory_space<vmem>>
    %dma_wait3A_1292 = tpu.memref_squeeze %dma_wait3A_1291 : memref<1x128xi32, #tpu.memory_space<vmem>> -> memref<128xi32, #tpu.memory_space<vmem>>
    %dma_wait3A_1293 = arith.constant 0 : i32
    %dma_wait3A_1294 = arith.constant 0 : i32
    %dma_wait3A_1295 = tpu.memref_slice %arg8[%dma_wait3A_1293, %dma_wait3A_1294] : memref<384x128xf32, #tpu.memory_space<vmem_shared>> -> memref<384x128xf32, #tpu.memory_space<vmem_shared>>
    tpu.wait_indirect_dma semaphore(%arg23 : memref<!tpu.dma_semaphore, #tpu.memory_space<semaphore_mem>>) src(%dma_wait3A_1295 : memref<384x128xf32, #tpu.memory_space<vmem_shared>>) dst(%dma_wait3A_1289 : memref<128x128xf32, #tpu.memory_space<vmem>>)
    %add3A_1296 = arith.constant 448 : i32
    %add3A_1297 = arith.addi %mul3A_50, %add3A_1296 : i32
    %dma_start3A_1298 = arith.constant 1 : i32
    %dma_start3A_1299 = arith.constant 0 : i32
    %dma_start3A_1300 = arith.constant 0 : i32
    %dma_start3A_1301 = arith.constant 0 : i32
    %dma_start3A_1302 = tpu.memref_slice %arg7[%dma_start3A_1298, %dma_start3A_1299, %dma_start3A_1300, %dma_start3A_1301] : memref<6x2x64x128xf32, #tpu.memory_space<vmem>> -> memref<1x1x64x128xf32, #tpu.memory_space<vmem>>
    %dma_start3A_1303 = tpu.memref_squeeze %dma_start3A_1302 : memref<1x1x64x128xf32, #tpu.memory_space<vmem>> -> memref<64x128xf32, #tpu.memory_space<vmem>>
    %dma_start3A_1304 = arith.constant 0 : i32
    %dma_start3A_1305 = tpu.memref_slice %arg5[%select_n3A, %add3A_1297, %dma_start3A_1304] : memref<16x2048x256xf32, #tpu.memory_space<hbm>> -> memref<1x64x128xf32, #tpu.memory_space<hbm>>
    %dma_start3A_1306 = tpu.memref_squeeze %dma_start3A_1305 : memref<1x64x128xf32, #tpu.memory_space<hbm>> -> memref<64x128xf32, #tpu.memory_space<hbm>>
    %dma_start3A_1307 = arith.constant 0 : i32
    %dma_start3A_1308 = tpu.memref_slice %arg5[%select_n3A, %add3A_1297, %dma_start3A_1307] : memref<16x2048x256xf32, #tpu.memory_space<hbm>> -> memref<1x64x128xf32, #tpu.memory_space<hbm>>
    %dma_start3A_1309 = tpu.memref_squeeze %dma_start3A_1308 : memref<1x64x128xf32, #tpu.memory_space<hbm>> -> memref<64x128xf32, #tpu.memory_space<hbm>>
    %dma_start3A_1310 = arith.constant 0 : i32
    %dma_start3A_1311 = arith.constant 0 : i32
    %dma_start3A_1312 = tpu.memref_slice %arg7[%dma_start3A_1298, %dma_start3A_1299, %dma_start3A_1310, %dma_start3A_1311] : memref<6x2x64x128xf32, #tpu.memory_space<vmem>> -> memref<1x1x64x128xf32, #tpu.memory_space<vmem>>
    %dma_start3A_1313 = tpu.memref_squeeze %dma_start3A_1312 : memref<1x1x64x128xf32, #tpu.memory_space<vmem>> -> memref<64x128xf32, #tpu.memory_space<vmem>>
    tpu.enqueue_dma source(%dma_start3A_1313 : memref<64x128xf32, #tpu.memory_space<vmem>>) target(%dma_start3A_1309 : memref<64x128xf32, #tpu.memory_space<hbm>>) target_semaphore(%arg30 : memref<!tpu.dma_semaphore, #tpu.memory_space<semaphore_mem>>)
    %dma_start3A_1314 = arith.constant 1 : i32
    %dma_start3A_1315 = arith.constant 1 : i32
    %dma_start3A_1316 = arith.constant 0 : i32
    %dma_start3A_1317 = arith.constant 0 : i32
    %dma_start3A_1318 = tpu.memref_slice %arg7[%dma_start3A_1314, %dma_start3A_1315, %dma_start3A_1316, %dma_start3A_1317] : memref<6x2x64x128xf32, #tpu.memory_space<vmem>> -> memref<1x1x64x128xf32, #tpu.memory_space<vmem>>
    %dma_start3A_1319 = tpu.memref_squeeze %dma_start3A_1318 : memref<1x1x64x128xf32, #tpu.memory_space<vmem>> -> memref<64x128xf32, #tpu.memory_space<vmem>>
    %dma_start3A_1320 = arith.constant 128 : i32
    %dma_start3A_1321 = tpu.memref_slice %arg5[%select_n3A, %add3A_1297, %dma_start3A_1320] : memref<16x2048x256xf32, #tpu.memory_space<hbm>> -> memref<1x64x128xf32, #tpu.memory_space<hbm>>
    %dma_start3A_1322 = tpu.memref_squeeze %dma_start3A_1321 : memref<1x64x128xf32, #tpu.memory_space<hbm>> -> memref<64x128xf32, #tpu.memory_space<hbm>>
    %dma_start3A_1323 = arith.constant 128 : i32
    %dma_start3A_1324 = tpu.memref_slice %arg5[%select_n3A, %add3A_1297, %dma_start3A_1323] : memref<16x2048x256xf32, #tpu.memory_space<hbm>> -> memref<1x64x128xf32, #tpu.memory_space<hbm>>
    %dma_start3A_1325 = tpu.memref_squeeze %dma_start3A_1324 : memref<1x64x128xf32, #tpu.memory_space<hbm>> -> memref<64x128xf32, #tpu.memory_space<hbm>>
    %dma_start3A_1326 = arith.constant 0 : i32
    %dma_start3A_1327 = arith.constant 0 : i32
    %dma_start3A_1328 = tpu.memref_slice %arg7[%dma_start3A_1314, %dma_start3A_1315, %dma_start3A_1326, %dma_start3A_1327] : memref<6x2x64x128xf32, #tpu.memory_space<vmem>> -> memref<1x1x64x128xf32, #tpu.memory_space<vmem>>
    %dma_start3A_1329 = tpu.memref_squeeze %dma_start3A_1328 : memref<1x1x64x128xf32, #tpu.memory_space<vmem>> -> memref<64x128xf32, #tpu.memory_space<vmem>>
    tpu.enqueue_dma source(%dma_start3A_1329 : memref<64x128xf32, #tpu.memory_space<vmem>>) target(%dma_start3A_1325 : memref<64x128xf32, #tpu.memory_space<hbm>>) target_semaphore(%arg31 : memref<!tpu.dma_semaphore, #tpu.memory_space<semaphore_mem>>)
    %dma_wait3A_1330 = arith.constant 4 : i32
    %dma_wait3A_1331 = arith.constant 0 : i32
    %dma_wait3A_1332 = arith.constant 0 : i32
    %dma_wait3A_1333 = arith.constant 0 : i32
    %dma_wait3A_1334 = tpu.memref_slice %arg7[%dma_wait3A_1330, %dma_wait3A_1331, %dma_wait3A_1332, %dma_wait3A_1333] : memref<6x2x64x128xf32, #tpu.memory_space<vmem>> -> memref<1x1x64x128xf32, #tpu.memory_space<vmem>>
    %dma_wait3A_1335 = tpu.memref_squeeze %dma_wait3A_1334 : memref<1x1x64x128xf32, #tpu.memory_space<vmem>> -> memref<64x128xf32, #tpu.memory_space<vmem>>
    %dma_wait3A_1336 = arith.constant 0 : i32
    %dma_wait3A_1337 = tpu.memref_slice %arg5[%select_n3A, %add3A_817, %dma_wait3A_1336] : memref<16x2048x256xf32, #tpu.memory_space<hbm>> -> memref<1x64x128xf32, #tpu.memory_space<hbm>>
    %dma_wait3A_1338 = tpu.memref_squeeze %dma_wait3A_1337 : memref<1x64x128xf32, #tpu.memory_space<hbm>> -> memref<64x128xf32, #tpu.memory_space<hbm>>
    %dma_wait3A_1339 = arith.constant 0 : i32
    %dma_wait3A_1340 = tpu.memref_slice %arg5[%select_n3A, %add3A_817, %dma_wait3A_1339] : memref<16x2048x256xf32, #tpu.memory_space<hbm>> -> memref<1x64x128xf32, #tpu.memory_space<hbm>>
    %dma_wait3A_1341 = tpu.memref_squeeze %dma_wait3A_1340 : memref<1x64x128xf32, #tpu.memory_space<hbm>> -> memref<64x128xf32, #tpu.memory_space<hbm>>
    %dma_wait3A_1342 = arith.constant 0 : i32
    %dma_wait3A_1343 = arith.constant 0 : i32
    %dma_wait3A_1344 = tpu.memref_slice %arg7[%dma_wait3A_1330, %dma_wait3A_1331, %dma_wait3A_1342, %dma_wait3A_1343] : memref<6x2x64x128xf32, #tpu.memory_space<vmem>> -> memref<1x1x64x128xf32, #tpu.memory_space<vmem>>
    %dma_wait3A_1345 = tpu.memref_squeeze %dma_wait3A_1344 : memref<1x1x64x128xf32, #tpu.memory_space<vmem>> -> memref<64x128xf32, #tpu.memory_space<vmem>>
    tpu.wait_dma2 semaphore(%arg36 : memref<!tpu.dma_semaphore, #tpu.memory_space<semaphore_mem>>) src(%dma_wait3A_1345 : memref<64x128xf32, #tpu.memory_space<vmem>>) dst(%dma_wait3A_1341 : memref<64x128xf32, #tpu.memory_space<hbm>>)
    %dma_wait3A_1346 = arith.constant 4 : i32
    %dma_wait3A_1347 = arith.constant 1 : i32
    %dma_wait3A_1348 = arith.constant 0 : i32
    %dma_wait3A_1349 = arith.constant 0 : i32
    %dma_wait3A_1350 = tpu.memref_slice %arg7[%dma_wait3A_1346, %dma_wait3A_1347, %dma_wait3A_1348, %dma_wait3A_1349] : memref<6x2x64x128xf32, #tpu.memory_space<vmem>> -> memref<1x1x64x128xf32, #tpu.memory_space<vmem>>
    %dma_wait3A_1351 = tpu.memref_squeeze %dma_wait3A_1350 : memref<1x1x64x128xf32, #tpu.memory_space<vmem>> -> memref<64x128xf32, #tpu.memory_space<vmem>>
    %dma_wait3A_1352 = arith.constant 128 : i32
    %dma_wait3A_1353 = tpu.memref_slice %arg5[%select_n3A, %add3A_817, %dma_wait3A_1352] : memref<16x2048x256xf32, #tpu.memory_space<hbm>> -> memref<1x64x128xf32, #tpu.memory_space<hbm>>
    %dma_wait3A_1354 = tpu.memref_squeeze %dma_wait3A_1353 : memref<1x64x128xf32, #tpu.memory_space<hbm>> -> memref<64x128xf32, #tpu.memory_space<hbm>>
    %dma_wait3A_1355 = arith.constant 128 : i32
    %dma_wait3A_1356 = tpu.memref_slice %arg5[%select_n3A, %add3A_817, %dma_wait3A_1355] : memref<16x2048x256xf32, #tpu.memory_space<hbm>> -> memref<1x64x128xf32, #tpu.memory_space<hbm>>
    %dma_wait3A_1357 = tpu.memref_squeeze %dma_wait3A_1356 : memref<1x64x128xf32, #tpu.memory_space<hbm>> -> memref<64x128xf32, #tpu.memory_space<hbm>>
    %dma_wait3A_1358 = arith.constant 0 : i32
    %dma_wait3A_1359 = arith.constant 0 : i32
    %dma_wait3A_1360 = tpu.memref_slice %arg7[%dma_wait3A_1346, %dma_wait3A_1347, %dma_wait3A_1358, %dma_wait3A_1359] : memref<6x2x64x128xf32, #tpu.memory_space<vmem>> -> memref<1x1x64x128xf32, #tpu.memory_space<vmem>>
    %dma_wait3A_1361 = tpu.memref_squeeze %dma_wait3A_1360 : memref<1x1x64x128xf32, #tpu.memory_space<vmem>> -> memref<64x128xf32, #tpu.memory_space<vmem>>
    tpu.wait_dma2 semaphore(%arg37 : memref<!tpu.dma_semaphore, #tpu.memory_space<semaphore_mem>>) src(%dma_wait3A_1361 : memref<64x128xf32, #tpu.memory_space<vmem>>) dst(%dma_wait3A_1357 : memref<64x128xf32, #tpu.memory_space<hbm>>)
    %add3A_1362 = arith.constant 640 : i32
    %add3A_1363 = arith.addi %mul3A_50, %add3A_1362 : i32
    %dma_start3A_1364 = arith.constant 4 : i32
    %dma_start3A_1365 = arith.constant 0 : i32
    %dma_start3A_1366 = arith.constant 0 : i32
    %dma_start3A_1367 = arith.constant 0 : i32
    %dma_start3A_1368 = tpu.memref_slice %arg7[%dma_start3A_1364, %dma_start3A_1365, %dma_start3A_1366, %dma_start3A_1367] : memref<6x2x64x128xf32, #tpu.memory_space<vmem>> -> memref<1x1x64x128xf32, #tpu.memory_space<vmem>>
    %dma_start3A_1369 = tpu.memref_squeeze %dma_start3A_1368 : memref<1x1x64x128xf32, #tpu.memory_space<vmem>> -> memref<64x128xf32, #tpu.memory_space<vmem>>
    %dma_start3A_1370 = arith.constant 0 : i32
    %dma_start3A_1371 = tpu.memref_slice %arg2[%select_n3A, %add3A_1363, %dma_start3A_1370] : memref<16x2048x256xf32, #tpu.memory_space<hbm>> -> memref<1x64x128xf32, #tpu.memory_space<hbm>>
    %dma_start3A_1372 = tpu.memref_squeeze %dma_start3A_1371 : memref<1x64x128xf32, #tpu.memory_space<hbm>> -> memref<64x128xf32, #tpu.memory_space<hbm>>
    %dma_start3A_1373 = arith.constant 0 : i32
    %dma_start3A_1374 = arith.constant 0 : i32
    %dma_start3A_1375 = tpu.memref_slice %arg7[%dma_start3A_1364, %dma_start3A_1365, %dma_start3A_1373, %dma_start3A_1374] : memref<6x2x64x128xf32, #tpu.memory_space<vmem>> -> memref<1x1x64x128xf32, #tpu.memory_space<vmem>>
    %dma_start3A_1376 = tpu.memref_squeeze %dma_start3A_1375 : memref<1x1x64x128xf32, #tpu.memory_space<vmem>> -> memref<64x128xf32, #tpu.memory_space<vmem>>
    %dma_start3A_1377 = arith.constant 0 : i32
    %dma_start3A_1378 = tpu.memref_slice %arg2[%select_n3A, %add3A_1363, %dma_start3A_1377] : memref<16x2048x256xf32, #tpu.memory_space<hbm>> -> memref<1x64x128xf32, #tpu.memory_space<hbm>>
    %dma_start3A_1379 = tpu.memref_squeeze %dma_start3A_1378 : memref<1x64x128xf32, #tpu.memory_space<hbm>> -> memref<64x128xf32, #tpu.memory_space<hbm>>
    tpu.enqueue_dma source(%dma_start3A_1379 : memref<64x128xf32, #tpu.memory_space<hbm>>) target(%dma_start3A_1376 : memref<64x128xf32, #tpu.memory_space<vmem>>) target_semaphore(%arg18 : memref<!tpu.dma_semaphore, #tpu.memory_space<semaphore_mem>>)
    %dma_start3A_1380 = arith.constant 4 : i32
    %dma_start3A_1381 = arith.constant 1 : i32
    %dma_start3A_1382 = arith.constant 0 : i32
    %dma_start3A_1383 = arith.constant 0 : i32
    %dma_start3A_1384 = tpu.memref_slice %arg7[%dma_start3A_1380, %dma_start3A_1381, %dma_start3A_1382, %dma_start3A_1383] : memref<6x2x64x128xf32, #tpu.memory_space<vmem>> -> memref<1x1x64x128xf32, #tpu.memory_space<vmem>>
    %dma_start3A_1385 = tpu.memref_squeeze %dma_start3A_1384 : memref<1x1x64x128xf32, #tpu.memory_space<vmem>> -> memref<64x128xf32, #tpu.memory_space<vmem>>
    %dma_start3A_1386 = arith.constant 128 : i32
    %dma_start3A_1387 = tpu.memref_slice %arg2[%select_n3A, %add3A_1363, %dma_start3A_1386] : memref<16x2048x256xf32, #tpu.memory_space<hbm>> -> memref<1x64x128xf32, #tpu.memory_space<hbm>>
    %dma_start3A_1388 = tpu.memref_squeeze %dma_start3A_1387 : memref<1x64x128xf32, #tpu.memory_space<hbm>> -> memref<64x128xf32, #tpu.memory_space<hbm>>
    %dma_start3A_1389 = arith.constant 0 : i32
    %dma_start3A_1390 = arith.constant 0 : i32
    %dma_start3A_1391 = tpu.memref_slice %arg7[%dma_start3A_1380, %dma_start3A_1381, %dma_start3A_1389, %dma_start3A_1390] : memref<6x2x64x128xf32, #tpu.memory_space<vmem>> -> memref<1x1x64x128xf32, #tpu.memory_space<vmem>>
    %dma_start3A_1392 = tpu.memref_squeeze %dma_start3A_1391 : memref<1x1x64x128xf32, #tpu.memory_space<vmem>> -> memref<64x128xf32, #tpu.memory_space<vmem>>
    %dma_start3A_1393 = arith.constant 128 : i32
    %dma_start3A_1394 = tpu.memref_slice %arg2[%select_n3A, %add3A_1363, %dma_start3A_1393] : memref<16x2048x256xf32, #tpu.memory_space<hbm>> -> memref<1x64x128xf32, #tpu.memory_space<hbm>>
    %dma_start3A_1395 = tpu.memref_squeeze %dma_start3A_1394 : memref<1x64x128xf32, #tpu.memory_space<hbm>> -> memref<64x128xf32, #tpu.memory_space<hbm>>
    tpu.enqueue_dma source(%dma_start3A_1395 : memref<64x128xf32, #tpu.memory_space<hbm>>) target(%dma_start3A_1392 : memref<64x128xf32, #tpu.memory_space<vmem>>) target_semaphore(%arg19 : memref<!tpu.dma_semaphore, #tpu.memory_space<semaphore_mem>>)
    %dma_wait3A_1396 = arith.constant 3 : i32
    %dma_wait3A_1397 = arith.constant 0 : i32
    %dma_wait3A_1398 = arith.constant 0 : i32
    %dma_wait3A_1399 = arith.constant 0 : i32
    %dma_wait3A_1400 = tpu.memref_slice %arg7[%dma_wait3A_1396, %dma_wait3A_1397, %dma_wait3A_1398, %dma_wait3A_1399] : memref<6x2x64x128xf32, #tpu.memory_space<vmem>> -> memref<1x1x64x128xf32, #tpu.memory_space<vmem>>
    %dma_wait3A_1401 = tpu.memref_squeeze %dma_wait3A_1400 : memref<1x1x64x128xf32, #tpu.memory_space<vmem>> -> memref<64x128xf32, #tpu.memory_space<vmem>>
    %dma_wait3A_1402 = arith.constant 0 : i32
    %dma_wait3A_1403 = tpu.memref_slice %arg2[%select_n3A, %add3A_1203, %dma_wait3A_1402] : memref<16x2048x256xf32, #tpu.memory_space<hbm>> -> memref<1x64x128xf32, #tpu.memory_space<hbm>>
    %dma_wait3A_1404 = tpu.memref_squeeze %dma_wait3A_1403 : memref<1x64x128xf32, #tpu.memory_space<hbm>> -> memref<64x128xf32, #tpu.memory_space<hbm>>
    %dma_wait3A_1405 = arith.constant 0 : i32
    %dma_wait3A_1406 = arith.constant 0 : i32
    %dma_wait3A_1407 = tpu.memref_slice %arg7[%dma_wait3A_1396, %dma_wait3A_1397, %dma_wait3A_1405, %dma_wait3A_1406] : memref<6x2x64x128xf32, #tpu.memory_space<vmem>> -> memref<1x1x64x128xf32, #tpu.memory_space<vmem>>
    %dma_wait3A_1408 = tpu.memref_squeeze %dma_wait3A_1407 : memref<1x1x64x128xf32, #tpu.memory_space<vmem>> -> memref<64x128xf32, #tpu.memory_space<vmem>>
    %dma_wait3A_1409 = arith.constant 0 : i32
    %dma_wait3A_1410 = tpu.memref_slice %arg2[%select_n3A, %add3A_1203, %dma_wait3A_1409] : memref<16x2048x256xf32, #tpu.memory_space<hbm>> -> memref<1x64x128xf32, #tpu.memory_space<hbm>>
    %dma_wait3A_1411 = tpu.memref_squeeze %dma_wait3A_1410 : memref<1x64x128xf32, #tpu.memory_space<hbm>> -> memref<64x128xf32, #tpu.memory_space<hbm>>
    tpu.wait_dma2 semaphore(%arg16 : memref<!tpu.dma_semaphore, #tpu.memory_space<semaphore_mem>>) src(%dma_wait3A_1411 : memref<64x128xf32, #tpu.memory_space<hbm>>) dst(%dma_wait3A_1408 : memref<64x128xf32, #tpu.memory_space<vmem>>)
    %dma_wait3A_1412 = arith.constant 3 : i32
    %dma_wait3A_1413 = arith.constant 1 : i32
    %dma_wait3A_1414 = arith.constant 0 : i32
    %dma_wait3A_1415 = arith.constant 0 : i32
    %dma_wait3A_1416 = tpu.memref_slice %arg7[%dma_wait3A_1412, %dma_wait3A_1413, %dma_wait3A_1414, %dma_wait3A_1415] : memref<6x2x64x128xf32, #tpu.memory_space<vmem>> -> memref<1x1x64x128xf32, #tpu.memory_space<vmem>>
    %dma_wait3A_1417 = tpu.memref_squeeze %dma_wait3A_1416 : memref<1x1x64x128xf32, #tpu.memory_space<vmem>> -> memref<64x128xf32, #tpu.memory_space<vmem>>
    %dma_wait3A_1418 = arith.constant 128 : i32
    %dma_wait3A_1419 = tpu.memref_slice %arg2[%select_n3A, %add3A_1203, %dma_wait3A_1418] : memref<16x2048x256xf32, #tpu.memory_space<hbm>> -> memref<1x64x128xf32, #tpu.memory_space<hbm>>
    %dma_wait3A_1420 = tpu.memref_squeeze %dma_wait3A_1419 : memref<1x64x128xf32, #tpu.memory_space<hbm>> -> memref<64x128xf32, #tpu.memory_space<hbm>>
    %dma_wait3A_1421 = arith.constant 0 : i32
    %dma_wait3A_1422 = arith.constant 0 : i32
    %dma_wait3A_1423 = tpu.memref_slice %arg7[%dma_wait3A_1412, %dma_wait3A_1413, %dma_wait3A_1421, %dma_wait3A_1422] : memref<6x2x64x128xf32, #tpu.memory_space<vmem>> -> memref<1x1x64x128xf32, #tpu.memory_space<vmem>>
    %dma_wait3A_1424 = tpu.memref_squeeze %dma_wait3A_1423 : memref<1x1x64x128xf32, #tpu.memory_space<vmem>> -> memref<64x128xf32, #tpu.memory_space<vmem>>
    %dma_wait3A_1425 = arith.constant 128 : i32
    %dma_wait3A_1426 = tpu.memref_slice %arg2[%select_n3A, %add3A_1203, %dma_wait3A_1425] : memref<16x2048x256xf32, #tpu.memory_space<hbm>> -> memref<1x64x128xf32, #tpu.memory_space<hbm>>
    %dma_wait3A_1427 = tpu.memref_squeeze %dma_wait3A_1426 : memref<1x64x128xf32, #tpu.memory_space<hbm>> -> memref<64x128xf32, #tpu.memory_space<hbm>>
    tpu.wait_dma2 semaphore(%arg17 : memref<!tpu.dma_semaphore, #tpu.memory_space<semaphore_mem>>) src(%dma_wait3A_1427 : memref<64x128xf32, #tpu.memory_space<hbm>>) dst(%dma_wait3A_1424 : memref<64x128xf32, #tpu.memory_space<vmem>>)
    %dma_start3A_1428 = arith.constant 9 : i32
    %dma_start3A_1429 = arith.constant 3 : i32
    %dma_start3A_1430 = arith.constant 0 : i32
    %dma_start3A_1431 = arith.constant 0 : i32
    %dma_start3A_1432 = arith.constant 0 : i32
    %dma_start3A_1433 = tpu.memref_slice %arg7[%dma_start3A_1429, %dma_start3A_1430, %dma_start3A_1431, %dma_start3A_1432] : memref<6x2x64x128xf32, #tpu.memory_space<vmem>> -> memref<1x2x64x128xf32, #tpu.memory_space<vmem>>
    %dma_start3A_1434 = tpu.memref_squeeze %dma_start3A_1433 : memref<1x2x64x128xf32, #tpu.memory_space<vmem>> -> memref<2x64x128xf32, #tpu.memory_space<vmem>>
    %dma_start3A_1435 = tpu.memref_reshape %dma_start3A_1434 : memref<2x64x128xf32, #tpu.memory_space<vmem>> -> memref<128x128xf32, #tpu.memory_space<vmem>>
    %dma_start3A_1436 = arith.constant 0 : i32
    %dma_start3A_1437 = tpu.memref_slice %arg6[%dma_start3A_1428, %dma_start3A_1436] : memref<16x128xi32, #tpu.memory_space<vmem>> -> memref<1x128xi32, #tpu.memory_space<vmem>>
    %dma_start3A_1438 = tpu.memref_squeeze %dma_start3A_1437 : memref<1x128xi32, #tpu.memory_space<vmem>> -> memref<128xi32, #tpu.memory_space<vmem>>
    %dma_start3A_1439 = arith.constant 0 : i32
    %dma_start3A_1440 = arith.constant 0 : i32
    %dma_start3A_1441 = tpu.memref_slice %arg8[%dma_start3A_1439, %dma_start3A_1440] : memref<384x128xf32, #tpu.memory_space<vmem_shared>> -> memref<384x128xf32, #tpu.memory_space<vmem_shared>>
    tpu.enqueue_indirect_dma source(%dma_start3A_1441 : memref<384x128xf32, #tpu.memory_space<vmem_shared>>) target(%dma_start3A_1435 : memref<128x128xf32, #tpu.memory_space<vmem>>) offsets(%dma_start3A_1438 : memref<128xi32, #tpu.memory_space<vmem>>) semaphore(%arg25 : memref<!tpu.dma_semaphore, #tpu.memory_space<semaphore_mem>>) {add = true}
    %dma_wait3A_1442 = arith.constant 8 : i32
    %dma_wait3A_1443 = arith.constant 2 : i32
    %dma_wait3A_1444 = arith.constant 0 : i32
    %dma_wait3A_1445 = arith.constant 0 : i32
    %dma_wait3A_1446 = arith.constant 0 : i32
    %dma_wait3A_1447 = tpu.memref_slice %arg7[%dma_wait3A_1443, %dma_wait3A_1444, %dma_wait3A_1445, %dma_wait3A_1446] : memref<6x2x64x128xf32, #tpu.memory_space<vmem>> -> memref<1x2x64x128xf32, #tpu.memory_space<vmem>>
    %dma_wait3A_1448 = tpu.memref_squeeze %dma_wait3A_1447 : memref<1x2x64x128xf32, #tpu.memory_space<vmem>> -> memref<2x64x128xf32, #tpu.memory_space<vmem>>
    %dma_wait3A_1449 = tpu.memref_reshape %dma_wait3A_1448 : memref<2x64x128xf32, #tpu.memory_space<vmem>> -> memref<128x128xf32, #tpu.memory_space<vmem>>
    %dma_wait3A_1450 = arith.constant 0 : i32
    %dma_wait3A_1451 = tpu.memref_slice %arg6[%dma_wait3A_1442, %dma_wait3A_1450] : memref<16x128xi32, #tpu.memory_space<vmem>> -> memref<1x128xi32, #tpu.memory_space<vmem>>
    %dma_wait3A_1452 = tpu.memref_squeeze %dma_wait3A_1451 : memref<1x128xi32, #tpu.memory_space<vmem>> -> memref<128xi32, #tpu.memory_space<vmem>>
    %dma_wait3A_1453 = arith.constant 0 : i32
    %dma_wait3A_1454 = arith.constant 0 : i32
    %dma_wait3A_1455 = tpu.memref_slice %arg8[%dma_wait3A_1453, %dma_wait3A_1454] : memref<384x128xf32, #tpu.memory_space<vmem_shared>> -> memref<384x128xf32, #tpu.memory_space<vmem_shared>>
    tpu.wait_indirect_dma semaphore(%arg24 : memref<!tpu.dma_semaphore, #tpu.memory_space<semaphore_mem>>) src(%dma_wait3A_1455 : memref<384x128xf32, #tpu.memory_space<vmem_shared>>) dst(%dma_wait3A_1449 : memref<128x128xf32, #tpu.memory_space<vmem>>)
    %add3A_1456 = arith.constant 512 : i32
    %add3A_1457 = arith.addi %mul3A_50, %add3A_1456 : i32
    %dma_start3A_1458 = arith.constant 2 : i32
    %dma_start3A_1459 = arith.constant 0 : i32
    %dma_start3A_1460 = arith.constant 0 : i32
    %dma_start3A_1461 = arith.constant 0 : i32
    %dma_start3A_1462 = tpu.memref_slice %arg7[%dma_start3A_1458, %dma_start3A_1459, %dma_start3A_1460, %dma_start3A_1461] : memref<6x2x64x128xf32, #tpu.memory_space<vmem>> -> memref<1x1x64x128xf32, #tpu.memory_space<vmem>>
    %dma_start3A_1463 = tpu.memref_squeeze %dma_start3A_1462 : memref<1x1x64x128xf32, #tpu.memory_space<vmem>> -> memref<64x128xf32, #tpu.memory_space<vmem>>
    %dma_start3A_1464 = arith.constant 0 : i32
    %dma_start3A_1465 = tpu.memref_slice %arg5[%select_n3A, %add3A_1457, %dma_start3A_1464] : memref<16x2048x256xf32, #tpu.memory_space<hbm>> -> memref<1x64x128xf32, #tpu.memory_space<hbm>>
    %dma_start3A_1466 = tpu.memref_squeeze %dma_start3A_1465 : memref<1x64x128xf32, #tpu.memory_space<hbm>> -> memref<64x128xf32, #tpu.memory_space<hbm>>
    %dma_start3A_1467 = arith.constant 0 : i32
    %dma_start3A_1468 = tpu.memref_slice %arg5[%select_n3A, %add3A_1457, %dma_start3A_1467] : memref<16x2048x256xf32, #tpu.memory_space<hbm>> -> memref<1x64x128xf32, #tpu.memory_space<hbm>>
    %dma_start3A_1469 = tpu.memref_squeeze %dma_start3A_1468 : memref<1x64x128xf32, #tpu.memory_space<hbm>> -> memref<64x128xf32, #tpu.memory_space<hbm>>
    %dma_start3A_1470 = arith.constant 0 : i32
    %dma_start3A_1471 = arith.constant 0 : i32
    %dma_start3A_1472 = tpu.memref_slice %arg7[%dma_start3A_1458, %dma_start3A_1459, %dma_start3A_1470, %dma_start3A_1471] : memref<6x2x64x128xf32, #tpu.memory_space<vmem>> -> memref<1x1x64x128xf32, #tpu.memory_space<vmem>>
    %dma_start3A_1473 = tpu.memref_squeeze %dma_start3A_1472 : memref<1x1x64x128xf32, #tpu.memory_space<vmem>> -> memref<64x128xf32, #tpu.memory_space<vmem>>
    tpu.enqueue_dma source(%dma_start3A_1473 : memref<64x128xf32, #tpu.memory_space<vmem>>) target(%dma_start3A_1469 : memref<64x128xf32, #tpu.memory_space<hbm>>) target_semaphore(%arg32 : memref<!tpu.dma_semaphore, #tpu.memory_space<semaphore_mem>>)
    %dma_start3A_1474 = arith.constant 2 : i32
    %dma_start3A_1475 = arith.constant 1 : i32
    %dma_start3A_1476 = arith.constant 0 : i32
    %dma_start3A_1477 = arith.constant 0 : i32
    %dma_start3A_1478 = tpu.memref_slice %arg7[%dma_start3A_1474, %dma_start3A_1475, %dma_start3A_1476, %dma_start3A_1477] : memref<6x2x64x128xf32, #tpu.memory_space<vmem>> -> memref<1x1x64x128xf32, #tpu.memory_space<vmem>>
    %dma_start3A_1479 = tpu.memref_squeeze %dma_start3A_1478 : memref<1x1x64x128xf32, #tpu.memory_space<vmem>> -> memref<64x128xf32, #tpu.memory_space<vmem>>
    %dma_start3A_1480 = arith.constant 128 : i32
    %dma_start3A_1481 = tpu.memref_slice %arg5[%select_n3A, %add3A_1457, %dma_start3A_1480] : memref<16x2048x256xf32, #tpu.memory_space<hbm>> -> memref<1x64x128xf32, #tpu.memory_space<hbm>>
    %dma_start3A_1482 = tpu.memref_squeeze %dma_start3A_1481 : memref<1x64x128xf32, #tpu.memory_space<hbm>> -> memref<64x128xf32, #tpu.memory_space<hbm>>
    %dma_start3A_1483 = arith.constant 128 : i32
    %dma_start3A_1484 = tpu.memref_slice %arg5[%select_n3A, %add3A_1457, %dma_start3A_1483] : memref<16x2048x256xf32, #tpu.memory_space<hbm>> -> memref<1x64x128xf32, #tpu.memory_space<hbm>>
    %dma_start3A_1485 = tpu.memref_squeeze %dma_start3A_1484 : memref<1x64x128xf32, #tpu.memory_space<hbm>> -> memref<64x128xf32, #tpu.memory_space<hbm>>
    %dma_start3A_1486 = arith.constant 0 : i32
    %dma_start3A_1487 = arith.constant 0 : i32
    %dma_start3A_1488 = tpu.memref_slice %arg7[%dma_start3A_1474, %dma_start3A_1475, %dma_start3A_1486, %dma_start3A_1487] : memref<6x2x64x128xf32, #tpu.memory_space<vmem>> -> memref<1x1x64x128xf32, #tpu.memory_space<vmem>>
    %dma_start3A_1489 = tpu.memref_squeeze %dma_start3A_1488 : memref<1x1x64x128xf32, #tpu.memory_space<vmem>> -> memref<64x128xf32, #tpu.memory_space<vmem>>
    tpu.enqueue_dma source(%dma_start3A_1489 : memref<64x128xf32, #tpu.memory_space<vmem>>) target(%dma_start3A_1485 : memref<64x128xf32, #tpu.memory_space<hbm>>) target_semaphore(%arg33 : memref<!tpu.dma_semaphore, #tpu.memory_space<semaphore_mem>>)
    %dma_wait3A_1490 = arith.constant 5 : i32
    %dma_wait3A_1491 = arith.constant 0 : i32
    %dma_wait3A_1492 = arith.constant 0 : i32
    %dma_wait3A_1493 = arith.constant 0 : i32
    %dma_wait3A_1494 = tpu.memref_slice %arg7[%dma_wait3A_1490, %dma_wait3A_1491, %dma_wait3A_1492, %dma_wait3A_1493] : memref<6x2x64x128xf32, #tpu.memory_space<vmem>> -> memref<1x1x64x128xf32, #tpu.memory_space<vmem>>
    %dma_wait3A_1495 = tpu.memref_squeeze %dma_wait3A_1494 : memref<1x1x64x128xf32, #tpu.memory_space<vmem>> -> memref<64x128xf32, #tpu.memory_space<vmem>>
    %dma_wait3A_1496 = arith.constant 0 : i32
    %dma_wait3A_1497 = tpu.memref_slice %arg5[%select_n3A, %add3A_977, %dma_wait3A_1496] : memref<16x2048x256xf32, #tpu.memory_space<hbm>> -> memref<1x64x128xf32, #tpu.memory_space<hbm>>
    %dma_wait3A_1498 = tpu.memref_squeeze %dma_wait3A_1497 : memref<1x64x128xf32, #tpu.memory_space<hbm>> -> memref<64x128xf32, #tpu.memory_space<hbm>>
    %dma_wait3A_1499 = arith.constant 0 : i32
    %dma_wait3A_1500 = tpu.memref_slice %arg5[%select_n3A, %add3A_977, %dma_wait3A_1499] : memref<16x2048x256xf32, #tpu.memory_space<hbm>> -> memref<1x64x128xf32, #tpu.memory_space<hbm>>
    %dma_wait3A_1501 = tpu.memref_squeeze %dma_wait3A_1500 : memref<1x64x128xf32, #tpu.memory_space<hbm>> -> memref<64x128xf32, #tpu.memory_space<hbm>>
    %dma_wait3A_1502 = arith.constant 0 : i32
    %dma_wait3A_1503 = arith.constant 0 : i32
    %dma_wait3A_1504 = tpu.memref_slice %arg7[%dma_wait3A_1490, %dma_wait3A_1491, %dma_wait3A_1502, %dma_wait3A_1503] : memref<6x2x64x128xf32, #tpu.memory_space<vmem>> -> memref<1x1x64x128xf32, #tpu.memory_space<vmem>>
    %dma_wait3A_1505 = tpu.memref_squeeze %dma_wait3A_1504 : memref<1x1x64x128xf32, #tpu.memory_space<vmem>> -> memref<64x128xf32, #tpu.memory_space<vmem>>
    tpu.wait_dma2 semaphore(%arg38 : memref<!tpu.dma_semaphore, #tpu.memory_space<semaphore_mem>>) src(%dma_wait3A_1505 : memref<64x128xf32, #tpu.memory_space<vmem>>) dst(%dma_wait3A_1501 : memref<64x128xf32, #tpu.memory_space<hbm>>)
    %dma_wait3A_1506 = arith.constant 5 : i32
    %dma_wait3A_1507 = arith.constant 1 : i32
    %dma_wait3A_1508 = arith.constant 0 : i32
    %dma_wait3A_1509 = arith.constant 0 : i32
    %dma_wait3A_1510 = tpu.memref_slice %arg7[%dma_wait3A_1506, %dma_wait3A_1507, %dma_wait3A_1508, %dma_wait3A_1509] : memref<6x2x64x128xf32, #tpu.memory_space<vmem>> -> memref<1x1x64x128xf32, #tpu.memory_space<vmem>>
    %dma_wait3A_1511 = tpu.memref_squeeze %dma_wait3A_1510 : memref<1x1x64x128xf32, #tpu.memory_space<vmem>> -> memref<64x128xf32, #tpu.memory_space<vmem>>
    %dma_wait3A_1512 = arith.constant 128 : i32
    %dma_wait3A_1513 = tpu.memref_slice %arg5[%select_n3A, %add3A_977, %dma_wait3A_1512] : memref<16x2048x256xf32, #tpu.memory_space<hbm>> -> memref<1x64x128xf32, #tpu.memory_space<hbm>>
    %dma_wait3A_1514 = tpu.memref_squeeze %dma_wait3A_1513 : memref<1x64x128xf32, #tpu.memory_space<hbm>> -> memref<64x128xf32, #tpu.memory_space<hbm>>
    %dma_wait3A_1515 = arith.constant 128 : i32
    %dma_wait3A_1516 = tpu.memref_slice %arg5[%select_n3A, %add3A_977, %dma_wait3A_1515] : memref<16x2048x256xf32, #tpu.memory_space<hbm>> -> memref<1x64x128xf32, #tpu.memory_space<hbm>>
    %dma_wait3A_1517 = tpu.memref_squeeze %dma_wait3A_1516 : memref<1x64x128xf32, #tpu.memory_space<hbm>> -> memref<64x128xf32, #tpu.memory_space<hbm>>
    %dma_wait3A_1518 = arith.constant 0 : i32
    %dma_wait3A_1519 = arith.constant 0 : i32
    %dma_wait3A_1520 = tpu.memref_slice %arg7[%dma_wait3A_1506, %dma_wait3A_1507, %dma_wait3A_1518, %dma_wait3A_1519] : memref<6x2x64x128xf32, #tpu.memory_space<vmem>> -> memref<1x1x64x128xf32, #tpu.memory_space<vmem>>
    %dma_wait3A_1521 = tpu.memref_squeeze %dma_wait3A_1520 : memref<1x1x64x128xf32, #tpu.memory_space<vmem>> -> memref<64x128xf32, #tpu.memory_space<vmem>>
    tpu.wait_dma2 semaphore(%arg39 : memref<!tpu.dma_semaphore, #tpu.memory_space<semaphore_mem>>) src(%dma_wait3A_1521 : memref<64x128xf32, #tpu.memory_space<vmem>>) dst(%dma_wait3A_1517 : memref<64x128xf32, #tpu.memory_space<hbm>>)
    %add3A_1522 = arith.constant 704 : i32
    %add3A_1523 = arith.addi %mul3A_50, %add3A_1522 : i32
    %dma_start3A_1524 = arith.constant 5 : i32
    %dma_start3A_1525 = arith.constant 0 : i32
    %dma_start3A_1526 = arith.constant 0 : i32
    %dma_start3A_1527 = arith.constant 0 : i32
    %dma_start3A_1528 = tpu.memref_slice %arg7[%dma_start3A_1524, %dma_start3A_1525, %dma_start3A_1526, %dma_start3A_1527] : memref<6x2x64x128xf32, #tpu.memory_space<vmem>> -> memref<1x1x64x128xf32, #tpu.memory_space<vmem>>
    %dma_start3A_1529 = tpu.memref_squeeze %dma_start3A_1528 : memref<1x1x64x128xf32, #tpu.memory_space<vmem>> -> memref<64x128xf32, #tpu.memory_space<vmem>>
    %dma_start3A_1530 = arith.constant 0 : i32
    %dma_start3A_1531 = tpu.memref_slice %arg2[%select_n3A, %add3A_1523, %dma_start3A_1530] : memref<16x2048x256xf32, #tpu.memory_space<hbm>> -> memref<1x64x128xf32, #tpu.memory_space<hbm>>
    %dma_start3A_1532 = tpu.memref_squeeze %dma_start3A_1531 : memref<1x64x128xf32, #tpu.memory_space<hbm>> -> memref<64x128xf32, #tpu.memory_space<hbm>>
    %dma_start3A_1533 = arith.constant 0 : i32
    %dma_start3A_1534 = arith.constant 0 : i32
    %dma_start3A_1535 = tpu.memref_slice %arg7[%dma_start3A_1524, %dma_start3A_1525, %dma_start3A_1533, %dma_start3A_1534] : memref<6x2x64x128xf32, #tpu.memory_space<vmem>> -> memref<1x1x64x128xf32, #tpu.memory_space<vmem>>
    %dma_start3A_1536 = tpu.memref_squeeze %dma_start3A_1535 : memref<1x1x64x128xf32, #tpu.memory_space<vmem>> -> memref<64x128xf32, #tpu.memory_space<vmem>>
    %dma_start3A_1537 = arith.constant 0 : i32
    %dma_start3A_1538 = tpu.memref_slice %arg2[%select_n3A, %add3A_1523, %dma_start3A_1537] : memref<16x2048x256xf32, #tpu.memory_space<hbm>> -> memref<1x64x128xf32, #tpu.memory_space<hbm>>
    %dma_start3A_1539 = tpu.memref_squeeze %dma_start3A_1538 : memref<1x64x128xf32, #tpu.memory_space<hbm>> -> memref<64x128xf32, #tpu.memory_space<hbm>>
    tpu.enqueue_dma source(%dma_start3A_1539 : memref<64x128xf32, #tpu.memory_space<hbm>>) target(%dma_start3A_1536 : memref<64x128xf32, #tpu.memory_space<vmem>>) target_semaphore(%arg20 : memref<!tpu.dma_semaphore, #tpu.memory_space<semaphore_mem>>)
    %dma_start3A_1540 = arith.constant 5 : i32
    %dma_start3A_1541 = arith.constant 1 : i32
    %dma_start3A_1542 = arith.constant 0 : i32
    %dma_start3A_1543 = arith.constant 0 : i32
    %dma_start3A_1544 = tpu.memref_slice %arg7[%dma_start3A_1540, %dma_start3A_1541, %dma_start3A_1542, %dma_start3A_1543] : memref<6x2x64x128xf32, #tpu.memory_space<vmem>> -> memref<1x1x64x128xf32, #tpu.memory_space<vmem>>
    %dma_start3A_1545 = tpu.memref_squeeze %dma_start3A_1544 : memref<1x1x64x128xf32, #tpu.memory_space<vmem>> -> memref<64x128xf32, #tpu.memory_space<vmem>>
    %dma_start3A_1546 = arith.constant 128 : i32
    %dma_start3A_1547 = tpu.memref_slice %arg2[%select_n3A, %add3A_1523, %dma_start3A_1546] : memref<16x2048x256xf32, #tpu.memory_space<hbm>> -> memref<1x64x128xf32, #tpu.memory_space<hbm>>
    %dma_start3A_1548 = tpu.memref_squeeze %dma_start3A_1547 : memref<1x64x128xf32, #tpu.memory_space<hbm>> -> memref<64x128xf32, #tpu.memory_space<hbm>>
    %dma_start3A_1549 = arith.constant 0 : i32
    %dma_start3A_1550 = arith.constant 0 : i32
    %dma_start3A_1551 = tpu.memref_slice %arg7[%dma_start3A_1540, %dma_start3A_1541, %dma_start3A_1549, %dma_start3A_1550] : memref<6x2x64x128xf32, #tpu.memory_space<vmem>> -> memref<1x1x64x128xf32, #tpu.memory_space<vmem>>
    %dma_start3A_1552 = tpu.memref_squeeze %dma_start3A_1551 : memref<1x1x64x128xf32, #tpu.memory_space<vmem>> -> memref<64x128xf32, #tpu.memory_space<vmem>>
    %dma_start3A_1553 = arith.constant 128 : i32
    %dma_start3A_1554 = tpu.memref_slice %arg2[%select_n3A, %add3A_1523, %dma_start3A_1553] : memref<16x2048x256xf32, #tpu.memory_space<hbm>> -> memref<1x64x128xf32, #tpu.memory_space<hbm>>
    %dma_start3A_1555 = tpu.memref_squeeze %dma_start3A_1554 : memref<1x64x128xf32, #tpu.memory_space<hbm>> -> memref<64x128xf32, #tpu.memory_space<hbm>>
    tpu.enqueue_dma source(%dma_start3A_1555 : memref<64x128xf32, #tpu.memory_space<hbm>>) target(%dma_start3A_1552 : memref<64x128xf32, #tpu.memory_space<vmem>>) target_semaphore(%arg21 : memref<!tpu.dma_semaphore, #tpu.memory_space<semaphore_mem>>)
    %dma_wait3A_1556 = arith.constant 4 : i32
    %dma_wait3A_1557 = arith.constant 0 : i32
    %dma_wait3A_1558 = arith.constant 0 : i32
    %dma_wait3A_1559 = arith.constant 0 : i32
    %dma_wait3A_1560 = tpu.memref_slice %arg7[%dma_wait3A_1556, %dma_wait3A_1557, %dma_wait3A_1558, %dma_wait3A_1559] : memref<6x2x64x128xf32, #tpu.memory_space<vmem>> -> memref<1x1x64x128xf32, #tpu.memory_space<vmem>>
    %dma_wait3A_1561 = tpu.memref_squeeze %dma_wait3A_1560 : memref<1x1x64x128xf32, #tpu.memory_space<vmem>> -> memref<64x128xf32, #tpu.memory_space<vmem>>
    %dma_wait3A_1562 = arith.constant 0 : i32
    %dma_wait3A_1563 = tpu.memref_slice %arg2[%select_n3A, %add3A_1363, %dma_wait3A_1562] : memref<16x2048x256xf32, #tpu.memory_space<hbm>> -> memref<1x64x128xf32, #tpu.memory_space<hbm>>
    %dma_wait3A_1564 = tpu.memref_squeeze %dma_wait3A_1563 : memref<1x64x128xf32, #tpu.memory_space<hbm>> -> memref<64x128xf32, #tpu.memory_space<hbm>>
    %dma_wait3A_1565 = arith.constant 0 : i32
    %dma_wait3A_1566 = arith.constant 0 : i32
    %dma_wait3A_1567 = tpu.memref_slice %arg7[%dma_wait3A_1556, %dma_wait3A_1557, %dma_wait3A_1565, %dma_wait3A_1566] : memref<6x2x64x128xf32, #tpu.memory_space<vmem>> -> memref<1x1x64x128xf32, #tpu.memory_space<vmem>>
    %dma_wait3A_1568 = tpu.memref_squeeze %dma_wait3A_1567 : memref<1x1x64x128xf32, #tpu.memory_space<vmem>> -> memref<64x128xf32, #tpu.memory_space<vmem>>
    %dma_wait3A_1569 = arith.constant 0 : i32
    %dma_wait3A_1570 = tpu.memref_slice %arg2[%select_n3A, %add3A_1363, %dma_wait3A_1569] : memref<16x2048x256xf32, #tpu.memory_space<hbm>> -> memref<1x64x128xf32, #tpu.memory_space<hbm>>
    %dma_wait3A_1571 = tpu.memref_squeeze %dma_wait3A_1570 : memref<1x64x128xf32, #tpu.memory_space<hbm>> -> memref<64x128xf32, #tpu.memory_space<hbm>>
    tpu.wait_dma2 semaphore(%arg18 : memref<!tpu.dma_semaphore, #tpu.memory_space<semaphore_mem>>) src(%dma_wait3A_1571 : memref<64x128xf32, #tpu.memory_space<hbm>>) dst(%dma_wait3A_1568 : memref<64x128xf32, #tpu.memory_space<vmem>>)
    %dma_wait3A_1572 = arith.constant 4 : i32
    %dma_wait3A_1573 = arith.constant 1 : i32
    %dma_wait3A_1574 = arith.constant 0 : i32
    %dma_wait3A_1575 = arith.constant 0 : i32
    %dma_wait3A_1576 = tpu.memref_slice %arg7[%dma_wait3A_1572, %dma_wait3A_1573, %dma_wait3A_1574, %dma_wait3A_1575] : memref<6x2x64x128xf32, #tpu.memory_space<vmem>> -> memref<1x1x64x128xf32, #tpu.memory_space<vmem>>
    %dma_wait3A_1577 = tpu.memref_squeeze %dma_wait3A_1576 : memref<1x1x64x128xf32, #tpu.memory_space<vmem>> -> memref<64x128xf32, #tpu.memory_space<vmem>>
    %dma_wait3A_1578 = arith.constant 128 : i32
    %dma_wait3A_1579 = tpu.memref_slice %arg2[%select_n3A, %add3A_1363, %dma_wait3A_1578] : memref<16x2048x256xf32, #tpu.memory_space<hbm>> -> memref<1x64x128xf32, #tpu.memory_space<hbm>>
    %dma_wait3A_1580 = tpu.memref_squeeze %dma_wait3A_1579 : memref<1x64x128xf32, #tpu.memory_space<hbm>> -> memref<64x128xf32, #tpu.memory_space<hbm>>
    %dma_wait3A_1581 = arith.constant 0 : i32
    %dma_wait3A_1582 = arith.constant 0 : i32
    %dma_wait3A_1583 = tpu.memref_slice %arg7[%dma_wait3A_1572, %dma_wait3A_1573, %dma_wait3A_1581, %dma_wait3A_1582] : memref<6x2x64x128xf32, #tpu.memory_space<vmem>> -> memref<1x1x64x128xf32, #tpu.memory_space<vmem>>
    %dma_wait3A_1584 = tpu.memref_squeeze %dma_wait3A_1583 : memref<1x1x64x128xf32, #tpu.memory_space<vmem>> -> memref<64x128xf32, #tpu.memory_space<vmem>>
    %dma_wait3A_1585 = arith.constant 128 : i32
    %dma_wait3A_1586 = tpu.memref_slice %arg2[%select_n3A, %add3A_1363, %dma_wait3A_1585] : memref<16x2048x256xf32, #tpu.memory_space<hbm>> -> memref<1x64x128xf32, #tpu.memory_space<hbm>>
    %dma_wait3A_1587 = tpu.memref_squeeze %dma_wait3A_1586 : memref<1x64x128xf32, #tpu.memory_space<hbm>> -> memref<64x128xf32, #tpu.memory_space<hbm>>
    tpu.wait_dma2 semaphore(%arg19 : memref<!tpu.dma_semaphore, #tpu.memory_space<semaphore_mem>>) src(%dma_wait3A_1587 : memref<64x128xf32, #tpu.memory_space<hbm>>) dst(%dma_wait3A_1584 : memref<64x128xf32, #tpu.memory_space<vmem>>)
    %dma_start3A_1588 = arith.constant 10 : i32
    %dma_start3A_1589 = arith.constant 4 : i32
    %dma_start3A_1590 = arith.constant 0 : i32
    %dma_start3A_1591 = arith.constant 0 : i32
    %dma_start3A_1592 = arith.constant 0 : i32
    %dma_start3A_1593 = tpu.memref_slice %arg7[%dma_start3A_1589, %dma_start3A_1590, %dma_start3A_1591, %dma_start3A_1592] : memref<6x2x64x128xf32, #tpu.memory_space<vmem>> -> memref<1x2x64x128xf32, #tpu.memory_space<vmem>>
    %dma_start3A_1594 = tpu.memref_squeeze %dma_start3A_1593 : memref<1x2x64x128xf32, #tpu.memory_space<vmem>> -> memref<2x64x128xf32, #tpu.memory_space<vmem>>
    %dma_start3A_1595 = tpu.memref_reshape %dma_start3A_1594 : memref<2x64x128xf32, #tpu.memory_space<vmem>> -> memref<128x128xf32, #tpu.memory_space<vmem>>
    %dma_start3A_1596 = arith.constant 0 : i32
    %dma_start3A_1597 = tpu.memref_slice %arg6[%dma_start3A_1588, %dma_start3A_1596] : memref<16x128xi32, #tpu.memory_space<vmem>> -> memref<1x128xi32, #tpu.memory_space<vmem>>
    %dma_start3A_1598 = tpu.memref_squeeze %dma_start3A_1597 : memref<1x128xi32, #tpu.memory_space<vmem>> -> memref<128xi32, #tpu.memory_space<vmem>>
    %dma_start3A_1599 = arith.constant 0 : i32
    %dma_start3A_1600 = arith.constant 0 : i32
    %dma_start3A_1601 = tpu.memref_slice %arg8[%dma_start3A_1599, %dma_start3A_1600] : memref<384x128xf32, #tpu.memory_space<vmem_shared>> -> memref<384x128xf32, #tpu.memory_space<vmem_shared>>
    tpu.enqueue_indirect_dma source(%dma_start3A_1601 : memref<384x128xf32, #tpu.memory_space<vmem_shared>>) target(%dma_start3A_1595 : memref<128x128xf32, #tpu.memory_space<vmem>>) offsets(%dma_start3A_1598 : memref<128xi32, #tpu.memory_space<vmem>>) semaphore(%arg26 : memref<!tpu.dma_semaphore, #tpu.memory_space<semaphore_mem>>) {add = true}
    %dma_wait3A_1602 = arith.constant 9 : i32
    %dma_wait3A_1603 = arith.constant 3 : i32
    %dma_wait3A_1604 = arith.constant 0 : i32
    %dma_wait3A_1605 = arith.constant 0 : i32
    %dma_wait3A_1606 = arith.constant 0 : i32
    %dma_wait3A_1607 = tpu.memref_slice %arg7[%dma_wait3A_1603, %dma_wait3A_1604, %dma_wait3A_1605, %dma_wait3A_1606] : memref<6x2x64x128xf32, #tpu.memory_space<vmem>> -> memref<1x2x64x128xf32, #tpu.memory_space<vmem>>
    %dma_wait3A_1608 = tpu.memref_squeeze %dma_wait3A_1607 : memref<1x2x64x128xf32, #tpu.memory_space<vmem>> -> memref<2x64x128xf32, #tpu.memory_space<vmem>>
    %dma_wait3A_1609 = tpu.memref_reshape %dma_wait3A_1608 : memref<2x64x128xf32, #tpu.memory_space<vmem>> -> memref<128x128xf32, #tpu.memory_space<vmem>>
    %dma_wait3A_1610 = arith.constant 0 : i32
    %dma_wait3A_1611 = tpu.memref_slice %arg6[%dma_wait3A_1602, %dma_wait3A_1610] : memref<16x128xi32, #tpu.memory_space<vmem>> -> memref<1x128xi32, #tpu.memory_space<vmem>>
    %dma_wait3A_1612 = tpu.memref_squeeze %dma_wait3A_1611 : memref<1x128xi32, #tpu.memory_space<vmem>> -> memref<128xi32, #tpu.memory_space<vmem>>
    %dma_wait3A_1613 = arith.constant 0 : i32
    %dma_wait3A_1614 = arith.constant 0 : i32
    %dma_wait3A_1615 = tpu.memref_slice %arg8[%dma_wait3A_1613, %dma_wait3A_1614] : memref<384x128xf32, #tpu.memory_space<vmem_shared>> -> memref<384x128xf32, #tpu.memory_space<vmem_shared>>
    tpu.wait_indirect_dma semaphore(%arg25 : memref<!tpu.dma_semaphore, #tpu.memory_space<semaphore_mem>>) src(%dma_wait3A_1615 : memref<384x128xf32, #tpu.memory_space<vmem_shared>>) dst(%dma_wait3A_1609 : memref<128x128xf32, #tpu.memory_space<vmem>>)
    %add3A_1616 = arith.constant 576 : i32
    %add3A_1617 = arith.addi %mul3A_50, %add3A_1616 : i32
    %dma_start3A_1618 = arith.constant 3 : i32
    %dma_start3A_1619 = arith.constant 0 : i32
    %dma_start3A_1620 = arith.constant 0 : i32
    %dma_start3A_1621 = arith.constant 0 : i32
    %dma_start3A_1622 = tpu.memref_slice %arg7[%dma_start3A_1618, %dma_start3A_1619, %dma_start3A_1620, %dma_start3A_1621] : memref<6x2x64x128xf32, #tpu.memory_space<vmem>> -> memref<1x1x64x128xf32, #tpu.memory_space<vmem>>
    %dma_start3A_1623 = tpu.memref_squeeze %dma_start3A_1622 : memref<1x1x64x128xf32, #tpu.memory_space<vmem>> -> memref<64x128xf32, #tpu.memory_space<vmem>>
    %dma_start3A_1624 = arith.constant 0 : i32
    %dma_start3A_1625 = tpu.memref_slice %arg5[%select_n3A, %add3A_1617, %dma_start3A_1624] : memref<16x2048x256xf32, #tpu.memory_space<hbm>> -> memref<1x64x128xf32, #tpu.memory_space<hbm>>
    %dma_start3A_1626 = tpu.memref_squeeze %dma_start3A_1625 : memref<1x64x128xf32, #tpu.memory_space<hbm>> -> memref<64x128xf32, #tpu.memory_space<hbm>>
    %dma_start3A_1627 = arith.constant 0 : i32
    %dma_start3A_1628 = tpu.memref_slice %arg5[%select_n3A, %add3A_1617, %dma_start3A_1627] : memref<16x2048x256xf32, #tpu.memory_space<hbm>> -> memref<1x64x128xf32, #tpu.memory_space<hbm>>
    %dma_start3A_1629 = tpu.memref_squeeze %dma_start3A_1628 : memref<1x64x128xf32, #tpu.memory_space<hbm>> -> memref<64x128xf32, #tpu.memory_space<hbm>>
    %dma_start3A_1630 = arith.constant 0 : i32
    %dma_start3A_1631 = arith.constant 0 : i32
    %dma_start3A_1632 = tpu.memref_slice %arg7[%dma_start3A_1618, %dma_start3A_1619, %dma_start3A_1630, %dma_start3A_1631] : memref<6x2x64x128xf32, #tpu.memory_space<vmem>> -> memref<1x1x64x128xf32, #tpu.memory_space<vmem>>
    %dma_start3A_1633 = tpu.memref_squeeze %dma_start3A_1632 : memref<1x1x64x128xf32, #tpu.memory_space<vmem>> -> memref<64x128xf32, #tpu.memory_space<vmem>>
    tpu.enqueue_dma source(%dma_start3A_1633 : memref<64x128xf32, #tpu.memory_space<vmem>>) target(%dma_start3A_1629 : memref<64x128xf32, #tpu.memory_space<hbm>>) target_semaphore(%arg34 : memref<!tpu.dma_semaphore, #tpu.memory_space<semaphore_mem>>)
    %dma_start3A_1634 = arith.constant 3 : i32
    %dma_start3A_1635 = arith.constant 1 : i32
    %dma_start3A_1636 = arith.constant 0 : i32
    %dma_start3A_1637 = arith.constant 0 : i32
    %dma_start3A_1638 = tpu.memref_slice %arg7[%dma_start3A_1634, %dma_start3A_1635, %dma_start3A_1636, %dma_start3A_1637] : memref<6x2x64x128xf32, #tpu.memory_space<vmem>> -> memref<1x1x64x128xf32, #tpu.memory_space<vmem>>
    %dma_start3A_1639 = tpu.memref_squeeze %dma_start3A_1638 : memref<1x1x64x128xf32, #tpu.memory_space<vmem>> -> memref<64x128xf32, #tpu.memory_space<vmem>>
    %dma_start3A_1640 = arith.constant 128 : i32
    %dma_start3A_1641 = tpu.memref_slice %arg5[%select_n3A, %add3A_1617, %dma_start3A_1640] : memref<16x2048x256xf32, #tpu.memory_space<hbm>> -> memref<1x64x128xf32, #tpu.memory_space<hbm>>
    %dma_start3A_1642 = tpu.memref_squeeze %dma_start3A_1641 : memref<1x64x128xf32, #tpu.memory_space<hbm>> -> memref<64x128xf32, #tpu.memory_space<hbm>>
    %dma_start3A_1643 = arith.constant 128 : i32
    %dma_start3A_1644 = tpu.memref_slice %arg5[%select_n3A, %add3A_1617, %dma_start3A_1643] : memref<16x2048x256xf32, #tpu.memory_space<hbm>> -> memref<1x64x128xf32, #tpu.memory_space<hbm>>
    %dma_start3A_1645 = tpu.memref_squeeze %dma_start3A_1644 : memref<1x64x128xf32, #tpu.memory_space<hbm>> -> memref<64x128xf32, #tpu.memory_space<hbm>>
    %dma_start3A_1646 = arith.constant 0 : i32
    %dma_start3A_1647 = arith.constant 0 : i32
    %dma_start3A_1648 = tpu.memref_slice %arg7[%dma_start3A_1634, %dma_start3A_1635, %dma_start3A_1646, %dma_start3A_1647] : memref<6x2x64x128xf32, #tpu.memory_space<vmem>> -> memref<1x1x64x128xf32, #tpu.memory_space<vmem>>
    %dma_start3A_1649 = tpu.memref_squeeze %dma_start3A_1648 : memref<1x1x64x128xf32, #tpu.memory_space<vmem>> -> memref<64x128xf32, #tpu.memory_space<vmem>>
    tpu.enqueue_dma source(%dma_start3A_1649 : memref<64x128xf32, #tpu.memory_space<vmem>>) target(%dma_start3A_1645 : memref<64x128xf32, #tpu.memory_space<hbm>>) target_semaphore(%arg35 : memref<!tpu.dma_semaphore, #tpu.memory_space<semaphore_mem>>)
    %dma_wait3A_1650 = arith.constant 0 : i32
    %dma_wait3A_1651 = arith.constant 0 : i32
    %dma_wait3A_1652 = arith.constant 0 : i32
    %dma_wait3A_1653 = arith.constant 0 : i32
    %dma_wait3A_1654 = tpu.memref_slice %arg7[%dma_wait3A_1650, %dma_wait3A_1651, %dma_wait3A_1652, %dma_wait3A_1653] : memref<6x2x64x128xf32, #tpu.memory_space<vmem>> -> memref<1x1x64x128xf32, #tpu.memory_space<vmem>>
    %dma_wait3A_1655 = tpu.memref_squeeze %dma_wait3A_1654 : memref<1x1x64x128xf32, #tpu.memory_space<vmem>> -> memref<64x128xf32, #tpu.memory_space<vmem>>
    %dma_wait3A_1656 = arith.constant 0 : i32
    %dma_wait3A_1657 = tpu.memref_slice %arg5[%select_n3A, %add3A_1137, %dma_wait3A_1656] : memref<16x2048x256xf32, #tpu.memory_space<hbm>> -> memref<1x64x128xf32, #tpu.memory_space<hbm>>
    %dma_wait3A_1658 = tpu.memref_squeeze %dma_wait3A_1657 : memref<1x64x128xf32, #tpu.memory_space<hbm>> -> memref<64x128xf32, #tpu.memory_space<hbm>>
    %dma_wait3A_1659 = arith.constant 0 : i32
    %dma_wait3A_1660 = tpu.memref_slice %arg5[%select_n3A, %add3A_1137, %dma_wait3A_1659] : memref<16x2048x256xf32, #tpu.memory_space<hbm>> -> memref<1x64x128xf32, #tpu.memory_space<hbm>>
    %dma_wait3A_1661 = tpu.memref_squeeze %dma_wait3A_1660 : memref<1x64x128xf32, #tpu.memory_space<hbm>> -> memref<64x128xf32, #tpu.memory_space<hbm>>
    %dma_wait3A_1662 = arith.constant 0 : i32
    %dma_wait3A_1663 = arith.constant 0 : i32
    %dma_wait3A_1664 = tpu.memref_slice %arg7[%dma_wait3A_1650, %dma_wait3A_1651, %dma_wait3A_1662, %dma_wait3A_1663] : memref<6x2x64x128xf32, #tpu.memory_space<vmem>> -> memref<1x1x64x128xf32, #tpu.memory_space<vmem>>
    %dma_wait3A_1665 = tpu.memref_squeeze %dma_wait3A_1664 : memref<1x1x64x128xf32, #tpu.memory_space<vmem>> -> memref<64x128xf32, #tpu.memory_space<vmem>>
    tpu.wait_dma2 semaphore(%arg28 : memref<!tpu.dma_semaphore, #tpu.memory_space<semaphore_mem>>) src(%dma_wait3A_1665 : memref<64x128xf32, #tpu.memory_space<vmem>>) dst(%dma_wait3A_1661 : memref<64x128xf32, #tpu.memory_space<hbm>>)
    %dma_wait3A_1666 = arith.constant 0 : i32
    %dma_wait3A_1667 = arith.constant 1 : i32
    %dma_wait3A_1668 = arith.constant 0 : i32
    %dma_wait3A_1669 = arith.constant 0 : i32
    %dma_wait3A_1670 = tpu.memref_slice %arg7[%dma_wait3A_1666, %dma_wait3A_1667, %dma_wait3A_1668, %dma_wait3A_1669] : memref<6x2x64x128xf32, #tpu.memory_space<vmem>> -> memref<1x1x64x128xf32, #tpu.memory_space<vmem>>
    %dma_wait3A_1671 = tpu.memref_squeeze %dma_wait3A_1670 : memref<1x1x64x128xf32, #tpu.memory_space<vmem>> -> memref<64x128xf32, #tpu.memory_space<vmem>>
    %dma_wait3A_1672 = arith.constant 128 : i32
    %dma_wait3A_1673 = tpu.memref_slice %arg5[%select_n3A, %add3A_1137, %dma_wait3A_1672] : memref<16x2048x256xf32, #tpu.memory_space<hbm>> -> memref<1x64x128xf32, #tpu.memory_space<hbm>>
    %dma_wait3A_1674 = tpu.memref_squeeze %dma_wait3A_1673 : memref<1x64x128xf32, #tpu.memory_space<hbm>> -> memref<64x128xf32, #tpu.memory_space<hbm>>
    %dma_wait3A_1675 = arith.constant 128 : i32
    %dma_wait3A_1676 = tpu.memref_slice %arg5[%select_n3A, %add3A_1137, %dma_wait3A_1675] : memref<16x2048x256xf32, #tpu.memory_space<hbm>> -> memref<1x64x128xf32, #tpu.memory_space<hbm>>
    %dma_wait3A_1677 = tpu.memref_squeeze %dma_wait3A_1676 : memref<1x64x128xf32, #tpu.memory_space<hbm>> -> memref<64x128xf32, #tpu.memory_space<hbm>>
    %dma_wait3A_1678 = arith.constant 0 : i32
    %dma_wait3A_1679 = arith.constant 0 : i32
    %dma_wait3A_1680 = tpu.memref_slice %arg7[%dma_wait3A_1666, %dma_wait3A_1667, %dma_wait3A_1678, %dma_wait3A_1679] : memref<6x2x64x128xf32, #tpu.memory_space<vmem>> -> memref<1x1x64x128xf32, #tpu.memory_space<vmem>>
    %dma_wait3A_1681 = tpu.memref_squeeze %dma_wait3A_1680 : memref<1x1x64x128xf32, #tpu.memory_space<vmem>> -> memref<64x128xf32, #tpu.memory_space<vmem>>
    tpu.wait_dma2 semaphore(%arg29 : memref<!tpu.dma_semaphore, #tpu.memory_space<semaphore_mem>>) src(%dma_wait3A_1681 : memref<64x128xf32, #tpu.memory_space<vmem>>) dst(%dma_wait3A_1677 : memref<64x128xf32, #tpu.memory_space<hbm>>)
    %add3A_1682 = arith.constant 768 : i32
    %add3A_1683 = arith.addi %mul3A_50, %add3A_1682 : i32
    %dma_start3A_1684 = arith.constant 0 : i32
    %dma_start3A_1685 = arith.constant 0 : i32
    %dma_start3A_1686 = arith.constant 0 : i32
    %dma_start3A_1687 = arith.constant 0 : i32
    %dma_start3A_1688 = tpu.memref_slice %arg7[%dma_start3A_1684, %dma_start3A_1685, %dma_start3A_1686, %dma_start3A_1687] : memref<6x2x64x128xf32, #tpu.memory_space<vmem>> -> memref<1x1x64x128xf32, #tpu.memory_space<vmem>>
    %dma_start3A_1689 = tpu.memref_squeeze %dma_start3A_1688 : memref<1x1x64x128xf32, #tpu.memory_space<vmem>> -> memref<64x128xf32, #tpu.memory_space<vmem>>
    %dma_start3A_1690 = arith.constant 0 : i32
    %dma_start3A_1691 = tpu.memref_slice %arg2[%select_n3A, %add3A_1683, %dma_start3A_1690] : memref<16x2048x256xf32, #tpu.memory_space<hbm>> -> memref<1x64x128xf32, #tpu.memory_space<hbm>>
    %dma_start3A_1692 = tpu.memref_squeeze %dma_start3A_1691 : memref<1x64x128xf32, #tpu.memory_space<hbm>> -> memref<64x128xf32, #tpu.memory_space<hbm>>
    %dma_start3A_1693 = arith.constant 0 : i32
    %dma_start3A_1694 = arith.constant 0 : i32
    %dma_start3A_1695 = tpu.memref_slice %arg7[%dma_start3A_1684, %dma_start3A_1685, %dma_start3A_1693, %dma_start3A_1694] : memref<6x2x64x128xf32, #tpu.memory_space<vmem>> -> memref<1x1x64x128xf32, #tpu.memory_space<vmem>>
    %dma_start3A_1696 = tpu.memref_squeeze %dma_start3A_1695 : memref<1x1x64x128xf32, #tpu.memory_space<vmem>> -> memref<64x128xf32, #tpu.memory_space<vmem>>
    %dma_start3A_1697 = arith.constant 0 : i32
    %dma_start3A_1698 = tpu.memref_slice %arg2[%select_n3A, %add3A_1683, %dma_start3A_1697] : memref<16x2048x256xf32, #tpu.memory_space<hbm>> -> memref<1x64x128xf32, #tpu.memory_space<hbm>>
    %dma_start3A_1699 = tpu.memref_squeeze %dma_start3A_1698 : memref<1x64x128xf32, #tpu.memory_space<hbm>> -> memref<64x128xf32, #tpu.memory_space<hbm>>
    tpu.enqueue_dma source(%dma_start3A_1699 : memref<64x128xf32, #tpu.memory_space<hbm>>) target(%dma_start3A_1696 : memref<64x128xf32, #tpu.memory_space<vmem>>) target_semaphore(%arg10 : memref<!tpu.dma_semaphore, #tpu.memory_space<semaphore_mem>>)
    %dma_start3A_1700 = arith.constant 0 : i32
    %dma_start3A_1701 = arith.constant 1 : i32
    %dma_start3A_1702 = arith.constant 0 : i32
    %dma_start3A_1703 = arith.constant 0 : i32
    %dma_start3A_1704 = tpu.memref_slice %arg7[%dma_start3A_1700, %dma_start3A_1701, %dma_start3A_1702, %dma_start3A_1703] : memref<6x2x64x128xf32, #tpu.memory_space<vmem>> -> memref<1x1x64x128xf32, #tpu.memory_space<vmem>>
    %dma_start3A_1705 = tpu.memref_squeeze %dma_start3A_1704 : memref<1x1x64x128xf32, #tpu.memory_space<vmem>> -> memref<64x128xf32, #tpu.memory_space<vmem>>
    %dma_start3A_1706 = arith.constant 128 : i32
    %dma_start3A_1707 = tpu.memref_slice %arg2[%select_n3A, %add3A_1683, %dma_start3A_1706] : memref<16x2048x256xf32, #tpu.memory_space<hbm>> -> memref<1x64x128xf32, #tpu.memory_space<hbm>>
    %dma_start3A_1708 = tpu.memref_squeeze %dma_start3A_1707 : memref<1x64x128xf32, #tpu.memory_space<hbm>> -> memref<64x128xf32, #tpu.memory_space<hbm>>
    %dma_start3A_1709 = arith.constant 0 : i32
    %dma_start3A_1710 = arith.constant 0 : i32
    %dma_start3A_1711 = tpu.memref_slice %arg7[%dma_start3A_1700, %dma_start3A_1701, %dma_start3A_1709, %dma_start3A_1710] : memref<6x2x64x128xf32, #tpu.memory_space<vmem>> -> memref<1x1x64x128xf32, #tpu.memory_space<vmem>>
    %dma_start3A_1712 = tpu.memref_squeeze %dma_start3A_1711 : memref<1x1x64x128xf32, #tpu.memory_space<vmem>> -> memref<64x128xf32, #tpu.memory_space<vmem>>
    %dma_start3A_1713 = arith.constant 128 : i32
    %dma_start3A_1714 = tpu.memref_slice %arg2[%select_n3A, %add3A_1683, %dma_start3A_1713] : memref<16x2048x256xf32, #tpu.memory_space<hbm>> -> memref<1x64x128xf32, #tpu.memory_space<hbm>>
    %dma_start3A_1715 = tpu.memref_squeeze %dma_start3A_1714 : memref<1x64x128xf32, #tpu.memory_space<hbm>> -> memref<64x128xf32, #tpu.memory_space<hbm>>
    tpu.enqueue_dma source(%dma_start3A_1715 : memref<64x128xf32, #tpu.memory_space<hbm>>) target(%dma_start3A_1712 : memref<64x128xf32, #tpu.memory_space<vmem>>) target_semaphore(%arg11 : memref<!tpu.dma_semaphore, #tpu.memory_space<semaphore_mem>>)
    %dma_wait3A_1716 = arith.constant 5 : i32
    %dma_wait3A_1717 = arith.constant 0 : i32
    %dma_wait3A_1718 = arith.constant 0 : i32
    %dma_wait3A_1719 = arith.constant 0 : i32
    %dma_wait3A_1720 = tpu.memref_slice %arg7[%dma_wait3A_1716, %dma_wait3A_1717, %dma_wait3A_1718, %dma_wait3A_1719] : memref<6x2x64x128xf32, #tpu.memory_space<vmem>> -> memref<1x1x64x128xf32, #tpu.memory_space<vmem>>
    %dma_wait3A_1721 = tpu.memref_squeeze %dma_wait3A_1720 : memref<1x1x64x128xf32, #tpu.memory_space<vmem>> -> memref<64x128xf32, #tpu.memory_space<vmem>>
    %dma_wait3A_1722 = arith.constant 0 : i32
    %dma_wait3A_1723 = tpu.memref_slice %arg2[%select_n3A, %add3A_1523, %dma_wait3A_1722] : memref<16x2048x256xf32, #tpu.memory_space<hbm>> -> memref<1x64x128xf32, #tpu.memory_space<hbm>>
    %dma_wait3A_1724 = tpu.memref_squeeze %dma_wait3A_1723 : memref<1x64x128xf32, #tpu.memory_space<hbm>> -> memref<64x128xf32, #tpu.memory_space<hbm>>
    %dma_wait3A_1725 = arith.constant 0 : i32
    %dma_wait3A_1726 = arith.constant 0 : i32
    %dma_wait3A_1727 = tpu.memref_slice %arg7[%dma_wait3A_1716, %dma_wait3A_1717, %dma_wait3A_1725, %dma_wait3A_1726] : memref<6x2x64x128xf32, #tpu.memory_space<vmem>> -> memref<1x1x64x128xf32, #tpu.memory_space<vmem>>
    %dma_wait3A_1728 = tpu.memref_squeeze %dma_wait3A_1727 : memref<1x1x64x128xf32, #tpu.memory_space<vmem>> -> memref<64x128xf32, #tpu.memory_space<vmem>>
    %dma_wait3A_1729 = arith.constant 0 : i32
    %dma_wait3A_1730 = tpu.memref_slice %arg2[%select_n3A, %add3A_1523, %dma_wait3A_1729] : memref<16x2048x256xf32, #tpu.memory_space<hbm>> -> memref<1x64x128xf32, #tpu.memory_space<hbm>>
    %dma_wait3A_1731 = tpu.memref_squeeze %dma_wait3A_1730 : memref<1x64x128xf32, #tpu.memory_space<hbm>> -> memref<64x128xf32, #tpu.memory_space<hbm>>
    tpu.wait_dma2 semaphore(%arg20 : memref<!tpu.dma_semaphore, #tpu.memory_space<semaphore_mem>>) src(%dma_wait3A_1731 : memref<64x128xf32, #tpu.memory_space<hbm>>) dst(%dma_wait3A_1728 : memref<64x128xf32, #tpu.memory_space<vmem>>)
    %dma_wait3A_1732 = arith.constant 5 : i32
    %dma_wait3A_1733 = arith.constant 1 : i32
    %dma_wait3A_1734 = arith.constant 0 : i32
    %dma_wait3A_1735 = arith.constant 0 : i32
    %dma_wait3A_1736 = tpu.memref_slice %arg7[%dma_wait3A_1732, %dma_wait3A_1733, %dma_wait3A_1734, %dma_wait3A_1735] : memref<6x2x64x128xf32, #tpu.memory_space<vmem>> -> memref<1x1x64x128xf32, #tpu.memory_space<vmem>>
    %dma_wait3A_1737 = tpu.memref_squeeze %dma_wait3A_1736 : memref<1x1x64x128xf32, #tpu.memory_space<vmem>> -> memref<64x128xf32, #tpu.memory_space<vmem>>
    %dma_wait3A_1738 = arith.constant 128 : i32
    %dma_wait3A_1739 = tpu.memref_slice %arg2[%select_n3A, %add3A_1523, %dma_wait3A_1738] : memref<16x2048x256xf32, #tpu.memory_space<hbm>> -> memref<1x64x128xf32, #tpu.memory_space<hbm>>
    %dma_wait3A_1740 = tpu.memref_squeeze %dma_wait3A_1739 : memref<1x64x128xf32, #tpu.memory_space<hbm>> -> memref<64x128xf32, #tpu.memory_space<hbm>>
    %dma_wait3A_1741 = arith.constant 0 : i32
    %dma_wait3A_1742 = arith.constant 0 : i32
    %dma_wait3A_1743 = tpu.memref_slice %arg7[%dma_wait3A_1732, %dma_wait3A_1733, %dma_wait3A_1741, %dma_wait3A_1742] : memref<6x2x64x128xf32, #tpu.memory_space<vmem>> -> memref<1x1x64x128xf32, #tpu.memory_space<vmem>>
    %dma_wait3A_1744 = tpu.memref_squeeze %dma_wait3A_1743 : memref<1x1x64x128xf32, #tpu.memory_space<vmem>> -> memref<64x128xf32, #tpu.memory_space<vmem>>
    %dma_wait3A_1745 = arith.constant 128 : i32
    %dma_wait3A_1746 = tpu.memref_slice %arg2[%select_n3A, %add3A_1523, %dma_wait3A_1745] : memref<16x2048x256xf32, #tpu.memory_space<hbm>> -> memref<1x64x128xf32, #tpu.memory_space<hbm>>
    %dma_wait3A_1747 = tpu.memref_squeeze %dma_wait3A_1746 : memref<1x64x128xf32, #tpu.memory_space<hbm>> -> memref<64x128xf32, #tpu.memory_space<hbm>>
    tpu.wait_dma2 semaphore(%arg21 : memref<!tpu.dma_semaphore, #tpu.memory_space<semaphore_mem>>) src(%dma_wait3A_1747 : memref<64x128xf32, #tpu.memory_space<hbm>>) dst(%dma_wait3A_1744 : memref<64x128xf32, #tpu.memory_space<vmem>>)
    %dma_start3A_1748 = arith.constant 11 : i32
    %dma_start3A_1749 = arith.constant 5 : i32
    %dma_start3A_1750 = arith.constant 0 : i32
    %dma_start3A_1751 = arith.constant 0 : i32
    %dma_start3A_1752 = arith.constant 0 : i32
    %dma_start3A_1753 = tpu.memref_slice %arg7[%dma_start3A_1749, %dma_start3A_1750, %dma_start3A_1751, %dma_start3A_1752] : memref<6x2x64x128xf32, #tpu.memory_space<vmem>> -> memref<1x2x64x128xf32, #tpu.memory_space<vmem>>
    %dma_start3A_1754 = tpu.memref_squeeze %dma_start3A_1753 : memref<1x2x64x128xf32, #tpu.memory_space<vmem>> -> memref<2x64x128xf32, #tpu.memory_space<vmem>>
    %dma_start3A_1755 = tpu.memref_reshape %dma_start3A_1754 : memref<2x64x128xf32, #tpu.memory_space<vmem>> -> memref<128x128xf32, #tpu.memory_space<vmem>>
    %dma_start3A_1756 = arith.constant 0 : i32
    %dma_start3A_1757 = tpu.memref_slice %arg6[%dma_start3A_1748, %dma_start3A_1756] : memref<16x128xi32, #tpu.memory_space<vmem>> -> memref<1x128xi32, #tpu.memory_space<vmem>>
    %dma_start3A_1758 = tpu.memref_squeeze %dma_start3A_1757 : memref<1x128xi32, #tpu.memory_space<vmem>> -> memref<128xi32, #tpu.memory_space<vmem>>
    %dma_start3A_1759 = arith.constant 0 : i32
    %dma_start3A_1760 = arith.constant 0 : i32
    %dma_start3A_1761 = tpu.memref_slice %arg8[%dma_start3A_1759, %dma_start3A_1760] : memref<384x128xf32, #tpu.memory_space<vmem_shared>> -> memref<384x128xf32, #tpu.memory_space<vmem_shared>>
    tpu.enqueue_indirect_dma source(%dma_start3A_1761 : memref<384x128xf32, #tpu.memory_space<vmem_shared>>) target(%dma_start3A_1755 : memref<128x128xf32, #tpu.memory_space<vmem>>) offsets(%dma_start3A_1758 : memref<128xi32, #tpu.memory_space<vmem>>) semaphore(%arg27 : memref<!tpu.dma_semaphore, #tpu.memory_space<semaphore_mem>>) {add = true}
    %dma_wait3A_1762 = arith.constant 10 : i32
    %dma_wait3A_1763 = arith.constant 4 : i32
    %dma_wait3A_1764 = arith.constant 0 : i32
    %dma_wait3A_1765 = arith.constant 0 : i32
    %dma_wait3A_1766 = arith.constant 0 : i32
    %dma_wait3A_1767 = tpu.memref_slice %arg7[%dma_wait3A_1763, %dma_wait3A_1764, %dma_wait3A_1765, %dma_wait3A_1766] : memref<6x2x64x128xf32, #tpu.memory_space<vmem>> -> memref<1x2x64x128xf32, #tpu.memory_space<vmem>>
    %dma_wait3A_1768 = tpu.memref_squeeze %dma_wait3A_1767 : memref<1x2x64x128xf32, #tpu.memory_space<vmem>> -> memref<2x64x128xf32, #tpu.memory_space<vmem>>
    %dma_wait3A_1769 = tpu.memref_reshape %dma_wait3A_1768 : memref<2x64x128xf32, #tpu.memory_space<vmem>> -> memref<128x128xf32, #tpu.memory_space<vmem>>
    %dma_wait3A_1770 = arith.constant 0 : i32
    %dma_wait3A_1771 = tpu.memref_slice %arg6[%dma_wait3A_1762, %dma_wait3A_1770] : memref<16x128xi32, #tpu.memory_space<vmem>> -> memref<1x128xi32, #tpu.memory_space<vmem>>
    %dma_wait3A_1772 = tpu.memref_squeeze %dma_wait3A_1771 : memref<1x128xi32, #tpu.memory_space<vmem>> -> memref<128xi32, #tpu.memory_space<vmem>>
    %dma_wait3A_1773 = arith.constant 0 : i32
    %dma_wait3A_1774 = arith.constant 0 : i32
    %dma_wait3A_1775 = tpu.memref_slice %arg8[%dma_wait3A_1773, %dma_wait3A_1774] : memref<384x128xf32, #tpu.memory_space<vmem_shared>> -> memref<384x128xf32, #tpu.memory_space<vmem_shared>>
    tpu.wait_indirect_dma semaphore(%arg26 : memref<!tpu.dma_semaphore, #tpu.memory_space<semaphore_mem>>) src(%dma_wait3A_1775 : memref<384x128xf32, #tpu.memory_space<vmem_shared>>) dst(%dma_wait3A_1769 : memref<128x128xf32, #tpu.memory_space<vmem>>)
    %add3A_1776 = arith.constant 640 : i32
    %add3A_1777 = arith.addi %mul3A_50, %add3A_1776 : i32
    %dma_start3A_1778 = arith.constant 4 : i32
    %dma_start3A_1779 = arith.constant 0 : i32
    %dma_start3A_1780 = arith.constant 0 : i32
    %dma_start3A_1781 = arith.constant 0 : i32
    %dma_start3A_1782 = tpu.memref_slice %arg7[%dma_start3A_1778, %dma_start3A_1779, %dma_start3A_1780, %dma_start3A_1781] : memref<6x2x64x128xf32, #tpu.memory_space<vmem>> -> memref<1x1x64x128xf32, #tpu.memory_space<vmem>>
    %dma_start3A_1783 = tpu.memref_squeeze %dma_start3A_1782 : memref<1x1x64x128xf32, #tpu.memory_space<vmem>> -> memref<64x128xf32, #tpu.memory_space<vmem>>
    %dma_start3A_1784 = arith.constant 0 : i32
    %dma_start3A_1785 = tpu.memref_slice %arg5[%select_n3A, %add3A_1777, %dma_start3A_1784] : memref<16x2048x256xf32, #tpu.memory_space<hbm>> -> memref<1x64x128xf32, #tpu.memory_space<hbm>>
    %dma_start3A_1786 = tpu.memref_squeeze %dma_start3A_1785 : memref<1x64x128xf32, #tpu.memory_space<hbm>> -> memref<64x128xf32, #tpu.memory_space<hbm>>
    %dma_start3A_1787 = arith.constant 0 : i32
    %dma_start3A_1788 = tpu.memref_slice %arg5[%select_n3A, %add3A_1777, %dma_start3A_1787] : memref<16x2048x256xf32, #tpu.memory_space<hbm>> -> memref<1x64x128xf32, #tpu.memory_space<hbm>>
    %dma_start3A_1789 = tpu.memref_squeeze %dma_start3A_1788 : memref<1x64x128xf32, #tpu.memory_space<hbm>> -> memref<64x128xf32, #tpu.memory_space<hbm>>
    %dma_start3A_1790 = arith.constant 0 : i32
    %dma_start3A_1791 = arith.constant 0 : i32
    %dma_start3A_1792 = tpu.memref_slice %arg7[%dma_start3A_1778, %dma_start3A_1779, %dma_start3A_1790, %dma_start3A_1791] : memref<6x2x64x128xf32, #tpu.memory_space<vmem>> -> memref<1x1x64x128xf32, #tpu.memory_space<vmem>>
    %dma_start3A_1793 = tpu.memref_squeeze %dma_start3A_1792 : memref<1x1x64x128xf32, #tpu.memory_space<vmem>> -> memref<64x128xf32, #tpu.memory_space<vmem>>
    tpu.enqueue_dma source(%dma_start3A_1793 : memref<64x128xf32, #tpu.memory_space<vmem>>) target(%dma_start3A_1789 : memref<64x128xf32, #tpu.memory_space<hbm>>) target_semaphore(%arg36 : memref<!tpu.dma_semaphore, #tpu.memory_space<semaphore_mem>>)
    %dma_start3A_1794 = arith.constant 4 : i32
    %dma_start3A_1795 = arith.constant 1 : i32
    %dma_start3A_1796 = arith.constant 0 : i32
    %dma_start3A_1797 = arith.constant 0 : i32
    %dma_start3A_1798 = tpu.memref_slice %arg7[%dma_start3A_1794, %dma_start3A_1795, %dma_start3A_1796, %dma_start3A_1797] : memref<6x2x64x128xf32, #tpu.memory_space<vmem>> -> memref<1x1x64x128xf32, #tpu.memory_space<vmem>>
    %dma_start3A_1799 = tpu.memref_squeeze %dma_start3A_1798 : memref<1x1x64x128xf32, #tpu.memory_space<vmem>> -> memref<64x128xf32, #tpu.memory_space<vmem>>
    %dma_start3A_1800 = arith.constant 128 : i32
    %dma_start3A_1801 = tpu.memref_slice %arg5[%select_n3A, %add3A_1777, %dma_start3A_1800] : memref<16x2048x256xf32, #tpu.memory_space<hbm>> -> memref<1x64x128xf32, #tpu.memory_space<hbm>>
    %dma_start3A_1802 = tpu.memref_squeeze %dma_start3A_1801 : memref<1x64x128xf32, #tpu.memory_space<hbm>> -> memref<64x128xf32, #tpu.memory_space<hbm>>
    %dma_start3A_1803 = arith.constant 128 : i32
    %dma_start3A_1804 = tpu.memref_slice %arg5[%select_n3A, %add3A_1777, %dma_start3A_1803] : memref<16x2048x256xf32, #tpu.memory_space<hbm>> -> memref<1x64x128xf32, #tpu.memory_space<hbm>>
    %dma_start3A_1805 = tpu.memref_squeeze %dma_start3A_1804 : memref<1x64x128xf32, #tpu.memory_space<hbm>> -> memref<64x128xf32, #tpu.memory_space<hbm>>
    %dma_start3A_1806 = arith.constant 0 : i32
    %dma_start3A_1807 = arith.constant 0 : i32
    %dma_start3A_1808 = tpu.memref_slice %arg7[%dma_start3A_1794, %dma_start3A_1795, %dma_start3A_1806, %dma_start3A_1807] : memref<6x2x64x128xf32, #tpu.memory_space<vmem>> -> memref<1x1x64x128xf32, #tpu.memory_space<vmem>>
    %dma_start3A_1809 = tpu.memref_squeeze %dma_start3A_1808 : memref<1x1x64x128xf32, #tpu.memory_space<vmem>> -> memref<64x128xf32, #tpu.memory_space<vmem>>
    tpu.enqueue_dma source(%dma_start3A_1809 : memref<64x128xf32, #tpu.memory_space<vmem>>) target(%dma_start3A_1805 : memref<64x128xf32, #tpu.memory_space<hbm>>) target_semaphore(%arg37 : memref<!tpu.dma_semaphore, #tpu.memory_space<semaphore_mem>>)
    %dma_wait3A_1810 = arith.constant 1 : i32
    %dma_wait3A_1811 = arith.constant 0 : i32
    %dma_wait3A_1812 = arith.constant 0 : i32
    %dma_wait3A_1813 = arith.constant 0 : i32
    %dma_wait3A_1814 = tpu.memref_slice %arg7[%dma_wait3A_1810, %dma_wait3A_1811, %dma_wait3A_1812, %dma_wait3A_1813] : memref<6x2x64x128xf32, #tpu.memory_space<vmem>> -> memref<1x1x64x128xf32, #tpu.memory_space<vmem>>
    %dma_wait3A_1815 = tpu.memref_squeeze %dma_wait3A_1814 : memref<1x1x64x128xf32, #tpu.memory_space<vmem>> -> memref<64x128xf32, #tpu.memory_space<vmem>>
    %dma_wait3A_1816 = arith.constant 0 : i32
    %dma_wait3A_1817 = tpu.memref_slice %arg5[%select_n3A, %add3A_1297, %dma_wait3A_1816] : memref<16x2048x256xf32, #tpu.memory_space<hbm>> -> memref<1x64x128xf32, #tpu.memory_space<hbm>>
    %dma_wait3A_1818 = tpu.memref_squeeze %dma_wait3A_1817 : memref<1x64x128xf32, #tpu.memory_space<hbm>> -> memref<64x128xf32, #tpu.memory_space<hbm>>
    %dma_wait3A_1819 = arith.constant 0 : i32
    %dma_wait3A_1820 = tpu.memref_slice %arg5[%select_n3A, %add3A_1297, %dma_wait3A_1819] : memref<16x2048x256xf32, #tpu.memory_space<hbm>> -> memref<1x64x128xf32, #tpu.memory_space<hbm>>
    %dma_wait3A_1821 = tpu.memref_squeeze %dma_wait3A_1820 : memref<1x64x128xf32, #tpu.memory_space<hbm>> -> memref<64x128xf32, #tpu.memory_space<hbm>>
    %dma_wait3A_1822 = arith.constant 0 : i32
    %dma_wait3A_1823 = arith.constant 0 : i32
    %dma_wait3A_1824 = tpu.memref_slice %arg7[%dma_wait3A_1810, %dma_wait3A_1811, %dma_wait3A_1822, %dma_wait3A_1823] : memref<6x2x64x128xf32, #tpu.memory_space<vmem>> -> memref<1x1x64x128xf32, #tpu.memory_space<vmem>>
    %dma_wait3A_1825 = tpu.memref_squeeze %dma_wait3A_1824 : memref<1x1x64x128xf32, #tpu.memory_space<vmem>> -> memref<64x128xf32, #tpu.memory_space<vmem>>
    tpu.wait_dma2 semaphore(%arg30 : memref<!tpu.dma_semaphore, #tpu.memory_space<semaphore_mem>>) src(%dma_wait3A_1825 : memref<64x128xf32, #tpu.memory_space<vmem>>) dst(%dma_wait3A_1821 : memref<64x128xf32, #tpu.memory_space<hbm>>)
    %dma_wait3A_1826 = arith.constant 1 : i32
    %dma_wait3A_1827 = arith.constant 1 : i32
    %dma_wait3A_1828 = arith.constant 0 : i32
    %dma_wait3A_1829 = arith.constant 0 : i32
    %dma_wait3A_1830 = tpu.memref_slice %arg7[%dma_wait3A_1826, %dma_wait3A_1827, %dma_wait3A_1828, %dma_wait3A_1829] : memref<6x2x64x128xf32, #tpu.memory_space<vmem>> -> memref<1x1x64x128xf32, #tpu.memory_space<vmem>>
    %dma_wait3A_1831 = tpu.memref_squeeze %dma_wait3A_1830 : memref<1x1x64x128xf32, #tpu.memory_space<vmem>> -> memref<64x128xf32, #tpu.memory_space<vmem>>
    %dma_wait3A_1832 = arith.constant 128 : i32
    %dma_wait3A_1833 = tpu.memref_slice %arg5[%select_n3A, %add3A_1297, %dma_wait3A_1832] : memref<16x2048x256xf32, #tpu.memory_space<hbm>> -> memref<1x64x128xf32, #tpu.memory_space<hbm>>
    %dma_wait3A_1834 = tpu.memref_squeeze %dma_wait3A_1833 : memref<1x64x128xf32, #tpu.memory_space<hbm>> -> memref<64x128xf32, #tpu.memory_space<hbm>>
    %dma_wait3A_1835 = arith.constant 128 : i32
    %dma_wait3A_1836 = tpu.memref_slice %arg5[%select_n3A, %add3A_1297, %dma_wait3A_1835] : memref<16x2048x256xf32, #tpu.memory_space<hbm>> -> memref<1x64x128xf32, #tpu.memory_space<hbm>>
    %dma_wait3A_1837 = tpu.memref_squeeze %dma_wait3A_1836 : memref<1x64x128xf32, #tpu.memory_space<hbm>> -> memref<64x128xf32, #tpu.memory_space<hbm>>
    %dma_wait3A_1838 = arith.constant 0 : i32
    %dma_wait3A_1839 = arith.constant 0 : i32
    %dma_wait3A_1840 = tpu.memref_slice %arg7[%dma_wait3A_1826, %dma_wait3A_1827, %dma_wait3A_1838, %dma_wait3A_1839] : memref<6x2x64x128xf32, #tpu.memory_space<vmem>> -> memref<1x1x64x128xf32, #tpu.memory_space<vmem>>
    %dma_wait3A_1841 = tpu.memref_squeeze %dma_wait3A_1840 : memref<1x1x64x128xf32, #tpu.memory_space<vmem>> -> memref<64x128xf32, #tpu.memory_space<vmem>>
    tpu.wait_dma2 semaphore(%arg31 : memref<!tpu.dma_semaphore, #tpu.memory_space<semaphore_mem>>) src(%dma_wait3A_1841 : memref<64x128xf32, #tpu.memory_space<vmem>>) dst(%dma_wait3A_1837 : memref<64x128xf32, #tpu.memory_space<hbm>>)
    %add3A_1842 = arith.constant 832 : i32
    %add3A_1843 = arith.addi %mul3A_50, %add3A_1842 : i32
    %dma_start3A_1844 = arith.constant 1 : i32
    %dma_start3A_1845 = arith.constant 0 : i32
    %dma_start3A_1846 = arith.constant 0 : i32
    %dma_start3A_1847 = arith.constant 0 : i32
    %dma_start3A_1848 = tpu.memref_slice %arg7[%dma_start3A_1844, %dma_start3A_1845, %dma_start3A_1846, %dma_start3A_1847] : memref<6x2x64x128xf32, #tpu.memory_space<vmem>> -> memref<1x1x64x128xf32, #tpu.memory_space<vmem>>
    %dma_start3A_1849 = tpu.memref_squeeze %dma_start3A_1848 : memref<1x1x64x128xf32, #tpu.memory_space<vmem>> -> memref<64x128xf32, #tpu.memory_space<vmem>>
    %dma_start3A_1850 = arith.constant 0 : i32
    %dma_start3A_1851 = tpu.memref_slice %arg2[%select_n3A, %add3A_1843, %dma_start3A_1850] : memref<16x2048x256xf32, #tpu.memory_space<hbm>> -> memref<1x64x128xf32, #tpu.memory_space<hbm>>
    %dma_start3A_1852 = tpu.memref_squeeze %dma_start3A_1851 : memref<1x64x128xf32, #tpu.memory_space<hbm>> -> memref<64x128xf32, #tpu.memory_space<hbm>>
    %dma_start3A_1853 = arith.constant 0 : i32
    %dma_start3A_1854 = arith.constant 0 : i32
    %dma_start3A_1855 = tpu.memref_slice %arg7[%dma_start3A_1844, %dma_start3A_1845, %dma_start3A_1853, %dma_start3A_1854] : memref<6x2x64x128xf32, #tpu.memory_space<vmem>> -> memref<1x1x64x128xf32, #tpu.memory_space<vmem>>
    %dma_start3A_1856 = tpu.memref_squeeze %dma_start3A_1855 : memref<1x1x64x128xf32, #tpu.memory_space<vmem>> -> memref<64x128xf32, #tpu.memory_space<vmem>>
    %dma_start3A_1857 = arith.constant 0 : i32
    %dma_start3A_1858 = tpu.memref_slice %arg2[%select_n3A, %add3A_1843, %dma_start3A_1857] : memref<16x2048x256xf32, #tpu.memory_space<hbm>> -> memref<1x64x128xf32, #tpu.memory_space<hbm>>
    %dma_start3A_1859 = tpu.memref_squeeze %dma_start3A_1858 : memref<1x64x128xf32, #tpu.memory_space<hbm>> -> memref<64x128xf32, #tpu.memory_space<hbm>>
    tpu.enqueue_dma source(%dma_start3A_1859 : memref<64x128xf32, #tpu.memory_space<hbm>>) target(%dma_start3A_1856 : memref<64x128xf32, #tpu.memory_space<vmem>>) target_semaphore(%arg12 : memref<!tpu.dma_semaphore, #tpu.memory_space<semaphore_mem>>)
    %dma_start3A_1860 = arith.constant 1 : i32
    %dma_start3A_1861 = arith.constant 1 : i32
    %dma_start3A_1862 = arith.constant 0 : i32
    %dma_start3A_1863 = arith.constant 0 : i32
    %dma_start3A_1864 = tpu.memref_slice %arg7[%dma_start3A_1860, %dma_start3A_1861, %dma_start3A_1862, %dma_start3A_1863] : memref<6x2x64x128xf32, #tpu.memory_space<vmem>> -> memref<1x1x64x128xf32, #tpu.memory_space<vmem>>
    %dma_start3A_1865 = tpu.memref_squeeze %dma_start3A_1864 : memref<1x1x64x128xf32, #tpu.memory_space<vmem>> -> memref<64x128xf32, #tpu.memory_space<vmem>>
    %dma_start3A_1866 = arith.constant 128 : i32
    %dma_start3A_1867 = tpu.memref_slice %arg2[%select_n3A, %add3A_1843, %dma_start3A_1866] : memref<16x2048x256xf32, #tpu.memory_space<hbm>> -> memref<1x64x128xf32, #tpu.memory_space<hbm>>
    %dma_start3A_1868 = tpu.memref_squeeze %dma_start3A_1867 : memref<1x64x128xf32, #tpu.memory_space<hbm>> -> memref<64x128xf32, #tpu.memory_space<hbm>>
    %dma_start3A_1869 = arith.constant 0 : i32
    %dma_start3A_1870 = arith.constant 0 : i32
    %dma_start3A_1871 = tpu.memref_slice %arg7[%dma_start3A_1860, %dma_start3A_1861, %dma_start3A_1869, %dma_start3A_1870] : memref<6x2x64x128xf32, #tpu.memory_space<vmem>> -> memref<1x1x64x128xf32, #tpu.memory_space<vmem>>
    %dma_start3A_1872 = tpu.memref_squeeze %dma_start3A_1871 : memref<1x1x64x128xf32, #tpu.memory_space<vmem>> -> memref<64x128xf32, #tpu.memory_space<vmem>>
    %dma_start3A_1873 = arith.constant 128 : i32
    %dma_start3A_1874 = tpu.memref_slice %arg2[%select_n3A, %add3A_1843, %dma_start3A_1873] : memref<16x2048x256xf32, #tpu.memory_space<hbm>> -> memref<1x64x128xf32, #tpu.memory_space<hbm>>
    %dma_start3A_1875 = tpu.memref_squeeze %dma_start3A_1874 : memref<1x64x128xf32, #tpu.memory_space<hbm>> -> memref<64x128xf32, #tpu.memory_space<hbm>>
    tpu.enqueue_dma source(%dma_start3A_1875 : memref<64x128xf32, #tpu.memory_space<hbm>>) target(%dma_start3A_1872 : memref<64x128xf32, #tpu.memory_space<vmem>>) target_semaphore(%arg13 : memref<!tpu.dma_semaphore, #tpu.memory_space<semaphore_mem>>)
    %dma_wait3A_1876 = arith.constant 0 : i32
    %dma_wait3A_1877 = arith.constant 0 : i32
    %dma_wait3A_1878 = arith.constant 0 : i32
    %dma_wait3A_1879 = arith.constant 0 : i32
    %dma_wait3A_1880 = tpu.memref_slice %arg7[%dma_wait3A_1876, %dma_wait3A_1877, %dma_wait3A_1878, %dma_wait3A_1879] : memref<6x2x64x128xf32, #tpu.memory_space<vmem>> -> memref<1x1x64x128xf32, #tpu.memory_space<vmem>>
    %dma_wait3A_1881 = tpu.memref_squeeze %dma_wait3A_1880 : memref<1x1x64x128xf32, #tpu.memory_space<vmem>> -> memref<64x128xf32, #tpu.memory_space<vmem>>
    %dma_wait3A_1882 = arith.constant 0 : i32
    %dma_wait3A_1883 = tpu.memref_slice %arg2[%select_n3A, %add3A_1683, %dma_wait3A_1882] : memref<16x2048x256xf32, #tpu.memory_space<hbm>> -> memref<1x64x128xf32, #tpu.memory_space<hbm>>
    %dma_wait3A_1884 = tpu.memref_squeeze %dma_wait3A_1883 : memref<1x64x128xf32, #tpu.memory_space<hbm>> -> memref<64x128xf32, #tpu.memory_space<hbm>>
    %dma_wait3A_1885 = arith.constant 0 : i32
    %dma_wait3A_1886 = arith.constant 0 : i32
    %dma_wait3A_1887 = tpu.memref_slice %arg7[%dma_wait3A_1876, %dma_wait3A_1877, %dma_wait3A_1885, %dma_wait3A_1886] : memref<6x2x64x128xf32, #tpu.memory_space<vmem>> -> memref<1x1x64x128xf32, #tpu.memory_space<vmem>>
    %dma_wait3A_1888 = tpu.memref_squeeze %dma_wait3A_1887 : memref<1x1x64x128xf32, #tpu.memory_space<vmem>> -> memref<64x128xf32, #tpu.memory_space<vmem>>
    %dma_wait3A_1889 = arith.constant 0 : i32
    %dma_wait3A_1890 = tpu.memref_slice %arg2[%select_n3A, %add3A_1683, %dma_wait3A_1889] : memref<16x2048x256xf32, #tpu.memory_space<hbm>> -> memref<1x64x128xf32, #tpu.memory_space<hbm>>
    %dma_wait3A_1891 = tpu.memref_squeeze %dma_wait3A_1890 : memref<1x64x128xf32, #tpu.memory_space<hbm>> -> memref<64x128xf32, #tpu.memory_space<hbm>>
    tpu.wait_dma2 semaphore(%arg10 : memref<!tpu.dma_semaphore, #tpu.memory_space<semaphore_mem>>) src(%dma_wait3A_1891 : memref<64x128xf32, #tpu.memory_space<hbm>>) dst(%dma_wait3A_1888 : memref<64x128xf32, #tpu.memory_space<vmem>>)
    %dma_wait3A_1892 = arith.constant 0 : i32
    %dma_wait3A_1893 = arith.constant 1 : i32
    %dma_wait3A_1894 = arith.constant 0 : i32
    %dma_wait3A_1895 = arith.constant 0 : i32
    %dma_wait3A_1896 = tpu.memref_slice %arg7[%dma_wait3A_1892, %dma_wait3A_1893, %dma_wait3A_1894, %dma_wait3A_1895] : memref<6x2x64x128xf32, #tpu.memory_space<vmem>> -> memref<1x1x64x128xf32, #tpu.memory_space<vmem>>
    %dma_wait3A_1897 = tpu.memref_squeeze %dma_wait3A_1896 : memref<1x1x64x128xf32, #tpu.memory_space<vmem>> -> memref<64x128xf32, #tpu.memory_space<vmem>>
    %dma_wait3A_1898 = arith.constant 128 : i32
    %dma_wait3A_1899 = tpu.memref_slice %arg2[%select_n3A, %add3A_1683, %dma_wait3A_1898] : memref<16x2048x256xf32, #tpu.memory_space<hbm>> -> memref<1x64x128xf32, #tpu.memory_space<hbm>>
    %dma_wait3A_1900 = tpu.memref_squeeze %dma_wait3A_1899 : memref<1x64x128xf32, #tpu.memory_space<hbm>> -> memref<64x128xf32, #tpu.memory_space<hbm>>
    %dma_wait3A_1901 = arith.constant 0 : i32
    %dma_wait3A_1902 = arith.constant 0 : i32
    %dma_wait3A_1903 = tpu.memref_slice %arg7[%dma_wait3A_1892, %dma_wait3A_1893, %dma_wait3A_1901, %dma_wait3A_1902] : memref<6x2x64x128xf32, #tpu.memory_space<vmem>> -> memref<1x1x64x128xf32, #tpu.memory_space<vmem>>
    %dma_wait3A_1904 = tpu.memref_squeeze %dma_wait3A_1903 : memref<1x1x64x128xf32, #tpu.memory_space<vmem>> -> memref<64x128xf32, #tpu.memory_space<vmem>>
    %dma_wait3A_1905 = arith.constant 128 : i32
    %dma_wait3A_1906 = tpu.memref_slice %arg2[%select_n3A, %add3A_1683, %dma_wait3A_1905] : memref<16x2048x256xf32, #tpu.memory_space<hbm>> -> memref<1x64x128xf32, #tpu.memory_space<hbm>>
    %dma_wait3A_1907 = tpu.memref_squeeze %dma_wait3A_1906 : memref<1x64x128xf32, #tpu.memory_space<hbm>> -> memref<64x128xf32, #tpu.memory_space<hbm>>
    tpu.wait_dma2 semaphore(%arg11 : memref<!tpu.dma_semaphore, #tpu.memory_space<semaphore_mem>>) src(%dma_wait3A_1907 : memref<64x128xf32, #tpu.memory_space<hbm>>) dst(%dma_wait3A_1904 : memref<64x128xf32, #tpu.memory_space<vmem>>)
    %dma_start3A_1908 = arith.constant 12 : i32
    %dma_start3A_1909 = arith.constant 0 : i32
    %dma_start3A_1910 = arith.constant 0 : i32
    %dma_start3A_1911 = arith.constant 0 : i32
    %dma_start3A_1912 = arith.constant 0 : i32
    %dma_start3A_1913 = tpu.memref_slice %arg7[%dma_start3A_1909, %dma_start3A_1910, %dma_start3A_1911, %dma_start3A_1912] : memref<6x2x64x128xf32, #tpu.memory_space<vmem>> -> memref<1x2x64x128xf32, #tpu.memory_space<vmem>>
    %dma_start3A_1914 = tpu.memref_squeeze %dma_start3A_1913 : memref<1x2x64x128xf32, #tpu.memory_space<vmem>> -> memref<2x64x128xf32, #tpu.memory_space<vmem>>
    %dma_start3A_1915 = tpu.memref_reshape %dma_start3A_1914 : memref<2x64x128xf32, #tpu.memory_space<vmem>> -> memref<128x128xf32, #tpu.memory_space<vmem>>
    %dma_start3A_1916 = arith.constant 0 : i32
    %dma_start3A_1917 = tpu.memref_slice %arg6[%dma_start3A_1908, %dma_start3A_1916] : memref<16x128xi32, #tpu.memory_space<vmem>> -> memref<1x128xi32, #tpu.memory_space<vmem>>
    %dma_start3A_1918 = tpu.memref_squeeze %dma_start3A_1917 : memref<1x128xi32, #tpu.memory_space<vmem>> -> memref<128xi32, #tpu.memory_space<vmem>>
    %dma_start3A_1919 = arith.constant 0 : i32
    %dma_start3A_1920 = arith.constant 0 : i32
    %dma_start3A_1921 = tpu.memref_slice %arg8[%dma_start3A_1919, %dma_start3A_1920] : memref<384x128xf32, #tpu.memory_space<vmem_shared>> -> memref<384x128xf32, #tpu.memory_space<vmem_shared>>
    tpu.enqueue_indirect_dma source(%dma_start3A_1921 : memref<384x128xf32, #tpu.memory_space<vmem_shared>>) target(%dma_start3A_1915 : memref<128x128xf32, #tpu.memory_space<vmem>>) offsets(%dma_start3A_1918 : memref<128xi32, #tpu.memory_space<vmem>>) semaphore(%arg22 : memref<!tpu.dma_semaphore, #tpu.memory_space<semaphore_mem>>) {add = true}
    %dma_wait3A_1922 = arith.constant 11 : i32
    %dma_wait3A_1923 = arith.constant 5 : i32
    %dma_wait3A_1924 = arith.constant 0 : i32
    %dma_wait3A_1925 = arith.constant 0 : i32
    %dma_wait3A_1926 = arith.constant 0 : i32
    %dma_wait3A_1927 = tpu.memref_slice %arg7[%dma_wait3A_1923, %dma_wait3A_1924, %dma_wait3A_1925, %dma_wait3A_1926] : memref<6x2x64x128xf32, #tpu.memory_space<vmem>> -> memref<1x2x64x128xf32, #tpu.memory_space<vmem>>
    %dma_wait3A_1928 = tpu.memref_squeeze %dma_wait3A_1927 : memref<1x2x64x128xf32, #tpu.memory_space<vmem>> -> memref<2x64x128xf32, #tpu.memory_space<vmem>>
    %dma_wait3A_1929 = tpu.memref_reshape %dma_wait3A_1928 : memref<2x64x128xf32, #tpu.memory_space<vmem>> -> memref<128x128xf32, #tpu.memory_space<vmem>>
    %dma_wait3A_1930 = arith.constant 0 : i32
    %dma_wait3A_1931 = tpu.memref_slice %arg6[%dma_wait3A_1922, %dma_wait3A_1930] : memref<16x128xi32, #tpu.memory_space<vmem>> -> memref<1x128xi32, #tpu.memory_space<vmem>>
    %dma_wait3A_1932 = tpu.memref_squeeze %dma_wait3A_1931 : memref<1x128xi32, #tpu.memory_space<vmem>> -> memref<128xi32, #tpu.memory_space<vmem>>
    %dma_wait3A_1933 = arith.constant 0 : i32
    %dma_wait3A_1934 = arith.constant 0 : i32
    %dma_wait3A_1935 = tpu.memref_slice %arg8[%dma_wait3A_1933, %dma_wait3A_1934] : memref<384x128xf32, #tpu.memory_space<vmem_shared>> -> memref<384x128xf32, #tpu.memory_space<vmem_shared>>
    tpu.wait_indirect_dma semaphore(%arg27 : memref<!tpu.dma_semaphore, #tpu.memory_space<semaphore_mem>>) src(%dma_wait3A_1935 : memref<384x128xf32, #tpu.memory_space<vmem_shared>>) dst(%dma_wait3A_1929 : memref<128x128xf32, #tpu.memory_space<vmem>>)
    %add3A_1936 = arith.constant 704 : i32
    %add3A_1937 = arith.addi %mul3A_50, %add3A_1936 : i32
    %dma_start3A_1938 = arith.constant 5 : i32
    %dma_start3A_1939 = arith.constant 0 : i32
    %dma_start3A_1940 = arith.constant 0 : i32
    %dma_start3A_1941 = arith.constant 0 : i32
    %dma_start3A_1942 = tpu.memref_slice %arg7[%dma_start3A_1938, %dma_start3A_1939, %dma_start3A_1940, %dma_start3A_1941] : memref<6x2x64x128xf32, #tpu.memory_space<vmem>> -> memref<1x1x64x128xf32, #tpu.memory_space<vmem>>
    %dma_start3A_1943 = tpu.memref_squeeze %dma_start3A_1942 : memref<1x1x64x128xf32, #tpu.memory_space<vmem>> -> memref<64x128xf32, #tpu.memory_space<vmem>>
    %dma_start3A_1944 = arith.constant 0 : i32
    %dma_start3A_1945 = tpu.memref_slice %arg5[%select_n3A, %add3A_1937, %dma_start3A_1944] : memref<16x2048x256xf32, #tpu.memory_space<hbm>> -> memref<1x64x128xf32, #tpu.memory_space<hbm>>
    %dma_start3A_1946 = tpu.memref_squeeze %dma_start3A_1945 : memref<1x64x128xf32, #tpu.memory_space<hbm>> -> memref<64x128xf32, #tpu.memory_space<hbm>>
    %dma_start3A_1947 = arith.constant 0 : i32
    %dma_start3A_1948 = tpu.memref_slice %arg5[%select_n3A, %add3A_1937, %dma_start3A_1947] : memref<16x2048x256xf32, #tpu.memory_space<hbm>> -> memref<1x64x128xf32, #tpu.memory_space<hbm>>
    %dma_start3A_1949 = tpu.memref_squeeze %dma_start3A_1948 : memref<1x64x128xf32, #tpu.memory_space<hbm>> -> memref<64x128xf32, #tpu.memory_space<hbm>>
    %dma_start3A_1950 = arith.constant 0 : i32
    %dma_start3A_1951 = arith.constant 0 : i32
    %dma_start3A_1952 = tpu.memref_slice %arg7[%dma_start3A_1938, %dma_start3A_1939, %dma_start3A_1950, %dma_start3A_1951] : memref<6x2x64x128xf32, #tpu.memory_space<vmem>> -> memref<1x1x64x128xf32, #tpu.memory_space<vmem>>
    %dma_start3A_1953 = tpu.memref_squeeze %dma_start3A_1952 : memref<1x1x64x128xf32, #tpu.memory_space<vmem>> -> memref<64x128xf32, #tpu.memory_space<vmem>>
    tpu.enqueue_dma source(%dma_start3A_1953 : memref<64x128xf32, #tpu.memory_space<vmem>>) target(%dma_start3A_1949 : memref<64x128xf32, #tpu.memory_space<hbm>>) target_semaphore(%arg38 : memref<!tpu.dma_semaphore, #tpu.memory_space<semaphore_mem>>)
    %dma_start3A_1954 = arith.constant 5 : i32
    %dma_start3A_1955 = arith.constant 1 : i32
    %dma_start3A_1956 = arith.constant 0 : i32
    %dma_start3A_1957 = arith.constant 0 : i32
    %dma_start3A_1958 = tpu.memref_slice %arg7[%dma_start3A_1954, %dma_start3A_1955, %dma_start3A_1956, %dma_start3A_1957] : memref<6x2x64x128xf32, #tpu.memory_space<vmem>> -> memref<1x1x64x128xf32, #tpu.memory_space<vmem>>
    %dma_start3A_1959 = tpu.memref_squeeze %dma_start3A_1958 : memref<1x1x64x128xf32, #tpu.memory_space<vmem>> -> memref<64x128xf32, #tpu.memory_space<vmem>>
    %dma_start3A_1960 = arith.constant 128 : i32
    %dma_start3A_1961 = tpu.memref_slice %arg5[%select_n3A, %add3A_1937, %dma_start3A_1960] : memref<16x2048x256xf32, #tpu.memory_space<hbm>> -> memref<1x64x128xf32, #tpu.memory_space<hbm>>
    %dma_start3A_1962 = tpu.memref_squeeze %dma_start3A_1961 : memref<1x64x128xf32, #tpu.memory_space<hbm>> -> memref<64x128xf32, #tpu.memory_space<hbm>>
    %dma_start3A_1963 = arith.constant 128 : i32
    %dma_start3A_1964 = tpu.memref_slice %arg5[%select_n3A, %add3A_1937, %dma_start3A_1963] : memref<16x2048x256xf32, #tpu.memory_space<hbm>> -> memref<1x64x128xf32, #tpu.memory_space<hbm>>
    %dma_start3A_1965 = tpu.memref_squeeze %dma_start3A_1964 : memref<1x64x128xf32, #tpu.memory_space<hbm>> -> memref<64x128xf32, #tpu.memory_space<hbm>>
    %dma_start3A_1966 = arith.constant 0 : i32
    %dma_start3A_1967 = arith.constant 0 : i32
    %dma_start3A_1968 = tpu.memref_slice %arg7[%dma_start3A_1954, %dma_start3A_1955, %dma_start3A_1966, %dma_start3A_1967] : memref<6x2x64x128xf32, #tpu.memory_space<vmem>> -> memref<1x1x64x128xf32, #tpu.memory_space<vmem>>
    %dma_start3A_1969 = tpu.memref_squeeze %dma_start3A_1968 : memref<1x1x64x128xf32, #tpu.memory_space<vmem>> -> memref<64x128xf32, #tpu.memory_space<vmem>>
    tpu.enqueue_dma source(%dma_start3A_1969 : memref<64x128xf32, #tpu.memory_space<vmem>>) target(%dma_start3A_1965 : memref<64x128xf32, #tpu.memory_space<hbm>>) target_semaphore(%arg39 : memref<!tpu.dma_semaphore, #tpu.memory_space<semaphore_mem>>)
    %dma_wait3A_1970 = arith.constant 2 : i32
    %dma_wait3A_1971 = arith.constant 0 : i32
    %dma_wait3A_1972 = arith.constant 0 : i32
    %dma_wait3A_1973 = arith.constant 0 : i32
    %dma_wait3A_1974 = tpu.memref_slice %arg7[%dma_wait3A_1970, %dma_wait3A_1971, %dma_wait3A_1972, %dma_wait3A_1973] : memref<6x2x64x128xf32, #tpu.memory_space<vmem>> -> memref<1x1x64x128xf32, #tpu.memory_space<vmem>>
    %dma_wait3A_1975 = tpu.memref_squeeze %dma_wait3A_1974 : memref<1x1x64x128xf32, #tpu.memory_space<vmem>> -> memref<64x128xf32, #tpu.memory_space<vmem>>
    %dma_wait3A_1976 = arith.constant 0 : i32
    %dma_wait3A_1977 = tpu.memref_slice %arg5[%select_n3A, %add3A_1457, %dma_wait3A_1976] : memref<16x2048x256xf32, #tpu.memory_space<hbm>> -> memref<1x64x128xf32, #tpu.memory_space<hbm>>
    %dma_wait3A_1978 = tpu.memref_squeeze %dma_wait3A_1977 : memref<1x64x128xf32, #tpu.memory_space<hbm>> -> memref<64x128xf32, #tpu.memory_space<hbm>>
    %dma_wait3A_1979 = arith.constant 0 : i32
    %dma_wait3A_1980 = tpu.memref_slice %arg5[%select_n3A, %add3A_1457, %dma_wait3A_1979] : memref<16x2048x256xf32, #tpu.memory_space<hbm>> -> memref<1x64x128xf32, #tpu.memory_space<hbm>>
    %dma_wait3A_1981 = tpu.memref_squeeze %dma_wait3A_1980 : memref<1x64x128xf32, #tpu.memory_space<hbm>> -> memref<64x128xf32, #tpu.memory_space<hbm>>
    %dma_wait3A_1982 = arith.constant 0 : i32
    %dma_wait3A_1983 = arith.constant 0 : i32
    %dma_wait3A_1984 = tpu.memref_slice %arg7[%dma_wait3A_1970, %dma_wait3A_1971, %dma_wait3A_1982, %dma_wait3A_1983] : memref<6x2x64x128xf32, #tpu.memory_space<vmem>> -> memref<1x1x64x128xf32, #tpu.memory_space<vmem>>
    %dma_wait3A_1985 = tpu.memref_squeeze %dma_wait3A_1984 : memref<1x1x64x128xf32, #tpu.memory_space<vmem>> -> memref<64x128xf32, #tpu.memory_space<vmem>>
    tpu.wait_dma2 semaphore(%arg32 : memref<!tpu.dma_semaphore, #tpu.memory_space<semaphore_mem>>) src(%dma_wait3A_1985 : memref<64x128xf32, #tpu.memory_space<vmem>>) dst(%dma_wait3A_1981 : memref<64x128xf32, #tpu.memory_space<hbm>>)
    %dma_wait3A_1986 = arith.constant 2 : i32
    %dma_wait3A_1987 = arith.constant 1 : i32
    %dma_wait3A_1988 = arith.constant 0 : i32
    %dma_wait3A_1989 = arith.constant 0 : i32
    %dma_wait3A_1990 = tpu.memref_slice %arg7[%dma_wait3A_1986, %dma_wait3A_1987, %dma_wait3A_1988, %dma_wait3A_1989] : memref<6x2x64x128xf32, #tpu.memory_space<vmem>> -> memref<1x1x64x128xf32, #tpu.memory_space<vmem>>
    %dma_wait3A_1991 = tpu.memref_squeeze %dma_wait3A_1990 : memref<1x1x64x128xf32, #tpu.memory_space<vmem>> -> memref<64x128xf32, #tpu.memory_space<vmem>>
    %dma_wait3A_1992 = arith.constant 128 : i32
    %dma_wait3A_1993 = tpu.memref_slice %arg5[%select_n3A, %add3A_1457, %dma_wait3A_1992] : memref<16x2048x256xf32, #tpu.memory_space<hbm>> -> memref<1x64x128xf32, #tpu.memory_space<hbm>>
    %dma_wait3A_1994 = tpu.memref_squeeze %dma_wait3A_1993 : memref<1x64x128xf32, #tpu.memory_space<hbm>> -> memref<64x128xf32, #tpu.memory_space<hbm>>
    %dma_wait3A_1995 = arith.constant 128 : i32
    %dma_wait3A_1996 = tpu.memref_slice %arg5[%select_n3A, %add3A_1457, %dma_wait3A_1995] : memref<16x2048x256xf32, #tpu.memory_space<hbm>> -> memref<1x64x128xf32, #tpu.memory_space<hbm>>
    %dma_wait3A_1997 = tpu.memref_squeeze %dma_wait3A_1996 : memref<1x64x128xf32, #tpu.memory_space<hbm>> -> memref<64x128xf32, #tpu.memory_space<hbm>>
    %dma_wait3A_1998 = arith.constant 0 : i32
    %dma_wait3A_1999 = arith.constant 0 : i32
    %dma_wait3A_2000 = tpu.memref_slice %arg7[%dma_wait3A_1986, %dma_wait3A_1987, %dma_wait3A_1998, %dma_wait3A_1999] : memref<6x2x64x128xf32, #tpu.memory_space<vmem>> -> memref<1x1x64x128xf32, #tpu.memory_space<vmem>>
    %dma_wait3A_2001 = tpu.memref_squeeze %dma_wait3A_2000 : memref<1x1x64x128xf32, #tpu.memory_space<vmem>> -> memref<64x128xf32, #tpu.memory_space<vmem>>
    tpu.wait_dma2 semaphore(%arg33 : memref<!tpu.dma_semaphore, #tpu.memory_space<semaphore_mem>>) src(%dma_wait3A_2001 : memref<64x128xf32, #tpu.memory_space<vmem>>) dst(%dma_wait3A_1997 : memref<64x128xf32, #tpu.memory_space<hbm>>)
    %add3A_2002 = arith.constant 896 : i32
    %add3A_2003 = arith.addi %mul3A_50, %add3A_2002 : i32
    %dma_start3A_2004 = arith.constant 2 : i32
    %dma_start3A_2005 = arith.constant 0 : i32
    %dma_start3A_2006 = arith.constant 0 : i32
    %dma_start3A_2007 = arith.constant 0 : i32
    %dma_start3A_2008 = tpu.memref_slice %arg7[%dma_start3A_2004, %dma_start3A_2005, %dma_start3A_2006, %dma_start3A_2007] : memref<6x2x64x128xf32, #tpu.memory_space<vmem>> -> memref<1x1x64x128xf32, #tpu.memory_space<vmem>>
    %dma_start3A_2009 = tpu.memref_squeeze %dma_start3A_2008 : memref<1x1x64x128xf32, #tpu.memory_space<vmem>> -> memref<64x128xf32, #tpu.memory_space<vmem>>
    %dma_start3A_2010 = arith.constant 0 : i32
    %dma_start3A_2011 = tpu.memref_slice %arg2[%select_n3A, %add3A_2003, %dma_start3A_2010] : memref<16x2048x256xf32, #tpu.memory_space<hbm>> -> memref<1x64x128xf32, #tpu.memory_space<hbm>>
    %dma_start3A_2012 = tpu.memref_squeeze %dma_start3A_2011 : memref<1x64x128xf32, #tpu.memory_space<hbm>> -> memref<64x128xf32, #tpu.memory_space<hbm>>
    %dma_start3A_2013 = arith.constant 0 : i32
    %dma_start3A_2014 = arith.constant 0 : i32
    %dma_start3A_2015 = tpu.memref_slice %arg7[%dma_start3A_2004, %dma_start3A_2005, %dma_start3A_2013, %dma_start3A_2014] : memref<6x2x64x128xf32, #tpu.memory_space<vmem>> -> memref<1x1x64x128xf32, #tpu.memory_space<vmem>>
    %dma_start3A_2016 = tpu.memref_squeeze %dma_start3A_2015 : memref<1x1x64x128xf32, #tpu.memory_space<vmem>> -> memref<64x128xf32, #tpu.memory_space<vmem>>
    %dma_start3A_2017 = arith.constant 0 : i32
    %dma_start3A_2018 = tpu.memref_slice %arg2[%select_n3A, %add3A_2003, %dma_start3A_2017] : memref<16x2048x256xf32, #tpu.memory_space<hbm>> -> memref<1x64x128xf32, #tpu.memory_space<hbm>>
    %dma_start3A_2019 = tpu.memref_squeeze %dma_start3A_2018 : memref<1x64x128xf32, #tpu.memory_space<hbm>> -> memref<64x128xf32, #tpu.memory_space<hbm>>
    tpu.enqueue_dma source(%dma_start3A_2019 : memref<64x128xf32, #tpu.memory_space<hbm>>) target(%dma_start3A_2016 : memref<64x128xf32, #tpu.memory_space<vmem>>) target_semaphore(%arg14 : memref<!tpu.dma_semaphore, #tpu.memory_space<semaphore_mem>>)
    %dma_start3A_2020 = arith.constant 2 : i32
    %dma_start3A_2021 = arith.constant 1 : i32
    %dma_start3A_2022 = arith.constant 0 : i32
    %dma_start3A_2023 = arith.constant 0 : i32
    %dma_start3A_2024 = tpu.memref_slice %arg7[%dma_start3A_2020, %dma_start3A_2021, %dma_start3A_2022, %dma_start3A_2023] : memref<6x2x64x128xf32, #tpu.memory_space<vmem>> -> memref<1x1x64x128xf32, #tpu.memory_space<vmem>>
    %dma_start3A_2025 = tpu.memref_squeeze %dma_start3A_2024 : memref<1x1x64x128xf32, #tpu.memory_space<vmem>> -> memref<64x128xf32, #tpu.memory_space<vmem>>
    %dma_start3A_2026 = arith.constant 128 : i32
    %dma_start3A_2027 = tpu.memref_slice %arg2[%select_n3A, %add3A_2003, %dma_start3A_2026] : memref<16x2048x256xf32, #tpu.memory_space<hbm>> -> memref<1x64x128xf32, #tpu.memory_space<hbm>>
    %dma_start3A_2028 = tpu.memref_squeeze %dma_start3A_2027 : memref<1x64x128xf32, #tpu.memory_space<hbm>> -> memref<64x128xf32, #tpu.memory_space<hbm>>
    %dma_start3A_2029 = arith.constant 0 : i32
    %dma_start3A_2030 = arith.constant 0 : i32
    %dma_start3A_2031 = tpu.memref_slice %arg7[%dma_start3A_2020, %dma_start3A_2021, %dma_start3A_2029, %dma_start3A_2030] : memref<6x2x64x128xf32, #tpu.memory_space<vmem>> -> memref<1x1x64x128xf32, #tpu.memory_space<vmem>>
    %dma_start3A_2032 = tpu.memref_squeeze %dma_start3A_2031 : memref<1x1x64x128xf32, #tpu.memory_space<vmem>> -> memref<64x128xf32, #tpu.memory_space<vmem>>
    %dma_start3A_2033 = arith.constant 128 : i32
    %dma_start3A_2034 = tpu.memref_slice %arg2[%select_n3A, %add3A_2003, %dma_start3A_2033] : memref<16x2048x256xf32, #tpu.memory_space<hbm>> -> memref<1x64x128xf32, #tpu.memory_space<hbm>>
    %dma_start3A_2035 = tpu.memref_squeeze %dma_start3A_2034 : memref<1x64x128xf32, #tpu.memory_space<hbm>> -> memref<64x128xf32, #tpu.memory_space<hbm>>
    tpu.enqueue_dma source(%dma_start3A_2035 : memref<64x128xf32, #tpu.memory_space<hbm>>) target(%dma_start3A_2032 : memref<64x128xf32, #tpu.memory_space<vmem>>) target_semaphore(%arg15 : memref<!tpu.dma_semaphore, #tpu.memory_space<semaphore_mem>>)
    %dma_wait3A_2036 = arith.constant 1 : i32
    %dma_wait3A_2037 = arith.constant 0 : i32
    %dma_wait3A_2038 = arith.constant 0 : i32
    %dma_wait3A_2039 = arith.constant 0 : i32
    %dma_wait3A_2040 = tpu.memref_slice %arg7[%dma_wait3A_2036, %dma_wait3A_2037, %dma_wait3A_2038, %dma_wait3A_2039] : memref<6x2x64x128xf32, #tpu.memory_space<vmem>> -> memref<1x1x64x128xf32, #tpu.memory_space<vmem>>
    %dma_wait3A_2041 = tpu.memref_squeeze %dma_wait3A_2040 : memref<1x1x64x128xf32, #tpu.memory_space<vmem>> -> memref<64x128xf32, #tpu.memory_space<vmem>>
    %dma_wait3A_2042 = arith.constant 0 : i32
    %dma_wait3A_2043 = tpu.memref_slice %arg2[%select_n3A, %add3A_1843, %dma_wait3A_2042] : memref<16x2048x256xf32, #tpu.memory_space<hbm>> -> memref<1x64x128xf32, #tpu.memory_space<hbm>>
    %dma_wait3A_2044 = tpu.memref_squeeze %dma_wait3A_2043 : memref<1x64x128xf32, #tpu.memory_space<hbm>> -> memref<64x128xf32, #tpu.memory_space<hbm>>
    %dma_wait3A_2045 = arith.constant 0 : i32
    %dma_wait3A_2046 = arith.constant 0 : i32
    %dma_wait3A_2047 = tpu.memref_slice %arg7[%dma_wait3A_2036, %dma_wait3A_2037, %dma_wait3A_2045, %dma_wait3A_2046] : memref<6x2x64x128xf32, #tpu.memory_space<vmem>> -> memref<1x1x64x128xf32, #tpu.memory_space<vmem>>
    %dma_wait3A_2048 = tpu.memref_squeeze %dma_wait3A_2047 : memref<1x1x64x128xf32, #tpu.memory_space<vmem>> -> memref<64x128xf32, #tpu.memory_space<vmem>>
    %dma_wait3A_2049 = arith.constant 0 : i32
    %dma_wait3A_2050 = tpu.memref_slice %arg2[%select_n3A, %add3A_1843, %dma_wait3A_2049] : memref<16x2048x256xf32, #tpu.memory_space<hbm>> -> memref<1x64x128xf32, #tpu.memory_space<hbm>>
    %dma_wait3A_2051 = tpu.memref_squeeze %dma_wait3A_2050 : memref<1x64x128xf32, #tpu.memory_space<hbm>> -> memref<64x128xf32, #tpu.memory_space<hbm>>
    tpu.wait_dma2 semaphore(%arg12 : memref<!tpu.dma_semaphore, #tpu.memory_space<semaphore_mem>>) src(%dma_wait3A_2051 : memref<64x128xf32, #tpu.memory_space<hbm>>) dst(%dma_wait3A_2048 : memref<64x128xf32, #tpu.memory_space<vmem>>)
    %dma_wait3A_2052 = arith.constant 1 : i32
    %dma_wait3A_2053 = arith.constant 1 : i32
    %dma_wait3A_2054 = arith.constant 0 : i32
    %dma_wait3A_2055 = arith.constant 0 : i32
    %dma_wait3A_2056 = tpu.memref_slice %arg7[%dma_wait3A_2052, %dma_wait3A_2053, %dma_wait3A_2054, %dma_wait3A_2055] : memref<6x2x64x128xf32, #tpu.memory_space<vmem>> -> memref<1x1x64x128xf32, #tpu.memory_space<vmem>>
    %dma_wait3A_2057 = tpu.memref_squeeze %dma_wait3A_2056 : memref<1x1x64x128xf32, #tpu.memory_space<vmem>> -> memref<64x128xf32, #tpu.memory_space<vmem>>
    %dma_wait3A_2058 = arith.constant 128 : i32
    %dma_wait3A_2059 = tpu.memref_slice %arg2[%select_n3A, %add3A_1843, %dma_wait3A_2058] : memref<16x2048x256xf32, #tpu.memory_space<hbm>> -> memref<1x64x128xf32, #tpu.memory_space<hbm>>
    %dma_wait3A_2060 = tpu.memref_squeeze %dma_wait3A_2059 : memref<1x64x128xf32, #tpu.memory_space<hbm>> -> memref<64x128xf32, #tpu.memory_space<hbm>>
    %dma_wait3A_2061 = arith.constant 0 : i32
    %dma_wait3A_2062 = arith.constant 0 : i32
    %dma_wait3A_2063 = tpu.memref_slice %arg7[%dma_wait3A_2052, %dma_wait3A_2053, %dma_wait3A_2061, %dma_wait3A_2062] : memref<6x2x64x128xf32, #tpu.memory_space<vmem>> -> memref<1x1x64x128xf32, #tpu.memory_space<vmem>>
    %dma_wait3A_2064 = tpu.memref_squeeze %dma_wait3A_2063 : memref<1x1x64x128xf32, #tpu.memory_space<vmem>> -> memref<64x128xf32, #tpu.memory_space<vmem>>
    %dma_wait3A_2065 = arith.constant 128 : i32
    %dma_wait3A_2066 = tpu.memref_slice %arg2[%select_n3A, %add3A_1843, %dma_wait3A_2065] : memref<16x2048x256xf32, #tpu.memory_space<hbm>> -> memref<1x64x128xf32, #tpu.memory_space<hbm>>
    %dma_wait3A_2067 = tpu.memref_squeeze %dma_wait3A_2066 : memref<1x64x128xf32, #tpu.memory_space<hbm>> -> memref<64x128xf32, #tpu.memory_space<hbm>>
    tpu.wait_dma2 semaphore(%arg13 : memref<!tpu.dma_semaphore, #tpu.memory_space<semaphore_mem>>) src(%dma_wait3A_2067 : memref<64x128xf32, #tpu.memory_space<hbm>>) dst(%dma_wait3A_2064 : memref<64x128xf32, #tpu.memory_space<vmem>>)
    %dma_start3A_2068 = arith.constant 13 : i32
    %dma_start3A_2069 = arith.constant 1 : i32
    %dma_start3A_2070 = arith.constant 0 : i32
    %dma_start3A_2071 = arith.constant 0 : i32
    %dma_start3A_2072 = arith.constant 0 : i32
    %dma_start3A_2073 = tpu.memref_slice %arg7[%dma_start3A_2069, %dma_start3A_2070, %dma_start3A_2071, %dma_start3A_2072] : memref<6x2x64x128xf32, #tpu.memory_space<vmem>> -> memref<1x2x64x128xf32, #tpu.memory_space<vmem>>
    %dma_start3A_2074 = tpu.memref_squeeze %dma_start3A_2073 : memref<1x2x64x128xf32, #tpu.memory_space<vmem>> -> memref<2x64x128xf32, #tpu.memory_space<vmem>>
    %dma_start3A_2075 = tpu.memref_reshape %dma_start3A_2074 : memref<2x64x128xf32, #tpu.memory_space<vmem>> -> memref<128x128xf32, #tpu.memory_space<vmem>>
    %dma_start3A_2076 = arith.constant 0 : i32
    %dma_start3A_2077 = tpu.memref_slice %arg6[%dma_start3A_2068, %dma_start3A_2076] : memref<16x128xi32, #tpu.memory_space<vmem>> -> memref<1x128xi32, #tpu.memory_space<vmem>>
    %dma_start3A_2078 = tpu.memref_squeeze %dma_start3A_2077 : memref<1x128xi32, #tpu.memory_space<vmem>> -> memref<128xi32, #tpu.memory_space<vmem>>
    %dma_start3A_2079 = arith.constant 0 : i32
    %dma_start3A_2080 = arith.constant 0 : i32
    %dma_start3A_2081 = tpu.memref_slice %arg8[%dma_start3A_2079, %dma_start3A_2080] : memref<384x128xf32, #tpu.memory_space<vmem_shared>> -> memref<384x128xf32, #tpu.memory_space<vmem_shared>>
    tpu.enqueue_indirect_dma source(%dma_start3A_2081 : memref<384x128xf32, #tpu.memory_space<vmem_shared>>) target(%dma_start3A_2075 : memref<128x128xf32, #tpu.memory_space<vmem>>) offsets(%dma_start3A_2078 : memref<128xi32, #tpu.memory_space<vmem>>) semaphore(%arg23 : memref<!tpu.dma_semaphore, #tpu.memory_space<semaphore_mem>>) {add = true}
    %dma_wait3A_2082 = arith.constant 12 : i32
    %dma_wait3A_2083 = arith.constant 0 : i32
    %dma_wait3A_2084 = arith.constant 0 : i32
    %dma_wait3A_2085 = arith.constant 0 : i32
    %dma_wait3A_2086 = arith.constant 0 : i32
    %dma_wait3A_2087 = tpu.memref_slice %arg7[%dma_wait3A_2083, %dma_wait3A_2084, %dma_wait3A_2085, %dma_wait3A_2086] : memref<6x2x64x128xf32, #tpu.memory_space<vmem>> -> memref<1x2x64x128xf32, #tpu.memory_space<vmem>>
    %dma_wait3A_2088 = tpu.memref_squeeze %dma_wait3A_2087 : memref<1x2x64x128xf32, #tpu.memory_space<vmem>> -> memref<2x64x128xf32, #tpu.memory_space<vmem>>
    %dma_wait3A_2089 = tpu.memref_reshape %dma_wait3A_2088 : memref<2x64x128xf32, #tpu.memory_space<vmem>> -> memref<128x128xf32, #tpu.memory_space<vmem>>
    %dma_wait3A_2090 = arith.constant 0 : i32
    %dma_wait3A_2091 = tpu.memref_slice %arg6[%dma_wait3A_2082, %dma_wait3A_2090] : memref<16x128xi32, #tpu.memory_space<vmem>> -> memref<1x128xi32, #tpu.memory_space<vmem>>
    %dma_wait3A_2092 = tpu.memref_squeeze %dma_wait3A_2091 : memref<1x128xi32, #tpu.memory_space<vmem>> -> memref<128xi32, #tpu.memory_space<vmem>>
    %dma_wait3A_2093 = arith.constant 0 : i32
    %dma_wait3A_2094 = arith.constant 0 : i32
    %dma_wait3A_2095 = tpu.memref_slice %arg8[%dma_wait3A_2093, %dma_wait3A_2094] : memref<384x128xf32, #tpu.memory_space<vmem_shared>> -> memref<384x128xf32, #tpu.memory_space<vmem_shared>>
    tpu.wait_indirect_dma semaphore(%arg22 : memref<!tpu.dma_semaphore, #tpu.memory_space<semaphore_mem>>) src(%dma_wait3A_2095 : memref<384x128xf32, #tpu.memory_space<vmem_shared>>) dst(%dma_wait3A_2089 : memref<128x128xf32, #tpu.memory_space<vmem>>)
    %add3A_2096 = arith.constant 768 : i32
    %add3A_2097 = arith.addi %mul3A_50, %add3A_2096 : i32
    %dma_start3A_2098 = arith.constant 0 : i32
    %dma_start3A_2099 = arith.constant 0 : i32
    %dma_start3A_2100 = arith.constant 0 : i32
    %dma_start3A_2101 = arith.constant 0 : i32
    %dma_start3A_2102 = tpu.memref_slice %arg7[%dma_start3A_2098, %dma_start3A_2099, %dma_start3A_2100, %dma_start3A_2101] : memref<6x2x64x128xf32, #tpu.memory_space<vmem>> -> memref<1x1x64x128xf32, #tpu.memory_space<vmem>>
    %dma_start3A_2103 = tpu.memref_squeeze %dma_start3A_2102 : memref<1x1x64x128xf32, #tpu.memory_space<vmem>> -> memref<64x128xf32, #tpu.memory_space<vmem>>
    %dma_start3A_2104 = arith.constant 0 : i32
    %dma_start3A_2105 = tpu.memref_slice %arg5[%select_n3A, %add3A_2097, %dma_start3A_2104] : memref<16x2048x256xf32, #tpu.memory_space<hbm>> -> memref<1x64x128xf32, #tpu.memory_space<hbm>>
    %dma_start3A_2106 = tpu.memref_squeeze %dma_start3A_2105 : memref<1x64x128xf32, #tpu.memory_space<hbm>> -> memref<64x128xf32, #tpu.memory_space<hbm>>
    %dma_start3A_2107 = arith.constant 0 : i32
    %dma_start3A_2108 = tpu.memref_slice %arg5[%select_n3A, %add3A_2097, %dma_start3A_2107] : memref<16x2048x256xf32, #tpu.memory_space<hbm>> -> memref<1x64x128xf32, #tpu.memory_space<hbm>>
    %dma_start3A_2109 = tpu.memref_squeeze %dma_start3A_2108 : memref<1x64x128xf32, #tpu.memory_space<hbm>> -> memref<64x128xf32, #tpu.memory_space<hbm>>
    %dma_start3A_2110 = arith.constant 0 : i32
    %dma_start3A_2111 = arith.constant 0 : i32
    %dma_start3A_2112 = tpu.memref_slice %arg7[%dma_start3A_2098, %dma_start3A_2099, %dma_start3A_2110, %dma_start3A_2111] : memref<6x2x64x128xf32, #tpu.memory_space<vmem>> -> memref<1x1x64x128xf32, #tpu.memory_space<vmem>>
    %dma_start3A_2113 = tpu.memref_squeeze %dma_start3A_2112 : memref<1x1x64x128xf32, #tpu.memory_space<vmem>> -> memref<64x128xf32, #tpu.memory_space<vmem>>
    tpu.enqueue_dma source(%dma_start3A_2113 : memref<64x128xf32, #tpu.memory_space<vmem>>) target(%dma_start3A_2109 : memref<64x128xf32, #tpu.memory_space<hbm>>) target_semaphore(%arg28 : memref<!tpu.dma_semaphore, #tpu.memory_space<semaphore_mem>>)
    %dma_start3A_2114 = arith.constant 0 : i32
    %dma_start3A_2115 = arith.constant 1 : i32
    %dma_start3A_2116 = arith.constant 0 : i32
    %dma_start3A_2117 = arith.constant 0 : i32
    %dma_start3A_2118 = tpu.memref_slice %arg7[%dma_start3A_2114, %dma_start3A_2115, %dma_start3A_2116, %dma_start3A_2117] : memref<6x2x64x128xf32, #tpu.memory_space<vmem>> -> memref<1x1x64x128xf32, #tpu.memory_space<vmem>>
    %dma_start3A_2119 = tpu.memref_squeeze %dma_start3A_2118 : memref<1x1x64x128xf32, #tpu.memory_space<vmem>> -> memref<64x128xf32, #tpu.memory_space<vmem>>
    %dma_start3A_2120 = arith.constant 128 : i32
    %dma_start3A_2121 = tpu.memref_slice %arg5[%select_n3A, %add3A_2097, %dma_start3A_2120] : memref<16x2048x256xf32, #tpu.memory_space<hbm>> -> memref<1x64x128xf32, #tpu.memory_space<hbm>>
    %dma_start3A_2122 = tpu.memref_squeeze %dma_start3A_2121 : memref<1x64x128xf32, #tpu.memory_space<hbm>> -> memref<64x128xf32, #tpu.memory_space<hbm>>
    %dma_start3A_2123 = arith.constant 128 : i32
    %dma_start3A_2124 = tpu.memref_slice %arg5[%select_n3A, %add3A_2097, %dma_start3A_2123] : memref<16x2048x256xf32, #tpu.memory_space<hbm>> -> memref<1x64x128xf32, #tpu.memory_space<hbm>>
    %dma_start3A_2125 = tpu.memref_squeeze %dma_start3A_2124 : memref<1x64x128xf32, #tpu.memory_space<hbm>> -> memref<64x128xf32, #tpu.memory_space<hbm>>
    %dma_start3A_2126 = arith.constant 0 : i32
    %dma_start3A_2127 = arith.constant 0 : i32
    %dma_start3A_2128 = tpu.memref_slice %arg7[%dma_start3A_2114, %dma_start3A_2115, %dma_start3A_2126, %dma_start3A_2127] : memref<6x2x64x128xf32, #tpu.memory_space<vmem>> -> memref<1x1x64x128xf32, #tpu.memory_space<vmem>>
    %dma_start3A_2129 = tpu.memref_squeeze %dma_start3A_2128 : memref<1x1x64x128xf32, #tpu.memory_space<vmem>> -> memref<64x128xf32, #tpu.memory_space<vmem>>
    tpu.enqueue_dma source(%dma_start3A_2129 : memref<64x128xf32, #tpu.memory_space<vmem>>) target(%dma_start3A_2125 : memref<64x128xf32, #tpu.memory_space<hbm>>) target_semaphore(%arg29 : memref<!tpu.dma_semaphore, #tpu.memory_space<semaphore_mem>>)
    %dma_wait3A_2130 = arith.constant 3 : i32
    %dma_wait3A_2131 = arith.constant 0 : i32
    %dma_wait3A_2132 = arith.constant 0 : i32
    %dma_wait3A_2133 = arith.constant 0 : i32
    %dma_wait3A_2134 = tpu.memref_slice %arg7[%dma_wait3A_2130, %dma_wait3A_2131, %dma_wait3A_2132, %dma_wait3A_2133] : memref<6x2x64x128xf32, #tpu.memory_space<vmem>> -> memref<1x1x64x128xf32, #tpu.memory_space<vmem>>
    %dma_wait3A_2135 = tpu.memref_squeeze %dma_wait3A_2134 : memref<1x1x64x128xf32, #tpu.memory_space<vmem>> -> memref<64x128xf32, #tpu.memory_space<vmem>>
    %dma_wait3A_2136 = arith.constant 0 : i32
    %dma_wait3A_2137 = tpu.memref_slice %arg5[%select_n3A, %add3A_1617, %dma_wait3A_2136] : memref<16x2048x256xf32, #tpu.memory_space<hbm>> -> memref<1x64x128xf32, #tpu.memory_space<hbm>>
    %dma_wait3A_2138 = tpu.memref_squeeze %dma_wait3A_2137 : memref<1x64x128xf32, #tpu.memory_space<hbm>> -> memref<64x128xf32, #tpu.memory_space<hbm>>
    %dma_wait3A_2139 = arith.constant 0 : i32
    %dma_wait3A_2140 = tpu.memref_slice %arg5[%select_n3A, %add3A_1617, %dma_wait3A_2139] : memref<16x2048x256xf32, #tpu.memory_space<hbm>> -> memref<1x64x128xf32, #tpu.memory_space<hbm>>
    %dma_wait3A_2141 = tpu.memref_squeeze %dma_wait3A_2140 : memref<1x64x128xf32, #tpu.memory_space<hbm>> -> memref<64x128xf32, #tpu.memory_space<hbm>>
    %dma_wait3A_2142 = arith.constant 0 : i32
    %dma_wait3A_2143 = arith.constant 0 : i32
    %dma_wait3A_2144 = tpu.memref_slice %arg7[%dma_wait3A_2130, %dma_wait3A_2131, %dma_wait3A_2142, %dma_wait3A_2143] : memref<6x2x64x128xf32, #tpu.memory_space<vmem>> -> memref<1x1x64x128xf32, #tpu.memory_space<vmem>>
    %dma_wait3A_2145 = tpu.memref_squeeze %dma_wait3A_2144 : memref<1x1x64x128xf32, #tpu.memory_space<vmem>> -> memref<64x128xf32, #tpu.memory_space<vmem>>
    tpu.wait_dma2 semaphore(%arg34 : memref<!tpu.dma_semaphore, #tpu.memory_space<semaphore_mem>>) src(%dma_wait3A_2145 : memref<64x128xf32, #tpu.memory_space<vmem>>) dst(%dma_wait3A_2141 : memref<64x128xf32, #tpu.memory_space<hbm>>)
    %dma_wait3A_2146 = arith.constant 3 : i32
    %dma_wait3A_2147 = arith.constant 1 : i32
    %dma_wait3A_2148 = arith.constant 0 : i32
    %dma_wait3A_2149 = arith.constant 0 : i32
    %dma_wait3A_2150 = tpu.memref_slice %arg7[%dma_wait3A_2146, %dma_wait3A_2147, %dma_wait3A_2148, %dma_wait3A_2149] : memref<6x2x64x128xf32, #tpu.memory_space<vmem>> -> memref<1x1x64x128xf32, #tpu.memory_space<vmem>>
    %dma_wait3A_2151 = tpu.memref_squeeze %dma_wait3A_2150 : memref<1x1x64x128xf32, #tpu.memory_space<vmem>> -> memref<64x128xf32, #tpu.memory_space<vmem>>
    %dma_wait3A_2152 = arith.constant 128 : i32
    %dma_wait3A_2153 = tpu.memref_slice %arg5[%select_n3A, %add3A_1617, %dma_wait3A_2152] : memref<16x2048x256xf32, #tpu.memory_space<hbm>> -> memref<1x64x128xf32, #tpu.memory_space<hbm>>
    %dma_wait3A_2154 = tpu.memref_squeeze %dma_wait3A_2153 : memref<1x64x128xf32, #tpu.memory_space<hbm>> -> memref<64x128xf32, #tpu.memory_space<hbm>>
    %dma_wait3A_2155 = arith.constant 128 : i32
    %dma_wait3A_2156 = tpu.memref_slice %arg5[%select_n3A, %add3A_1617, %dma_wait3A_2155] : memref<16x2048x256xf32, #tpu.memory_space<hbm>> -> memref<1x64x128xf32, #tpu.memory_space<hbm>>
    %dma_wait3A_2157 = tpu.memref_squeeze %dma_wait3A_2156 : memref<1x64x128xf32, #tpu.memory_space<hbm>> -> memref<64x128xf32, #tpu.memory_space<hbm>>
    %dma_wait3A_2158 = arith.constant 0 : i32
    %dma_wait3A_2159 = arith.constant 0 : i32
    %dma_wait3A_2160 = tpu.memref_slice %arg7[%dma_wait3A_2146, %dma_wait3A_2147, %dma_wait3A_2158, %dma_wait3A_2159] : memref<6x2x64x128xf32, #tpu.memory_space<vmem>> -> memref<1x1x64x128xf32, #tpu.memory_space<vmem>>
    %dma_wait3A_2161 = tpu.memref_squeeze %dma_wait3A_2160 : memref<1x1x64x128xf32, #tpu.memory_space<vmem>> -> memref<64x128xf32, #tpu.memory_space<vmem>>
    tpu.wait_dma2 semaphore(%arg35 : memref<!tpu.dma_semaphore, #tpu.memory_space<semaphore_mem>>) src(%dma_wait3A_2161 : memref<64x128xf32, #tpu.memory_space<vmem>>) dst(%dma_wait3A_2157 : memref<64x128xf32, #tpu.memory_space<hbm>>)
    %add3A_2162 = arith.constant 960 : i32
    %add3A_2163 = arith.addi %mul3A_50, %add3A_2162 : i32
    %dma_start3A_2164 = arith.constant 3 : i32
    %dma_start3A_2165 = arith.constant 0 : i32
    %dma_start3A_2166 = arith.constant 0 : i32
    %dma_start3A_2167 = arith.constant 0 : i32
    %dma_start3A_2168 = tpu.memref_slice %arg7[%dma_start3A_2164, %dma_start3A_2165, %dma_start3A_2166, %dma_start3A_2167] : memref<6x2x64x128xf32, #tpu.memory_space<vmem>> -> memref<1x1x64x128xf32, #tpu.memory_space<vmem>>
    %dma_start3A_2169 = tpu.memref_squeeze %dma_start3A_2168 : memref<1x1x64x128xf32, #tpu.memory_space<vmem>> -> memref<64x128xf32, #tpu.memory_space<vmem>>
    %dma_start3A_2170 = arith.constant 0 : i32
    %dma_start3A_2171 = tpu.memref_slice %arg2[%select_n3A, %add3A_2163, %dma_start3A_2170] : memref<16x2048x256xf32, #tpu.memory_space<hbm>> -> memref<1x64x128xf32, #tpu.memory_space<hbm>>
    %dma_start3A_2172 = tpu.memref_squeeze %dma_start3A_2171 : memref<1x64x128xf32, #tpu.memory_space<hbm>> -> memref<64x128xf32, #tpu.memory_space<hbm>>
    %dma_start3A_2173 = arith.constant 0 : i32
    %dma_start3A_2174 = arith.constant 0 : i32
    %dma_start3A_2175 = tpu.memref_slice %arg7[%dma_start3A_2164, %dma_start3A_2165, %dma_start3A_2173, %dma_start3A_2174] : memref<6x2x64x128xf32, #tpu.memory_space<vmem>> -> memref<1x1x64x128xf32, #tpu.memory_space<vmem>>
    %dma_start3A_2176 = tpu.memref_squeeze %dma_start3A_2175 : memref<1x1x64x128xf32, #tpu.memory_space<vmem>> -> memref<64x128xf32, #tpu.memory_space<vmem>>
    %dma_start3A_2177 = arith.constant 0 : i32
    %dma_start3A_2178 = tpu.memref_slice %arg2[%select_n3A, %add3A_2163, %dma_start3A_2177] : memref<16x2048x256xf32, #tpu.memory_space<hbm>> -> memref<1x64x128xf32, #tpu.memory_space<hbm>>
    %dma_start3A_2179 = tpu.memref_squeeze %dma_start3A_2178 : memref<1x64x128xf32, #tpu.memory_space<hbm>> -> memref<64x128xf32, #tpu.memory_space<hbm>>
    tpu.enqueue_dma source(%dma_start3A_2179 : memref<64x128xf32, #tpu.memory_space<hbm>>) target(%dma_start3A_2176 : memref<64x128xf32, #tpu.memory_space<vmem>>) target_semaphore(%arg16 : memref<!tpu.dma_semaphore, #tpu.memory_space<semaphore_mem>>)
    %dma_start3A_2180 = arith.constant 3 : i32
    %dma_start3A_2181 = arith.constant 1 : i32
    %dma_start3A_2182 = arith.constant 0 : i32
    %dma_start3A_2183 = arith.constant 0 : i32
    %dma_start3A_2184 = tpu.memref_slice %arg7[%dma_start3A_2180, %dma_start3A_2181, %dma_start3A_2182, %dma_start3A_2183] : memref<6x2x64x128xf32, #tpu.memory_space<vmem>> -> memref<1x1x64x128xf32, #tpu.memory_space<vmem>>
    %dma_start3A_2185 = tpu.memref_squeeze %dma_start3A_2184 : memref<1x1x64x128xf32, #tpu.memory_space<vmem>> -> memref<64x128xf32, #tpu.memory_space<vmem>>
    %dma_start3A_2186 = arith.constant 128 : i32
    %dma_start3A_2187 = tpu.memref_slice %arg2[%select_n3A, %add3A_2163, %dma_start3A_2186] : memref<16x2048x256xf32, #tpu.memory_space<hbm>> -> memref<1x64x128xf32, #tpu.memory_space<hbm>>
    %dma_start3A_2188 = tpu.memref_squeeze %dma_start3A_2187 : memref<1x64x128xf32, #tpu.memory_space<hbm>> -> memref<64x128xf32, #tpu.memory_space<hbm>>
    %dma_start3A_2189 = arith.constant 0 : i32
    %dma_start3A_2190 = arith.constant 0 : i32
    %dma_start3A_2191 = tpu.memref_slice %arg7[%dma_start3A_2180, %dma_start3A_2181, %dma_start3A_2189, %dma_start3A_2190] : memref<6x2x64x128xf32, #tpu.memory_space<vmem>> -> memref<1x1x64x128xf32, #tpu.memory_space<vmem>>
    %dma_start3A_2192 = tpu.memref_squeeze %dma_start3A_2191 : memref<1x1x64x128xf32, #tpu.memory_space<vmem>> -> memref<64x128xf32, #tpu.memory_space<vmem>>
    %dma_start3A_2193 = arith.constant 128 : i32
    %dma_start3A_2194 = tpu.memref_slice %arg2[%select_n3A, %add3A_2163, %dma_start3A_2193] : memref<16x2048x256xf32, #tpu.memory_space<hbm>> -> memref<1x64x128xf32, #tpu.memory_space<hbm>>
    %dma_start3A_2195 = tpu.memref_squeeze %dma_start3A_2194 : memref<1x64x128xf32, #tpu.memory_space<hbm>> -> memref<64x128xf32, #tpu.memory_space<hbm>>
    tpu.enqueue_dma source(%dma_start3A_2195 : memref<64x128xf32, #tpu.memory_space<hbm>>) target(%dma_start3A_2192 : memref<64x128xf32, #tpu.memory_space<vmem>>) target_semaphore(%arg17 : memref<!tpu.dma_semaphore, #tpu.memory_space<semaphore_mem>>)
    %dma_wait3A_2196 = arith.constant 2 : i32
    %dma_wait3A_2197 = arith.constant 0 : i32
    %dma_wait3A_2198 = arith.constant 0 : i32
    %dma_wait3A_2199 = arith.constant 0 : i32
    %dma_wait3A_2200 = tpu.memref_slice %arg7[%dma_wait3A_2196, %dma_wait3A_2197, %dma_wait3A_2198, %dma_wait3A_2199] : memref<6x2x64x128xf32, #tpu.memory_space<vmem>> -> memref<1x1x64x128xf32, #tpu.memory_space<vmem>>
    %dma_wait3A_2201 = tpu.memref_squeeze %dma_wait3A_2200 : memref<1x1x64x128xf32, #tpu.memory_space<vmem>> -> memref<64x128xf32, #tpu.memory_space<vmem>>
    %dma_wait3A_2202 = arith.constant 0 : i32
    %dma_wait3A_2203 = tpu.memref_slice %arg2[%select_n3A, %add3A_2003, %dma_wait3A_2202] : memref<16x2048x256xf32, #tpu.memory_space<hbm>> -> memref<1x64x128xf32, #tpu.memory_space<hbm>>
    %dma_wait3A_2204 = tpu.memref_squeeze %dma_wait3A_2203 : memref<1x64x128xf32, #tpu.memory_space<hbm>> -> memref<64x128xf32, #tpu.memory_space<hbm>>
    %dma_wait3A_2205 = arith.constant 0 : i32
    %dma_wait3A_2206 = arith.constant 0 : i32
    %dma_wait3A_2207 = tpu.memref_slice %arg7[%dma_wait3A_2196, %dma_wait3A_2197, %dma_wait3A_2205, %dma_wait3A_2206] : memref<6x2x64x128xf32, #tpu.memory_space<vmem>> -> memref<1x1x64x128xf32, #tpu.memory_space<vmem>>
    %dma_wait3A_2208 = tpu.memref_squeeze %dma_wait3A_2207 : memref<1x1x64x128xf32, #tpu.memory_space<vmem>> -> memref<64x128xf32, #tpu.memory_space<vmem>>
    %dma_wait3A_2209 = arith.constant 0 : i32
    %dma_wait3A_2210 = tpu.memref_slice %arg2[%select_n3A, %add3A_2003, %dma_wait3A_2209] : memref<16x2048x256xf32, #tpu.memory_space<hbm>> -> memref<1x64x128xf32, #tpu.memory_space<hbm>>
    %dma_wait3A_2211 = tpu.memref_squeeze %dma_wait3A_2210 : memref<1x64x128xf32, #tpu.memory_space<hbm>> -> memref<64x128xf32, #tpu.memory_space<hbm>>
    tpu.wait_dma2 semaphore(%arg14 : memref<!tpu.dma_semaphore, #tpu.memory_space<semaphore_mem>>) src(%dma_wait3A_2211 : memref<64x128xf32, #tpu.memory_space<hbm>>) dst(%dma_wait3A_2208 : memref<64x128xf32, #tpu.memory_space<vmem>>)
    %dma_wait3A_2212 = arith.constant 2 : i32
    %dma_wait3A_2213 = arith.constant 1 : i32
    %dma_wait3A_2214 = arith.constant 0 : i32
    %dma_wait3A_2215 = arith.constant 0 : i32
    %dma_wait3A_2216 = tpu.memref_slice %arg7[%dma_wait3A_2212, %dma_wait3A_2213, %dma_wait3A_2214, %dma_wait3A_2215] : memref<6x2x64x128xf32, #tpu.memory_space<vmem>> -> memref<1x1x64x128xf32, #tpu.memory_space<vmem>>
    %dma_wait3A_2217 = tpu.memref_squeeze %dma_wait3A_2216 : memref<1x1x64x128xf32, #tpu.memory_space<vmem>> -> memref<64x128xf32, #tpu.memory_space<vmem>>
    %dma_wait3A_2218 = arith.constant 128 : i32
    %dma_wait3A_2219 = tpu.memref_slice %arg2[%select_n3A, %add3A_2003, %dma_wait3A_2218] : memref<16x2048x256xf32, #tpu.memory_space<hbm>> -> memref<1x64x128xf32, #tpu.memory_space<hbm>>
    %dma_wait3A_2220 = tpu.memref_squeeze %dma_wait3A_2219 : memref<1x64x128xf32, #tpu.memory_space<hbm>> -> memref<64x128xf32, #tpu.memory_space<hbm>>
    %dma_wait3A_2221 = arith.constant 0 : i32
    %dma_wait3A_2222 = arith.constant 0 : i32
    %dma_wait3A_2223 = tpu.memref_slice %arg7[%dma_wait3A_2212, %dma_wait3A_2213, %dma_wait3A_2221, %dma_wait3A_2222] : memref<6x2x64x128xf32, #tpu.memory_space<vmem>> -> memref<1x1x64x128xf32, #tpu.memory_space<vmem>>
    %dma_wait3A_2224 = tpu.memref_squeeze %dma_wait3A_2223 : memref<1x1x64x128xf32, #tpu.memory_space<vmem>> -> memref<64x128xf32, #tpu.memory_space<vmem>>
    %dma_wait3A_2225 = arith.constant 128 : i32
    %dma_wait3A_2226 = tpu.memref_slice %arg2[%select_n3A, %add3A_2003, %dma_wait3A_2225] : memref<16x2048x256xf32, #tpu.memory_space<hbm>> -> memref<1x64x128xf32, #tpu.memory_space<hbm>>
    %dma_wait3A_2227 = tpu.memref_squeeze %dma_wait3A_2226 : memref<1x64x128xf32, #tpu.memory_space<hbm>> -> memref<64x128xf32, #tpu.memory_space<hbm>>
    tpu.wait_dma2 semaphore(%arg15 : memref<!tpu.dma_semaphore, #tpu.memory_space<semaphore_mem>>) src(%dma_wait3A_2227 : memref<64x128xf32, #tpu.memory_space<hbm>>) dst(%dma_wait3A_2224 : memref<64x128xf32, #tpu.memory_space<vmem>>)
    %dma_start3A_2228 = arith.constant 14 : i32
    %dma_start3A_2229 = arith.constant 2 : i32
    %dma_start3A_2230 = arith.constant 0 : i32
    %dma_start3A_2231 = arith.constant 0 : i32
    %dma_start3A_2232 = arith.constant 0 : i32
    %dma_start3A_2233 = tpu.memref_slice %arg7[%dma_start3A_2229, %dma_start3A_2230, %dma_start3A_2231, %dma_start3A_2232] : memref<6x2x64x128xf32, #tpu.memory_space<vmem>> -> memref<1x2x64x128xf32, #tpu.memory_space<vmem>>
    %dma_start3A_2234 = tpu.memref_squeeze %dma_start3A_2233 : memref<1x2x64x128xf32, #tpu.memory_space<vmem>> -> memref<2x64x128xf32, #tpu.memory_space<vmem>>
    %dma_start3A_2235 = tpu.memref_reshape %dma_start3A_2234 : memref<2x64x128xf32, #tpu.memory_space<vmem>> -> memref<128x128xf32, #tpu.memory_space<vmem>>
    %dma_start3A_2236 = arith.constant 0 : i32
    %dma_start3A_2237 = tpu.memref_slice %arg6[%dma_start3A_2228, %dma_start3A_2236] : memref<16x128xi32, #tpu.memory_space<vmem>> -> memref<1x128xi32, #tpu.memory_space<vmem>>
    %dma_start3A_2238 = tpu.memref_squeeze %dma_start3A_2237 : memref<1x128xi32, #tpu.memory_space<vmem>> -> memref<128xi32, #tpu.memory_space<vmem>>
    %dma_start3A_2239 = arith.constant 0 : i32
    %dma_start3A_2240 = arith.constant 0 : i32
    %dma_start3A_2241 = tpu.memref_slice %arg8[%dma_start3A_2239, %dma_start3A_2240] : memref<384x128xf32, #tpu.memory_space<vmem_shared>> -> memref<384x128xf32, #tpu.memory_space<vmem_shared>>
    tpu.enqueue_indirect_dma source(%dma_start3A_2241 : memref<384x128xf32, #tpu.memory_space<vmem_shared>>) target(%dma_start3A_2235 : memref<128x128xf32, #tpu.memory_space<vmem>>) offsets(%dma_start3A_2238 : memref<128xi32, #tpu.memory_space<vmem>>) semaphore(%arg24 : memref<!tpu.dma_semaphore, #tpu.memory_space<semaphore_mem>>) {add = true}
    %dma_wait3A_2242 = arith.constant 13 : i32
    %dma_wait3A_2243 = arith.constant 1 : i32
    %dma_wait3A_2244 = arith.constant 0 : i32
    %dma_wait3A_2245 = arith.constant 0 : i32
    %dma_wait3A_2246 = arith.constant 0 : i32
    %dma_wait3A_2247 = tpu.memref_slice %arg7[%dma_wait3A_2243, %dma_wait3A_2244, %dma_wait3A_2245, %dma_wait3A_2246] : memref<6x2x64x128xf32, #tpu.memory_space<vmem>> -> memref<1x2x64x128xf32, #tpu.memory_space<vmem>>
    %dma_wait3A_2248 = tpu.memref_squeeze %dma_wait3A_2247 : memref<1x2x64x128xf32, #tpu.memory_space<vmem>> -> memref<2x64x128xf32, #tpu.memory_space<vmem>>
    %dma_wait3A_2249 = tpu.memref_reshape %dma_wait3A_2248 : memref<2x64x128xf32, #tpu.memory_space<vmem>> -> memref<128x128xf32, #tpu.memory_space<vmem>>
    %dma_wait3A_2250 = arith.constant 0 : i32
    %dma_wait3A_2251 = tpu.memref_slice %arg6[%dma_wait3A_2242, %dma_wait3A_2250] : memref<16x128xi32, #tpu.memory_space<vmem>> -> memref<1x128xi32, #tpu.memory_space<vmem>>
    %dma_wait3A_2252 = tpu.memref_squeeze %dma_wait3A_2251 : memref<1x128xi32, #tpu.memory_space<vmem>> -> memref<128xi32, #tpu.memory_space<vmem>>
    %dma_wait3A_2253 = arith.constant 0 : i32
    %dma_wait3A_2254 = arith.constant 0 : i32
    %dma_wait3A_2255 = tpu.memref_slice %arg8[%dma_wait3A_2253, %dma_wait3A_2254] : memref<384x128xf32, #tpu.memory_space<vmem_shared>> -> memref<384x128xf32, #tpu.memory_space<vmem_shared>>
    tpu.wait_indirect_dma semaphore(%arg23 : memref<!tpu.dma_semaphore, #tpu.memory_space<semaphore_mem>>) src(%dma_wait3A_2255 : memref<384x128xf32, #tpu.memory_space<vmem_shared>>) dst(%dma_wait3A_2249 : memref<128x128xf32, #tpu.memory_space<vmem>>)
    %add3A_2256 = arith.constant 832 : i32
    %add3A_2257 = arith.addi %mul3A_50, %add3A_2256 : i32
    %dma_start3A_2258 = arith.constant 1 : i32
    %dma_start3A_2259 = arith.constant 0 : i32
    %dma_start3A_2260 = arith.constant 0 : i32
    %dma_start3A_2261 = arith.constant 0 : i32
    %dma_start3A_2262 = tpu.memref_slice %arg7[%dma_start3A_2258, %dma_start3A_2259, %dma_start3A_2260, %dma_start3A_2261] : memref<6x2x64x128xf32, #tpu.memory_space<vmem>> -> memref<1x1x64x128xf32, #tpu.memory_space<vmem>>
    %dma_start3A_2263 = tpu.memref_squeeze %dma_start3A_2262 : memref<1x1x64x128xf32, #tpu.memory_space<vmem>> -> memref<64x128xf32, #tpu.memory_space<vmem>>
    %dma_start3A_2264 = arith.constant 0 : i32
    %dma_start3A_2265 = tpu.memref_slice %arg5[%select_n3A, %add3A_2257, %dma_start3A_2264] : memref<16x2048x256xf32, #tpu.memory_space<hbm>> -> memref<1x64x128xf32, #tpu.memory_space<hbm>>
    %dma_start3A_2266 = tpu.memref_squeeze %dma_start3A_2265 : memref<1x64x128xf32, #tpu.memory_space<hbm>> -> memref<64x128xf32, #tpu.memory_space<hbm>>
    %dma_start3A_2267 = arith.constant 0 : i32
    %dma_start3A_2268 = tpu.memref_slice %arg5[%select_n3A, %add3A_2257, %dma_start3A_2267] : memref<16x2048x256xf32, #tpu.memory_space<hbm>> -> memref<1x64x128xf32, #tpu.memory_space<hbm>>
    %dma_start3A_2269 = tpu.memref_squeeze %dma_start3A_2268 : memref<1x64x128xf32, #tpu.memory_space<hbm>> -> memref<64x128xf32, #tpu.memory_space<hbm>>
    %dma_start3A_2270 = arith.constant 0 : i32
    %dma_start3A_2271 = arith.constant 0 : i32
    %dma_start3A_2272 = tpu.memref_slice %arg7[%dma_start3A_2258, %dma_start3A_2259, %dma_start3A_2270, %dma_start3A_2271] : memref<6x2x64x128xf32, #tpu.memory_space<vmem>> -> memref<1x1x64x128xf32, #tpu.memory_space<vmem>>
    %dma_start3A_2273 = tpu.memref_squeeze %dma_start3A_2272 : memref<1x1x64x128xf32, #tpu.memory_space<vmem>> -> memref<64x128xf32, #tpu.memory_space<vmem>>
    tpu.enqueue_dma source(%dma_start3A_2273 : memref<64x128xf32, #tpu.memory_space<vmem>>) target(%dma_start3A_2269 : memref<64x128xf32, #tpu.memory_space<hbm>>) target_semaphore(%arg30 : memref<!tpu.dma_semaphore, #tpu.memory_space<semaphore_mem>>)
    %dma_start3A_2274 = arith.constant 1 : i32
    %dma_start3A_2275 = arith.constant 1 : i32
    %dma_start3A_2276 = arith.constant 0 : i32
    %dma_start3A_2277 = arith.constant 0 : i32
    %dma_start3A_2278 = tpu.memref_slice %arg7[%dma_start3A_2274, %dma_start3A_2275, %dma_start3A_2276, %dma_start3A_2277] : memref<6x2x64x128xf32, #tpu.memory_space<vmem>> -> memref<1x1x64x128xf32, #tpu.memory_space<vmem>>
    %dma_start3A_2279 = tpu.memref_squeeze %dma_start3A_2278 : memref<1x1x64x128xf32, #tpu.memory_space<vmem>> -> memref<64x128xf32, #tpu.memory_space<vmem>>
    %dma_start3A_2280 = arith.constant 128 : i32
    %dma_start3A_2281 = tpu.memref_slice %arg5[%select_n3A, %add3A_2257, %dma_start3A_2280] : memref<16x2048x256xf32, #tpu.memory_space<hbm>> -> memref<1x64x128xf32, #tpu.memory_space<hbm>>
    %dma_start3A_2282 = tpu.memref_squeeze %dma_start3A_2281 : memref<1x64x128xf32, #tpu.memory_space<hbm>> -> memref<64x128xf32, #tpu.memory_space<hbm>>
    %dma_start3A_2283 = arith.constant 128 : i32
    %dma_start3A_2284 = tpu.memref_slice %arg5[%select_n3A, %add3A_2257, %dma_start3A_2283] : memref<16x2048x256xf32, #tpu.memory_space<hbm>> -> memref<1x64x128xf32, #tpu.memory_space<hbm>>
    %dma_start3A_2285 = tpu.memref_squeeze %dma_start3A_2284 : memref<1x64x128xf32, #tpu.memory_space<hbm>> -> memref<64x128xf32, #tpu.memory_space<hbm>>
    %dma_start3A_2286 = arith.constant 0 : i32
    %dma_start3A_2287 = arith.constant 0 : i32
    %dma_start3A_2288 = tpu.memref_slice %arg7[%dma_start3A_2274, %dma_start3A_2275, %dma_start3A_2286, %dma_start3A_2287] : memref<6x2x64x128xf32, #tpu.memory_space<vmem>> -> memref<1x1x64x128xf32, #tpu.memory_space<vmem>>
    %dma_start3A_2289 = tpu.memref_squeeze %dma_start3A_2288 : memref<1x1x64x128xf32, #tpu.memory_space<vmem>> -> memref<64x128xf32, #tpu.memory_space<vmem>>
    tpu.enqueue_dma source(%dma_start3A_2289 : memref<64x128xf32, #tpu.memory_space<vmem>>) target(%dma_start3A_2285 : memref<64x128xf32, #tpu.memory_space<hbm>>) target_semaphore(%arg31 : memref<!tpu.dma_semaphore, #tpu.memory_space<semaphore_mem>>)
    %dma_wait3A_2290 = arith.constant 3 : i32
    %dma_wait3A_2291 = arith.constant 0 : i32
    %dma_wait3A_2292 = arith.constant 0 : i32
    %dma_wait3A_2293 = arith.constant 0 : i32
    %dma_wait3A_2294 = tpu.memref_slice %arg7[%dma_wait3A_2290, %dma_wait3A_2291, %dma_wait3A_2292, %dma_wait3A_2293] : memref<6x2x64x128xf32, #tpu.memory_space<vmem>> -> memref<1x1x64x128xf32, #tpu.memory_space<vmem>>
    %dma_wait3A_2295 = tpu.memref_squeeze %dma_wait3A_2294 : memref<1x1x64x128xf32, #tpu.memory_space<vmem>> -> memref<64x128xf32, #tpu.memory_space<vmem>>
    %dma_wait3A_2296 = arith.constant 0 : i32
    %dma_wait3A_2297 = tpu.memref_slice %arg2[%select_n3A, %add3A_2163, %dma_wait3A_2296] : memref<16x2048x256xf32, #tpu.memory_space<hbm>> -> memref<1x64x128xf32, #tpu.memory_space<hbm>>
    %dma_wait3A_2298 = tpu.memref_squeeze %dma_wait3A_2297 : memref<1x64x128xf32, #tpu.memory_space<hbm>> -> memref<64x128xf32, #tpu.memory_space<hbm>>
    %dma_wait3A_2299 = arith.constant 0 : i32
    %dma_wait3A_2300 = arith.constant 0 : i32
    %dma_wait3A_2301 = tpu.memref_slice %arg7[%dma_wait3A_2290, %dma_wait3A_2291, %dma_wait3A_2299, %dma_wait3A_2300] : memref<6x2x64x128xf32, #tpu.memory_space<vmem>> -> memref<1x1x64x128xf32, #tpu.memory_space<vmem>>
    %dma_wait3A_2302 = tpu.memref_squeeze %dma_wait3A_2301 : memref<1x1x64x128xf32, #tpu.memory_space<vmem>> -> memref<64x128xf32, #tpu.memory_space<vmem>>
    %dma_wait3A_2303 = arith.constant 0 : i32
    %dma_wait3A_2304 = tpu.memref_slice %arg2[%select_n3A, %add3A_2163, %dma_wait3A_2303] : memref<16x2048x256xf32, #tpu.memory_space<hbm>> -> memref<1x64x128xf32, #tpu.memory_space<hbm>>
    %dma_wait3A_2305 = tpu.memref_squeeze %dma_wait3A_2304 : memref<1x64x128xf32, #tpu.memory_space<hbm>> -> memref<64x128xf32, #tpu.memory_space<hbm>>
    tpu.wait_dma2 semaphore(%arg16 : memref<!tpu.dma_semaphore, #tpu.memory_space<semaphore_mem>>) src(%dma_wait3A_2305 : memref<64x128xf32, #tpu.memory_space<hbm>>) dst(%dma_wait3A_2302 : memref<64x128xf32, #tpu.memory_space<vmem>>)
    %dma_wait3A_2306 = arith.constant 3 : i32
    %dma_wait3A_2307 = arith.constant 1 : i32
    %dma_wait3A_2308 = arith.constant 0 : i32
    %dma_wait3A_2309 = arith.constant 0 : i32
    %dma_wait3A_2310 = tpu.memref_slice %arg7[%dma_wait3A_2306, %dma_wait3A_2307, %dma_wait3A_2308, %dma_wait3A_2309] : memref<6x2x64x128xf32, #tpu.memory_space<vmem>> -> memref<1x1x64x128xf32, #tpu.memory_space<vmem>>
    %dma_wait3A_2311 = tpu.memref_squeeze %dma_wait3A_2310 : memref<1x1x64x128xf32, #tpu.memory_space<vmem>> -> memref<64x128xf32, #tpu.memory_space<vmem>>
    %dma_wait3A_2312 = arith.constant 128 : i32
    %dma_wait3A_2313 = tpu.memref_slice %arg2[%select_n3A, %add3A_2163, %dma_wait3A_2312] : memref<16x2048x256xf32, #tpu.memory_space<hbm>> -> memref<1x64x128xf32, #tpu.memory_space<hbm>>
    %dma_wait3A_2314 = tpu.memref_squeeze %dma_wait3A_2313 : memref<1x64x128xf32, #tpu.memory_space<hbm>> -> memref<64x128xf32, #tpu.memory_space<hbm>>
    %dma_wait3A_2315 = arith.constant 0 : i32
    %dma_wait3A_2316 = arith.constant 0 : i32
    %dma_wait3A_2317 = tpu.memref_slice %arg7[%dma_wait3A_2306, %dma_wait3A_2307, %dma_wait3A_2315, %dma_wait3A_2316] : memref<6x2x64x128xf32, #tpu.memory_space<vmem>> -> memref<1x1x64x128xf32, #tpu.memory_space<vmem>>
    %dma_wait3A_2318 = tpu.memref_squeeze %dma_wait3A_2317 : memref<1x1x64x128xf32, #tpu.memory_space<vmem>> -> memref<64x128xf32, #tpu.memory_space<vmem>>
    %dma_wait3A_2319 = arith.constant 128 : i32
    %dma_wait3A_2320 = tpu.memref_slice %arg2[%select_n3A, %add3A_2163, %dma_wait3A_2319] : memref<16x2048x256xf32, #tpu.memory_space<hbm>> -> memref<1x64x128xf32, #tpu.memory_space<hbm>>
    %dma_wait3A_2321 = tpu.memref_squeeze %dma_wait3A_2320 : memref<1x64x128xf32, #tpu.memory_space<hbm>> -> memref<64x128xf32, #tpu.memory_space<hbm>>
    tpu.wait_dma2 semaphore(%arg17 : memref<!tpu.dma_semaphore, #tpu.memory_space<semaphore_mem>>) src(%dma_wait3A_2321 : memref<64x128xf32, #tpu.memory_space<hbm>>) dst(%dma_wait3A_2318 : memref<64x128xf32, #tpu.memory_space<vmem>>)
    %dma_start3A_2322 = arith.constant 15 : i32
    %dma_start3A_2323 = arith.constant 3 : i32
    %dma_start3A_2324 = arith.constant 0 : i32
    %dma_start3A_2325 = arith.constant 0 : i32
    %dma_start3A_2326 = arith.constant 0 : i32
    %dma_start3A_2327 = tpu.memref_slice %arg7[%dma_start3A_2323, %dma_start3A_2324, %dma_start3A_2325, %dma_start3A_2326] : memref<6x2x64x128xf32, #tpu.memory_space<vmem>> -> memref<1x2x64x128xf32, #tpu.memory_space<vmem>>
    %dma_start3A_2328 = tpu.memref_squeeze %dma_start3A_2327 : memref<1x2x64x128xf32, #tpu.memory_space<vmem>> -> memref<2x64x128xf32, #tpu.memory_space<vmem>>
    %dma_start3A_2329 = tpu.memref_reshape %dma_start3A_2328 : memref<2x64x128xf32, #tpu.memory_space<vmem>> -> memref<128x128xf32, #tpu.memory_space<vmem>>
    %dma_start3A_2330 = arith.constant 0 : i32
    %dma_start3A_2331 = tpu.memref_slice %arg6[%dma_start3A_2322, %dma_start3A_2330] : memref<16x128xi32, #tpu.memory_space<vmem>> -> memref<1x128xi32, #tpu.memory_space<vmem>>
    %dma_start3A_2332 = tpu.memref_squeeze %dma_start3A_2331 : memref<1x128xi32, #tpu.memory_space<vmem>> -> memref<128xi32, #tpu.memory_space<vmem>>
    %dma_start3A_2333 = arith.constant 0 : i32
    %dma_start3A_2334 = arith.constant 0 : i32
    %dma_start3A_2335 = tpu.memref_slice %arg8[%dma_start3A_2333, %dma_start3A_2334] : memref<384x128xf32, #tpu.memory_space<vmem_shared>> -> memref<384x128xf32, #tpu.memory_space<vmem_shared>>
    tpu.enqueue_indirect_dma source(%dma_start3A_2335 : memref<384x128xf32, #tpu.memory_space<vmem_shared>>) target(%dma_start3A_2329 : memref<128x128xf32, #tpu.memory_space<vmem>>) offsets(%dma_start3A_2332 : memref<128xi32, #tpu.memory_space<vmem>>) semaphore(%arg25 : memref<!tpu.dma_semaphore, #tpu.memory_space<semaphore_mem>>) {add = true}
    %dma_wait3A_2336 = arith.constant 14 : i32
    %dma_wait3A_2337 = arith.constant 2 : i32
    %dma_wait3A_2338 = arith.constant 0 : i32
    %dma_wait3A_2339 = arith.constant 0 : i32
    %dma_wait3A_2340 = arith.constant 0 : i32
    %dma_wait3A_2341 = tpu.memref_slice %arg7[%dma_wait3A_2337, %dma_wait3A_2338, %dma_wait3A_2339, %dma_wait3A_2340] : memref<6x2x64x128xf32, #tpu.memory_space<vmem>> -> memref<1x2x64x128xf32, #tpu.memory_space<vmem>>
    %dma_wait3A_2342 = tpu.memref_squeeze %dma_wait3A_2341 : memref<1x2x64x128xf32, #tpu.memory_space<vmem>> -> memref<2x64x128xf32, #tpu.memory_space<vmem>>
    %dma_wait3A_2343 = tpu.memref_reshape %dma_wait3A_2342 : memref<2x64x128xf32, #tpu.memory_space<vmem>> -> memref<128x128xf32, #tpu.memory_space<vmem>>
    %dma_wait3A_2344 = arith.constant 0 : i32
    %dma_wait3A_2345 = tpu.memref_slice %arg6[%dma_wait3A_2336, %dma_wait3A_2344] : memref<16x128xi32, #tpu.memory_space<vmem>> -> memref<1x128xi32, #tpu.memory_space<vmem>>
    %dma_wait3A_2346 = tpu.memref_squeeze %dma_wait3A_2345 : memref<1x128xi32, #tpu.memory_space<vmem>> -> memref<128xi32, #tpu.memory_space<vmem>>
    %dma_wait3A_2347 = arith.constant 0 : i32
    %dma_wait3A_2348 = arith.constant 0 : i32
    %dma_wait3A_2349 = tpu.memref_slice %arg8[%dma_wait3A_2347, %dma_wait3A_2348] : memref<384x128xf32, #tpu.memory_space<vmem_shared>> -> memref<384x128xf32, #tpu.memory_space<vmem_shared>>
    tpu.wait_indirect_dma semaphore(%arg24 : memref<!tpu.dma_semaphore, #tpu.memory_space<semaphore_mem>>) src(%dma_wait3A_2349 : memref<384x128xf32, #tpu.memory_space<vmem_shared>>) dst(%dma_wait3A_2343 : memref<128x128xf32, #tpu.memory_space<vmem>>)
    %add3A_2350 = arith.constant 896 : i32
    %add3A_2351 = arith.addi %mul3A_50, %add3A_2350 : i32
    %dma_start3A_2352 = arith.constant 2 : i32
    %dma_start3A_2353 = arith.constant 0 : i32
    %dma_start3A_2354 = arith.constant 0 : i32
    %dma_start3A_2355 = arith.constant 0 : i32
    %dma_start3A_2356 = tpu.memref_slice %arg7[%dma_start3A_2352, %dma_start3A_2353, %dma_start3A_2354, %dma_start3A_2355] : memref<6x2x64x128xf32, #tpu.memory_space<vmem>> -> memref<1x1x64x128xf32, #tpu.memory_space<vmem>>
    %dma_start3A_2357 = tpu.memref_squeeze %dma_start3A_2356 : memref<1x1x64x128xf32, #tpu.memory_space<vmem>> -> memref<64x128xf32, #tpu.memory_space<vmem>>
    %dma_start3A_2358 = arith.constant 0 : i32
    %dma_start3A_2359 = tpu.memref_slice %arg5[%select_n3A, %add3A_2351, %dma_start3A_2358] : memref<16x2048x256xf32, #tpu.memory_space<hbm>> -> memref<1x64x128xf32, #tpu.memory_space<hbm>>
    %dma_start3A_2360 = tpu.memref_squeeze %dma_start3A_2359 : memref<1x64x128xf32, #tpu.memory_space<hbm>> -> memref<64x128xf32, #tpu.memory_space<hbm>>
    %dma_start3A_2361 = arith.constant 0 : i32
    %dma_start3A_2362 = tpu.memref_slice %arg5[%select_n3A, %add3A_2351, %dma_start3A_2361] : memref<16x2048x256xf32, #tpu.memory_space<hbm>> -> memref<1x64x128xf32, #tpu.memory_space<hbm>>
    %dma_start3A_2363 = tpu.memref_squeeze %dma_start3A_2362 : memref<1x64x128xf32, #tpu.memory_space<hbm>> -> memref<64x128xf32, #tpu.memory_space<hbm>>
    %dma_start3A_2364 = arith.constant 0 : i32
    %dma_start3A_2365 = arith.constant 0 : i32
    %dma_start3A_2366 = tpu.memref_slice %arg7[%dma_start3A_2352, %dma_start3A_2353, %dma_start3A_2364, %dma_start3A_2365] : memref<6x2x64x128xf32, #tpu.memory_space<vmem>> -> memref<1x1x64x128xf32, #tpu.memory_space<vmem>>
    %dma_start3A_2367 = tpu.memref_squeeze %dma_start3A_2366 : memref<1x1x64x128xf32, #tpu.memory_space<vmem>> -> memref<64x128xf32, #tpu.memory_space<vmem>>
    tpu.enqueue_dma source(%dma_start3A_2367 : memref<64x128xf32, #tpu.memory_space<vmem>>) target(%dma_start3A_2363 : memref<64x128xf32, #tpu.memory_space<hbm>>) target_semaphore(%arg32 : memref<!tpu.dma_semaphore, #tpu.memory_space<semaphore_mem>>)
    %dma_start3A_2368 = arith.constant 2 : i32
    %dma_start3A_2369 = arith.constant 1 : i32
    %dma_start3A_2370 = arith.constant 0 : i32
    %dma_start3A_2371 = arith.constant 0 : i32
    %dma_start3A_2372 = tpu.memref_slice %arg7[%dma_start3A_2368, %dma_start3A_2369, %dma_start3A_2370, %dma_start3A_2371] : memref<6x2x64x128xf32, #tpu.memory_space<vmem>> -> memref<1x1x64x128xf32, #tpu.memory_space<vmem>>
    %dma_start3A_2373 = tpu.memref_squeeze %dma_start3A_2372 : memref<1x1x64x128xf32, #tpu.memory_space<vmem>> -> memref<64x128xf32, #tpu.memory_space<vmem>>
    %dma_start3A_2374 = arith.constant 128 : i32
    %dma_start3A_2375 = tpu.memref_slice %arg5[%select_n3A, %add3A_2351, %dma_start3A_2374] : memref<16x2048x256xf32, #tpu.memory_space<hbm>> -> memref<1x64x128xf32, #tpu.memory_space<hbm>>
    %dma_start3A_2376 = tpu.memref_squeeze %dma_start3A_2375 : memref<1x64x128xf32, #tpu.memory_space<hbm>> -> memref<64x128xf32, #tpu.memory_space<hbm>>
    %dma_start3A_2377 = arith.constant 128 : i32
    %dma_start3A_2378 = tpu.memref_slice %arg5[%select_n3A, %add3A_2351, %dma_start3A_2377] : memref<16x2048x256xf32, #tpu.memory_space<hbm>> -> memref<1x64x128xf32, #tpu.memory_space<hbm>>
    %dma_start3A_2379 = tpu.memref_squeeze %dma_start3A_2378 : memref<1x64x128xf32, #tpu.memory_space<hbm>> -> memref<64x128xf32, #tpu.memory_space<hbm>>
    %dma_start3A_2380 = arith.constant 0 : i32
    %dma_start3A_2381 = arith.constant 0 : i32
    %dma_start3A_2382 = tpu.memref_slice %arg7[%dma_start3A_2368, %dma_start3A_2369, %dma_start3A_2380, %dma_start3A_2381] : memref<6x2x64x128xf32, #tpu.memory_space<vmem>> -> memref<1x1x64x128xf32, #tpu.memory_space<vmem>>
    %dma_start3A_2383 = tpu.memref_squeeze %dma_start3A_2382 : memref<1x1x64x128xf32, #tpu.memory_space<vmem>> -> memref<64x128xf32, #tpu.memory_space<vmem>>
    tpu.enqueue_dma source(%dma_start3A_2383 : memref<64x128xf32, #tpu.memory_space<vmem>>) target(%dma_start3A_2379 : memref<64x128xf32, #tpu.memory_space<hbm>>) target_semaphore(%arg33 : memref<!tpu.dma_semaphore, #tpu.memory_space<semaphore_mem>>)
    %dma_wait3A_2384 = arith.constant 15 : i32
    %dma_wait3A_2385 = arith.constant 3 : i32
    %dma_wait3A_2386 = arith.constant 0 : i32
    %dma_wait3A_2387 = arith.constant 0 : i32
    %dma_wait3A_2388 = arith.constant 0 : i32
    %dma_wait3A_2389 = tpu.memref_slice %arg7[%dma_wait3A_2385, %dma_wait3A_2386, %dma_wait3A_2387, %dma_wait3A_2388] : memref<6x2x64x128xf32, #tpu.memory_space<vmem>> -> memref<1x2x64x128xf32, #tpu.memory_space<vmem>>
    %dma_wait3A_2390 = tpu.memref_squeeze %dma_wait3A_2389 : memref<1x2x64x128xf32, #tpu.memory_space<vmem>> -> memref<2x64x128xf32, #tpu.memory_space<vmem>>
    %dma_wait3A_2391 = tpu.memref_reshape %dma_wait3A_2390 : memref<2x64x128xf32, #tpu.memory_space<vmem>> -> memref<128x128xf32, #tpu.memory_space<vmem>>
    %dma_wait3A_2392 = arith.constant 0 : i32
    %dma_wait3A_2393 = tpu.memref_slice %arg6[%dma_wait3A_2384, %dma_wait3A_2392] : memref<16x128xi32, #tpu.memory_space<vmem>> -> memref<1x128xi32, #tpu.memory_space<vmem>>
    %dma_wait3A_2394 = tpu.memref_squeeze %dma_wait3A_2393 : memref<1x128xi32, #tpu.memory_space<vmem>> -> memref<128xi32, #tpu.memory_space<vmem>>
    %dma_wait3A_2395 = arith.constant 0 : i32
    %dma_wait3A_2396 = arith.constant 0 : i32
    %dma_wait3A_2397 = tpu.memref_slice %arg8[%dma_wait3A_2395, %dma_wait3A_2396] : memref<384x128xf32, #tpu.memory_space<vmem_shared>> -> memref<384x128xf32, #tpu.memory_space<vmem_shared>>
    tpu.wait_indirect_dma semaphore(%arg25 : memref<!tpu.dma_semaphore, #tpu.memory_space<semaphore_mem>>) src(%dma_wait3A_2397 : memref<384x128xf32, #tpu.memory_space<vmem_shared>>) dst(%dma_wait3A_2391 : memref<128x128xf32, #tpu.memory_space<vmem>>)
    %add3A_2398 = arith.constant 960 : i32
    %add3A_2399 = arith.addi %mul3A_50, %add3A_2398 : i32
    %dma_start3A_2400 = arith.constant 3 : i32
    %dma_start3A_2401 = arith.constant 0 : i32
    %dma_start3A_2402 = arith.constant 0 : i32
    %dma_start3A_2403 = arith.constant 0 : i32
    %dma_start3A_2404 = tpu.memref_slice %arg7[%dma_start3A_2400, %dma_start3A_2401, %dma_start3A_2402, %dma_start3A_2403] : memref<6x2x64x128xf32, #tpu.memory_space<vmem>> -> memref<1x1x64x128xf32, #tpu.memory_space<vmem>>
    %dma_start3A_2405 = tpu.memref_squeeze %dma_start3A_2404 : memref<1x1x64x128xf32, #tpu.memory_space<vmem>> -> memref<64x128xf32, #tpu.memory_space<vmem>>
    %dma_start3A_2406 = arith.constant 0 : i32
    %dma_start3A_2407 = tpu.memref_slice %arg5[%select_n3A, %add3A_2399, %dma_start3A_2406] : memref<16x2048x256xf32, #tpu.memory_space<hbm>> -> memref<1x64x128xf32, #tpu.memory_space<hbm>>
    %dma_start3A_2408 = tpu.memref_squeeze %dma_start3A_2407 : memref<1x64x128xf32, #tpu.memory_space<hbm>> -> memref<64x128xf32, #tpu.memory_space<hbm>>
    %dma_start3A_2409 = arith.constant 0 : i32
    %dma_start3A_2410 = tpu.memref_slice %arg5[%select_n3A, %add3A_2399, %dma_start3A_2409] : memref<16x2048x256xf32, #tpu.memory_space<hbm>> -> memref<1x64x128xf32, #tpu.memory_space<hbm>>
    %dma_start3A_2411 = tpu.memref_squeeze %dma_start3A_2410 : memref<1x64x128xf32, #tpu.memory_space<hbm>> -> memref<64x128xf32, #tpu.memory_space<hbm>>
    %dma_start3A_2412 = arith.constant 0 : i32
    %dma_start3A_2413 = arith.constant 0 : i32
    %dma_start3A_2414 = tpu.memref_slice %arg7[%dma_start3A_2400, %dma_start3A_2401, %dma_start3A_2412, %dma_start3A_2413] : memref<6x2x64x128xf32, #tpu.memory_space<vmem>> -> memref<1x1x64x128xf32, #tpu.memory_space<vmem>>
    %dma_start3A_2415 = tpu.memref_squeeze %dma_start3A_2414 : memref<1x1x64x128xf32, #tpu.memory_space<vmem>> -> memref<64x128xf32, #tpu.memory_space<vmem>>
    tpu.enqueue_dma source(%dma_start3A_2415 : memref<64x128xf32, #tpu.memory_space<vmem>>) target(%dma_start3A_2411 : memref<64x128xf32, #tpu.memory_space<hbm>>) target_semaphore(%arg34 : memref<!tpu.dma_semaphore, #tpu.memory_space<semaphore_mem>>)
    %dma_start3A_2416 = arith.constant 3 : i32
    %dma_start3A_2417 = arith.constant 1 : i32
    %dma_start3A_2418 = arith.constant 0 : i32
    %dma_start3A_2419 = arith.constant 0 : i32
    %dma_start3A_2420 = tpu.memref_slice %arg7[%dma_start3A_2416, %dma_start3A_2417, %dma_start3A_2418, %dma_start3A_2419] : memref<6x2x64x128xf32, #tpu.memory_space<vmem>> -> memref<1x1x64x128xf32, #tpu.memory_space<vmem>>
    %dma_start3A_2421 = tpu.memref_squeeze %dma_start3A_2420 : memref<1x1x64x128xf32, #tpu.memory_space<vmem>> -> memref<64x128xf32, #tpu.memory_space<vmem>>
    %dma_start3A_2422 = arith.constant 128 : i32
    %dma_start3A_2423 = tpu.memref_slice %arg5[%select_n3A, %add3A_2399, %dma_start3A_2422] : memref<16x2048x256xf32, #tpu.memory_space<hbm>> -> memref<1x64x128xf32, #tpu.memory_space<hbm>>
    %dma_start3A_2424 = tpu.memref_squeeze %dma_start3A_2423 : memref<1x64x128xf32, #tpu.memory_space<hbm>> -> memref<64x128xf32, #tpu.memory_space<hbm>>
    %dma_start3A_2425 = arith.constant 128 : i32
    %dma_start3A_2426 = tpu.memref_slice %arg5[%select_n3A, %add3A_2399, %dma_start3A_2425] : memref<16x2048x256xf32, #tpu.memory_space<hbm>> -> memref<1x64x128xf32, #tpu.memory_space<hbm>>
    %dma_start3A_2427 = tpu.memref_squeeze %dma_start3A_2426 : memref<1x64x128xf32, #tpu.memory_space<hbm>> -> memref<64x128xf32, #tpu.memory_space<hbm>>
    %dma_start3A_2428 = arith.constant 0 : i32
    %dma_start3A_2429 = arith.constant 0 : i32
    %dma_start3A_2430 = tpu.memref_slice %arg7[%dma_start3A_2416, %dma_start3A_2417, %dma_start3A_2428, %dma_start3A_2429] : memref<6x2x64x128xf32, #tpu.memory_space<vmem>> -> memref<1x1x64x128xf32, #tpu.memory_space<vmem>>
    %dma_start3A_2431 = tpu.memref_squeeze %dma_start3A_2430 : memref<1x1x64x128xf32, #tpu.memory_space<vmem>> -> memref<64x128xf32, #tpu.memory_space<vmem>>
    tpu.enqueue_dma source(%dma_start3A_2431 : memref<64x128xf32, #tpu.memory_space<vmem>>) target(%dma_start3A_2427 : memref<64x128xf32, #tpu.memory_space<hbm>>) target_semaphore(%arg35 : memref<!tpu.dma_semaphore, #tpu.memory_space<semaphore_mem>>)
    %dma_wait3A_2432 = arith.constant 4 : i32
    %dma_wait3A_2433 = arith.constant 0 : i32
    %dma_wait3A_2434 = arith.constant 0 : i32
    %dma_wait3A_2435 = arith.constant 0 : i32
    %dma_wait3A_2436 = tpu.memref_slice %arg7[%dma_wait3A_2432, %dma_wait3A_2433, %dma_wait3A_2434, %dma_wait3A_2435] : memref<6x2x64x128xf32, #tpu.memory_space<vmem>> -> memref<1x1x64x128xf32, #tpu.memory_space<vmem>>
    %dma_wait3A_2437 = tpu.memref_squeeze %dma_wait3A_2436 : memref<1x1x64x128xf32, #tpu.memory_space<vmem>> -> memref<64x128xf32, #tpu.memory_space<vmem>>
    %dma_wait3A_2438 = arith.constant 0 : i32
    %dma_wait3A_2439 = tpu.memref_slice %arg5[%select_n3A, %add3A_1777, %dma_wait3A_2438] : memref<16x2048x256xf32, #tpu.memory_space<hbm>> -> memref<1x64x128xf32, #tpu.memory_space<hbm>>
    %dma_wait3A_2440 = tpu.memref_squeeze %dma_wait3A_2439 : memref<1x64x128xf32, #tpu.memory_space<hbm>> -> memref<64x128xf32, #tpu.memory_space<hbm>>
    %dma_wait3A_2441 = arith.constant 0 : i32
    %dma_wait3A_2442 = tpu.memref_slice %arg5[%select_n3A, %add3A_1777, %dma_wait3A_2441] : memref<16x2048x256xf32, #tpu.memory_space<hbm>> -> memref<1x64x128xf32, #tpu.memory_space<hbm>>
    %dma_wait3A_2443 = tpu.memref_squeeze %dma_wait3A_2442 : memref<1x64x128xf32, #tpu.memory_space<hbm>> -> memref<64x128xf32, #tpu.memory_space<hbm>>
    %dma_wait3A_2444 = arith.constant 0 : i32
    %dma_wait3A_2445 = arith.constant 0 : i32
    %dma_wait3A_2446 = tpu.memref_slice %arg7[%dma_wait3A_2432, %dma_wait3A_2433, %dma_wait3A_2444, %dma_wait3A_2445] : memref<6x2x64x128xf32, #tpu.memory_space<vmem>> -> memref<1x1x64x128xf32, #tpu.memory_space<vmem>>
    %dma_wait3A_2447 = tpu.memref_squeeze %dma_wait3A_2446 : memref<1x1x64x128xf32, #tpu.memory_space<vmem>> -> memref<64x128xf32, #tpu.memory_space<vmem>>
    tpu.wait_dma2 semaphore(%arg36 : memref<!tpu.dma_semaphore, #tpu.memory_space<semaphore_mem>>) src(%dma_wait3A_2447 : memref<64x128xf32, #tpu.memory_space<vmem>>) dst(%dma_wait3A_2443 : memref<64x128xf32, #tpu.memory_space<hbm>>)
    %dma_wait3A_2448 = arith.constant 4 : i32
    %dma_wait3A_2449 = arith.constant 1 : i32
    %dma_wait3A_2450 = arith.constant 0 : i32
    %dma_wait3A_2451 = arith.constant 0 : i32
    %dma_wait3A_2452 = tpu.memref_slice %arg7[%dma_wait3A_2448, %dma_wait3A_2449, %dma_wait3A_2450, %dma_wait3A_2451] : memref<6x2x64x128xf32, #tpu.memory_space<vmem>> -> memref<1x1x64x128xf32, #tpu.memory_space<vmem>>
    %dma_wait3A_2453 = tpu.memref_squeeze %dma_wait3A_2452 : memref<1x1x64x128xf32, #tpu.memory_space<vmem>> -> memref<64x128xf32, #tpu.memory_space<vmem>>
    %dma_wait3A_2454 = arith.constant 128 : i32
    %dma_wait3A_2455 = tpu.memref_slice %arg5[%select_n3A, %add3A_1777, %dma_wait3A_2454] : memref<16x2048x256xf32, #tpu.memory_space<hbm>> -> memref<1x64x128xf32, #tpu.memory_space<hbm>>
    %dma_wait3A_2456 = tpu.memref_squeeze %dma_wait3A_2455 : memref<1x64x128xf32, #tpu.memory_space<hbm>> -> memref<64x128xf32, #tpu.memory_space<hbm>>
    %dma_wait3A_2457 = arith.constant 128 : i32
    %dma_wait3A_2458 = tpu.memref_slice %arg5[%select_n3A, %add3A_1777, %dma_wait3A_2457] : memref<16x2048x256xf32, #tpu.memory_space<hbm>> -> memref<1x64x128xf32, #tpu.memory_space<hbm>>
    %dma_wait3A_2459 = tpu.memref_squeeze %dma_wait3A_2458 : memref<1x64x128xf32, #tpu.memory_space<hbm>> -> memref<64x128xf32, #tpu.memory_space<hbm>>
    %dma_wait3A_2460 = arith.constant 0 : i32
    %dma_wait3A_2461 = arith.constant 0 : i32
    %dma_wait3A_2462 = tpu.memref_slice %arg7[%dma_wait3A_2448, %dma_wait3A_2449, %dma_wait3A_2460, %dma_wait3A_2461] : memref<6x2x64x128xf32, #tpu.memory_space<vmem>> -> memref<1x1x64x128xf32, #tpu.memory_space<vmem>>
    %dma_wait3A_2463 = tpu.memref_squeeze %dma_wait3A_2462 : memref<1x1x64x128xf32, #tpu.memory_space<vmem>> -> memref<64x128xf32, #tpu.memory_space<vmem>>
    tpu.wait_dma2 semaphore(%arg37 : memref<!tpu.dma_semaphore, #tpu.memory_space<semaphore_mem>>) src(%dma_wait3A_2463 : memref<64x128xf32, #tpu.memory_space<vmem>>) dst(%dma_wait3A_2459 : memref<64x128xf32, #tpu.memory_space<hbm>>)
    %dma_wait3A_2464 = arith.constant 5 : i32
    %dma_wait3A_2465 = arith.constant 0 : i32
    %dma_wait3A_2466 = arith.constant 0 : i32
    %dma_wait3A_2467 = arith.constant 0 : i32
    %dma_wait3A_2468 = tpu.memref_slice %arg7[%dma_wait3A_2464, %dma_wait3A_2465, %dma_wait3A_2466, %dma_wait3A_2467] : memref<6x2x64x128xf32, #tpu.memory_space<vmem>> -> memref<1x1x64x128xf32, #tpu.memory_space<vmem>>
    %dma_wait3A_2469 = tpu.memref_squeeze %dma_wait3A_2468 : memref<1x1x64x128xf32, #tpu.memory_space<vmem>> -> memref<64x128xf32, #tpu.memory_space<vmem>>
    %dma_wait3A_2470 = arith.constant 0 : i32
    %dma_wait3A_2471 = tpu.memref_slice %arg5[%select_n3A, %add3A_1937, %dma_wait3A_2470] : memref<16x2048x256xf32, #tpu.memory_space<hbm>> -> memref<1x64x128xf32, #tpu.memory_space<hbm>>
    %dma_wait3A_2472 = tpu.memref_squeeze %dma_wait3A_2471 : memref<1x64x128xf32, #tpu.memory_space<hbm>> -> memref<64x128xf32, #tpu.memory_space<hbm>>
    %dma_wait3A_2473 = arith.constant 0 : i32
    %dma_wait3A_2474 = tpu.memref_slice %arg5[%select_n3A, %add3A_1937, %dma_wait3A_2473] : memref<16x2048x256xf32, #tpu.memory_space<hbm>> -> memref<1x64x128xf32, #tpu.memory_space<hbm>>
    %dma_wait3A_2475 = tpu.memref_squeeze %dma_wait3A_2474 : memref<1x64x128xf32, #tpu.memory_space<hbm>> -> memref<64x128xf32, #tpu.memory_space<hbm>>
    %dma_wait3A_2476 = arith.constant 0 : i32
    %dma_wait3A_2477 = arith.constant 0 : i32
    %dma_wait3A_2478 = tpu.memref_slice %arg7[%dma_wait3A_2464, %dma_wait3A_2465, %dma_wait3A_2476, %dma_wait3A_2477] : memref<6x2x64x128xf32, #tpu.memory_space<vmem>> -> memref<1x1x64x128xf32, #tpu.memory_space<vmem>>
    %dma_wait3A_2479 = tpu.memref_squeeze %dma_wait3A_2478 : memref<1x1x64x128xf32, #tpu.memory_space<vmem>> -> memref<64x128xf32, #tpu.memory_space<vmem>>
    tpu.wait_dma2 semaphore(%arg38 : memref<!tpu.dma_semaphore, #tpu.memory_space<semaphore_mem>>) src(%dma_wait3A_2479 : memref<64x128xf32, #tpu.memory_space<vmem>>) dst(%dma_wait3A_2475 : memref<64x128xf32, #tpu.memory_space<hbm>>)
    %dma_wait3A_2480 = arith.constant 5 : i32
    %dma_wait3A_2481 = arith.constant 1 : i32
    %dma_wait3A_2482 = arith.constant 0 : i32
    %dma_wait3A_2483 = arith.constant 0 : i32
    %dma_wait3A_2484 = tpu.memref_slice %arg7[%dma_wait3A_2480, %dma_wait3A_2481, %dma_wait3A_2482, %dma_wait3A_2483] : memref<6x2x64x128xf32, #tpu.memory_space<vmem>> -> memref<1x1x64x128xf32, #tpu.memory_space<vmem>>
    %dma_wait3A_2485 = tpu.memref_squeeze %dma_wait3A_2484 : memref<1x1x64x128xf32, #tpu.memory_space<vmem>> -> memref<64x128xf32, #tpu.memory_space<vmem>>
    %dma_wait3A_2486 = arith.constant 128 : i32
    %dma_wait3A_2487 = tpu.memref_slice %arg5[%select_n3A, %add3A_1937, %dma_wait3A_2486] : memref<16x2048x256xf32, #tpu.memory_space<hbm>> -> memref<1x64x128xf32, #tpu.memory_space<hbm>>
    %dma_wait3A_2488 = tpu.memref_squeeze %dma_wait3A_2487 : memref<1x64x128xf32, #tpu.memory_space<hbm>> -> memref<64x128xf32, #tpu.memory_space<hbm>>
    %dma_wait3A_2489 = arith.constant 128 : i32
    %dma_wait3A_2490 = tpu.memref_slice %arg5[%select_n3A, %add3A_1937, %dma_wait3A_2489] : memref<16x2048x256xf32, #tpu.memory_space<hbm>> -> memref<1x64x128xf32, #tpu.memory_space<hbm>>
    %dma_wait3A_2491 = tpu.memref_squeeze %dma_wait3A_2490 : memref<1x64x128xf32, #tpu.memory_space<hbm>> -> memref<64x128xf32, #tpu.memory_space<hbm>>
    %dma_wait3A_2492 = arith.constant 0 : i32
    %dma_wait3A_2493 = arith.constant 0 : i32
    %dma_wait3A_2494 = tpu.memref_slice %arg7[%dma_wait3A_2480, %dma_wait3A_2481, %dma_wait3A_2492, %dma_wait3A_2493] : memref<6x2x64x128xf32, #tpu.memory_space<vmem>> -> memref<1x1x64x128xf32, #tpu.memory_space<vmem>>
    %dma_wait3A_2495 = tpu.memref_squeeze %dma_wait3A_2494 : memref<1x1x64x128xf32, #tpu.memory_space<vmem>> -> memref<64x128xf32, #tpu.memory_space<vmem>>
    tpu.wait_dma2 semaphore(%arg39 : memref<!tpu.dma_semaphore, #tpu.memory_space<semaphore_mem>>) src(%dma_wait3A_2495 : memref<64x128xf32, #tpu.memory_space<vmem>>) dst(%dma_wait3A_2491 : memref<64x128xf32, #tpu.memory_space<hbm>>)
    %dma_wait3A_2496 = arith.constant 0 : i32
    %dma_wait3A_2497 = arith.constant 0 : i32
    %dma_wait3A_2498 = arith.constant 0 : i32
    %dma_wait3A_2499 = arith.constant 0 : i32
    %dma_wait3A_2500 = tpu.memref_slice %arg7[%dma_wait3A_2496, %dma_wait3A_2497, %dma_wait3A_2498, %dma_wait3A_2499] : memref<6x2x64x128xf32, #tpu.memory_space<vmem>> -> memref<1x1x64x128xf32, #tpu.memory_space<vmem>>
    %dma_wait3A_2501 = tpu.memref_squeeze %dma_wait3A_2500 : memref<1x1x64x128xf32, #tpu.memory_space<vmem>> -> memref<64x128xf32, #tpu.memory_space<vmem>>
    %dma_wait3A_2502 = arith.constant 0 : i32
    %dma_wait3A_2503 = tpu.memref_slice %arg5[%select_n3A, %add3A_2097, %dma_wait3A_2502] : memref<16x2048x256xf32, #tpu.memory_space<hbm>> -> memref<1x64x128xf32, #tpu.memory_space<hbm>>
    %dma_wait3A_2504 = tpu.memref_squeeze %dma_wait3A_2503 : memref<1x64x128xf32, #tpu.memory_space<hbm>> -> memref<64x128xf32, #tpu.memory_space<hbm>>
    %dma_wait3A_2505 = arith.constant 0 : i32
    %dma_wait3A_2506 = tpu.memref_slice %arg5[%select_n3A, %add3A_2097, %dma_wait3A_2505] : memref<16x2048x256xf32, #tpu.memory_space<hbm>> -> memref<1x64x128xf32, #tpu.memory_space<hbm>>
    %dma_wait3A_2507 = tpu.memref_squeeze %dma_wait3A_2506 : memref<1x64x128xf32, #tpu.memory_space<hbm>> -> memref<64x128xf32, #tpu.memory_space<hbm>>
    %dma_wait3A_2508 = arith.constant 0 : i32
    %dma_wait3A_2509 = arith.constant 0 : i32
    %dma_wait3A_2510 = tpu.memref_slice %arg7[%dma_wait3A_2496, %dma_wait3A_2497, %dma_wait3A_2508, %dma_wait3A_2509] : memref<6x2x64x128xf32, #tpu.memory_space<vmem>> -> memref<1x1x64x128xf32, #tpu.memory_space<vmem>>
    %dma_wait3A_2511 = tpu.memref_squeeze %dma_wait3A_2510 : memref<1x1x64x128xf32, #tpu.memory_space<vmem>> -> memref<64x128xf32, #tpu.memory_space<vmem>>
    tpu.wait_dma2 semaphore(%arg28 : memref<!tpu.dma_semaphore, #tpu.memory_space<semaphore_mem>>) src(%dma_wait3A_2511 : memref<64x128xf32, #tpu.memory_space<vmem>>) dst(%dma_wait3A_2507 : memref<64x128xf32, #tpu.memory_space<hbm>>)
    %dma_wait3A_2512 = arith.constant 0 : i32
    %dma_wait3A_2513 = arith.constant 1 : i32
    %dma_wait3A_2514 = arith.constant 0 : i32
    %dma_wait3A_2515 = arith.constant 0 : i32
    %dma_wait3A_2516 = tpu.memref_slice %arg7[%dma_wait3A_2512, %dma_wait3A_2513, %dma_wait3A_2514, %dma_wait3A_2515] : memref<6x2x64x128xf32, #tpu.memory_space<vmem>> -> memref<1x1x64x128xf32, #tpu.memory_space<vmem>>
    %dma_wait3A_2517 = tpu.memref_squeeze %dma_wait3A_2516 : memref<1x1x64x128xf32, #tpu.memory_space<vmem>> -> memref<64x128xf32, #tpu.memory_space<vmem>>
    %dma_wait3A_2518 = arith.constant 128 : i32
    %dma_wait3A_2519 = tpu.memref_slice %arg5[%select_n3A, %add3A_2097, %dma_wait3A_2518] : memref<16x2048x256xf32, #tpu.memory_space<hbm>> -> memref<1x64x128xf32, #tpu.memory_space<hbm>>
    %dma_wait3A_2520 = tpu.memref_squeeze %dma_wait3A_2519 : memref<1x64x128xf32, #tpu.memory_space<hbm>> -> memref<64x128xf32, #tpu.memory_space<hbm>>
    %dma_wait3A_2521 = arith.constant 128 : i32
    %dma_wait3A_2522 = tpu.memref_slice %arg5[%select_n3A, %add3A_2097, %dma_wait3A_2521] : memref<16x2048x256xf32, #tpu.memory_space<hbm>> -> memref<1x64x128xf32, #tpu.memory_space<hbm>>
    %dma_wait3A_2523 = tpu.memref_squeeze %dma_wait3A_2522 : memref<1x64x128xf32, #tpu.memory_space<hbm>> -> memref<64x128xf32, #tpu.memory_space<hbm>>
    %dma_wait3A_2524 = arith.constant 0 : i32
    %dma_wait3A_2525 = arith.constant 0 : i32
    %dma_wait3A_2526 = tpu.memref_slice %arg7[%dma_wait3A_2512, %dma_wait3A_2513, %dma_wait3A_2524, %dma_wait3A_2525] : memref<6x2x64x128xf32, #tpu.memory_space<vmem>> -> memref<1x1x64x128xf32, #tpu.memory_space<vmem>>
    %dma_wait3A_2527 = tpu.memref_squeeze %dma_wait3A_2526 : memref<1x1x64x128xf32, #tpu.memory_space<vmem>> -> memref<64x128xf32, #tpu.memory_space<vmem>>
    tpu.wait_dma2 semaphore(%arg29 : memref<!tpu.dma_semaphore, #tpu.memory_space<semaphore_mem>>) src(%dma_wait3A_2527 : memref<64x128xf32, #tpu.memory_space<vmem>>) dst(%dma_wait3A_2523 : memref<64x128xf32, #tpu.memory_space<hbm>>)
    %dma_wait3A_2528 = arith.constant 1 : i32
    %dma_wait3A_2529 = arith.constant 0 : i32
    %dma_wait3A_2530 = arith.constant 0 : i32
    %dma_wait3A_2531 = arith.constant 0 : i32
    %dma_wait3A_2532 = tpu.memref_slice %arg7[%dma_wait3A_2528, %dma_wait3A_2529, %dma_wait3A_2530, %dma_wait3A_2531] : memref<6x2x64x128xf32, #tpu.memory_space<vmem>> -> memref<1x1x64x128xf32, #tpu.memory_space<vmem>>
    %dma_wait3A_2533 = tpu.memref_squeeze %dma_wait3A_2532 : memref<1x1x64x128xf32, #tpu.memory_space<vmem>> -> memref<64x128xf32, #tpu.memory_space<vmem>>
    %dma_wait3A_2534 = arith.constant 0 : i32
    %dma_wait3A_2535 = tpu.memref_slice %arg5[%select_n3A, %add3A_2257, %dma_wait3A_2534] : memref<16x2048x256xf32, #tpu.memory_space<hbm>> -> memref<1x64x128xf32, #tpu.memory_space<hbm>>
    %dma_wait3A_2536 = tpu.memref_squeeze %dma_wait3A_2535 : memref<1x64x128xf32, #tpu.memory_space<hbm>> -> memref<64x128xf32, #tpu.memory_space<hbm>>
    %dma_wait3A_2537 = arith.constant 0 : i32
    %dma_wait3A_2538 = tpu.memref_slice %arg5[%select_n3A, %add3A_2257, %dma_wait3A_2537] : memref<16x2048x256xf32, #tpu.memory_space<hbm>> -> memref<1x64x128xf32, #tpu.memory_space<hbm>>
    %dma_wait3A_2539 = tpu.memref_squeeze %dma_wait3A_2538 : memref<1x64x128xf32, #tpu.memory_space<hbm>> -> memref<64x128xf32, #tpu.memory_space<hbm>>
    %dma_wait3A_2540 = arith.constant 0 : i32
    %dma_wait3A_2541 = arith.constant 0 : i32
    %dma_wait3A_2542 = tpu.memref_slice %arg7[%dma_wait3A_2528, %dma_wait3A_2529, %dma_wait3A_2540, %dma_wait3A_2541] : memref<6x2x64x128xf32, #tpu.memory_space<vmem>> -> memref<1x1x64x128xf32, #tpu.memory_space<vmem>>
    %dma_wait3A_2543 = tpu.memref_squeeze %dma_wait3A_2542 : memref<1x1x64x128xf32, #tpu.memory_space<vmem>> -> memref<64x128xf32, #tpu.memory_space<vmem>>
    tpu.wait_dma2 semaphore(%arg30 : memref<!tpu.dma_semaphore, #tpu.memory_space<semaphore_mem>>) src(%dma_wait3A_2543 : memref<64x128xf32, #tpu.memory_space<vmem>>) dst(%dma_wait3A_2539 : memref<64x128xf32, #tpu.memory_space<hbm>>)
    %dma_wait3A_2544 = arith.constant 1 : i32
    %dma_wait3A_2545 = arith.constant 1 : i32
    %dma_wait3A_2546 = arith.constant 0 : i32
    %dma_wait3A_2547 = arith.constant 0 : i32
    %dma_wait3A_2548 = tpu.memref_slice %arg7[%dma_wait3A_2544, %dma_wait3A_2545, %dma_wait3A_2546, %dma_wait3A_2547] : memref<6x2x64x128xf32, #tpu.memory_space<vmem>> -> memref<1x1x64x128xf32, #tpu.memory_space<vmem>>
    %dma_wait3A_2549 = tpu.memref_squeeze %dma_wait3A_2548 : memref<1x1x64x128xf32, #tpu.memory_space<vmem>> -> memref<64x128xf32, #tpu.memory_space<vmem>>
    %dma_wait3A_2550 = arith.constant 128 : i32
    %dma_wait3A_2551 = tpu.memref_slice %arg5[%select_n3A, %add3A_2257, %dma_wait3A_2550] : memref<16x2048x256xf32, #tpu.memory_space<hbm>> -> memref<1x64x128xf32, #tpu.memory_space<hbm>>
    %dma_wait3A_2552 = tpu.memref_squeeze %dma_wait3A_2551 : memref<1x64x128xf32, #tpu.memory_space<hbm>> -> memref<64x128xf32, #tpu.memory_space<hbm>>
    %dma_wait3A_2553 = arith.constant 128 : i32
    %dma_wait3A_2554 = tpu.memref_slice %arg5[%select_n3A, %add3A_2257, %dma_wait3A_2553] : memref<16x2048x256xf32, #tpu.memory_space<hbm>> -> memref<1x64x128xf32, #tpu.memory_space<hbm>>
    %dma_wait3A_2555 = tpu.memref_squeeze %dma_wait3A_2554 : memref<1x64x128xf32, #tpu.memory_space<hbm>> -> memref<64x128xf32, #tpu.memory_space<hbm>>
    %dma_wait3A_2556 = arith.constant 0 : i32
    %dma_wait3A_2557 = arith.constant 0 : i32
    %dma_wait3A_2558 = tpu.memref_slice %arg7[%dma_wait3A_2544, %dma_wait3A_2545, %dma_wait3A_2556, %dma_wait3A_2557] : memref<6x2x64x128xf32, #tpu.memory_space<vmem>> -> memref<1x1x64x128xf32, #tpu.memory_space<vmem>>
    %dma_wait3A_2559 = tpu.memref_squeeze %dma_wait3A_2558 : memref<1x1x64x128xf32, #tpu.memory_space<vmem>> -> memref<64x128xf32, #tpu.memory_space<vmem>>
    tpu.wait_dma2 semaphore(%arg31 : memref<!tpu.dma_semaphore, #tpu.memory_space<semaphore_mem>>) src(%dma_wait3A_2559 : memref<64x128xf32, #tpu.memory_space<vmem>>) dst(%dma_wait3A_2555 : memref<64x128xf32, #tpu.memory_space<hbm>>)
    %dma_wait3A_2560 = arith.constant 2 : i32
    %dma_wait3A_2561 = arith.constant 0 : i32
    %dma_wait3A_2562 = arith.constant 0 : i32
    %dma_wait3A_2563 = arith.constant 0 : i32
    %dma_wait3A_2564 = tpu.memref_slice %arg7[%dma_wait3A_2560, %dma_wait3A_2561, %dma_wait3A_2562, %dma_wait3A_2563] : memref<6x2x64x128xf32, #tpu.memory_space<vmem>> -> memref<1x1x64x128xf32, #tpu.memory_space<vmem>>
    %dma_wait3A_2565 = tpu.memref_squeeze %dma_wait3A_2564 : memref<1x1x64x128xf32, #tpu.memory_space<vmem>> -> memref<64x128xf32, #tpu.memory_space<vmem>>
    %dma_wait3A_2566 = arith.constant 0 : i32
    %dma_wait3A_2567 = tpu.memref_slice %arg5[%select_n3A, %add3A_2351, %dma_wait3A_2566] : memref<16x2048x256xf32, #tpu.memory_space<hbm>> -> memref<1x64x128xf32, #tpu.memory_space<hbm>>
    %dma_wait3A_2568 = tpu.memref_squeeze %dma_wait3A_2567 : memref<1x64x128xf32, #tpu.memory_space<hbm>> -> memref<64x128xf32, #tpu.memory_space<hbm>>
    %dma_wait3A_2569 = arith.constant 0 : i32
    %dma_wait3A_2570 = tpu.memref_slice %arg5[%select_n3A, %add3A_2351, %dma_wait3A_2569] : memref<16x2048x256xf32, #tpu.memory_space<hbm>> -> memref<1x64x128xf32, #tpu.memory_space<hbm>>
    %dma_wait3A_2571 = tpu.memref_squeeze %dma_wait3A_2570 : memref<1x64x128xf32, #tpu.memory_space<hbm>> -> memref<64x128xf32, #tpu.memory_space<hbm>>
    %dma_wait3A_2572 = arith.constant 0 : i32
    %dma_wait3A_2573 = arith.constant 0 : i32
    %dma_wait3A_2574 = tpu.memref_slice %arg7[%dma_wait3A_2560, %dma_wait3A_2561, %dma_wait3A_2572, %dma_wait3A_2573] : memref<6x2x64x128xf32, #tpu.memory_space<vmem>> -> memref<1x1x64x128xf32, #tpu.memory_space<vmem>>
    %dma_wait3A_2575 = tpu.memref_squeeze %dma_wait3A_2574 : memref<1x1x64x128xf32, #tpu.memory_space<vmem>> -> memref<64x128xf32, #tpu.memory_space<vmem>>
    tpu.wait_dma2 semaphore(%arg32 : memref<!tpu.dma_semaphore, #tpu.memory_space<semaphore_mem>>) src(%dma_wait3A_2575 : memref<64x128xf32, #tpu.memory_space<vmem>>) dst(%dma_wait3A_2571 : memref<64x128xf32, #tpu.memory_space<hbm>>)
    %dma_wait3A_2576 = arith.constant 2 : i32
    %dma_wait3A_2577 = arith.constant 1 : i32
    %dma_wait3A_2578 = arith.constant 0 : i32
    %dma_wait3A_2579 = arith.constant 0 : i32
    %dma_wait3A_2580 = tpu.memref_slice %arg7[%dma_wait3A_2576, %dma_wait3A_2577, %dma_wait3A_2578, %dma_wait3A_2579] : memref<6x2x64x128xf32, #tpu.memory_space<vmem>> -> memref<1x1x64x128xf32, #tpu.memory_space<vmem>>
    %dma_wait3A_2581 = tpu.memref_squeeze %dma_wait3A_2580 : memref<1x1x64x128xf32, #tpu.memory_space<vmem>> -> memref<64x128xf32, #tpu.memory_space<vmem>>
    %dma_wait3A_2582 = arith.constant 128 : i32
    %dma_wait3A_2583 = tpu.memref_slice %arg5[%select_n3A, %add3A_2351, %dma_wait3A_2582] : memref<16x2048x256xf32, #tpu.memory_space<hbm>> -> memref<1x64x128xf32, #tpu.memory_space<hbm>>
    %dma_wait3A_2584 = tpu.memref_squeeze %dma_wait3A_2583 : memref<1x64x128xf32, #tpu.memory_space<hbm>> -> memref<64x128xf32, #tpu.memory_space<hbm>>
    %dma_wait3A_2585 = arith.constant 128 : i32
    %dma_wait3A_2586 = tpu.memref_slice %arg5[%select_n3A, %add3A_2351, %dma_wait3A_2585] : memref<16x2048x256xf32, #tpu.memory_space<hbm>> -> memref<1x64x128xf32, #tpu.memory_space<hbm>>
    %dma_wait3A_2587 = tpu.memref_squeeze %dma_wait3A_2586 : memref<1x64x128xf32, #tpu.memory_space<hbm>> -> memref<64x128xf32, #tpu.memory_space<hbm>>
    %dma_wait3A_2588 = arith.constant 0 : i32
    %dma_wait3A_2589 = arith.constant 0 : i32
    %dma_wait3A_2590 = tpu.memref_slice %arg7[%dma_wait3A_2576, %dma_wait3A_2577, %dma_wait3A_2588, %dma_wait3A_2589] : memref<6x2x64x128xf32, #tpu.memory_space<vmem>> -> memref<1x1x64x128xf32, #tpu.memory_space<vmem>>
    %dma_wait3A_2591 = tpu.memref_squeeze %dma_wait3A_2590 : memref<1x1x64x128xf32, #tpu.memory_space<vmem>> -> memref<64x128xf32, #tpu.memory_space<vmem>>
    tpu.wait_dma2 semaphore(%arg33 : memref<!tpu.dma_semaphore, #tpu.memory_space<semaphore_mem>>) src(%dma_wait3A_2591 : memref<64x128xf32, #tpu.memory_space<vmem>>) dst(%dma_wait3A_2587 : memref<64x128xf32, #tpu.memory_space<hbm>>)
    %dma_wait3A_2592 = arith.constant 3 : i32
    %dma_wait3A_2593 = arith.constant 0 : i32
    %dma_wait3A_2594 = arith.constant 0 : i32
    %dma_wait3A_2595 = arith.constant 0 : i32
    %dma_wait3A_2596 = tpu.memref_slice %arg7[%dma_wait3A_2592, %dma_wait3A_2593, %dma_wait3A_2594, %dma_wait3A_2595] : memref<6x2x64x128xf32, #tpu.memory_space<vmem>> -> memref<1x1x64x128xf32, #tpu.memory_space<vmem>>
    %dma_wait3A_2597 = tpu.memref_squeeze %dma_wait3A_2596 : memref<1x1x64x128xf32, #tpu.memory_space<vmem>> -> memref<64x128xf32, #tpu.memory_space<vmem>>
    %dma_wait3A_2598 = arith.constant 0 : i32
    %dma_wait3A_2599 = tpu.memref_slice %arg5[%select_n3A, %add3A_2399, %dma_wait3A_2598] : memref<16x2048x256xf32, #tpu.memory_space<hbm>> -> memref<1x64x128xf32, #tpu.memory_space<hbm>>
    %dma_wait3A_2600 = tpu.memref_squeeze %dma_wait3A_2599 : memref<1x64x128xf32, #tpu.memory_space<hbm>> -> memref<64x128xf32, #tpu.memory_space<hbm>>
    %dma_wait3A_2601 = arith.constant 0 : i32
    %dma_wait3A_2602 = tpu.memref_slice %arg5[%select_n3A, %add3A_2399, %dma_wait3A_2601] : memref<16x2048x256xf32, #tpu.memory_space<hbm>> -> memref<1x64x128xf32, #tpu.memory_space<hbm>>
    %dma_wait3A_2603 = tpu.memref_squeeze %dma_wait3A_2602 : memref<1x64x128xf32, #tpu.memory_space<hbm>> -> memref<64x128xf32, #tpu.memory_space<hbm>>
    %dma_wait3A_2604 = arith.constant 0 : i32
    %dma_wait3A_2605 = arith.constant 0 : i32
    %dma_wait3A_2606 = tpu.memref_slice %arg7[%dma_wait3A_2592, %dma_wait3A_2593, %dma_wait3A_2604, %dma_wait3A_2605] : memref<6x2x64x128xf32, #tpu.memory_space<vmem>> -> memref<1x1x64x128xf32, #tpu.memory_space<vmem>>
    %dma_wait3A_2607 = tpu.memref_squeeze %dma_wait3A_2606 : memref<1x1x64x128xf32, #tpu.memory_space<vmem>> -> memref<64x128xf32, #tpu.memory_space<vmem>>
    tpu.wait_dma2 semaphore(%arg34 : memref<!tpu.dma_semaphore, #tpu.memory_space<semaphore_mem>>) src(%dma_wait3A_2607 : memref<64x128xf32, #tpu.memory_space<vmem>>) dst(%dma_wait3A_2603 : memref<64x128xf32, #tpu.memory_space<hbm>>)
    %dma_wait3A_2608 = arith.constant 3 : i32
    %dma_wait3A_2609 = arith.constant 1 : i32
    %dma_wait3A_2610 = arith.constant 0 : i32
    %dma_wait3A_2611 = arith.constant 0 : i32
    %dma_wait3A_2612 = tpu.memref_slice %arg7[%dma_wait3A_2608, %dma_wait3A_2609, %dma_wait3A_2610, %dma_wait3A_2611] : memref<6x2x64x128xf32, #tpu.memory_space<vmem>> -> memref<1x1x64x128xf32, #tpu.memory_space<vmem>>
    %dma_wait3A_2613 = tpu.memref_squeeze %dma_wait3A_2612 : memref<1x1x64x128xf32, #tpu.memory_space<vmem>> -> memref<64x128xf32, #tpu.memory_space<vmem>>
    %dma_wait3A_2614 = arith.constant 128 : i32
    %dma_wait3A_2615 = tpu.memref_slice %arg5[%select_n3A, %add3A_2399, %dma_wait3A_2614] : memref<16x2048x256xf32, #tpu.memory_space<hbm>> -> memref<1x64x128xf32, #tpu.memory_space<hbm>>
    %dma_wait3A_2616 = tpu.memref_squeeze %dma_wait3A_2615 : memref<1x64x128xf32, #tpu.memory_space<hbm>> -> memref<64x128xf32, #tpu.memory_space<hbm>>
    %dma_wait3A_2617 = arith.constant 128 : i32
    %dma_wait3A_2618 = tpu.memref_slice %arg5[%select_n3A, %add3A_2399, %dma_wait3A_2617] : memref<16x2048x256xf32, #tpu.memory_space<hbm>> -> memref<1x64x128xf32, #tpu.memory_space<hbm>>
    %dma_wait3A_2619 = tpu.memref_squeeze %dma_wait3A_2618 : memref<1x64x128xf32, #tpu.memory_space<hbm>> -> memref<64x128xf32, #tpu.memory_space<hbm>>
    %dma_wait3A_2620 = arith.constant 0 : i32
    %dma_wait3A_2621 = arith.constant 0 : i32
    %dma_wait3A_2622 = tpu.memref_slice %arg7[%dma_wait3A_2608, %dma_wait3A_2609, %dma_wait3A_2620, %dma_wait3A_2621] : memref<6x2x64x128xf32, #tpu.memory_space<vmem>> -> memref<1x1x64x128xf32, #tpu.memory_space<vmem>>
    %dma_wait3A_2623 = tpu.memref_squeeze %dma_wait3A_2622 : memref<1x1x64x128xf32, #tpu.memory_space<vmem>> -> memref<64x128xf32, #tpu.memory_space<vmem>>
    tpu.wait_dma2 semaphore(%arg35 : memref<!tpu.dma_semaphore, #tpu.memory_space<semaphore_mem>>) src(%dma_wait3A_2623 : memref<64x128xf32, #tpu.memory_space<vmem>>) dst(%dma_wait3A_2619 : memref<64x128xf32, #tpu.memory_space<hbm>>)
    return
  }
}

</mosaic_0001>

<sc_bundles>
// kernel: kernel.3.cloned.1.call-start
scs
__scs_entry_jumppad:
0x0: {  	(pc) =	sbr.rel $0x88, $3  }
0x1: {  	(tag) =	ssettag $0x0;
	lr =	simm.s32 $0x1  }
0x2: {  	[smem:$0x3F9F] =	sst lr;
	_ =	strace $0xD0000000  }
0x3: {  	_ = 	snop  }
0x4: {  	_ = 	snop  }
0x5: {  	_ = 	snop  }
0x6: {  	_ = 	snop  }
0x7: {  	_ = 	snop  }
__scs_overlays_trampoline_lowered:
0x8: {  	[smem:$0x3FAE] =	sst s0  }
0x9: {  	[smem:$0x3FAF] =	sst s1  }
0xa: {  	[smem:$0x3FB0] =	sst s2  }
0xb: {  	[smem:$0x3FB1] =	sst s3  }
0xc: {  	[smem:$0x3FB2] =	sst s4  }
0xd: {  	[smem:$0x3FB3] =	sst s5  }
0xe: {  	[smem:$0x3FB4] =	sst s6  }
0xf: {  	[smem:$0x3FB5] =	sst s7  }
0x10: {  	[smem:$0x3FB6] =	sst s8  }
0x11: {  	[smem:$0x3FB7] =	sst s9;
	s0 =	simm.s32 @!p0 $0x0  }
0x12: {  	s1 =	sld [smem:$0x3F9D];
	s0 =	simm.s32 @p0 $0x1  }
0x13: {  	[smem:$0x3FB8] =	sst s0;
	s0 =	simm.s32 @!p1 $0x0  }
0x14: {  	s2 =	sld [smem:$0x3F9C];
	s0 =	simm.s32 @p1 $0x1  }
0x15: {  	[smem:$0x3FB9] =	sst s0;
	s0 =	simm.s32 @!p2 $0x0  }
0x16: {  	s3 =	sld [smem:$0x3FDB];
	s0 =	simm.s32 @p2 $0x1  }
0x17: {  	s4 =	simm.s32 $0x1BF5;
	[smem:$0x3FBB] =	sst s0  }
0x18: {  	s0 =	sld [smem:$0x3F9E];
	_ =	swait.ge [sflag:s4], $0x0  }
0x19: {  	s7 =	sld [smem:$0x3F9F]  }
0x1a: {  	s8 =	sadd.s32 $0xFFFFE003, lr  }
0x1b: {  	s9 =	sadd.s32 $0xFFFFFEF7, lr;
	s5 =	simm.s32 $0xFFFFFFFF;
	p2 =	slt.u32 s8, $0xFFFFF086  }
0x1c: {  	p1 =	slt.u32 s9, $0xF7A;
	s5 =	simm.s32 @!p2 $0x0  }
0x1d: {  	s5 =	simm.s32 @p1 $0x1;
	p0 =	seq.s32 s7, s2  }
0x1e: {  	s7 =	smul.u32 @!p0 $0xF7A, s2;
	p2 =	seq.s32 @!p0 s5, $0x0  }
0x1f: {  	s9 =	smul.u32 $0xF7A, s1;
	s8 =	simm.s32 @!p0 $0x1BF5;
	p2 =	por !p2, p0  }
0x20: {  	[sflag:s8] =	ssyncset.s32 @!p0 $0xFFFFF086;
	s6 =	sadd.s32 @!p0 s3, s7;
	s7 =	simm.s32 @!p0 $0x108  }
0x21: {  	s3 =	sadd.s32 s3, s9;
	s6 =	sadd.s32 @!p0 $0x88, s6;
	s7 =	simm.s32 @p2 $0x1082  }
0x22: {  	[simem:s7], [sflag:s8] =	dma.local @!p0 [hbm:s6], $0xF7A  }
0x23: {  	s9 =	sor.u32 $0xD0000000, s2;
	s6 =	simm.s32 $0x108;
	_ =	swait.ge @!p0 [sflag:s8], $0x0  }
0x24: {  	s3 =	sadd.s32 $0x88, s3;
	s6 =	simm.s32 @!p1 $0x1082;
	[sflag:s4] =	ssyncset.s32 $0xFFFFF086  }
0x25: {  	[simem:s6], [sflag:s4] =	dma.local [hbm:s3], $0xF7A  }
0x26: {  	[smem:$0x3F9F] =	sst s1;
	(tag) =	ssettag s2;
	_ =	strace s9  }
0x27: {  	s1 =	sld [smem:$0x3FAF]  }
0x28: {  	s2 =	sld [smem:$0x3FB0]  }
0x29: {  	s4 =	sld [smem:$0x3FB2]  }
0x2a: {  	p0 =	seq.s32 s5, $0x0;
	s5 =	sld [smem:$0x3FB3]  }
0x2b: {  	s6 =	sld [smem:$0x3FB4]  }
0x2c: {  	s7 =	sld [smem:$0x3FB5]  }
0x2d: {  	s3 =	simm.s32 $0x108;
	s8 =	sld [smem:$0x3FB6]  }
0x2e: {  	s3 =	simm.s32 @!p0 $0x1082;
	s9 =	sld [smem:$0x3FB7]  }
0x2f: {  	lr =	sadd.s32 s0, s3;
	s0 =	sld [smem:$0x3FAE]  }
0x30: {  	s3 =	sld [smem:$0x3FB1]  }
0x31: {  	[smem:$0x3FBA] =	sst s10  }
0x32: {  	s10 =	sld [smem:$0x3FB8];
	_ =	sdelay $0x3  }
0x33: {  	p0 =	seq.s32 s10, $0x1;
	s10 =	sld [smem:$0x3FBA];
	_ =	sdelay $0x3  }
0x34: {  	[smem:$0x3FBA] =	sst s10  }
0x35: {  	s10 =	sld [smem:$0x3FB9];
	_ =	sdelay $0x3  }
0x36: {  	p1 =	seq.s32 s10, $0x1;
	s10 =	sld [smem:$0x3FBA];
	_ =	sdelay $0x3  }
0x37: {  	[smem:$0x3FBA] =	sst s10  }
0x38: {  	s10 =	sld [smem:$0x3FBB]  }
0x39: {  	_ = 	snop;
	(pc) =	sbr.ind lr, $3  }
0x3a: {  	_ = 	snop  }
0x3b: {  	_ = 	snop  }
0x3c: {  	p2 =	seq.s32 s10, $0x1;
	s10 =	sld [smem:$0x3FBA]  }
0x3d: {  	_ =	shalt  }
0x3e: {  	_ =	shalt  }
0x3f: {  	_ =	shalt  }
0x40: {  	_ =	shalt  }
0x41: {  	_ =	shalt  }
0x42: {  	_ =	shalt  }
0x43: {  	_ =	shalt  }
0x44: {  	_ =	shalt  }
0x45: {  	_ =	shalt  }
0x46: {  	_ =	shalt  }
0x47: {  	_ =	shalt  }
0x48: {  	_ =	shalt  }
0x49: {  	_ =	shalt  }
0x4a: {  	_ =	shalt  }
0x4b: {  	_ =	shalt  }
0x4c: {  	_ =	shalt  }
0x4d: {  	_ =	shalt  }
0x4e: {  	_ =	shalt  }
0x4f: {  	_ =	shalt  }
0x50: {  	_ =	shalt  }
0x51: {  	_ =	shalt  }
0x52: {  	_ =	shalt  }
0x53: {  	_ =	shalt  }
0x54: {  	_ =	shalt  }
0x55: {  	_ =	shalt  }
0x56: {  	_ =	shalt  }
0x57: {  	_ =	shalt  }
0x58: {  	_ =	shalt  }
0x59: {  	_ =	shalt  }
0x5a: {  	_ =	shalt  }
0x5b: {  	_ =	shalt  }
0x5c: {  	_ =	shalt  }
0x5d: {  	_ =	shalt  }
0x5e: {  	_ =	shalt  }
0x5f: {  	_ =	shalt  }
0x60: {  	_ =	shalt  }
0x61: {  	_ =	shalt  }
0x62: {  	_ =	shalt  }
0x63: {  	_ =	shalt  }
0x64: {  	_ =	shalt  }
0x65: {  	_ =	shalt  }
0x66: {  	_ =	shalt  }
0x67: {  	_ =	shalt  }
0x68: {  	_ =	shalt  }
0x69: {  	_ =	shalt  }
0x6a: {  	_ =	shalt  }
0x6b: {  	_ =	shalt  }
0x6c: {  	_ =	shalt  }
0x6d: {  	_ =	shalt  }
0x6e: {  	_ =	shalt  }
0x6f: {  	_ =	shalt  }
0x70: {  	_ =	shalt  }
0x71: {  	_ =	shalt  }
0x72: {  	_ =	shalt  }
0x73: {  	_ =	shalt  }
0x74: {  	_ =	shalt  }
0x75: {  	_ =	shalt  }
0x76: {  	_ =	shalt  }
0x77: {  	_ =	shalt  }
0x78: {  	_ =	shalt  }
0x79: {  	_ =	shalt  }
0x7a: {  	_ =	shalt  }
0x7b: {  	_ =	shalt  }
0x7c: {  	_ =	shalt  }
0x7d: {  	_ =	shalt  }
0x7e: {  	_ =	shalt  }
0x7f: {  	_ =	shalt  }
0x80: {  	_ =	shalt  }
0x81: {  	_ =	shalt  }
0x82: {  	_ =	shalt  }
0x83: {  	_ =	shalt  }
0x84: {  	_ =	shalt  }
0x85: {  	_ =	shalt  }
0x86: {  	_ =	shalt  }
0x87: {  	_ =	shalt  }
.Lfunc_end0:
.L_simem_size_0:
called_computation_lowered:
.L_overlay_start_0:
0x88: {  	s2 =	sld [smem:$0x3FD9]  }
0x89: {  	s3 =	sld [smem:$0x3FFE];
	_ =	sdelay $0x1  }
0x8a: {  	s1 =	srdreg.scid  }
0x8b: {  	s0 =	sand.u32 $0x1, s1  }
0x8c: {  	s17 =	sshll.u32 s0, $0xA;
	s2 =	sadd.s32 s3, s2  }
0x8d: {  	s2 =	sadd.s32 s2, s17  }
0x8e: {  	[smem:$0x3FC6] =	sst s2  }
0x8f: {  	_ = 	snop  }
0x90: {  	s2 =	sld [smem:$0x3FC9]  }
0x91: {  	s18 =	sld [smem:$0x3FD0];
	(tm) =	ssettm $0x1  }
0x92: {  	s4 =	sld [smem:$0x3FFB];
	_ =	sdelay $0x3  }
0x93: {  	_ =	strace s4  }
0x94: {  	s4 =	sld [smem:$0x3FFC];
	_ =	sdelay $0x3  }
0x95: {  	_ =	strace s4  }
0x96: {  	s4 =	sld [smem:$0x3FFD];
	_ =	sdelay $0x3  }
0x97: {  	_ =	strace s4  }
0x98: {  	_ =	strace $0x8FFFFFFF  }
0x99: {  	s19 =	sld [smem:$0x3FDB];
	_ =	sdelay $0x1  }
0x9a: {  	s5 =	simm.s32 $_scs_section_size  }
0x9b: {  	s6 =	simm.s32 $_size__tile_overlayer_lowered;
	s7 =	simm.s32 $_tile_overlayer_lowered  }
0x9c: {  	s22 =	simm.s32 $0x1BFF;
	s21 =	sshll.u32 s7, $0x1;
	s4 =	sadd.s32 s5, s19  }
0x9d: {  	s8 =	simm.s32 $0x0;
	s20 =	sshll.u32 s6, $0x1;
	s6 =	sadd.s32 s21, s4  }
0x9e: {  	[timem:s8], [sflag:s22] =	dma.local [hbm:s6], s20  }
0x9f: {  	_ =	swait.ge [sflag:s22], s20  }
0xa0: {  	s5 =	ssub.s32 $0x0, s20;
	[sflag:s22] =	ssyncset.done $0x0  }
0xa1: {  	[sflag:s22] =	ssyncadd.s32 s5;
	_ =	sdelay $0x1  }
0xa2: {  	s23 =	simm.s32 $0x1B8B  }
0xa3: {  	_ =	swait.ge [sflag:s23], $0x1  }
0xa4: {  	[sflag:s23] =	ssyncset.done $0x0  }
0xa5: {  	s25 =	simm.s32 $0x1B8E;
	s24 =	sld [smem:$0x3FFE];
	[sflag:s23] =	ssyncadd.s32 $0xFFFFFFFF  }
0xa6: {  	s26 =	simm.s32 $execute0_lowered;
	[smem:$0x3FD2] =	sst s25  }
0xa7: {  	s6 =	sshll.u32 s26, $0x1;
	_ =	strace $0x80000046;
	[dreg:$0x1] =	wrdreg $0xFFFFFFFF  }
0xa8: {  	s28 =	simm.s32 $_size_execute0_lowered;
	s4 =	sadd.s32 s4, s6;
	[dreg:$0x0] =	wrdreg $0x0  }
0xa9: {  	s6 =	sshll.u32 s28, $0x1;
	[dreg:$0x2] =	wrdreg s4  }
0xaa: {  	[dreg:$0x3] =	wrdreg s6  }
0xab: {  	[dreg:$0x4] =	wrdreg $0xC0  }
0xac: {  	_ =	task [dreg:s8], $0x5FFFF  }
0xad: {  	[dreg:$0x1] =	wrdreg $0xFFFFFFFF  }
0xae: {  	[dreg:$0x0] =	wrdreg $0x60  }
0xaf: {  	[dreg:$0x2] =	wrdreg s2  }
0xb0: {  	[dreg:$0x3] =	wrdreg s24  }
0xb1: {  	[dreg:$0x4] =	wrdreg s18  }
0xb2: {  	[dreg:$0x5] =	wrdreg $0x188000  }
0xb3: {  	[dreg:$0x6] =	wrdreg $0x9  }
0xb4: {  	_ =	task.clear_ibuf [dreg:s8], $0x7FFFF;
	_ =	strace $0x90000046  }
0xb5: {  	s29 =	simm.s32 $0x9;
	_ =	strace $0x80000048  }
0xb6: {  	_ =	swait.ge [sflag:s29], $0x1  }
0xb7: {  	[sflag:s29] =	ssyncadd.s32 $0xFFFFFFFF  }
0xb8: {  	_ =	strace $0x90000048  }
0xb9: {  	_ =	sfence  }
0xba: {  	s30 =	sld [smem:$0x0];
	_ =	sdelay $0x2  }
0xbb: {  	s31 =	sshll.u32 s1, $0xD;
	s1 =	sshrl.u32 s1, $0x2  }
0xbc: {  	s3 =	sand.u32 $0x4000, s31;
	s1 =	sadd.s32 s1, s30  }
0xbd: {  	s0 =	sor.u32 s3, s0;
	s1 =	sshll.u32 s1, $0x11  }
0xbe: {  	s0 =	sor.u32 s1, s0  }
0xbf: {  	s0 =	sadd.s32 $0x8F2B, s0  }
0xc0: {  	[sflag:s0] =	ssyncadd.remote.s32 $0x1  }
0xc1: {  	_ =	sfence.sel $0xFFFF  }
0xc2: {  	[dreg:$0x0] =	wrdreg $0xFFFFFFFF;
	(pc) =	sbr.abs _section_cstart, $3  }
0xc3: {  	[dreg:$0x1] =	wrdreg $0xFFFFFFFF  }
0xc4: {  	_ =	task.clear_ibuf [dreg:s8], $0x2FFFF;
	_ =	strace $0x9FFFFFFF  }
0xc5: {  	(tm) =	ssettm $0x7FFFFFFF  }
tec
execute0_lowered:
.L_overlay_start_1:
0x0: {  	(tag) =	ssettag $0x1  }
0x1: {  	s1 =	srdreg.scid  }
0x2: {  	s0 =	stileid.u32;
	s3 =	sand.u32 $0x1, s1  }
0x3: {  	s1 =	sor.u32 s3, s0  }
0x4: {  	p1 =	seq.s32 s3, $0x1;
	p0 =	seq.s32 s1, $0x0  }
0x5: {  	p0 =	por !p0, !p1  }
0x6: {  	s4 =	rddreg [dreg:$0x0];
	s6 =	simm.s32 $0x1;
	p0 =	por !p0, !p0  }
0x7: {  	s5 =	rddreg [dreg:$0x1];
	s6 =	simm.s32 @!p0 $0x0  }
0x8: {  	s2 =	rddreg [dreg:$0x2];
	s7 =	simm.s32 $0x0;
	s6 =	ssub.s32 s0, s6  }
0x9: {  	[smem:$0x7FF] =	sst s7;
	s8 =	sshll.u32 s3, $0xB;
	s14 =	sshll.u32 s6, $0xC  }
0xa: {  	s15 =	sshll.u32 s3, $0x12;
	s1 =	rddreg [dreg:$0x3];
	s7 =	sor.u32 s8, s14  }
0xb: {  	_ =	strace $0x80000047;
	s6 =	sshll.u32 s6, $0x13;
	s7 =	sshrl.u32 s7, $0x3  }
0xc: {  	s6 =	sor.u32 s15, s6;
	s7 =	sadd.s32 s7, s5;
	s5 =	sadd.s32 $0x2400, s5  }
0xd: {  	[dreg:$0x5] =	wrdreg s5;
	s7 =	sadd.s32 $0x400, s7;
	s5 =	sshrl.u32 s6, $0x3  }
0xe: {  	[dreg:$0x6] =	wrdreg s7;
	s6 =	sadd.s32 s4, s5  }
0xf: {  	s7 =	sor.u32 $0x80, s5;
	s31 =	sadd.s32 s2, s5;
	[dreg:$0x7] =	wrdreg s6  }
0x10: {  	s8 =	sor.u32 $0x800, s5;
	s16 =	sadd.s32 s4, s7;
	[dreg:$0x13] =	wrdreg s31  }
0x11: {  	s9 =	sor.u32 $0x880, s5;
	s17 =	sadd.s32 s4, s8;
	[dreg:$0x8] =	wrdreg s16  }
0x12: {  	s10 =	sor.u32 $0x1000, s5;
	s18 =	sadd.s32 s4, s9;
	[dreg:$0x9] =	wrdreg s17  }
0x13: {  	s11 =	sor.u32 $0x1080, s5;
	s19 =	sadd.s32 s4, s10;
	[dreg:$0xa] =	wrdreg s18  }
0x14: {  	s12 =	sor.u32 $0x1800, s5;
	s20 =	sadd.s32 s4, s11;
	[dreg:$0xb] =	wrdreg s19  }
0x15: {  	s13 =	sor.u32 $0x1880, s5;
	s21 =	sadd.s32 s4, s12;
	[dreg:$0xc] =	wrdreg s20  }
0x16: {  	s14 =	sor.u32 $0x2000, s5;
	s22 =	sadd.s32 s4, s13;
	[dreg:$0xd] =	wrdreg s21  }
0x17: {  	s15 =	sor.u32 $0x2080, s5;
	s23 =	sadd.s32 s4, s14;
	[dreg:$0xe] =	wrdreg s22  }
0x18: {  	s24 =	sadd.s32 s4, s15;
	[dreg:$0xf] =	wrdreg s23  }
0x19: {  	s7 =	sadd.s32 s2, s7;
	[dreg:$0x10] =	wrdreg s24  }
0x1a: {  	[dreg:$0x14] =	wrdreg s7;
	s18 =	sadd.s32 s2, s8  }
0x1b: {  	s19 =	sadd.s32 s2, s9;
	[dreg:$0x15] =	wrdreg s18  }
0x1c: {  	s20 =	sadd.s32 s2, s10;
	[dreg:$0x16] =	wrdreg s19  }
0x1d: {  	s21 =	sadd.s32 s2, s11;
	[dreg:$0x17] =	wrdreg s20  }
0x1e: {  	s22 =	sadd.s32 s2, s12;
	[dreg:$0x18] =	wrdreg s21  }
0x1f: {  	s23 =	sadd.s32 s2, s13;
	[dreg:$0x19] =	wrdreg s22  }
0x20: {  	s9 =	sadd.s32 s2, s14;
	[dreg:$0x1a] =	wrdreg s23  }
0x21: {  	s16 =	sor.u32 $0x2800, s5;
	s10 =	sadd.s32 s2, s15;
	[dreg:$0x1d] =	wrdreg s9  }
0x22: {  	s17 =	sor.u32 $0x2880, s5;
	s25 =	sadd.s32 s4, s16;
	[dreg:$0x1e] =	wrdreg s10  }
0x23: {  	s11 =	sor.u32 $0x3800, s5;
	s26 =	sadd.s32 s4, s17;
	[dreg:$0x11] =	wrdreg s25  }
0x24: {  	s13 =	sor.u32 $0x3880, s5;
	s12 =	sadd.s32 s4, s11;
	[dreg:$0x12] =	wrdreg s26  }
0x25: {  	s14 =	sadd.s32 s4, s13;
	[dreg:$0x1f] =	wrdreg s12  }
0x26: {  	s15 =	sadd.s32 s2, s16;
	[smem:$0x7CA] =	sst s14  }
0x27: {  	s24 =	sor.u32 $0x3000, s5;
	s16 =	sadd.s32 s2, s17;
	[smem:$0x7CB] =	sst s15  }
0x28: {  	s21 =	sadd.s32 s2, s24;
	[smem:$0x7CC] =	sst s16  }
0x29: {  	s9 =	sadd.s32 s2, s13;
	[smem:$0x7CF] =	sst s21  }
0x2a: {  	s17 =	sor.u32 $0x4000, s5;
	s25 =	sadd.s32 s4, s24;
	[smem:$0x7D4] =	sst s9  }
0x2b: {  	s19 =	sor.u32 $0x4080, s5;
	s18 =	sadd.s32 s4, s17;
	[dreg:$0x1b] =	wrdreg s25  }
0x2c: {  	s23 =	sor.u32 $0x4800, s5;
	s20 =	sadd.s32 s4, s19;
	[smem:$0x7CD] =	sst s18  }
0x2d: {  	s10 =	sor.u32 $0x5000, s5;
	s24 =	sadd.s32 s4, s23;
	[smem:$0x7CE] =	sst s20  }
0x2e: {  	s13 =	sadd.s32 s4, s10;
	[smem:$0x7D1] =	sst s24  }
0x2f: {  	s16 =	sadd.s32 s2, s17;
	[smem:$0x7D5] =	sst s13  }
0x30: {  	s17 =	sadd.s32 s2, s19;
	[smem:$0x7D7] =	sst s16  }
0x31: {  	s26 =	sor.u32 $0x3080, s5;
	s9 =	sadd.s32 s2, s10;
	[smem:$0x7D8] =	sst s17  }
0x32: {  	s31 =	sadd.s32 s4, s26;
	[smem:$0x7DF] =	sst s9  }
0x33: {  	s14 =	sor.u32 $0x5080, s5;
	s22 =	sadd.s32 s2, s26;
	[dreg:$0x1c] =	wrdreg s31  }
0x34: {  	s15 =	sadd.s32 s4, s14;
	[smem:$0x7D0] =	sst s22  }
0x35: {  	s25 =	sor.u32 $0x4880, s5;
	s13 =	sadd.s32 s2, s14;
	[smem:$0x7D6] =	sst s15  }
0x36: {  	s26 =	sadd.s32 s4, s25;
	[smem:$0x7E0] =	sst s13  }
0x37: {  	s18 =	sor.u32 $0x5800, s5;
	s31 =	sadd.s32 s2, s11;
	[smem:$0x7D2] =	sst s26  }
0x38: {  	s20 =	sor.u32 $0x5880, s5;
	s19 =	sadd.s32 s4, s18;
	[smem:$0x7D3] =	sst s31  }
0x39: {  	s21 =	sadd.s32 s4, s20;
	[smem:$0x7D9] =	sst s19  }
0x3a: {  	s22 =	sadd.s32 s2, s23;
	[smem:$0x7DA] =	sst s21  }
0x3b: {  	s24 =	sor.u32 $0x6000, s5;
	s23 =	sadd.s32 s2, s25;
	[smem:$0x7DB] =	sst s22  }
0x3c: {  	s14 =	sor.u32 $0x6800, s5;
	s25 =	sadd.s32 s4, s24;
	[smem:$0x7DC] =	sst s23  }
0x3d: {  	s16 =	sor.u32 $0x6880, s5;
	s15 =	sadd.s32 s4, s14;
	[smem:$0x7DD] =	sst s25  }
0x3e: {  	s17 =	sadd.s32 s4, s16;
	[smem:$0x7E1] =	sst s15  }
0x3f: {  	s18 =	sadd.s32 s2, s18;
	[smem:$0x7E2] =	sst s17  }
0x40: {  	s24 =	sadd.s32 s2, s24;
	[smem:$0x7E3] =	sst s18  }
0x41: {  	s30 =	simm.s32 $0x1;
	s6 =	sadd.s32 s2, s14;
	[smem:$0x7E7] =	sst s24  }
0x42: {  	s29 =	simm.s32 $0x10;
	s8 =	sadd.s32 s2, s16;
	[smem:$0x7EB] =	sst s6  }
0x43: {  	s28 =	simm.s32 $0x1E;
	s14 =	simm.s32 $0x100;
	[smem:$0x7EC] =	sst s8  }
0x44: {  	s3 =	ssub.s32 $0x2, s3;
	s16 =	simm.s32 $0x200;
	[smem:$0x7F1] =	sst s14  }
0x45: {  	p1 =	por $0x0, $0x0;
	s19 =	sadd.s32 s2, s20;
	[smem:$0x7F3] =	sst s16  }
0x46: {  	p0 =	sne.s32 s0, $0x0;
	s15 =	simm.s32 $0x180;
	[smem:$0x7E4] =	sst s19  }
0x47: {  	s7 =	simm.s32 $0x9;
	s17 =	simm.s32 $0x280;
	[smem:$0x7F2] =	sst s15  }
0x48: {  	s11 =	sshrl.u32 s3, $0x1;
	s18 =	simm.s32 $0x300;
	[smem:$0x7F4] =	sst s17  }
0x49: {  	s26 =	sor.u32 $0x6080, s5;
	s24 =	simm.s32 $0x600;
	[smem:$0x7F5] =	sst s18  }
0x4a: {  	s20 =	sor.u32 $0x7000, s5;
	s31 =	sadd.s32 s4, s26;
	[smem:$0x7FA] =	sst s24  }
0x4b: {  	s22 =	sor.u32 $0x7080, s5;
	s21 =	sadd.s32 s4, s20;
	[smem:$0x7DE] =	sst s31  }
0x4c: {  	s3 =	ssub.s32 s3, s11;
	s23 =	sadd.s32 s4, s22;
	[smem:$0x7E5] =	sst s21  }
0x4d: {  	s8 =	simm.s32 $0x7;
	s25 =	sadd.s32 s2, s26;
	[smem:$0x7E6] =	sst s23  }
0x4e: {  	s26 =	sor.u32 $0x7800, s5;
	s9 =	sadd.s32 s2, s20;
	[smem:$0x7E8] =	sst s25  }
0x4f: {  	s5 =	sor.u32 $0x7880, s5;
	s10 =	sadd.s32 s2, s22;
	[smem:$0x7ED] =	sst s9  }
0x50: {  	s13 =	smax.u32 s3, $0x1;
	s19 =	simm.s32 $0x380;
	[smem:$0x7EE] =	sst s10  }
0x51: {  	s3 =	simm.s32 $0x800;
	s20 =	simm.s32 $0x480;
	[smem:$0x7F6] =	sst s19  }
0x52: {  	s22 =	simm.s32 $0x580;
	s31 =	sadd.s32 s4, s26;
	[smem:$0x7F7] =	sst s20  }
0x53: {  	s4 =	sadd.s32 s4, s5;
	s12 =	sadd.s32 s2, s26;
	[smem:$0x7F9] =	sst s22  }
0x54: {  	s2 =	sadd.s32 s2, s5;
	s23 =	simm.s32 $0x2800;
	s22 =	rddreg [dreg:$0x6]  }
0x55: {  	s21 =	simm.s32 $0x500;
	s25 =	simm.s32 $0x680;
	[smem:$0x7E9] =	sst s31  }
0x56: {  	s20 =	simm.s32 $0xE;
	s0 =	sadd.s32 $0xFFFFFFFF, s13;
	[smem:$0x7EA] =	sst s4  }
0x57: {  	s26 =	simm.s32 $0x700;
	[smem:$0x7EF] =	sst s12;
	p2 =	sne.s32 s0, $0x0  }
.Ltmp0:
0x58: {  	s19 =	simm.s32 $0xF;
	[smem:$0x7F0] =	sst s2;
	(pc) =	sbr.rel @!p2 .LBB2_5-.Ltmp0, $4  }
0x59: {  	s9 =	simm.s32 $0x8;
	s5 =	simm.s32 $0x1B;
	[smem:$0x7F8] =	sst s21  }
0x5a: {  	s10 =	sshrl.u32 @!p0 s1, $0x3;
	s2 =	simm.s32 $0x400;
	[smem:$0x7FB] =	sst s25  }
0x5b: {  	s12 =	simm.s32 $0x80;
	[smem:$0x7FC] =	sst s26;
	s31 =	simm.s32 $0x780  }
0x5c: {  	s21 =	simm.s32 $0x6;
	s25 =	simm.s32 $0x1D;
	[smem:$0x7FD] =	sst s31  }
0x5d: {  	s12 =	rddreg [dreg:$0x5]  }
0x5e: {  	s5 =	rddreg [dreg:$0x7]  }
0x5f: {  	s16 =	simm.s32 $0x0;
	s11 =	rddreg [dreg:$0x8]  }
0x60: {  	[tilespmem:s16], [sflag:$0x1] =	stream.linear.gather [hbm4b:s22+s16], $0x800, $0x38;
	[tilespmem:$0x19400] =	vst v63  }
0x61: {  	s13 =	rddreg [dreg:$0x9]  }
0x62: {  	[tilespmem:s3], [sflag:$0x2] =	stream.strided.gather [hbm4b:s5+s2], $0x2000, s3, s2, $0x38;
	[tilespmem:$0x19400] =	vst v63  }
0x63: {  	s14 =	rddreg [dreg:$0xa]  }
0x64: {  	[tilespmem:s23], [sflag:$0x3] =	stream.strided.gather [hbm4b:s11+s2], $0x2000, s3, s2, $0x38;
	[tilespmem:$0x19400] =	vst v63  }
0x65: {  	s6 =	simm.s32 $0x4800;
	s18 =	rddreg [dreg:$0xb]  }
0x66: {  	[tilespmem:s6], [sflag:$0x4] =	stream.strided.gather [hbm4b:s13+s2], $0x2000, s3, s2, $0x38;
	[tilespmem:$0x19400] =	vst v63  }
0x67: {  	s24 =	rddreg [dreg:$0xc];
	s13 =	simm.s32 $0x6800  }
0x68: {  	[tilespmem:s13], [sflag:$0x5] =	stream.strided.gather [hbm4b:s14+s2], $0x2000, s3, s2, $0x38;
	[tilespmem:$0x19400] =	vst v63  }
0x69: {  	s25 =	simm.s32 $0x8800;
	s28 =	rddreg [dreg:$0xd]  }
0x6a: {  	[tilespmem:s25], [sflag:$0x6] =	stream.strided.gather [hbm4b:s18+s2], $0x2000, s3, s2, $0x38;
	[tilespmem:$0x19400] =	vst v63  }
0x6b: {  	[smem:$0x7C9] =	sst s0;
	s14 =	simm.s32 $0xA800  }
0x6c: {  	[tilespmem:s14], [sflag:$0x7] =	stream.strided.gather [hbm4b:s24+s2], $0x2000, s3, s2, $0x38;
	[tilespmem:$0x19400] =	vst v63  }
0x6d: {  	s13 =	rddreg [dreg:$0xe];
	s18 =	simm.s32 $0xC800  }
0x6e: {  	[tilespmem:s18], [sflag:$0x8] =	stream.strided.gather [hbm4b:s28+s2], $0x2000, s3, s2, $0x38;
	[tilespmem:$0x19400] =	vst v63  }
0x6f: {  	s25 =	simm.s32 $0xE800;
	s24 =	rddreg [dreg:$0xf];
	s14 =	smov.u32 s10  }
0x70: {  	[tilespmem:s25], [sflag:$0x9] =	stream.strided.gather [hbm4b:s13+s2], $0x2000, s3, s2, $0x38;
	[tilespmem:$0x19400] =	vst v63  }
0x71: {  	[smem:$0x7C8] =	sst s14;
	s13 =	simm.s32 $0x10800  }
0x72: {  	[tilespmem:s13], [sflag:$0xA] =	stream.strided.gather [hbm4b:s24+s2], $0x2000, s3, s2, $0x38;
	[tilespmem:$0x19400] =	vst v63  }
0x73: {  	s28 =	rddreg [dreg:$0x10];
	s24 =	simm.s32 $0x12800  }
0x74: {  	[tilespmem:s24], [sflag:$0xB] =	stream.strided.gather [hbm4b:s28+s2], $0x2000, s3, s2, $0x38;
	[tilespmem:$0x19400] =	vst v63  }
0x75: {  	s0 =	simm.s32 @!p0 $0x1C20;
	s18 =	rddreg [dreg:$0x11];
	s13 =	simm.s32 $0x14800  }
0x76: {  	[tilespmem:s13], [sflag:$0xC] =	stream.strided.gather [hbm4b:s18+s2], $0x2000, s3, s2, $0x38;
	[tilespmem:$0x19400] =	vst v63  }
0x77: {  	s5 =	simm.s32 @!p0 $0x20;
	s28 =	rddreg [dreg:$0x12];
	s18 =	simm.s32 $0x16800  }
0x78: {  	[tilespmem:s18], [sflag:$0xD] =	stream.strided.gather [hbm4b:s28+s2], $0x2000, s3, s2, $0x38;
	[tilespmem:$0x19400] =	vst v63  }
0x79: {  	[spmem:s14], [sflag:s0] =	dma.local @!p0 [hbm:s12], $0x1800  }
0x7a: {  	_ =	swait.ge @!p0 [sflag:s5], $0x1800  }
0x7b: {  	[sflag:s5] =	ssyncset.done @!p0 $0x0  }
0x7c: {  	[sflag:s5] =	ssyncadd.s32 @!p0 $0xFFFFE800  }
0x7d: {  	s15 =	simm.s32 $0x1;
	[bflag:$0x0] =	sbarrier.arrive $0xFFFF  }
0x7e: {  	_ =	swait.ge [sflag:s15], $0x800  }
0x7f: {  	[sflag:s15] =	ssyncset.done $0x0  }
0x80: {  	s18 =	simm.s32 $0x2;
	[sflag:s15] =	ssyncadd.s32 $0xFFFFF800  }
0x81: {  	_ =	swait.ge [sflag:s18], $0x2000  }
0x82: {  	[sflag:s18] =	ssyncset.done $0x0  }
0x83: {  	s14 =	simm.s32 $0x3;
	[sflag:s18] =	ssyncadd.s32 $0xFFFFE000  }
0x84: {  	_ =	swait.ge [sflag:s14], $0x2000  }
0x85: {  	s31 =	smov.u32 s1;
	[sflag:s14] =	ssyncset.done $0x0  }
0x86: {  	s4 =	simm.s32 $0x80;
	s28 =	simm.s32 $0x4;
	[sflag:s14] =	ssyncadd.s32 $0xFFFFE000  }
0x87: {  	[tilespmem:s3], [sflag:$0xE] =	stream.indirect.gather.add.f32 [spmem:s31], $0x80, s16, s4, $0xb8;
	[tilespmem:$0x19400] =	vst v63  }
0x88: {  	_ =	swait.ge [sflag:s28], $0x2000  }
0x89: {  	[sflag:s28] =	ssyncset.done $0x0  }
0x8a: {  	s24 =	simm.s32 $0x5;
	[sflag:s28] =	ssyncadd.s32 $0xFFFFE000  }
0x8b: {  	_ =	swait.ge [sflag:s24], $0x2000  }
0x8c: {  	[sflag:s24] =	ssyncset.done $0x0  }
0x8d: {  	s0 =	simm.s32 $0x4800;
	[sflag:s24] =	ssyncadd.s32 $0xFFFFE000  }
0x8e: {  	[tilespmem:s0], [sflag:$0xF] =	stream.indirect.gather.add.f32 [spmem:s31], $0x80, s4, s4, $0xb8;
	[tilespmem:$0x19400] =	vst v63  }
0x8f: {  	_ =	swait.ge [sflag:s20], $0x4000  }
0x90: {  	[sflag:s20] =	ssyncset.done $0x0  }
0x91: {  	s22 =	rddreg [dreg:$0x13];
	[sflag:s20] =	ssyncadd.s32 $0xFFFFC000  }
0x92: {  	[hbm4b:s22+s2] =	stream.strided.scatter [tilespmem:s3], [sflag:$0x14], $0x2000, s3, s2, $0x38;
	[tilespmem:$0x19400] =	vst v63  }
0x93: {  	s10 =	rddreg [dreg:$0x14]  }
0x94: {  	[hbm4b:s10+s2] =	stream.strided.scatter [tilespmem:s23], [sflag:$0x15], $0x2000, s3, s2, $0x38;
	[tilespmem:$0x19400] =	vst v63  }
0x95: {  	_ =	swait.ge [sflag:s21], $0x2000  }
0x96: {  	[sflag:s21] =	ssyncset.done $0x0  }
0x97: {  	[sflag:s21] =	ssyncadd.s32 $0xFFFFE000  }
0x98: {  	_ =	swait.ge [sflag:s8], $0x2000  }
0x99: {  	s12 =	sld [smem:$0x7F1]  }
0x9a: {  	[sflag:s8] =	ssyncset.done $0x0  }
0x9b: {  	s13 =	simm.s32 $0x8800;
	[sflag:s8] =	ssyncadd.s32 $0xFFFFE000  }
0x9c: {  	[tilespmem:s13], [sflag:$0x10] =	stream.indirect.gather.add.f32 [spmem:s31], $0x80, s12, s4, $0xb8;
	[tilespmem:$0x19400] =	vst v63  }
0x9d: {  	_ =	swait.ge [sflag:s19], $0x4000  }
0x9e: {  	[sflag:s19] =	ssyncset.done $0x0  }
0x9f: {  	s15 =	rddreg [dreg:$0x15];
	[sflag:s19] =	ssyncadd.s32 $0xFFFFC000  }
0xa0: {  	[hbm4b:s15+s2] =	stream.strided.scatter [tilespmem:s0], [sflag:$0x16], $0x2000, s3, s2, $0x38;
	[tilespmem:$0x19400] =	vst v63  }
0xa1: {  	s12 =	simm.s32 $0x6800;
	s16 =	rddreg [dreg:$0x16]  }
0xa2: {  	[hbm4b:s16+s2] =	stream.strided.scatter [tilespmem:s12], [sflag:$0x17], $0x2000, s3, s2, $0x38;
	[tilespmem:$0x19400] =	vst v63  }
0xa3: {  	_ =	swait.ge [sflag:s9], $0x2000  }
0xa4: {  	[sflag:s9] =	ssyncset.done $0x0  }
0xa5: {  	[sflag:s9] =	ssyncadd.s32 $0xFFFFE000  }
0xa6: {  	_ =	swait.ge [sflag:s7], $0x2000  }
0xa7: {  	s20 =	sld [smem:$0x7F2]  }
0xa8: {  	[sflag:s7] =	ssyncset.done $0x0  }
0xa9: {  	s0 =	simm.s32 $0xC800;
	[sflag:s7] =	ssyncadd.s32 $0xFFFFE000  }
0xaa: {  	[tilespmem:s0], [sflag:$0x11] =	stream.indirect.gather.add.f32 [spmem:s31], $0x80, s20, s4, $0xb8;
	[tilespmem:$0x19400] =	vst v63  }
0xab: {  	_ =	swait.ge [sflag:s29], $0x4000  }
0xac: {  	[sflag:s29] =	ssyncset.done $0x0  }
0xad: {  	s22 =	rddreg [dreg:$0x17];
	[sflag:s29] =	ssyncadd.s32 $0xFFFFC000  }
0xae: {  	[hbm4b:s22+s2] =	stream.strided.scatter [tilespmem:s13], [sflag:$0x18], $0x2000, s3, s2, $0x38;
	[tilespmem:$0x19400] =	vst v63  }
0xaf: {  	s6 =	simm.s32 $0xA800;
	s20 =	simm.s32 $0xA;
	s10 =	rddreg [dreg:$0x18]  }
0xb0: {  	[hbm4b:s10+s2] =	stream.strided.scatter [tilespmem:s6], [sflag:$0x19], $0x2000, s3, s2, $0x38;
	[tilespmem:$0x19400] =	vst v63  }
0xb1: {  	_ =	swait.ge [sflag:s20], $0x2000  }
0xb2: {  	[sflag:s20] =	ssyncset.done $0x0  }
0xb3: {  	s16 =	simm.s32 $0xB;
	[sflag:s20] =	ssyncadd.s32 $0xFFFFE000  }
0xb4: {  	_ =	swait.ge [sflag:s16], $0x2000  }
0xb5: {  	s15 =	sld [smem:$0x7F3]  }
0xb6: {  	[sflag:s16] =	ssyncset.done $0x0  }
0xb7: {  	s17 =	simm.s32 $0x11;
	s6 =	simm.s32 $0x10800;
	[sflag:s16] =	ssyncadd.s32 $0xFFFFE000  }
0xb8: {  	[tilespmem:s6], [sflag:$0x12] =	stream.indirect.gather.add.f32 [spmem:s31], $0x80, s15, s4, $0xb8;
	[tilespmem:$0x19400] =	vst v63  }
0xb9: {  	_ =	swait.ge [sflag:s17], $0x4000  }
0xba: {  	[sflag:s17] =	ssyncset.done $0x0  }
0xbb: {  	s22 =	rddreg [dreg:$0x19];
	[sflag:s17] =	ssyncadd.s32 $0xFFFFC000  }
0xbc: {  	[hbm4b:s22+s2] =	stream.strided.scatter [tilespmem:s0], [sflag:$0x1A], $0x2000, s3, s2, $0x38;
	[tilespmem:$0x19400] =	vst v63  }
0xbd: {  	s1 =	simm.s32 $0x14;
	s25 =	simm.s32 $0xE800;
	s10 =	rddreg [dreg:$0x1a]  }
0xbe: {  	[hbm4b:s10+s2] =	stream.strided.scatter [tilespmem:s25], [sflag:$0x1B], $0x2000, s3, s2, $0x38;
	[tilespmem:$0x19400] =	vst v63  }
0xbf: {  	_ =	swait.ge [sflag:s1], $0x2000  }
0xc0: {  	[sflag:s1] =	ssyncset.done $0x0  }
0xc1: {  	s30 =	simm.s32 $0x15;
	[sflag:s1] =	ssyncadd.s32 $0xFFFFE000  }
0xc2: {  	_ =	swait.ge [sflag:s30], $0x2000  }
0xc3: {  	[sflag:s30] =	ssyncset.done $0x0  }
0xc4: {  	s13 =	rddreg [dreg:$0x1b];
	[sflag:s30] =	ssyncadd.s32 $0xFFFFE000  }
0xc5: {  	[tilespmem:s3], [sflag:$0x2] =	stream.strided.gather [hbm4b:s13+s2], $0x2000, s3, s2, $0x38;
	[tilespmem:$0x19400] =	vst v63  }
0xc6: {  	s10 =	simm.s32 $0xC;
	s15 =	rddreg [dreg:$0x1c]  }
0xc7: {  	[tilespmem:s23], [sflag:$0x3] =	stream.strided.gather [hbm4b:s15+s2], $0x2000, s3, s2, $0x38;
	[tilespmem:$0x19400] =	vst v63  }
0xc8: {  	_ =	swait.ge [sflag:s10], $0x2000  }
0xc9: {  	[sflag:s10] =	ssyncset.done $0x0  }
0xca: {  	s15 =	simm.s32 $0xD;
	[sflag:s10] =	ssyncadd.s32 $0xFFFFE000  }
0xcb: {  	_ =	swait.ge [sflag:s15], $0x2000  }
0xcc: {  	s17 =	sld [smem:$0x7F4]  }
0xcd: {  	[sflag:s15] =	ssyncset.done $0x0  }
0xce: {  	s25 =	simm.s32 $0x14800;
	s30 =	simm.s32 $0x12;
	[sflag:s15] =	ssyncadd.s32 $0xFFFFE000  }
0xcf: {  	[tilespmem:s25], [sflag:$0x13] =	stream.indirect.gather.add.f32 [spmem:s31], $0x80, s17, s4, $0xb8;
	[tilespmem:$0x19400] =	vst v63  }
0xd0: {  	_ =	swait.ge [sflag:s30], $0x4000  }
0xd1: {  	[sflag:s30] =	ssyncset.done $0x0  }
0xd2: {  	s22 =	rddreg [dreg:$0x1d];
	[sflag:s30] =	ssyncadd.s32 $0xFFFFC000  }
0xd3: {  	[hbm4b:s22+s2] =	stream.strided.scatter [tilespmem:s6], [sflag:$0x1C], $0x2000, s3, s2, $0x38;
	[tilespmem:$0x19400] =	vst v63  }
0xd4: {  	s26 =	simm.s32 $0x16;
	s13 =	simm.s32 $0x12800;
	s0 =	rddreg [dreg:$0x1e]  }
0xd5: {  	[hbm4b:s0+s2] =	stream.strided.scatter [tilespmem:s13], [sflag:$0x1D], $0x2000, s3, s2, $0x38;
	[tilespmem:$0x19400] =	vst v63  }
0xd6: {  	_ =	swait.ge [sflag:s26], $0x2000  }
0xd7: {  	[sflag:s26] =	ssyncset.done $0x0  }
0xd8: {  	s11 =	simm.s32 $0x17;
	[sflag:s26] =	ssyncadd.s32 $0xFFFFE000  }
0xd9: {  	_ =	swait.ge [sflag:s11], $0x2000  }
0xda: {  	s1 =	rddreg [dreg:$0x1f];
	[sflag:s11] =	ssyncset.done $0x0  }
0xdb: {  	s6 =	sld [smem:$0x7CA];
	[sflag:s11] =	ssyncadd.s32 $0xFFFFE000;
	s11 =	simm.s32 $0x4800  }
0xdc: {  	[tilespmem:s11], [sflag:$0x4] =	stream.strided.gather [hbm4b:s1+s2], $0x2000, s3, s2, $0x38;
	[tilespmem:$0x19400] =	vst v63  }
0xdd: {  	_ = 	snop  }
0xde: {  	[tilespmem:s12], [sflag:$0x5] =	stream.strided.gather [hbm4b:s6+s2], $0x2000, s3, s2, $0x38;
	[tilespmem:$0x19400] =	vst v63  }
0xdf: {  	_ =	swait.ge [sflag:s18], $0x2000  }
0xe0: {  	[sflag:s18] =	ssyncset.done $0x0  }
0xe1: {  	[sflag:s18] =	ssyncadd.s32 $0xFFFFE000  }
0xe2: {  	_ =	swait.ge [sflag:s14], $0x2000  }
0xe3: {  	s17 =	sld [smem:$0x7F5]  }
0xe4: {  	[sflag:s14] =	ssyncset.done $0x0  }
0xe5: {  	s12 =	simm.s32 $0x13;
	[sflag:s14] =	ssyncadd.s32 $0xFFFFE000  }
0xe6: {  	[tilespmem:s3], [sflag:$0xE] =	stream.indirect.gather.add.f32 [spmem:s31], $0x80, s17, s4, $0xb8;
	[tilespmem:$0x19400] =	vst v63  }
0xe7: {  	_ =	swait.ge [sflag:s12], $0x4000  }
0xe8: {  	s22 =	sld [smem:$0x7CB]  }
0xe9: {  	[sflag:s12] =	ssyncset.done $0x0  }
0xea: {  	s0 =	sld [smem:$0x7CC];
	[sflag:s12] =	ssyncadd.s32 $0xFFFFC000  }
0xeb: {  	[hbm4b:s22+s2] =	stream.strided.scatter [tilespmem:s25], [sflag:$0x1E], $0x2000, s3, s2, $0x38;
	[tilespmem:$0x19400] =	vst v63  }
0xec: {  	s1 =	simm.s32 $0x18;
	s17 =	simm.s32 $0x16800  }
0xed: {  	[hbm4b:s0+s2] =	stream.strided.scatter [tilespmem:s17], [sflag:$0x1F], $0x2000, s3, s2, $0x38;
	[tilespmem:$0x19400] =	vst v63  }
0xee: {  	_ =	swait.ge [sflag:s1], $0x2000  }
0xef: {  	[sflag:s1] =	ssyncset.done $0x0  }
0xf0: {  	s5 =	simm.s32 $0x19;
	[sflag:s1] =	ssyncadd.s32 $0xFFFFE000  }
0xf1: {  	_ =	swait.ge [sflag:s5], $0x2000  }
0xf2: {  	s22 =	sld [smem:$0x7CD]  }
0xf3: {  	[sflag:s5] =	ssyncset.done $0x0  }
0xf4: {  	s0 =	simm.s32 $0x8800;
	s25 =	sld [smem:$0x7CE];
	[sflag:s5] =	ssyncadd.s32 $0xFFFFE000  }
0xf5: {  	[tilespmem:s0], [sflag:$0x6] =	stream.strided.gather [hbm4b:s22+s2], $0x2000, s3, s2, $0x38;
	[tilespmem:$0x19400] =	vst v63  }
0xf6: {  	s1 =	simm.s32 $0xA800  }
0xf7: {  	[tilespmem:s1], [sflag:$0x7] =	stream.strided.gather [hbm4b:s25+s2], $0x2000, s3, s2, $0x38;
	[tilespmem:$0x19400] =	vst v63  }
0xf8: {  	_ =	swait.ge [sflag:s28], $0x2000  }
0xf9: {  	[sflag:s28] =	ssyncset.done $0x0  }
0xfa: {  	[sflag:s28] =	ssyncadd.s32 $0xFFFFE000  }
0xfb: {  	_ =	swait.ge [sflag:s24], $0x2000  }
0xfc: {  	s6 =	sld [smem:$0x7F6]  }
0xfd: {  	[sflag:s24] =	ssyncset.done $0x0  }
0xfe: {  	[sflag:s24] =	ssyncadd.s32 $0xFFFFE000  }
0xff: {  	[tilespmem:s11], [sflag:$0xF] =	stream.indirect.gather.add.f32 [spmem:s31], $0x80, s6, s4, $0xb8;
	[tilespmem:$0x19400] =	vst v63  }
0x100: {  	s11 =	simm.s32 $0xE  }
0x101: {  	_ =	swait.ge [sflag:s11], $0x4000  }
0x102: {  	s22 =	sld [smem:$0x7CF]  }
0x103: {  	[sflag:s11] =	ssyncset.done $0x0  }
0x104: {  	s25 =	sld [smem:$0x7D0];
	[sflag:s11] =	ssyncadd.s32 $0xFFFFC000  }
0x105: {  	[hbm4b:s22+s2] =	stream.strided.scatter [tilespmem:s3], [sflag:$0x14], $0x2000, s3, s2, $0x38;
	[tilespmem:$0x19400] =	vst v63  }
0x106: {  	s6 =	simm.s32 $0x1A  }
0x107: {  	[hbm4b:s25+s2] =	stream.strided.scatter [tilespmem:s23], [sflag:$0x15], $0x2000, s3, s2, $0x38;
	[tilespmem:$0x19400] =	vst v63  }
0x108: {  	_ =	swait.ge [sflag:s6], $0x2000  }
0x109: {  	[sflag:s6] =	ssyncset.done $0x0  }
0x10a: {  	s11 =	simm.s32 $0x1B;
	[sflag:s6] =	ssyncadd.s32 $0xFFFFE000  }
0x10b: {  	_ =	swait.ge [sflag:s11], $0x2000  }
0x10c: {  	s22 =	sld [smem:$0x7D1]  }
0x10d: {  	[sflag:s11] =	ssyncset.done $0x0  }
0x10e: {  	s25 =	simm.s32 $0xC800;
	s6 =	sld [smem:$0x7D2];
	[sflag:s11] =	ssyncadd.s32 $0xFFFFE000  }
0x10f: {  	[tilespmem:s25], [sflag:$0x8] =	stream.strided.gather [hbm4b:s22+s2], $0x2000, s3, s2, $0x38;
	[tilespmem:$0x19400] =	vst v63  }
0x110: {  	s11 =	simm.s32 $0xE800  }
0x111: {  	[tilespmem:s11], [sflag:$0x9] =	stream.strided.gather [hbm4b:s6+s2], $0x2000, s3, s2, $0x38;
	[tilespmem:$0x19400] =	vst v63  }
0x112: {  	_ =	swait.ge [sflag:s21], $0x2000  }
0x113: {  	[sflag:s21] =	ssyncset.done $0x0  }
0x114: {  	[sflag:s21] =	ssyncadd.s32 $0xFFFFE000  }
0x115: {  	_ =	swait.ge [sflag:s8], $0x2000  }
0x116: {  	[sflag:s8] =	ssyncset.done $0x0  }
0x117: {  	[sflag:s8] =	ssyncadd.s32 $0xFFFFE000  }
0x118: {  	[tilespmem:s0], [sflag:$0x10] =	stream.indirect.gather.add.f32 [spmem:s31], $0x80, s2, s4, $0xb8;
	[tilespmem:$0x19400] =	vst v63  }
0x119: {  	_ =	swait.ge [sflag:s19], $0x4000  }
0x11a: {  	s22 =	sld [smem:$0x7D3]  }
0x11b: {  	[sflag:s19] =	ssyncset.done $0x0  }
0x11c: {  	s1 =	simm.s32 $0x4800;
	s6 =	sld [smem:$0x7D4];
	[sflag:s19] =	ssyncadd.s32 $0xFFFFC000  }
0x11d: {  	[hbm4b:s22+s2] =	stream.strided.scatter [tilespmem:s1], [sflag:$0x16], $0x2000, s3, s2, $0x38;
	[tilespmem:$0x19400] =	vst v63  }
0x11e: {  	s26 =	simm.s32 $0x6800;
	s1 =	simm.s32 $0x1C  }
0x11f: {  	[hbm4b:s6+s2] =	stream.strided.scatter [tilespmem:s26], [sflag:$0x17], $0x2000, s3, s2, $0x38;
	[tilespmem:$0x19400] =	vst v63  }
0x120: {  	_ =	swait.ge [sflag:s1], $0x2000  }
0x121: {  	[sflag:s1] =	ssyncset.done $0x0  }
0x122: {  	s6 =	simm.s32 $0x1D;
	[sflag:s1] =	ssyncadd.s32 $0xFFFFE000  }
0x123: {  	_ =	swait.ge [sflag:s6], $0x2000  }
0x124: {  	s22 =	sld [smem:$0x7D5]  }
0x125: {  	[sflag:s6] =	ssyncset.done $0x0  }
0x126: {  	s26 =	simm.s32 $0x10800;
	[sflag:s6] =	ssyncadd.s32 $0xFFFFE000;
	s6 =	sld [smem:$0x7D6]  }
0x127: {  	[tilespmem:s26], [sflag:$0xA] =	stream.strided.gather [hbm4b:s22+s2], $0x2000, s3, s2, $0x38;
	[tilespmem:$0x19400] =	vst v63  }
0x128: {  	_ = 	snop  }
0x129: {  	[tilespmem:s13], [sflag:$0xB] =	stream.strided.gather [hbm4b:s6+s2], $0x2000, s3, s2, $0x38;
	[tilespmem:$0x19400] =	vst v63  }
0x12a: {  	_ =	swait.ge [sflag:s9], $0x2000  }
0x12b: {  	[sflag:s9] =	ssyncset.done $0x0  }
0x12c: {  	[sflag:s9] =	ssyncadd.s32 $0xFFFFE000  }
0x12d: {  	_ =	swait.ge [sflag:s7], $0x2000  }
0x12e: {  	s22 =	sld [smem:$0x7F7]  }
0x12f: {  	[sflag:s7] =	ssyncset.done $0x0  }
0x130: {  	[sflag:s7] =	ssyncadd.s32 $0xFFFFE000  }
0x131: {  	[tilespmem:s25], [sflag:$0x11] =	stream.indirect.gather.add.f32 [spmem:s31], $0x80, s22, s4, $0xb8;
	[tilespmem:$0x19400] =	vst v63  }
0x132: {  	_ =	swait.ge [sflag:s29], $0x4000  }
0x133: {  	s25 =	sld [smem:$0x7D7]  }
0x134: {  	[sflag:s29] =	ssyncset.done $0x0  }
0x135: {  	s0 =	simm.s32 $0x8800;
	s1 =	sld [smem:$0x7D8];
	[sflag:s29] =	ssyncadd.s32 $0xFFFFC000  }
0x136: {  	[hbm4b:s25+s2] =	stream.strided.scatter [tilespmem:s0], [sflag:$0x18], $0x2000, s3, s2, $0x38;
	[tilespmem:$0x19400] =	vst v63  }
0x137: {  	s5 =	simm.s32 $0xA800;
	s13 =	simm.s32 $0x1E  }
0x138: {  	[hbm4b:s1+s2] =	stream.strided.scatter [tilespmem:s5], [sflag:$0x19], $0x2000, s3, s2, $0x38;
	[tilespmem:$0x19400] =	vst v63  }
0x139: {  	_ =	swait.ge [sflag:s13], $0x2000  }
0x13a: {  	[sflag:s13] =	ssyncset.done $0x0  }
0x13b: {  	s22 =	simm.s32 $0x1F;
	[sflag:s13] =	ssyncadd.s32 $0xFFFFE000  }
0x13c: {  	_ =	swait.ge [sflag:s22], $0x2000  }
0x13d: {  	s0 =	sld [smem:$0x7D9]  }
0x13e: {  	[sflag:s22] =	ssyncset.done $0x0  }
0x13f: {  	s13 =	simm.s32 $0x14800;
	s1 =	sld [smem:$0x7DA];
	[sflag:s22] =	ssyncadd.s32 $0xFFFFE000  }
0x140: {  	[tilespmem:s13], [sflag:$0xC] =	stream.strided.gather [hbm4b:s0+s2], $0x2000, s3, s2, $0x38;
	[tilespmem:$0x19400] =	vst v63  }
0x141: {  	_ = 	snop  }
0x142: {  	[tilespmem:s17], [sflag:$0xD] =	stream.strided.gather [hbm4b:s1+s2], $0x2000, s3, s2, $0x38;
	[tilespmem:$0x19400] =	vst v63  }
0x143: {  	_ =	swait.ge [sflag:s20], $0x2000  }
0x144: {  	[sflag:s20] =	ssyncset.done $0x0  }
0x145: {  	[sflag:s20] =	ssyncadd.s32 $0xFFFFE000  }
0x146: {  	_ =	swait.ge [sflag:s16], $0x2000  }
0x147: {  	s22 =	sld [smem:$0x7F8]  }
0x148: {  	[sflag:s16] =	ssyncset.done $0x0  }
0x149: {  	[sflag:s16] =	ssyncadd.s32 $0xFFFFE000  }
0x14a: {  	[tilespmem:s26], [sflag:$0x12] =	stream.indirect.gather.add.f32 [spmem:s31], $0x80, s22, s4, $0xb8;
	[tilespmem:$0x19400] =	vst v63  }
0x14b: {  	s26 =	simm.s32 $0x11  }
0x14c: {  	_ =	swait.ge [sflag:s26], $0x4000  }
0x14d: {  	s0 =	sld [smem:$0x7DB]  }
0x14e: {  	[sflag:s26] =	ssyncset.done $0x0  }
0x14f: {  	s6 =	simm.s32 $0xC800;
	s1 =	sld [smem:$0x7DC];
	[sflag:s26] =	ssyncadd.s32 $0xFFFFC000  }
0x150: {  	[hbm4b:s0+s2] =	stream.strided.scatter [tilespmem:s6], [sflag:$0x1A], $0x2000, s3, s2, $0x38;
	[tilespmem:$0x19400] =	vst v63  }
0x151: {  	s17 =	simm.s32 $0x14  }
0x152: {  	[hbm4b:s1+s2] =	stream.strided.scatter [tilespmem:s11], [sflag:$0x1B], $0x2000, s3, s2, $0x38;
	[tilespmem:$0x19400] =	vst v63  }
0x153: {  	_ =	swait.ge [sflag:s17], $0x2000  }
0x154: {  	[sflag:s17] =	ssyncset.done $0x0  }
0x155: {  	s20 =	simm.s32 $0x15;
	[sflag:s17] =	ssyncadd.s32 $0xFFFFE000  }
0x156: {  	_ =	swait.ge [sflag:s20], $0x2000  }
0x157: {  	s22 =	sld [smem:$0x7DD]  }
0x158: {  	[sflag:s20] =	ssyncset.done $0x0  }
0x159: {  	s0 =	sld [smem:$0x7DE];
	[sflag:s20] =	ssyncadd.s32 $0xFFFFE000  }
0x15a: {  	[tilespmem:s3], [sflag:$0x2] =	stream.strided.gather [hbm4b:s22+s2], $0x2000, s3, s2, $0x38;
	[tilespmem:$0x19400] =	vst v63  }
0x15b: {  	_ = 	snop  }
0x15c: {  	[tilespmem:s23], [sflag:$0x3] =	stream.strided.gather [hbm4b:s0+s2], $0x2000, s3, s2, $0x38;
	[tilespmem:$0x19400] =	vst v63  }
0x15d: {  	_ =	swait.ge [sflag:s10], $0x2000  }
0x15e: {  	[sflag:s10] =	ssyncset.done $0x0  }
0x15f: {  	[sflag:s10] =	ssyncadd.s32 $0xFFFFE000  }
0x160: {  	_ =	swait.ge [sflag:s15], $0x2000  }
0x161: {  	s6 =	sld [smem:$0x7F9]  }
0x162: {  	[sflag:s15] =	ssyncset.done $0x0  }
0x163: {  	s11 =	simm.s32 $0x14800;
	[sflag:s15] =	ssyncadd.s32 $0xFFFFE000  }
0x164: {  	[tilespmem:s11], [sflag:$0x13] =	stream.indirect.gather.add.f32 [spmem:s31], $0x80, s6, s4, $0xb8;
	[tilespmem:$0x19400] =	vst v63  }
0x165: {  	_ =	swait.ge [sflag:s30], $0x4000  }
0x166: {  	s10 =	sld [smem:$0x7DF]  }
0x167: {  	[sflag:s30] =	ssyncset.done $0x0  }
0x168: {  	s16 =	simm.s32 $0x10800;
	s15 =	sld [smem:$0x7E0];
	[sflag:s30] =	ssyncadd.s32 $0xFFFFC000  }
0x169: {  	[hbm4b:s10+s2] =	stream.strided.scatter [tilespmem:s16], [sflag:$0x1C], $0x2000, s3, s2, $0x38;
	[tilespmem:$0x19400] =	vst v63  }
0x16a: {  	s17 =	simm.s32 $0x12800;
	s20 =	simm.s32 $0x16  }
0x16b: {  	[hbm4b:s15+s2] =	stream.strided.scatter [tilespmem:s17], [sflag:$0x1D], $0x2000, s3, s2, $0x38;
	[tilespmem:$0x19400] =	vst v63  }
0x16c: {  	_ =	swait.ge [sflag:s20], $0x2000  }
0x16d: {  	[sflag:s20] =	ssyncset.done $0x0  }
0x16e: {  	s22 =	simm.s32 $0x17;
	[sflag:s20] =	ssyncadd.s32 $0xFFFFE000  }
0x16f: {  	_ =	swait.ge [sflag:s22], $0x2000  }
0x170: {  	s30 =	sld [smem:$0x7E1]  }
0x171: {  	[sflag:s22] =	ssyncset.done $0x0  }
0x172: {  	s6 =	simm.s32 $0x4800;
	s0 =	sld [smem:$0x7E2];
	[sflag:s22] =	ssyncadd.s32 $0xFFFFE000  }
0x173: {  	[tilespmem:s6], [sflag:$0x4] =	stream.strided.gather [hbm4b:s30+s2], $0x2000, s3, s2, $0x38;
	[tilespmem:$0x19400] =	vst v63  }
0x174: {  	s30 =	simm.s32 $0x6800  }
0x175: {  	[tilespmem:s30], [sflag:$0x5] =	stream.strided.gather [hbm4b:s0+s2], $0x2000, s3, s2, $0x38;
	[tilespmem:$0x19400] =	vst v63  }
0x176: {  	_ =	swait.ge [sflag:s18], $0x2000  }
0x177: {  	[sflag:s18] =	ssyncset.done $0x0  }
0x178: {  	[sflag:s18] =	ssyncadd.s32 $0xFFFFE000  }
0x179: {  	_ =	swait.ge [sflag:s14], $0x2000  }
0x17a: {  	s10 =	sld [smem:$0x7FA]  }
0x17b: {  	[sflag:s14] =	ssyncset.done $0x0  }
0x17c: {  	[sflag:s14] =	ssyncadd.s32 $0xFFFFE000  }
0x17d: {  	[tilespmem:s3], [sflag:$0xE] =	stream.indirect.gather.add.f32 [spmem:s31], $0x80, s10, s4, $0xb8;
	[tilespmem:$0x19400] =	vst v63  }
0x17e: {  	_ =	swait.ge [sflag:s12], $0x4000  }
0x17f: {  	s14 =	sld [smem:$0x7E3]  }
0x180: {  	[sflag:s12] =	ssyncset.done $0x0  }
0x181: {  	s15 =	sld [smem:$0x7E4];
	[sflag:s12] =	ssyncadd.s32 $0xFFFFC000  }
0x182: {  	[hbm4b:s14+s2] =	stream.strided.scatter [tilespmem:s11], [sflag:$0x1E], $0x2000, s3, s2, $0x38;
	[tilespmem:$0x19400] =	vst v63  }
0x183: {  	s13 =	simm.s32 $0x16800;
	s17 =	simm.s32 $0x18  }
0x184: {  	[hbm4b:s15+s2] =	stream.strided.scatter [tilespmem:s13], [sflag:$0x1F], $0x2000, s3, s2, $0x38;
	[tilespmem:$0x19400] =	vst v63  }
0x185: {  	_ =	swait.ge [sflag:s17], $0x2000  }
0x186: {  	[sflag:s17] =	ssyncset.done $0x0  }
0x187: {  	s18 =	simm.s32 $0x19;
	[sflag:s17] =	ssyncadd.s32 $0xFFFFE000  }
0x188: {  	_ =	swait.ge [sflag:s18], $0x2000  }
0x189: {  	s22 =	sld [smem:$0x7E5]  }
0x18a: {  	[sflag:s18] =	ssyncset.done $0x0  }
0x18b: {  	s13 =	simm.s32 $0x8800;
	s0 =	sld [smem:$0x7E6];
	[sflag:s18] =	ssyncadd.s32 $0xFFFFE000  }
0x18c: {  	[tilespmem:s13], [sflag:$0x6] =	stream.strided.gather [hbm4b:s22+s2], $0x2000, s3, s2, $0x38;
	[tilespmem:$0x19400] =	vst v63  }
0x18d: {  	s18 =	simm.s32 $0xA800  }
0x18e: {  	[tilespmem:s18], [sflag:$0x7] =	stream.strided.gather [hbm4b:s0+s2], $0x2000, s3, s2, $0x38;
	[tilespmem:$0x19400] =	vst v63  }
0x18f: {  	_ =	swait.ge [sflag:s28], $0x2000  }
0x190: {  	[sflag:s28] =	ssyncset.done $0x0  }
0x191: {  	[sflag:s28] =	ssyncadd.s32 $0xFFFFE000  }
0x192: {  	_ =	swait.ge [sflag:s24], $0x2000  }
0x193: {  	s10 =	sld [smem:$0x7FB]  }
0x194: {  	[sflag:s24] =	ssyncset.done $0x0  }
0x195: {  	s11 =	simm.s32 $0xE;
	[sflag:s24] =	ssyncadd.s32 $0xFFFFE000  }
0x196: {  	[tilespmem:s6], [sflag:$0xF] =	stream.indirect.gather.add.f32 [spmem:s31], $0x80, s10, s4, $0xb8;
	[tilespmem:$0x19400] =	vst v63  }
0x197: {  	_ =	swait.ge [sflag:s11], $0x4000  }
0x198: {  	s12 =	sld [smem:$0x7E7]  }
0x199: {  	[sflag:s11] =	ssyncset.done $0x0  }
0x19a: {  	s17 =	sld [smem:$0x7E8];
	[sflag:s11] =	ssyncadd.s32 $0xFFFFC000  }
0x19b: {  	[hbm4b:s12+s2] =	stream.strided.scatter [tilespmem:s3], [sflag:$0x14], $0x2000, s3, s2, $0x38;
	[tilespmem:$0x19400] =	vst v63  }
0x19c: {  	_ = 	snop  }
0x19d: {  	[hbm4b:s17+s2] =	stream.strided.scatter [tilespmem:s23], [sflag:$0x15], $0x2000, s3, s2, $0x38;
	[tilespmem:$0x19400] =	vst v63  }
0x19e: {  	s23 =	simm.s32 $0x1A  }
0x19f: {  	_ =	swait.ge [sflag:s23], $0x2000  }
0x1a0: {  	[sflag:s23] =	ssyncset.done $0x0  }
0x1a1: {  	s24 =	simm.s32 $0x1B;
	[sflag:s23] =	ssyncadd.s32 $0xFFFFE000  }
0x1a2: {  	_ =	swait.ge [sflag:s24], $0x2000  }
0x1a3: {  	s28 =	sld [smem:$0x7E9]  }
0x1a4: {  	[sflag:s24] =	ssyncset.done $0x0  }
0x1a5: {  	s17 =	simm.s32 $0xC800;
	s12 =	sld [smem:$0x7EA];
	[sflag:s24] =	ssyncadd.s32 $0xFFFFE000  }
0x1a6: {  	[tilespmem:s17], [sflag:$0x8] =	stream.strided.gather [hbm4b:s28+s2], $0x2000, s3, s2, $0x38;
	[tilespmem:$0x19400] =	vst v63  }
0x1a7: {  	s0 =	simm.s32 $0xE800  }
0x1a8: {  	[tilespmem:s0], [sflag:$0x9] =	stream.strided.gather [hbm4b:s12+s2], $0x2000, s3, s2, $0x38;
	[tilespmem:$0x19400] =	vst v63  }
0x1a9: {  	_ =	swait.ge [sflag:s21], $0x2000  }
0x1aa: {  	[sflag:s21] =	ssyncset.done $0x0  }
0x1ab: {  	[sflag:s21] =	ssyncadd.s32 $0xFFFFE000  }
0x1ac: {  	_ =	swait.ge [sflag:s8], $0x2000  }
0x1ad: {  	s22 =	sld [smem:$0x7FC]  }
0x1ae: {  	[sflag:s8] =	ssyncset.done $0x0  }
0x1af: {  	[sflag:s8] =	ssyncadd.s32 $0xFFFFE000  }
0x1b0: {  	[tilespmem:s13], [sflag:$0x10] =	stream.indirect.gather.add.f32 [spmem:s31], $0x80, s22, s4, $0xb8;
	[tilespmem:$0x19400] =	vst v63  }
0x1b1: {  	_ =	swait.ge [sflag:s19], $0x4000  }
0x1b2: {  	s24 =	sld [smem:$0x7EB]  }
0x1b3: {  	[sflag:s19] =	ssyncset.done $0x0  }
0x1b4: {  	s6 =	simm.s32 $0x4800;
	s28 =	sld [smem:$0x7EC];
	[sflag:s19] =	ssyncadd.s32 $0xFFFFC000  }
0x1b5: {  	[hbm4b:s24+s2] =	stream.strided.scatter [tilespmem:s6], [sflag:$0x16], $0x2000, s3, s2, $0x38;
	[tilespmem:$0x19400] =	vst v63  }
0x1b6: {  	_ = 	snop  }
0x1b7: {  	[hbm4b:s28+s2] =	stream.strided.scatter [tilespmem:s30], [sflag:$0x17], $0x2000, s3, s2, $0x38;
	[tilespmem:$0x19400] =	vst v63  }
0x1b8: {  	_ =	swait.ge [sflag:s9], $0x2000  }
0x1b9: {  	[sflag:s9] =	ssyncset.done $0x0  }
0x1ba: {  	[sflag:s9] =	ssyncadd.s32 $0xFFFFE000  }
0x1bb: {  	_ =	swait.ge [sflag:s7], $0x2000  }
0x1bc: {  	s13 =	sld [smem:$0x7FD]  }
0x1bd: {  	[sflag:s7] =	ssyncset.done $0x0  }
0x1be: {  	[sflag:s7] =	ssyncadd.s32 $0xFFFFE000  }
0x1bf: {  	[tilespmem:s17], [sflag:$0x11] =	stream.indirect.gather.add.f32 [spmem:s31], $0x80, s13, s4, $0xb8;
	[tilespmem:$0x19400] =	vst v63  }
0x1c0: {  	_ =	swait.ge [sflag:s29], $0x4000  }
0x1c1: {  	s19 =	sld [smem:$0x7ED]  }
0x1c2: {  	[sflag:s29] =	ssyncset.done $0x0  }
0x1c3: {  	s23 =	simm.s32 $0x8800;
	s21 =	sld [smem:$0x7EE];
	[sflag:s29] =	ssyncadd.s32 $0xFFFFC000  }
0x1c4: {  	[hbm4b:s19+s2] =	stream.strided.scatter [tilespmem:s23], [sflag:$0x18], $0x2000, s3, s2, $0x38;
	[tilespmem:$0x19400] =	vst v63  }
0x1c5: {  	s26 =	simm.s32 $0x11  }
0x1c6: {  	[hbm4b:s21+s2] =	stream.strided.scatter [tilespmem:s18], [sflag:$0x19], $0x2000, s3, s2, $0x38;
	[tilespmem:$0x19400] =	vst v63  }
0x1c7: {  	_ =	swait.ge [sflag:s26], $0x4000  }
0x1c8: {  	s23 =	sld [smem:$0x7EF]  }
0x1c9: {  	[sflag:s26] =	ssyncset.done $0x0  }
0x1ca: {  	s17 =	simm.s32 $0xC800;
	s24 =	sld [smem:$0x7F0];
	[sflag:s26] =	ssyncadd.s32 $0xFFFFC000  }
0x1cb: {  	[hbm4b:s23+s2] =	stream.strided.scatter [tilespmem:s17], [sflag:$0x1A], $0x2000, s3, s2, $0x38;
	[tilespmem:$0x19400] =	vst v63  }
0x1cc: {  	s26 =	simm.s32 $0x1C  }
0x1cd: {  	[hbm4b:s24+s2] =	stream.strided.scatter [tilespmem:s0], [sflag:$0x1B], $0x2000, s3, s2, $0x38;
	[tilespmem:$0x19400] =	vst v63  }
0x1ce: {  	_ =	swait.ge [sflag:s26], $0x2000  }
0x1cf: {  	[sflag:s26] =	ssyncset.done $0x0  }
0x1d0: {  	s28 =	simm.s32 $0x1D;
	[sflag:s26] =	ssyncadd.s32 $0xFFFFE000  }
0x1d1: {  	_ =	swait.ge [sflag:s28], $0x2000  }
0x1d2: {  	[sflag:s28] =	ssyncset.done $0x0  }
0x1d3: {  	s25 =	simm.s32 $0x1E;
	[sflag:s28] =	ssyncadd.s32 $0xFFFFE000  }
0x1d4: {  	_ =	swait.ge [sflag:s25], $0x2000  }
0x1d5: {  	[sflag:s25] =	ssyncset.done $0x0  }
0x1d6: {  	s29 =	simm.s32 $0x1F;
	[sflag:s25] =	ssyncadd.s32 $0xFFFFE000  }
0x1d7: {  	_ =	swait.ge [sflag:s29], $0x2000  }
0x1d8: {  	[sflag:s29] =	ssyncset.done $0x0  }
0x1d9: {  	s30 =	simm.s32 $0x14;
	[sflag:s29] =	ssyncadd.s32 $0xFFFFE000  }
0x1da: {  	_ =	swait.ge [sflag:s30], $0x2000  }
0x1db: {  	[sflag:s30] =	ssyncset.done $0x0  }
0x1dc: {  	s1 =	simm.s32 $0x15;
	[sflag:s30] =	ssyncadd.s32 $0xFFFFE000  }
0x1dd: {  	_ =	swait.ge [sflag:s1], $0x2000  }
0x1de: {  	[sflag:s1] =	ssyncset.done $0x0  }
0x1df: {  	s20 =	simm.s32 $0x16;
	[sflag:s1] =	ssyncadd.s32 $0xFFFFE000  }
0x1e0: {  	_ =	swait.ge [sflag:s20], $0x2000  }
0x1e1: {  	[sflag:s20] =	ssyncset.done $0x0  }
0x1e2: {  	s16 =	simm.s32 $0x17;
	[sflag:s20] =	ssyncadd.s32 $0xFFFFE000  }
0x1e3: {  	_ =	swait.ge [sflag:s16], $0x2000  }
0x1e4: {  	[sflag:s16] =	ssyncset.done $0x0  }
0x1e5: {  	s15 =	simm.s32 $0x18;
	[sflag:s16] =	ssyncadd.s32 $0xFFFFE000  }
0x1e6: {  	_ =	swait.ge [sflag:s15], $0x2000  }
0x1e7: {  	[sflag:s15] =	ssyncset.done $0x0  }
0x1e8: {  	s14 =	simm.s32 $0x19;
	[sflag:s15] =	ssyncadd.s32 $0xFFFFE000  }
0x1e9: {  	_ =	swait.ge [sflag:s14], $0x2000  }
0x1ea: {  	[sflag:s14] =	ssyncset.done $0x0  }
0x1eb: {  	s11 =	simm.s32 $0x1A;
	[sflag:s14] =	ssyncadd.s32 $0xFFFFE000  }
0x1ec: {  	_ =	swait.ge [sflag:s11], $0x2000  }
0x1ed: {  	s31 =	sld [smem:$0x7C9];
	_ =	sdelay $0x2  }
0x1ee: {  	s0 =	sadd.s32 $0xFFFFFFFF, s31  }
0x1ef: {  	p2 =	sne.s32 s0, $0x0  }
.Ltmp1:
0x1f0: {  	_ = 	snop;
	(pc) =	sbr.rel @!p2 .LBB2_6-.Ltmp1, $4  }
0x1f1: {  	[sflag:s11] =	ssyncset.done $0x0  }
0x1f2: {  	s10 =	simm.s32 $0x1B;
	[sflag:s11] =	ssyncadd.s32 $0xFFFFE000  }
0x1f3: {  	_ =	swait.ge [sflag:s10], $0x2000  }
0x1f4: {  	p1 =	por $0x1, $0x1;
	s22 =	rddreg [dreg:$0x6];
	[sflag:s10] =	ssyncset.done $0x0  }
0x1f5: {  	s26 =	simm.s32 $0x5  }
0x1f6: {  	s28 =	simm.s32 $0xE;
	s30 =	simm.s32 $0x11;
	s23 =	simm.s32 $0x16  }
.LBB2_3:
0x1f7: {  	s24 =	rddreg [dreg:$0x5];
	s5 =	simm.s32 $0x1B  }
0x1f8: {  	s25 =	rddreg [dreg:$0x7];
	s10 =	simm.s32 $0x0;
	[sflag:s5] =	ssyncadd.s32 $0xFFFFE000  }
0x1f9: {  	[tilespmem:s10], [sflag:$0x1] =	stream.linear.gather [hbm4b:s22+s10], $0x800, $0x38;
	[tilespmem:$0x19400] =	vst v63  }
0x1fa: {  	s14 =	rddreg [dreg:$0x8]  }
0x1fb: {  	[tilespmem:s3], [sflag:$0x2] =	stream.strided.gather [hbm4b:s25+s2], $0x2000, s3, s2, $0x38;
	[tilespmem:$0x19400] =	vst v63  }
0x1fc: {  	s15 =	rddreg [dreg:$0x9];
	s16 =	simm.s32 $0x2800  }
0x1fd: {  	[tilespmem:s16], [sflag:$0x3] =	stream.strided.gather [hbm4b:s14+s2], $0x2000, s3, s2, $0x38;
	[tilespmem:$0x19400] =	vst v63  }
0x1fe: {  	s17 =	rddreg [dreg:$0xa];
	s18 =	simm.s32 $0x4800  }
0x1ff: {  	[tilespmem:s18], [sflag:$0x4] =	stream.strided.gather [hbm4b:s15+s2], $0x2000, s3, s2, $0x38;
	[tilespmem:$0x19400] =	vst v63  }
0x200: {  	s19 =	rddreg [dreg:$0xb];
	s20 =	simm.s32 $0x6800  }
0x201: {  	[tilespmem:s20], [sflag:$0x5] =	stream.strided.gather [hbm4b:s17+s2], $0x2000, s3, s2, $0x38;
	[tilespmem:$0x19400] =	vst v63  }
0x202: {  	s8 =	simm.s32 $0x8800;
	s21 =	rddreg [dreg:$0xc]  }
0x203: {  	[tilespmem:s8], [sflag:$0x6] =	stream.strided.gather [hbm4b:s19+s2], $0x2000, s3, s2, $0x38;
	[tilespmem:$0x19400] =	vst v63  }
0x204: {  	s29 =	simm.s32 $0xA800;
	s31 =	rddreg [dreg:$0xd]  }
0x205: {  	[tilespmem:s29], [sflag:$0x7] =	stream.strided.gather [hbm4b:s21+s2], $0x2000, s3, s2, $0x38;
	[tilespmem:$0x19400] =	vst v63  }
0x206: {  	s6 =	simm.s32 $0xC800;
	s1 =	rddreg [dreg:$0xe]  }
0x207: {  	[tilespmem:s6], [sflag:$0x8] =	stream.strided.gather [hbm4b:s31+s2], $0x2000, s3, s2, $0x38;
	[tilespmem:$0x19400] =	vst v63  }
0x208: {  	s4 =	simm.s32 $0xE800;
	s12 =	rddreg [dreg:$0x11]  }
0x209: {  	[tilespmem:s4], [sflag:$0x9] =	stream.strided.gather [hbm4b:s1+s2], $0x2000, s3, s2, $0x38;
	[tilespmem:$0x19400] =	vst v63  }
0x20a: {  	s11 =	simm.s32 $0x10800;
	s6 =	rddreg [dreg:$0xf]  }
0x20b: {  	[tilespmem:s11], [sflag:$0xA] =	stream.strided.gather [hbm4b:s6+s2], $0x2000, s3, s2, $0x38;
	[tilespmem:$0x19400] =	vst v63  }
0x20c: {  	s0 =	sadd.s32 $0xFFFFFFFF, s0;
	s13 =	simm.s32 $0x12800;
	s8 =	rddreg [dreg:$0x10]  }
0x20d: {  	[tilespmem:s13], [sflag:$0xB] =	stream.strided.gather [hbm4b:s8+s2], $0x2000, s3, s2, $0x38;
	[tilespmem:$0x19400] =	vst v63  }
0x20e: {  	[smem:$0x7C7] =	sst s0;
	s16 =	simm.s32 $0x14800  }
0x20f: {  	[tilespmem:s16], [sflag:$0xC] =	stream.strided.gather [hbm4b:s12+s2], $0x2000, s3, s2, $0x38;
	[tilespmem:$0x19400] =	vst v63  }
0x210: {  	s12 =	sld [smem:$0x7C8]  }
0x211: {  	s15 =	rddreg [dreg:$0x12];
	s17 =	simm.s32 $0x16800;
	s13 =	simm.s32 @!p0 $0x1C20  }
0x212: {  	[tilespmem:s17], [sflag:$0xD] =	stream.strided.gather [hbm4b:s15+s2], $0x2000, s3, s2, $0x38;
	[tilespmem:$0x19400] =	vst v63  }
0x213: {  	[spmem:s12], [sflag:s13] =	dma.local @!p0 [hbm:s24], $0x1800  }
0x214: {  	s12 =	simm.s32 @!p0 $0x20  }
0x215: {  	_ =	swait.ge @!p0 [sflag:s12], $0x1800  }
0x216: {  	[sflag:s12] =	ssyncset.done @!p0 $0x0  }
0x217: {  	[sflag:s12] =	ssyncadd.s32 @!p0 $0xFFFFE800  }
0x218: {  	s18 =	simm.s32 $0x1;
	[bflag:$0x0] =	sbarrier.arrive $0xFFFF  }
0x219: {  	_ =	swait.ge [sflag:s18], $0x800  }
0x21a: {  	[sflag:s18] =	ssyncset.done $0x0  }
0x21b: {  	[sflag:s18] =	ssyncadd.s32 $0xFFFFF800;
	s18 =	simm.s32 $0x2  }
0x21c: {  	_ =	swait.ge [sflag:s18], $0x2000  }
0x21d: {  	[sflag:s18] =	ssyncset.done $0x0  }
0x21e: {  	s25 =	simm.s32 $0x3;
	[sflag:s18] =	ssyncadd.s32 $0xFFFFE000  }
0x21f: {  	_ =	swait.ge [sflag:s25], $0x2000  }
0x220: {  	[sflag:s25] =	ssyncset.done $0x0  }
0x221: {  	[sflag:s25] =	ssyncadd.s32 $0xFFFFE000  }
0x222: {  	s8 =	simm.s32 $0x80;
	s12 =	simm.s32 $0x4;
	s4 =	rddreg [dreg:$0x3]  }
0x223: {  	[tilespmem:s3], [sflag:$0xE] =	stream.indirect.gather.add.f32 [spmem:s4], $0x80, s10, s8, $0xb8;
	[tilespmem:$0x19400] =	vst v63  }
0x224: {  	_ =	swait.ge [sflag:s12], $0x2000  }
0x225: {  	[sflag:s12] =	ssyncset.done $0x0  }
0x226: {  	[sflag:s12] =	ssyncadd.s32 $0xFFFFE000  }
0x227: {  	_ =	swait.ge [sflag:s26], $0x2000  }
0x228: {  	[sflag:s26] =	ssyncset.done $0x0  }
0x229: {  	s11 =	simm.s32 $0x4800;
	[sflag:s26] =	ssyncadd.s32 $0xFFFFE000  }
0x22a: {  	[tilespmem:s11], [sflag:$0xF] =	stream.indirect.gather.add.f32 [spmem:s4], $0x80, s8, s8, $0xb8;
	[tilespmem:$0x19400] =	vst v63  }
0x22b: {  	_ =	swait.ge [sflag:s28], $0x4000  }
0x22c: {  	[sflag:s28] =	ssyncset.done $0x0  }
0x22d: {  	s20 =	rddreg [dreg:$0x13];
	[sflag:s28] =	ssyncadd.s32 $0xFFFFC000  }
0x22e: {  	[hbm4b:s20+s2] =	stream.strided.scatter [tilespmem:s3], [sflag:$0x14], $0x2000, s3, s2, $0x38;
	[tilespmem:$0x19400] =	vst v63  }
0x22f: {  	s14 =	simm.s32 $0x2800;
	s24 =	simm.s32 $0x6;
	s21 =	rddreg [dreg:$0x14]  }
0x230: {  	[hbm4b:s21+s2] =	stream.strided.scatter [tilespmem:s14], [sflag:$0x15], $0x2000, s3, s2, $0x38;
	[tilespmem:$0x19400] =	vst v63  }
0x231: {  	_ =	swait.ge [sflag:s24], $0x2000  }
0x232: {  	[sflag:s24] =	ssyncset.done $0x0  }
0x233: {  	s29 =	simm.s32 $0x7;
	[sflag:s24] =	ssyncadd.s32 $0xFFFFE000  }
0x234: {  	_ =	swait.ge [sflag:s29], $0x2000  }
0x235: {  	s31 =	sld [smem:$0x7F1]  }
0x236: {  	p2 =	sne.s32 s0, $0x0;
	[sflag:s29] =	ssyncset.done $0x0  }
0x237: {  	s0 =	simm.s32 $0xF;
	s6 =	simm.s32 $0x8800;
	[sflag:s29] =	ssyncadd.s32 $0xFFFFE000  }
0x238: {  	[tilespmem:s6], [sflag:$0x10] =	stream.indirect.gather.add.f32 [spmem:s4], $0x80, s31, s8, $0xb8;
	[tilespmem:$0x19400] =	vst v63  }
0x239: {  	_ =	swait.ge [sflag:s0], $0x4000  }
0x23a: {  	[sflag:s0] =	ssyncset.done $0x0  }
0x23b: {  	s1 =	rddreg [dreg:$0x15];
	[sflag:s0] =	ssyncadd.s32 $0xFFFFC000  }
0x23c: {  	[hbm4b:s1+s2] =	stream.strided.scatter [tilespmem:s11], [sflag:$0x16], $0x2000, s3, s2, $0x38;
	[tilespmem:$0x19400] =	vst v63  }
0x23d: {  	s7 =	simm.s32 $0x6800;
	s13 =	simm.s32 $0x8;
	s10 =	rddreg [dreg:$0x16]  }
0x23e: {  	[hbm4b:s10+s2] =	stream.strided.scatter [tilespmem:s7], [sflag:$0x17], $0x2000, s3, s2, $0x38;
	[tilespmem:$0x19400] =	vst v63  }
0x23f: {  	_ =	swait.ge [sflag:s13], $0x2000  }
0x240: {  	[sflag:s13] =	ssyncset.done $0x0  }
0x241: {  	s14 =	simm.s32 $0x9;
	[sflag:s13] =	ssyncadd.s32 $0xFFFFE000  }
0x242: {  	_ =	swait.ge [sflag:s14], $0x2000  }
0x243: {  	s17 =	sld [smem:$0x7F2]  }
0x244: {  	[sflag:s14] =	ssyncset.done $0x0  }
0x245: {  	s21 =	simm.s32 $0xC800;
	s24 =	simm.s32 $0x10;
	[sflag:s14] =	ssyncadd.s32 $0xFFFFE000  }
0x246: {  	[tilespmem:s21], [sflag:$0x11] =	stream.indirect.gather.add.f32 [spmem:s4], $0x80, s17, s8, $0xb8;
	[tilespmem:$0x19400] =	vst v63  }
0x247: {  	_ =	swait.ge [sflag:s24], $0x4000  }
0x248: {  	[sflag:s24] =	ssyncset.done $0x0  }
0x249: {  	s29 =	rddreg [dreg:$0x17];
	[sflag:s24] =	ssyncadd.s32 $0xFFFFC000  }
0x24a: {  	[hbm4b:s29+s2] =	stream.strided.scatter [tilespmem:s6], [sflag:$0x18], $0x2000, s3, s2, $0x38;
	[tilespmem:$0x19400] =	vst v63  }
0x24b: {  	s9 =	simm.s32 $0xA800;
	s14 =	simm.s32 $0xA;
	s0 =	rddreg [dreg:$0x18]  }
0x24c: {  	[hbm4b:s0+s2] =	stream.strided.scatter [tilespmem:s9], [sflag:$0x19], $0x2000, s3, s2, $0x38;
	[tilespmem:$0x19400] =	vst v63  }
0x24d: {  	_ =	swait.ge [sflag:s14], $0x2000  }
0x24e: {  	[sflag:s14] =	ssyncset.done $0x0  }
0x24f: {  	s13 =	simm.s32 $0xB;
	[sflag:s14] =	ssyncadd.s32 $0xFFFFE000  }
0x250: {  	_ =	swait.ge [sflag:s13], $0x2000  }
0x251: {  	s1 =	sld [smem:$0x7F3]  }
0x252: {  	[sflag:s13] =	ssyncset.done $0x0  }
0x253: {  	s9 =	simm.s32 $0x10800;
	[sflag:s13] =	ssyncadd.s32 $0xFFFFE000  }
0x254: {  	[tilespmem:s9], [sflag:$0x12] =	stream.indirect.gather.add.f32 [spmem:s4], $0x80, s1, s8, $0xb8;
	[tilespmem:$0x19400] =	vst v63  }
0x255: {  	_ =	swait.ge [sflag:s30], $0x4000  }
0x256: {  	[sflag:s30] =	ssyncset.done $0x0  }
0x257: {  	s6 =	rddreg [dreg:$0x19];
	[sflag:s30] =	ssyncadd.s32 $0xFFFFC000  }
0x258: {  	[hbm4b:s6+s2] =	stream.strided.scatter [tilespmem:s21], [sflag:$0x1A], $0x2000, s3, s2, $0x38;
	[tilespmem:$0x19400] =	vst v63  }
0x259: {  	s16 =	simm.s32 $0xE800;
	s11 =	simm.s32 $0x14;
	s10 =	rddreg [dreg:$0x1a]  }
0x25a: {  	[hbm4b:s10+s2] =	stream.strided.scatter [tilespmem:s16], [sflag:$0x1B], $0x2000, s3, s2, $0x38;
	[tilespmem:$0x19400] =	vst v63  }
0x25b: {  	_ =	swait.ge [sflag:s11], $0x2000  }
0x25c: {  	[sflag:s11] =	ssyncset.done $0x0  }
0x25d: {  	s16 =	simm.s32 $0x15;
	[sflag:s11] =	ssyncadd.s32 $0xFFFFE000  }
0x25e: {  	_ =	swait.ge [sflag:s16], $0x2000  }
0x25f: {  	[sflag:s16] =	ssyncset.done $0x0  }
0x260: {  	s17 =	rddreg [dreg:$0x1b];
	[sflag:s16] =	ssyncadd.s32 $0xFFFFE000  }
0x261: {  	[tilespmem:s3], [sflag:$0x2] =	stream.strided.gather [hbm4b:s17+s2], $0x2000, s3, s2, $0x38;
	[tilespmem:$0x19400] =	vst v63  }
0x262: {  	s15 =	simm.s32 $0x2800;
	s21 =	rddreg [dreg:$0x1c];
	s17 =	simm.s32 $0xC  }
0x263: {  	[tilespmem:s15], [sflag:$0x3] =	stream.strided.gather [hbm4b:s21+s2], $0x2000, s3, s2, $0x38;
	[tilespmem:$0x19400] =	vst v63  }
0x264: {  	_ =	swait.ge [sflag:s17], $0x2000  }
0x265: {  	[sflag:s17] =	ssyncset.done $0x0  }
0x266: {  	s15 =	simm.s32 $0xD;
	[sflag:s17] =	ssyncadd.s32 $0xFFFFE000  }
0x267: {  	_ =	swait.ge [sflag:s15], $0x2000  }
0x268: {  	s24 =	sld [smem:$0x7F4]  }
0x269: {  	[sflag:s15] =	ssyncset.done $0x0  }
0x26a: {  	s7 =	simm.s32 $0x14800;
	s16 =	simm.s32 $0x12;
	[sflag:s15] =	ssyncadd.s32 $0xFFFFE000  }
0x26b: {  	[tilespmem:s7], [sflag:$0x13] =	stream.indirect.gather.add.f32 [spmem:s4], $0x80, s24, s8, $0xb8;
	[tilespmem:$0x19400] =	vst v63  }
0x26c: {  	_ =	swait.ge [sflag:s16], $0x4000  }
0x26d: {  	[sflag:s16] =	ssyncset.done $0x0  }
0x26e: {  	s0 =	rddreg [dreg:$0x1d];
	[sflag:s16] =	ssyncadd.s32 $0xFFFFC000  }
0x26f: {  	[hbm4b:s0+s2] =	stream.strided.scatter [tilespmem:s9], [sflag:$0x1C], $0x2000, s3, s2, $0x38;
	[tilespmem:$0x19400] =	vst v63  }
0x270: {  	s19 =	simm.s32 $0x12800;
	s10 =	rddreg [dreg:$0x1e]  }
0x271: {  	[hbm4b:s10+s2] =	stream.strided.scatter [tilespmem:s19], [sflag:$0x1D], $0x2000, s3, s2, $0x38;
	[tilespmem:$0x19400] =	vst v63  }
0x272: {  	_ =	swait.ge [sflag:s23], $0x2000  }
0x273: {  	[sflag:s23] =	ssyncset.done $0x0  }
0x274: {  	s19 =	simm.s32 $0x17;
	[sflag:s23] =	ssyncadd.s32 $0xFFFFE000  }
0x275: {  	_ =	swait.ge [sflag:s19], $0x2000  }
0x276: {  	s11 =	rddreg [dreg:$0x1f];
	[sflag:s19] =	ssyncset.done $0x0  }
0x277: {  	s31 =	simm.s32 $0x4800;
	s21 =	sld [smem:$0x7CA];
	[sflag:s19] =	ssyncadd.s32 $0xFFFFE000  }
0x278: {  	[tilespmem:s31], [sflag:$0x4] =	stream.strided.gather [hbm4b:s11+s2], $0x2000, s3, s2, $0x38;
	[tilespmem:$0x19400] =	vst v63  }
0x279: {  	s20 =	simm.s32 $0x6800  }
0x27a: {  	[tilespmem:s20], [sflag:$0x5] =	stream.strided.gather [hbm4b:s21+s2], $0x2000, s3, s2, $0x38;
	[tilespmem:$0x19400] =	vst v63  }
0x27b: {  	_ =	swait.ge [sflag:s18], $0x2000  }
0x27c: {  	[sflag:s18] =	ssyncset.done $0x0  }
0x27d: {  	[sflag:s18] =	ssyncadd.s32 $0xFFFFE000  }
0x27e: {  	_ =	swait.ge [sflag:s25], $0x2000  }
0x27f: {  	s9 =	sld [smem:$0x7F5]  }
0x280: {  	[sflag:s25] =	ssyncset.done $0x0  }
0x281: {  	s20 =	simm.s32 $0x13;
	[sflag:s25] =	ssyncadd.s32 $0xFFFFE000  }
0x282: {  	[tilespmem:s3], [sflag:$0xE] =	stream.indirect.gather.add.f32 [spmem:s4], $0x80, s9, s8, $0xb8;
	[tilespmem:$0x19400] =	vst v63  }
0x283: {  	_ =	swait.ge [sflag:s20], $0x4000  }
0x284: {  	s10 =	sld [smem:$0x7CB]  }
0x285: {  	[sflag:s20] =	ssyncset.done $0x0  }
0x286: {  	s11 =	sld [smem:$0x7CC];
	[sflag:s20] =	ssyncadd.s32 $0xFFFFC000  }
0x287: {  	[hbm4b:s10+s2] =	stream.strided.scatter [tilespmem:s7], [sflag:$0x1E], $0x2000, s3, s2, $0x38;
	[tilespmem:$0x19400] =	vst v63  }
0x288: {  	s22 =	simm.s32 $0x16800  }
0x289: {  	[hbm4b:s11+s2] =	stream.strided.scatter [tilespmem:s22], [sflag:$0x1F], $0x2000, s3, s2, $0x38;
	[tilespmem:$0x19400] =	vst v63  }
0x28a: {  	s11 =	simm.s32 $0x18  }
0x28b: {  	_ =	swait.ge [sflag:s11], $0x2000  }
0x28c: {  	[sflag:s11] =	ssyncset.done $0x0  }
0x28d: {  	s10 =	simm.s32 $0x19;
	[sflag:s11] =	ssyncadd.s32 $0xFFFFE000  }
0x28e: {  	_ =	swait.ge [sflag:s10], $0x2000  }
0x28f: {  	s7 =	sld [smem:$0x7CD]  }
0x290: {  	[sflag:s10] =	ssyncset.done $0x0  }
0x291: {  	s29 =	simm.s32 $0x8800;
	s9 =	sld [smem:$0x7CE];
	[sflag:s10] =	ssyncadd.s32 $0xFFFFE000  }
0x292: {  	[tilespmem:s29], [sflag:$0x6] =	stream.strided.gather [hbm4b:s7+s2], $0x2000, s3, s2, $0x38;
	[tilespmem:$0x19400] =	vst v63  }
0x293: {  	s22 =	simm.s32 $0xA800  }
0x294: {  	[tilespmem:s22], [sflag:$0x7] =	stream.strided.gather [hbm4b:s9+s2], $0x2000, s3, s2, $0x38;
	[tilespmem:$0x19400] =	vst v63  }
0x295: {  	_ =	swait.ge [sflag:s12], $0x2000  }
0x296: {  	[sflag:s12] =	ssyncset.done $0x0  }
0x297: {  	[sflag:s12] =	ssyncadd.s32 $0xFFFFE000  }
0x298: {  	_ =	swait.ge [sflag:s26], $0x2000  }
0x299: {  	s24 =	sld [smem:$0x7F6]  }
0x29a: {  	[sflag:s26] =	ssyncset.done $0x0  }
0x29b: {  	[sflag:s26] =	ssyncadd.s32 $0xFFFFE000  }
0x29c: {  	[tilespmem:s31], [sflag:$0xF] =	stream.indirect.gather.add.f32 [spmem:s4], $0x80, s24, s8, $0xb8;
	[tilespmem:$0x19400] =	vst v63  }
0x29d: {  	_ =	swait.ge [sflag:s28], $0x4000  }
0x29e: {  	s7 =	sld [smem:$0x7CF]  }
0x29f: {  	[sflag:s28] =	ssyncset.done $0x0  }
0x2a0: {  	s9 =	sld [smem:$0x7D0];
	[sflag:s28] =	ssyncadd.s32 $0xFFFFC000  }
0x2a1: {  	[hbm4b:s7+s2] =	stream.strided.scatter [tilespmem:s3], [sflag:$0x14], $0x2000, s3, s2, $0x38;
	[tilespmem:$0x19400] =	vst v63  }
0x2a2: {  	s1 =	simm.s32 $0x2800;
	s7 =	simm.s32 $0x1A  }
0x2a3: {  	[hbm4b:s9+s2] =	stream.strided.scatter [tilespmem:s1], [sflag:$0x15], $0x2000, s3, s2, $0x38;
	[tilespmem:$0x19400] =	vst v63  }
0x2a4: {  	_ =	swait.ge [sflag:s7], $0x2000  }
0x2a5: {  	[sflag:s7] =	ssyncset.done $0x0  }
0x2a6: {  	[sflag:s7] =	ssyncadd.s32 $0xFFFFE000  }
0x2a7: {  	_ =	swait.ge [sflag:s5], $0x2000  }
0x2a8: {  	s1 =	sld [smem:$0x7D1]  }
0x2a9: {  	[sflag:s5] =	ssyncset.done $0x0  }
0x2aa: {  	s6 =	simm.s32 $0xC800;
	s9 =	sld [smem:$0x7D2];
	[sflag:s5] =	ssyncadd.s32 $0xFFFFE000  }
0x2ab: {  	[tilespmem:s6], [sflag:$0x8] =	stream.strided.gather [hbm4b:s1+s2], $0x2000, s3, s2, $0x38;
	[tilespmem:$0x19400] =	vst v63  }
0x2ac: {  	s1 =	simm.s32 $0xE800;
	s6 =	simm.s32 $0x6  }
0x2ad: {  	[tilespmem:s1], [sflag:$0x9] =	stream.strided.gather [hbm4b:s9+s2], $0x2000, s3, s2, $0x38;
	[tilespmem:$0x19400] =	vst v63  }
0x2ae: {  	_ =	swait.ge [sflag:s6], $0x2000  }
0x2af: {  	[sflag:s6] =	ssyncset.done $0x0  }
0x2b0: {  	s22 =	simm.s32 $0x7;
	[sflag:s6] =	ssyncadd.s32 $0xFFFFE000  }
0x2b1: {  	_ =	swait.ge [sflag:s22], $0x2000  }
0x2b2: {  	[sflag:s22] =	ssyncset.done $0x0  }
0x2b3: {  	s24 =	simm.s32 $0xF;
	s5 =	simm.s32 $0x8800;
	[sflag:s22] =	ssyncadd.s32 $0xFFFFE000  }
0x2b4: {  	[tilespmem:s5], [sflag:$0x10] =	stream.indirect.gather.add.f32 [spmem:s4], $0x80, s2, s8, $0xb8;
	[tilespmem:$0x19400] =	vst v63  }
0x2b5: {  	_ =	swait.ge [sflag:s24], $0x4000  }
0x2b6: {  	s1 =	sld [smem:$0x7D3]  }
0x2b7: {  	[sflag:s24] =	ssyncset.done $0x0  }
0x2b8: {  	s6 =	sld [smem:$0x7D4];
	[sflag:s24] =	ssyncadd.s32 $0xFFFFC000  }
0x2b9: {  	[hbm4b:s1+s2] =	stream.strided.scatter [tilespmem:s31], [sflag:$0x16], $0x2000, s3, s2, $0x38;
	[tilespmem:$0x19400] =	vst v63  }
0x2ba: {  	s21 =	simm.s32 $0x6800  }
0x2bb: {  	[hbm4b:s6+s2] =	stream.strided.scatter [tilespmem:s21], [sflag:$0x17], $0x2000, s3, s2, $0x38;
	[tilespmem:$0x19400] =	vst v63  }
0x2bc: {  	s21 =	simm.s32 $0x1C  }
0x2bd: {  	_ =	swait.ge [sflag:s21], $0x2000  }
0x2be: {  	[sflag:s21] =	ssyncset.done $0x0  }
0x2bf: {  	s31 =	simm.s32 $0x1D;
	[sflag:s21] =	ssyncadd.s32 $0xFFFFE000  }
0x2c0: {  	_ =	swait.ge [sflag:s31], $0x2000  }
0x2c1: {  	s24 =	sld [smem:$0x7D5]  }
0x2c2: {  	[sflag:s31] =	ssyncset.done $0x0  }
0x2c3: {  	s1 =	simm.s32 $0x10800;
	s6 =	sld [smem:$0x7D6];
	[sflag:s31] =	ssyncadd.s32 $0xFFFFE000  }
0x2c4: {  	[tilespmem:s1], [sflag:$0xA] =	stream.strided.gather [hbm4b:s24+s2], $0x2000, s3, s2, $0x38;
	[tilespmem:$0x19400] =	vst v63  }
0x2c5: {  	s0 =	simm.s32 $0x12800  }
0x2c6: {  	[tilespmem:s0], [sflag:$0xB] =	stream.strided.gather [hbm4b:s6+s2], $0x2000, s3, s2, $0x38;
	[tilespmem:$0x19400] =	vst v63  }
0x2c7: {  	s6 =	simm.s32 $0x8  }
0x2c8: {  	_ =	swait.ge [sflag:s6], $0x2000  }
0x2c9: {  	[sflag:s6] =	ssyncset.done $0x0  }
0x2ca: {  	s22 =	simm.s32 $0x9;
	[sflag:s6] =	ssyncadd.s32 $0xFFFFE000  }
0x2cb: {  	_ =	swait.ge [sflag:s22], $0x2000  }
0x2cc: {  	s24 =	sld [smem:$0x7F7]  }
0x2cd: {  	[sflag:s22] =	ssyncset.done $0x0  }
0x2ce: {  	s0 =	simm.s32 $0x10;
	s6 =	simm.s32 $0xC800;
	[sflag:s22] =	ssyncadd.s32 $0xFFFFE000  }
0x2cf: {  	[tilespmem:s6], [sflag:$0x11] =	stream.indirect.gather.add.f32 [spmem:s4], $0x80, s24, s8, $0xb8;
	[tilespmem:$0x19400] =	vst v63  }
0x2d0: {  	_ =	swait.ge [sflag:s0], $0x4000  }
0x2d1: {  	s22 =	sld [smem:$0x7D7]  }
0x2d2: {  	[sflag:s0] =	ssyncset.done $0x0  }
0x2d3: {  	[sflag:s0] =	ssyncadd.s32 $0xFFFFC000;
	s0 =	sld [smem:$0x7D8]  }
0x2d4: {  	[hbm4b:s22+s2] =	stream.strided.scatter [tilespmem:s5], [sflag:$0x18], $0x2000, s3, s2, $0x38;
	[tilespmem:$0x19400] =	vst v63  }
0x2d5: {  	s29 =	simm.s32 $0xA800  }
0x2d6: {  	[hbm4b:s0+s2] =	stream.strided.scatter [tilespmem:s29], [sflag:$0x19], $0x2000, s3, s2, $0x38;
	[tilespmem:$0x19400] =	vst v63  }
0x2d7: {  	s29 =	simm.s32 $0x1E  }
0x2d8: {  	_ =	swait.ge [sflag:s29], $0x2000  }
0x2d9: {  	[sflag:s29] =	ssyncset.done $0x0  }
0x2da: {  	s5 =	simm.s32 $0x1F;
	[sflag:s29] =	ssyncadd.s32 $0xFFFFE000  }
0x2db: {  	_ =	swait.ge [sflag:s5], $0x2000  }
0x2dc: {  	s22 =	sld [smem:$0x7D9]  }
0x2dd: {  	[sflag:s5] =	ssyncset.done $0x0  }
0x2de: {  	s0 =	simm.s32 $0x14800;
	s24 =	sld [smem:$0x7DA];
	[sflag:s5] =	ssyncadd.s32 $0xFFFFE000  }
0x2df: {  	[tilespmem:s0], [sflag:$0xC] =	stream.strided.gather [hbm4b:s22+s2], $0x2000, s3, s2, $0x38;
	[tilespmem:$0x19400] =	vst v63  }
0x2e0: {  	s22 =	simm.s32 $0x16800  }
0x2e1: {  	[tilespmem:s22], [sflag:$0xD] =	stream.strided.gather [hbm4b:s24+s2], $0x2000, s3, s2, $0x38;
	[tilespmem:$0x19400] =	vst v63  }
0x2e2: {  	_ =	swait.ge [sflag:s14], $0x2000  }
0x2e3: {  	[sflag:s14] =	ssyncset.done $0x0  }
0x2e4: {  	[sflag:s14] =	ssyncadd.s32 $0xFFFFE000  }
0x2e5: {  	_ =	swait.ge [sflag:s13], $0x2000  }
0x2e6: {  	s14 =	sld [smem:$0x7F8]  }
0x2e7: {  	[sflag:s13] =	ssyncset.done $0x0  }
0x2e8: {  	[sflag:s13] =	ssyncadd.s32 $0xFFFFE000  }
0x2e9: {  	[tilespmem:s1], [sflag:$0x12] =	stream.indirect.gather.add.f32 [spmem:s4], $0x80, s14, s8, $0xb8;
	[tilespmem:$0x19400] =	vst v63  }
0x2ea: {  	_ =	swait.ge [sflag:s30], $0x4000  }
0x2eb: {  	s24 =	sld [smem:$0x7DB]  }
0x2ec: {  	[sflag:s30] =	ssyncset.done $0x0  }
0x2ed: {  	s13 =	sld [smem:$0x7DC];
	[sflag:s30] =	ssyncadd.s32 $0xFFFFC000  }
0x2ee: {  	[hbm4b:s24+s2] =	stream.strided.scatter [tilespmem:s6], [sflag:$0x1A], $0x2000, s3, s2, $0x38;
	[tilespmem:$0x19400] =	vst v63  }
0x2ef: {  	s9 =	simm.s32 $0xE800;
	s14 =	simm.s32 $0x14  }
0x2f0: {  	[hbm4b:s13+s2] =	stream.strided.scatter [tilespmem:s9], [sflag:$0x1B], $0x2000, s3, s2, $0x38;
	[tilespmem:$0x19400] =	vst v63  }
0x2f1: {  	_ =	swait.ge [sflag:s14], $0x2000  }
0x2f2: {  	[sflag:s14] =	ssyncset.done $0x0  }
0x2f3: {  	s22 =	simm.s32 $0x15;
	[sflag:s14] =	ssyncadd.s32 $0xFFFFE000  }
0x2f4: {  	_ =	swait.ge [sflag:s22], $0x2000  }
0x2f5: {  	s24 =	sld [smem:$0x7DD]  }
0x2f6: {  	[sflag:s22] =	ssyncset.done $0x0  }
0x2f7: {  	s6 =	sld [smem:$0x7DE];
	[sflag:s22] =	ssyncadd.s32 $0xFFFFE000  }
0x2f8: {  	[tilespmem:s3], [sflag:$0x2] =	stream.strided.gather [hbm4b:s24+s2], $0x2000, s3, s2, $0x38;
	[tilespmem:$0x19400] =	vst v63  }
0x2f9: {  	s9 =	simm.s32 $0x2800  }
0x2fa: {  	[tilespmem:s9], [sflag:$0x3] =	stream.strided.gather [hbm4b:s6+s2], $0x2000, s3, s2, $0x38;
	[tilespmem:$0x19400] =	vst v63  }
0x2fb: {  	_ =	swait.ge [sflag:s17], $0x2000  }
0x2fc: {  	[sflag:s17] =	ssyncset.done $0x0  }
0x2fd: {  	[sflag:s17] =	ssyncadd.s32 $0xFFFFE000  }
0x2fe: {  	_ =	swait.ge [sflag:s15], $0x2000  }
0x2ff: {  	s6 =	sld [smem:$0x7F9]  }
0x300: {  	[sflag:s15] =	ssyncset.done $0x0  }
0x301: {  	[sflag:s15] =	ssyncadd.s32 $0xFFFFE000  }
0x302: {  	[tilespmem:s0], [sflag:$0x13] =	stream.indirect.gather.add.f32 [spmem:s4], $0x80, s6, s8, $0xb8;
	[tilespmem:$0x19400] =	vst v63  }
0x303: {  	_ =	swait.ge [sflag:s16], $0x4000  }
0x304: {  	s15 =	sld [smem:$0x7DF]  }
0x305: {  	[sflag:s16] =	ssyncset.done $0x0  }
0x306: {  	s1 =	simm.s32 $0x10800;
	s17 =	sld [smem:$0x7E0];
	[sflag:s16] =	ssyncadd.s32 $0xFFFFC000  }
0x307: {  	[hbm4b:s15+s2] =	stream.strided.scatter [tilespmem:s1], [sflag:$0x1C], $0x2000, s3, s2, $0x38;
	[tilespmem:$0x19400] =	vst v63  }
0x308: {  	s22 =	simm.s32 $0x12800  }
0x309: {  	[hbm4b:s17+s2] =	stream.strided.scatter [tilespmem:s22], [sflag:$0x1D], $0x2000, s3, s2, $0x38;
	[tilespmem:$0x19400] =	vst v63  }
0x30a: {  	_ =	swait.ge [sflag:s23], $0x2000  }
0x30b: {  	[sflag:s23] =	ssyncset.done $0x0  }
0x30c: {  	[sflag:s23] =	ssyncadd.s32 $0xFFFFE000  }
0x30d: {  	_ =	swait.ge [sflag:s19], $0x2000  }
0x30e: {  	s6 =	sld [smem:$0x7E1]  }
0x30f: {  	[sflag:s19] =	ssyncset.done $0x0  }
0x310: {  	s15 =	simm.s32 $0x4800;
	s16 =	sld [smem:$0x7E2];
	[sflag:s19] =	ssyncadd.s32 $0xFFFFE000  }
0x311: {  	[tilespmem:s15], [sflag:$0x4] =	stream.strided.gather [hbm4b:s6+s2], $0x2000, s3, s2, $0x38;
	[tilespmem:$0x19400] =	vst v63  }
0x312: {  	s6 =	simm.s32 $0x6800  }
0x313: {  	[tilespmem:s6], [sflag:$0x5] =	stream.strided.gather [hbm4b:s16+s2], $0x2000, s3, s2, $0x38;
	[tilespmem:$0x19400] =	vst v63  }
0x314: {  	_ =	swait.ge [sflag:s18], $0x2000  }
0x315: {  	[sflag:s18] =	ssyncset.done $0x0  }
0x316: {  	[sflag:s18] =	ssyncadd.s32 $0xFFFFE000  }
0x317: {  	_ =	swait.ge [sflag:s25], $0x2000  }
0x318: {  	s17 =	sld [smem:$0x7FA]  }
0x319: {  	[sflag:s25] =	ssyncset.done $0x0  }
0x31a: {  	[sflag:s25] =	ssyncadd.s32 $0xFFFFE000  }
0x31b: {  	[tilespmem:s3], [sflag:$0xE] =	stream.indirect.gather.add.f32 [spmem:s4], $0x80, s17, s8, $0xb8;
	[tilespmem:$0x19400] =	vst v63  }
0x31c: {  	_ =	swait.ge [sflag:s20], $0x4000  }
0x31d: {  	s18 =	sld [smem:$0x7E3]  }
0x31e: {  	[sflag:s20] =	ssyncset.done $0x0  }
0x31f: {  	s0 =	simm.s32 $0x14800;
	[sflag:s20] =	ssyncadd.s32 $0xFFFFC000;
	s20 =	sld [smem:$0x7E4]  }
0x320: {  	[hbm4b:s18+s2] =	stream.strided.scatter [tilespmem:s0], [sflag:$0x1E], $0x2000, s3, s2, $0x38;
	[tilespmem:$0x19400] =	vst v63  }
0x321: {  	s22 =	simm.s32 $0x16800  }
0x322: {  	[hbm4b:s20+s2] =	stream.strided.scatter [tilespmem:s22], [sflag:$0x1F], $0x2000, s3, s2, $0x38;
	[tilespmem:$0x19400] =	vst v63  }
0x323: {  	_ =	swait.ge [sflag:s11], $0x2000  }
0x324: {  	[sflag:s11] =	ssyncset.done $0x0  }
0x325: {  	[sflag:s11] =	ssyncadd.s32 $0xFFFFE000  }
0x326: {  	_ =	swait.ge [sflag:s10], $0x2000  }
0x327: {  	s25 =	sld [smem:$0x7E5]  }
0x328: {  	[sflag:s10] =	ssyncset.done $0x0  }
0x329: {  	s1 =	simm.s32 $0x8800;
	s0 =	sld [smem:$0x7E6];
	[sflag:s10] =	ssyncadd.s32 $0xFFFFE000  }
0x32a: {  	[tilespmem:s1], [sflag:$0x6] =	stream.strided.gather [hbm4b:s25+s2], $0x2000, s3, s2, $0x38;
	[tilespmem:$0x19400] =	vst v63  }
0x32b: {  	s20 =	simm.s32 $0xA800  }
0x32c: {  	[tilespmem:s20], [sflag:$0x7] =	stream.strided.gather [hbm4b:s0+s2], $0x2000, s3, s2, $0x38;
	[tilespmem:$0x19400] =	vst v63  }
0x32d: {  	_ =	swait.ge [sflag:s12], $0x2000  }
0x32e: {  	[sflag:s12] =	ssyncset.done $0x0  }
0x32f: {  	[sflag:s12] =	ssyncadd.s32 $0xFFFFE000  }
0x330: {  	_ =	swait.ge [sflag:s26], $0x2000  }
0x331: {  	s16 =	sld [smem:$0x7FB]  }
0x332: {  	[sflag:s26] =	ssyncset.done $0x0  }
0x333: {  	[sflag:s26] =	ssyncadd.s32 $0xFFFFE000  }
0x334: {  	[tilespmem:s15], [sflag:$0xF] =	stream.indirect.gather.add.f32 [spmem:s4], $0x80, s16, s8, $0xb8;
	[tilespmem:$0x19400] =	vst v63  }
0x335: {  	_ =	swait.ge [sflag:s28], $0x4000  }
0x336: {  	s17 =	sld [smem:$0x7E7]  }
0x337: {  	[sflag:s28] =	ssyncset.done $0x0  }
0x338: {  	s18 =	sld [smem:$0x7E8];
	[sflag:s28] =	ssyncadd.s32 $0xFFFFC000  }
0x339: {  	[hbm4b:s17+s2] =	stream.strided.scatter [tilespmem:s3], [sflag:$0x14], $0x2000, s3, s2, $0x38;
	[tilespmem:$0x19400] =	vst v63  }
0x33a: {  	_ = 	snop  }
0x33b: {  	[hbm4b:s18+s2] =	stream.strided.scatter [tilespmem:s9], [sflag:$0x15], $0x2000, s3, s2, $0x38;
	[tilespmem:$0x19400] =	vst v63  }
0x33c: {  	_ =	swait.ge [sflag:s7], $0x2000  }
0x33d: {  	[sflag:s7] =	ssyncset.done $0x0  }
0x33e: {  	s24 =	simm.s32 $0x1B;
	[sflag:s7] =	ssyncadd.s32 $0xFFFFE000  }
0x33f: {  	_ =	swait.ge [sflag:s24], $0x2000  }
0x340: {  	s25 =	sld [smem:$0x7E9]  }
0x341: {  	[sflag:s24] =	ssyncset.done $0x0  }
0x342: {  	s15 =	simm.s32 $0xC800;
	s9 =	sld [smem:$0x7EA];
	[sflag:s24] =	ssyncadd.s32 $0xFFFFE000  }
0x343: {  	[tilespmem:s15], [sflag:$0x8] =	stream.strided.gather [hbm4b:s25+s2], $0x2000, s3, s2, $0x38;
	[tilespmem:$0x19400] =	vst v63  }
0x344: {  	s16 =	simm.s32 $0xE800;
	s17 =	simm.s32 $0x6  }
0x345: {  	[tilespmem:s16], [sflag:$0x9] =	stream.strided.gather [hbm4b:s9+s2], $0x2000, s3, s2, $0x38;
	[tilespmem:$0x19400] =	vst v63  }
0x346: {  	_ =	swait.ge [sflag:s17], $0x2000  }
0x347: {  	s22 =	simm.s32 $0x6;
	[sflag:s17] =	ssyncset.done $0x0  }
0x348: {  	s24 =	simm.s32 $0x7;
	[sflag:s22] =	ssyncadd.s32 $0xFFFFE000  }
0x349: {  	s0 =	sld [smem:$0x7C7];
	_ =	swait.ge [sflag:s24], $0x2000  }
0x34a: {  	s25 =	sld [smem:$0x7FC]  }
0x34b: {  	s9 =	simm.s32 $0x7;
	[sflag:s24] =	ssyncset.done $0x0  }
0x34c: {  	s22 =	simm.s32 $0xF;
	[sflag:s9] =	ssyncadd.s32 $0xFFFFE000  }
0x34d: {  	[tilespmem:s1], [sflag:$0x10] =	stream.indirect.gather.add.f32 [spmem:s4], $0x80, s25, s8, $0xb8;
	[tilespmem:$0x19400] =	vst v63  }
0x34e: {  	_ =	swait.ge [sflag:s22], $0x4000  }
0x34f: {  	s24 =	sld [smem:$0x7EB]  }
0x350: {  	s25 =	simm.s32 $0xF;
	[sflag:s22] =	ssyncset.done $0x0  }
0x351: {  	s12 =	simm.s32 $0x4800;
	s1 =	sld [smem:$0x7EC];
	[sflag:s25] =	ssyncadd.s32 $0xFFFFC000  }
0x352: {  	[hbm4b:s24+s2] =	stream.strided.scatter [tilespmem:s12], [sflag:$0x16], $0x2000, s3, s2, $0x38;
	[tilespmem:$0x19400] =	vst v63  }
0x353: {  	s12 =	simm.s32 $0x8  }
0x354: {  	[hbm4b:s1+s2] =	stream.strided.scatter [tilespmem:s6], [sflag:$0x17], $0x2000, s3, s2, $0x38;
	[tilespmem:$0x19400] =	vst v63  }
0x355: {  	_ =	swait.ge [sflag:s12], $0x2000  }
0x356: {  	s17 =	simm.s32 $0x8;
	[sflag:s12] =	ssyncset.done $0x0  }
0x357: {  	s22 =	simm.s32 $0x9;
	[sflag:s17] =	ssyncadd.s32 $0xFFFFE000  }
0x358: {  	_ =	swait.ge [sflag:s22], $0x2000  }
0x359: {  	s24 =	sld [smem:$0x7FD]  }
0x35a: {  	s25 =	simm.s32 $0x9;
	[sflag:s22] =	ssyncset.done $0x0  }
0x35b: {  	[sflag:s25] =	ssyncadd.s32 $0xFFFFE000  }
0x35c: {  	[tilespmem:s15], [sflag:$0x11] =	stream.indirect.gather.add.f32 [spmem:s4], $0x80, s24, s8, $0xb8;
	[tilespmem:$0x19400] =	vst v63  }
0x35d: {  	s8 =	simm.s32 $0x10  }
0x35e: {  	_ =	swait.ge [sflag:s8], $0x4000  }
0x35f: {  	s12 =	sld [smem:$0x7ED]  }
0x360: {  	s15 =	simm.s32 $0x10;
	[sflag:s8] =	ssyncset.done $0x0  }
0x361: {  	s9 =	simm.s32 $0x8800;
	s17 =	sld [smem:$0x7EE];
	[sflag:s15] =	ssyncadd.s32 $0xFFFFC000  }
0x362: {  	[hbm4b:s12+s2] =	stream.strided.scatter [tilespmem:s9], [sflag:$0x18], $0x2000, s3, s2, $0x38;
	[tilespmem:$0x19400] =	vst v63  }
0x363: {  	_ = 	snop  }
0x364: {  	[hbm4b:s17+s2] =	stream.strided.scatter [tilespmem:s20], [sflag:$0x19], $0x2000, s3, s2, $0x38;
	[tilespmem:$0x19400] =	vst v63  }
0x365: {  	_ =	swait.ge [sflag:s30], $0x4000  }
0x366: {  	s24 =	sld [smem:$0x7EF]  }
0x367: {  	[sflag:s30] =	ssyncset.done $0x0  }
0x368: {  	s6 =	simm.s32 $0xC800;
	s25 =	sld [smem:$0x7F0];
	[sflag:s30] =	ssyncadd.s32 $0xFFFFC000  }
0x369: {  	[hbm4b:s24+s2] =	stream.strided.scatter [tilespmem:s6], [sflag:$0x1A], $0x2000, s3, s2, $0x38;
	[tilespmem:$0x19400] =	vst v63  }
0x36a: {  	_ = 	snop  }
0x36b: {  	[hbm4b:s25+s2] =	stream.strided.scatter [tilespmem:s16], [sflag:$0x1B], $0x2000, s3, s2, $0x38;
	[tilespmem:$0x19400] =	vst v63  }
0x36c: {  	_ =	swait.ge [sflag:s21], $0x2000  }
0x36d: {  	[sflag:s21] =	ssyncset.done $0x0  }
0x36e: {  	[sflag:s21] =	ssyncadd.s32 $0xFFFFE000  }
0x36f: {  	_ =	swait.ge [sflag:s31], $0x2000  }
0x370: {  	[sflag:s31] =	ssyncset.done $0x0  }
0x371: {  	[sflag:s31] =	ssyncadd.s32 $0xFFFFE000  }
0x372: {  	_ =	swait.ge [sflag:s29], $0x2000  }
0x373: {  	[sflag:s29] =	ssyncset.done $0x0  }
0x374: {  	[sflag:s29] =	ssyncadd.s32 $0xFFFFE000  }
0x375: {  	_ =	swait.ge [sflag:s5], $0x2000  }
0x376: {  	[sflag:s5] =	ssyncset.done $0x0  }
0x377: {  	s13 =	simm.s32 $0x14;
	[sflag:s5] =	ssyncadd.s32 $0xFFFFE000  }
0x378: {  	_ =	swait.ge [sflag:s13], $0x2000  }
0x379: {  	[sflag:s13] =	ssyncset.done $0x0  }
0x37a: {  	s14 =	simm.s32 $0x15;
	[sflag:s13] =	ssyncadd.s32 $0xFFFFE000  }
0x37b: {  	_ =	swait.ge [sflag:s14], $0x2000  }
0x37c: {  	[sflag:s14] =	ssyncset.done $0x0  }
0x37d: {  	[sflag:s14] =	ssyncadd.s32 $0xFFFFE000  }
0x37e: {  	_ =	swait.ge [sflag:s23], $0x2000  }
0x37f: {  	[sflag:s23] =	ssyncset.done $0x0  }
0x380: {  	[sflag:s23] =	ssyncadd.s32 $0xFFFFE000  }
0x381: {  	_ =	swait.ge [sflag:s19], $0x2000  }
0x382: {  	[sflag:s19] =	ssyncset.done $0x0  }
0x383: {  	[sflag:s19] =	ssyncadd.s32 $0xFFFFE000  }
0x384: {  	_ =	swait.ge [sflag:s11], $0x2000  }
0x385: {  	[sflag:s11] =	ssyncset.done $0x0  }
0x386: {  	[sflag:s11] =	ssyncadd.s32 $0xFFFFE000  }
0x387: {  	_ =	swait.ge [sflag:s10], $0x2000  }
0x388: {  	[sflag:s10] =	ssyncset.done $0x0  }
0x389: {  	[sflag:s10] =	ssyncadd.s32 $0xFFFFE000  }
.Ltmp2:
0x38a: {  	_ =	swait.ge [sflag:s7], $0x2000;
	(pc) =	sbr.rel @p2 .LBB2_3-.Ltmp2, $4  }
0x38b: {  	[sflag:s7] =	ssyncset.done $0x0  }
0x38c: {  	s18 =	simm.s32 $0x1B;
	[sflag:s7] =	ssyncadd.s32 $0xFFFFE000  }
0x38d: {  	_ =	swait.ge [sflag:s18], $0x2000  }
0x38e: {  	s22 =	rddreg [dreg:$0x6];
	[sflag:s18] =	ssyncset.done $0x0  }
0x38f: {  	s5 =	simm.s32 $0x1B;
	s23 =	simm.s32 $0x2800  }
0x390: {  	s28 =	simm.s32 $0x1E;
	s29 =	simm.s32 $0x10;
	s25 =	simm.s32 $0x1D  }
0x391: {  	s7 =	simm.s32 $0x9;
	s9 =	simm.s32 $0x8;
	s19 =	simm.s32 $0xF  }
0x392: {  	s21 =	simm.s32 $0x6;
	s8 =	simm.s32 $0x7;
	s1 =	rddreg [dreg:$0x3]  }
0x393: {  	s30 =	simm.s32 $0x1;
	s10 =	sld [smem:$0x7C8];
	s12 =	simm.s32 $0x80  }
.LBB2_5:
0x394: {  	[sflag:s5] =	ssyncadd.s32 @p1 $0xFFFFE000;
	s24 =	rddreg [dreg:$0x7];
	s0 =	simm.s32 $0x0  }
0x395: {  	[tilespmem:s0], [sflag:$0x1] =	stream.linear.gather [hbm4b:s22+s0], $0x800, $0x38;
	[tilespmem:$0x19400] =	vst v63  }
0x396: {  	s26 =	rddreg [dreg:$0x8]  }
0x397: {  	[tilespmem:s3], [sflag:$0x2] =	stream.strided.gather [hbm4b:s24+s2], $0x2000, s3, s2, $0x38;
	[tilespmem:$0x19400] =	vst v63  }
0x398: {  	s31 =	rddreg [dreg:$0x9]  }
0x399: {  	[tilespmem:s23], [sflag:$0x3] =	stream.strided.gather [hbm4b:s26+s2], $0x2000, s3, s2, $0x38;
	[tilespmem:$0x19400] =	vst v63  }
0x39a: {  	s6 =	rddreg [dreg:$0xa];
	s4 =	simm.s32 $0x4800  }
0x39b: {  	[tilespmem:s4], [sflag:$0x4] =	stream.strided.gather [hbm4b:s31+s2], $0x2000, s3, s2, $0x38;
	[tilespmem:$0x19400] =	vst v63  }
0x39c: {  	s11 =	rddreg [dreg:$0xb];
	s13 =	simm.s32 $0x6800  }
0x39d: {  	[tilespmem:s13], [sflag:$0x5] =	stream.strided.gather [hbm4b:s6+s2], $0x2000, s3, s2, $0x38;
	[tilespmem:$0x19400] =	vst v63  }
0x39e: {  	s15 =	rddreg [dreg:$0xc];
	s16 =	simm.s32 $0x8800  }
0x39f: {  	[tilespmem:s16], [sflag:$0x6] =	stream.strided.gather [hbm4b:s11+s2], $0x2000, s3, s2, $0x38;
	[tilespmem:$0x19400] =	vst v63  }
0x3a0: {  	s17 =	rddreg [dreg:$0xd];
	s18 =	simm.s32 $0xA800  }
0x3a1: {  	[tilespmem:s18], [sflag:$0x7] =	stream.strided.gather [hbm4b:s15+s2], $0x2000, s3, s2, $0x38;
	[tilespmem:$0x19400] =	vst v63  }
0x3a2: {  	s20 =	rddreg [dreg:$0xe];
	s23 =	simm.s32 $0xC800  }
0x3a3: {  	[tilespmem:s23], [sflag:$0x8] =	stream.strided.gather [hbm4b:s17+s2], $0x2000, s3, s2, $0x38;
	[tilespmem:$0x19400] =	vst v63  }
0x3a4: {  	s5 =	rddreg [dreg:$0x5];
	s11 =	simm.s32 $0xE800  }
0x3a5: {  	[tilespmem:s11], [sflag:$0x9] =	stream.strided.gather [hbm4b:s20+s2], $0x2000, s3, s2, $0x38;
	[tilespmem:$0x19400] =	vst v63  }
0x3a6: {  	s24 =	rddreg [dreg:$0xf];
	s31 =	simm.s32 $0x10800  }
0x3a7: {  	[tilespmem:s31], [sflag:$0xA] =	stream.strided.gather [hbm4b:s24+s2], $0x2000, s3, s2, $0x38;
	[tilespmem:$0x19400] =	vst v63  }
0x3a8: {  	s26 =	rddreg [dreg:$0x10];
	s15 =	simm.s32 $0x12800  }
0x3a9: {  	[tilespmem:s15], [sflag:$0xB] =	stream.strided.gather [hbm4b:s26+s2], $0x2000, s3, s2, $0x38;
	[tilespmem:$0x19400] =	vst v63  }
0x3aa: {  	s4 =	rddreg [dreg:$0x11];
	s17 =	simm.s32 $0x14800  }
0x3ab: {  	[tilespmem:s17], [sflag:$0xC] =	stream.strided.gather [hbm4b:s4+s2], $0x2000, s3, s2, $0x38;
	[tilespmem:$0x19400] =	vst v63  }
0x3ac: {  	s22 =	simm.s32 @!p0 $0x1C20;
	s16 =	rddreg [dreg:$0x12];
	s23 =	simm.s32 $0x16800  }
0x3ad: {  	[tilespmem:s23], [sflag:$0xD] =	stream.strided.gather [hbm4b:s16+s2], $0x2000, s3, s2, $0x38;
	[tilespmem:$0x19400] =	vst v63  }
0x3ae: {  	[spmem:s10], [sflag:s22] =	dma.local @!p0 [hbm:s5], $0x1800  }
0x3af: {  	s5 =	simm.s32 @!p0 $0x20  }
0x3b0: {  	_ =	swait.ge @!p0 [sflag:s5], $0x1800  }
0x3b1: {  	[sflag:s5] =	ssyncset.done @!p0 $0x0  }
0x3b2: {  	[sflag:s5] =	ssyncadd.s32 @!p0 $0xFFFFE800  }
0x3b3: {  	[bflag:$0x0] =	sbarrier.arrive $0xFFFF  }
0x3b4: {  	_ =	swait.ge [sflag:s30], $0x800  }
0x3b5: {  	[sflag:s30] =	ssyncset.done $0x0  }
0x3b6: {  	s10 =	simm.s32 $0x2;
	[sflag:s30] =	ssyncadd.s32 $0xFFFFF800  }
0x3b7: {  	_ =	swait.ge [sflag:s10], $0x2000  }
0x3b8: {  	[sflag:s10] =	ssyncset.done $0x0  }
0x3b9: {  	s11 =	simm.s32 $0x3;
	[sflag:s10] =	ssyncadd.s32 $0xFFFFE000  }
0x3ba: {  	_ =	swait.ge [sflag:s11], $0x2000  }
0x3bb: {  	[sflag:s11] =	ssyncset.done $0x0  }
0x3bc: {  	s24 =	simm.s32 $0x4;
	[sflag:s11] =	ssyncadd.s32 $0xFFFFE000  }
0x3bd: {  	[tilespmem:s3], [sflag:$0xE] =	stream.indirect.gather.add.f32 [spmem:s1], $0x80, s0, s12, $0xb8;
	[tilespmem:$0x19400] =	vst v63  }
0x3be: {  	_ =	swait.ge [sflag:s24], $0x2000  }
0x3bf: {  	[sflag:s24] =	ssyncset.done $0x0  }
0x3c0: {  	s26 =	simm.s32 $0x5;
	[sflag:s24] =	ssyncadd.s32 $0xFFFFE000  }
0x3c1: {  	_ =	swait.ge [sflag:s26], $0x2000  }
0x3c2: {  	[sflag:s26] =	ssyncset.done $0x0  }
0x3c3: {  	s15 =	simm.s32 $0xE;
	s30 =	simm.s32 $0x4800;
	[sflag:s26] =	ssyncadd.s32 $0xFFFFE000  }
0x3c4: {  	[tilespmem:s30], [sflag:$0xF] =	stream.indirect.gather.add.f32 [spmem:s1], $0x80, s12, s12, $0xb8;
	[tilespmem:$0x19400] =	vst v63  }
0x3c5: {  	_ =	swait.ge [sflag:s15], $0x4000  }
0x3c6: {  	[sflag:s15] =	ssyncset.done $0x0  }
0x3c7: {  	s16 =	rddreg [dreg:$0x13];
	[sflag:s15] =	ssyncadd.s32 $0xFFFFC000  }
0x3c8: {  	[hbm4b:s16+s2] =	stream.strided.scatter [tilespmem:s3], [sflag:$0x14], $0x2000, s3, s2, $0x38;
	[tilespmem:$0x19400] =	vst v63  }
0x3c9: {  	s14 =	simm.s32 $0x2800;
	s17 =	rddreg [dreg:$0x14]  }
0x3ca: {  	[hbm4b:s17+s2] =	stream.strided.scatter [tilespmem:s14], [sflag:$0x15], $0x2000, s3, s2, $0x38;
	[tilespmem:$0x19400] =	vst v63  }
0x3cb: {  	_ =	swait.ge [sflag:s21], $0x2000  }
0x3cc: {  	[sflag:s21] =	ssyncset.done $0x0  }
0x3cd: {  	[sflag:s21] =	ssyncadd.s32 $0xFFFFE000  }
0x3ce: {  	_ =	swait.ge [sflag:s8], $0x2000  }
0x3cf: {  	s22 =	sld [smem:$0x7F1]  }
0x3d0: {  	[sflag:s8] =	ssyncset.done $0x0  }
0x3d1: {  	s23 =	simm.s32 $0x8800;
	[sflag:s8] =	ssyncadd.s32 $0xFFFFE000  }
0x3d2: {  	[tilespmem:s23], [sflag:$0x10] =	stream.indirect.gather.add.f32 [spmem:s1], $0x80, s22, s12, $0xb8;
	[tilespmem:$0x19400] =	vst v63  }
0x3d3: {  	_ =	swait.ge [sflag:s19], $0x4000  }
0x3d4: {  	[sflag:s19] =	ssyncset.done $0x0  }
0x3d5: {  	s24 =	rddreg [dreg:$0x15];
	[sflag:s19] =	ssyncadd.s32 $0xFFFFC000  }
0x3d6: {  	[hbm4b:s24+s2] =	stream.strided.scatter [tilespmem:s30], [sflag:$0x16], $0x2000, s3, s2, $0x38;
	[tilespmem:$0x19400] =	vst v63  }
0x3d7: {  	s13 =	simm.s32 $0x6800;
	s26 =	rddreg [dreg:$0x16]  }
0x3d8: {  	[hbm4b:s26+s2] =	stream.strided.scatter [tilespmem:s13], [sflag:$0x17], $0x2000, s3, s2, $0x38;
	[tilespmem:$0x19400] =	vst v63  }
0x3d9: {  	_ =	swait.ge [sflag:s9], $0x2000  }
0x3da: {  	[sflag:s9] =	ssyncset.done $0x0  }
0x3db: {  	[sflag:s9] =	ssyncadd.s32 $0xFFFFE000  }
0x3dc: {  	_ =	swait.ge [sflag:s7], $0x2000  }
0x3dd: {  	s30 =	sld [smem:$0x7F2]  }
0x3de: {  	[sflag:s7] =	ssyncset.done $0x0  }
0x3df: {  	s17 =	simm.s32 $0xC800;
	[sflag:s7] =	ssyncadd.s32 $0xFFFFE000  }
0x3e0: {  	[tilespmem:s17], [sflag:$0x11] =	stream.indirect.gather.add.f32 [spmem:s1], $0x80, s30, s12, $0xb8;
	[tilespmem:$0x19400] =	vst v63  }
0x3e1: {  	_ =	swait.ge [sflag:s29], $0x4000  }
0x3e2: {  	[sflag:s29] =	ssyncset.done $0x0  }
0x3e3: {  	s15 =	rddreg [dreg:$0x17];
	[sflag:s29] =	ssyncadd.s32 $0xFFFFC000  }
0x3e4: {  	[hbm4b:s15+s2] =	stream.strided.scatter [tilespmem:s23], [sflag:$0x18], $0x2000, s3, s2, $0x38;
	[tilespmem:$0x19400] =	vst v63  }
0x3e5: {  	s6 =	simm.s32 $0xA800;
	s16 =	rddreg [dreg:$0x18];
	s15 =	simm.s32 $0xA  }
0x3e6: {  	[hbm4b:s16+s2] =	stream.strided.scatter [tilespmem:s6], [sflag:$0x19], $0x2000, s3, s2, $0x38;
	[tilespmem:$0x19400] =	vst v63  }
0x3e7: {  	_ =	swait.ge [sflag:s15], $0x2000  }
0x3e8: {  	[sflag:s15] =	ssyncset.done $0x0  }
0x3e9: {  	s16 =	simm.s32 $0xB;
	[sflag:s15] =	ssyncadd.s32 $0xFFFFE000  }
0x3ea: {  	_ =	swait.ge [sflag:s16], $0x2000  }
0x3eb: {  	s22 =	sld [smem:$0x7F3]  }
0x3ec: {  	[sflag:s16] =	ssyncset.done $0x0  }
0x3ed: {  	s26 =	simm.s32 $0x11;
	s23 =	simm.s32 $0x10800;
	[sflag:s16] =	ssyncadd.s32 $0xFFFFE000  }
0x3ee: {  	[tilespmem:s23], [sflag:$0x12] =	stream.indirect.gather.add.f32 [spmem:s1], $0x80, s22, s12, $0xb8;
	[tilespmem:$0x19400] =	vst v63  }
0x3ef: {  	_ =	swait.ge [sflag:s26], $0x4000  }
0x3f0: {  	[sflag:s26] =	ssyncset.done $0x0  }
0x3f1: {  	s30 =	rddreg [dreg:$0x19];
	[sflag:s26] =	ssyncadd.s32 $0xFFFFC000  }
0x3f2: {  	[hbm4b:s30+s2] =	stream.strided.scatter [tilespmem:s17], [sflag:$0x1A], $0x2000, s3, s2, $0x38;
	[tilespmem:$0x19400] =	vst v63  }
0x3f3: {  	s20 =	simm.s32 $0xE800;
	s22 =	simm.s32 $0x14;
	s6 =	rddreg [dreg:$0x1a]  }
0x3f4: {  	[hbm4b:s6+s2] =	stream.strided.scatter [tilespmem:s20], [sflag:$0x1B], $0x2000, s3, s2, $0x38;
	[tilespmem:$0x19400] =	vst v63  }
0x3f5: {  	_ =	swait.ge [sflag:s22], $0x2000  }
0x3f6: {  	[sflag:s22] =	ssyncset.done $0x0  }
0x3f7: {  	s26 =	simm.s32 $0x15;
	[sflag:s22] =	ssyncadd.s32 $0xFFFFE000  }
0x3f8: {  	_ =	swait.ge [sflag:s26], $0x2000  }
0x3f9: {  	[sflag:s26] =	ssyncset.done $0x0  }
0x3fa: {  	s30 =	rddreg [dreg:$0x1b];
	[sflag:s26] =	ssyncadd.s32 $0xFFFFE000  }
0x3fb: {  	[tilespmem:s3], [sflag:$0x2] =	stream.strided.gather [hbm4b:s30+s2], $0x2000, s3, s2, $0x38;
	[tilespmem:$0x19400] =	vst v63  }
0x3fc: {  	s14 =	simm.s32 $0x2800;
	s20 =	simm.s32 $0xC;
	s6 =	rddreg [dreg:$0x1c]  }
0x3fd: {  	[tilespmem:s14], [sflag:$0x3] =	stream.strided.gather [hbm4b:s6+s2], $0x2000, s3, s2, $0x38;
	[tilespmem:$0x19400] =	vst v63  }
0x3fe: {  	_ =	swait.ge [sflag:s20], $0x2000  }
0x3ff: {  	[sflag:s20] =	ssyncset.done $0x0  }
0x400: {  	s26 =	simm.s32 $0xD;
	[sflag:s20] =	ssyncadd.s32 $0xFFFFE000  }
0x401: {  	_ =	swait.ge [sflag:s26], $0x2000  }
0x402: {  	s17 =	sld [smem:$0x7F4]  }
0x403: {  	[sflag:s26] =	ssyncset.done $0x0  }
0x404: {  	s30 =	simm.s32 $0x12;
	s14 =	simm.s32 $0x14800;
	[sflag:s26] =	ssyncadd.s32 $0xFFFFE000  }
0x405: {  	[tilespmem:s14], [sflag:$0x13] =	stream.indirect.gather.add.f32 [spmem:s1], $0x80, s17, s12, $0xb8;
	[tilespmem:$0x19400] =	vst v63  }
0x406: {  	_ =	swait.ge [sflag:s30], $0x4000  }
0x407: {  	[sflag:s30] =	ssyncset.done $0x0  }
0x408: {  	s22 =	rddreg [dreg:$0x1d];
	[sflag:s30] =	ssyncadd.s32 $0xFFFFC000  }
0x409: {  	[hbm4b:s22+s2] =	stream.strided.scatter [tilespmem:s23], [sflag:$0x1C], $0x2000, s3, s2, $0x38;
	[tilespmem:$0x19400] =	vst v63  }
0x40a: {  	s18 =	simm.s32 $0x12800;
	s5 =	simm.s32 $0x16;
	s0 =	rddreg [dreg:$0x1e]  }
0x40b: {  	[hbm4b:s0+s2] =	stream.strided.scatter [tilespmem:s18], [sflag:$0x1D], $0x2000, s3, s2, $0x38;
	[tilespmem:$0x19400] =	vst v63  }
0x40c: {  	_ =	swait.ge [sflag:s5], $0x2000  }
0x40d: {  	[sflag:s5] =	ssyncset.done $0x0  }
0x40e: {  	s23 =	simm.s32 $0x17;
	[sflag:s5] =	ssyncadd.s32 $0xFFFFE000  }
0x40f: {  	_ =	swait.ge [sflag:s23], $0x2000  }
0x410: {  	s17 =	rddreg [dreg:$0x1f];
	[sflag:s23] =	ssyncset.done $0x0  }
0x411: {  	s4 =	simm.s32 $0x4800;
	s18 =	sld [smem:$0x7CA];
	[sflag:s23] =	ssyncadd.s32 $0xFFFFE000  }
0x412: {  	[tilespmem:s4], [sflag:$0x4] =	stream.strided.gather [hbm4b:s17+s2], $0x2000, s3, s2, $0x38;
	[tilespmem:$0x19400] =	vst v63  }
0x413: {  	s13 =	simm.s32 $0x6800  }
0x414: {  	[tilespmem:s13], [sflag:$0x5] =	stream.strided.gather [hbm4b:s18+s2], $0x2000, s3, s2, $0x38;
	[tilespmem:$0x19400] =	vst v63  }
0x415: {  	_ =	swait.ge [sflag:s10], $0x2000  }
0x416: {  	[sflag:s10] =	ssyncset.done $0x0  }
0x417: {  	[sflag:s10] =	ssyncadd.s32 $0xFFFFE000  }
0x418: {  	_ =	swait.ge [sflag:s11], $0x2000  }
0x419: {  	s0 =	sld [smem:$0x7F5]  }
0x41a: {  	[sflag:s11] =	ssyncset.done $0x0  }
0x41b: {  	[sflag:s11] =	ssyncadd.s32 $0xFFFFE000  }
0x41c: {  	[tilespmem:s3], [sflag:$0xE] =	stream.indirect.gather.add.f32 [spmem:s1], $0x80, s0, s12, $0xb8;
	[tilespmem:$0x19400] =	vst v63  }
0x41d: {  	s0 =	simm.s32 $0x13  }
0x41e: {  	_ =	swait.ge [sflag:s0], $0x4000  }
0x41f: {  	s4 =	sld [smem:$0x7CB]  }
0x420: {  	[sflag:s0] =	ssyncset.done $0x0  }
0x421: {  	s13 =	sld [smem:$0x7CC];
	[sflag:s0] =	ssyncadd.s32 $0xFFFFC000  }
0x422: {  	[hbm4b:s4+s2] =	stream.strided.scatter [tilespmem:s14], [sflag:$0x1E], $0x2000, s3, s2, $0x38;
	[tilespmem:$0x19400] =	vst v63  }
0x423: {  	s31 =	simm.s32 $0x16800;
	s14 =	simm.s32 $0x18  }
0x424: {  	[hbm4b:s13+s2] =	stream.strided.scatter [tilespmem:s31], [sflag:$0x1F], $0x2000, s3, s2, $0x38;
	[tilespmem:$0x19400] =	vst v63  }
0x425: {  	_ =	swait.ge [sflag:s14], $0x2000  }
0x426: {  	[sflag:s14] =	ssyncset.done $0x0  }
0x427: {  	s13 =	simm.s32 $0x19;
	[sflag:s14] =	ssyncadd.s32 $0xFFFFE000  }
0x428: {  	_ =	swait.ge [sflag:s13], $0x2000  }
0x429: {  	s17 =	sld [smem:$0x7CD]  }
0x42a: {  	[sflag:s13] =	ssyncset.done $0x0  }
0x42b: {  	s31 =	simm.s32 $0x8800;
	s18 =	sld [smem:$0x7CE];
	[sflag:s13] =	ssyncadd.s32 $0xFFFFE000  }
0x42c: {  	[tilespmem:s31], [sflag:$0x6] =	stream.strided.gather [hbm4b:s17+s2], $0x2000, s3, s2, $0x38;
	[tilespmem:$0x19400] =	vst v63  }
0x42d: {  	s24 =	simm.s32 $0xA800;
	s4 =	simm.s32 $0x4  }
0x42e: {  	[tilespmem:s24], [sflag:$0x7] =	stream.strided.gather [hbm4b:s18+s2], $0x2000, s3, s2, $0x38;
	[tilespmem:$0x19400] =	vst v63  }
0x42f: {  	_ =	swait.ge [sflag:s4], $0x2000  }
0x430: {  	[sflag:s4] =	ssyncset.done $0x0  }
0x431: {  	s5 =	simm.s32 $0x5;
	[sflag:s4] =	ssyncadd.s32 $0xFFFFE000  }
0x432: {  	_ =	swait.ge [sflag:s5], $0x2000  }
0x433: {  	s17 =	sld [smem:$0x7F6]  }
0x434: {  	[sflag:s5] =	ssyncset.done $0x0  }
0x435: {  	s22 =	simm.s32 $0xE;
	s4 =	simm.s32 $0x4800;
	[sflag:s5] =	ssyncadd.s32 $0xFFFFE000  }
0x436: {  	[tilespmem:s4], [sflag:$0xF] =	stream.indirect.gather.add.f32 [spmem:s1], $0x80, s17, s12, $0xb8;
	[tilespmem:$0x19400] =	vst v63  }
0x437: {  	_ =	swait.ge [sflag:s22], $0x4000  }
0x438: {  	s24 =	sld [smem:$0x7CF]  }
0x439: {  	[sflag:s22] =	ssyncset.done $0x0  }
0x43a: {  	s12 =	sld [smem:$0x7D0];
	[sflag:s22] =	ssyncadd.s32 $0xFFFFC000  }
0x43b: {  	[hbm4b:s24+s2] =	stream.strided.scatter [tilespmem:s3], [sflag:$0x14], $0x2000, s3, s2, $0x38;
	[tilespmem:$0x19400] =	vst v63  }
0x43c: {  	s6 =	simm.s32 $0x2800  }
0x43d: {  	[hbm4b:s12+s2] =	stream.strided.scatter [tilespmem:s6], [sflag:$0x15], $0x2000, s3, s2, $0x38;
	[tilespmem:$0x19400] =	vst v63  }
0x43e: {  	s12 =	simm.s32 $0x1A  }
0x43f: {  	_ =	swait.ge [sflag:s12], $0x2000  }
0x440: {  	[sflag:s12] =	ssyncset.done $0x0  }
0x441: {  	s17 =	simm.s32 $0x1B;
	[sflag:s12] =	ssyncadd.s32 $0xFFFFE000  }
0x442: {  	_ =	swait.ge [sflag:s17], $0x2000  }
0x443: {  	s22 =	sld [smem:$0x7D1]  }
0x444: {  	[sflag:s17] =	ssyncset.done $0x0  }
0x445: {  	s24 =	simm.s32 $0xC800;
	s6 =	sld [smem:$0x7D2];
	[sflag:s17] =	ssyncadd.s32 $0xFFFFE000  }
0x446: {  	[tilespmem:s24], [sflag:$0x8] =	stream.strided.gather [hbm4b:s22+s2], $0x2000, s3, s2, $0x38;
	[tilespmem:$0x19400] =	vst v63  }
0x447: {  	s17 =	simm.s32 $0xE800  }
0x448: {  	[tilespmem:s17], [sflag:$0x9] =	stream.strided.gather [hbm4b:s6+s2], $0x2000, s3, s2, $0x38;
	[tilespmem:$0x19400] =	vst v63  }
0x449: {  	_ =	swait.ge [sflag:s21], $0x2000  }
0x44a: {  	[sflag:s21] =	ssyncset.done $0x0  }
0x44b: {  	[sflag:s21] =	ssyncadd.s32 $0xFFFFE000  }
0x44c: {  	_ =	swait.ge [sflag:s8], $0x2000  }
0x44d: {  	[sflag:s8] =	ssyncset.done $0x0  }
0x44e: {  	s18 =	simm.s32 $0x80;
	[sflag:s8] =	ssyncadd.s32 $0xFFFFE000  }
0x44f: {  	[tilespmem:s31], [sflag:$0x10] =	stream.indirect.gather.add.f32 [spmem:s1], $0x80, s2, s18, $0xb8;
	[tilespmem:$0x19400] =	vst v63  }
0x450: {  	_ =	swait.ge [sflag:s19], $0x4000  }
0x451: {  	s31 =	sld [smem:$0x7D3]  }
0x452: {  	[sflag:s19] =	ssyncset.done $0x0  }
0x453: {  	s6 =	sld [smem:$0x7D4];
	[sflag:s19] =	ssyncadd.s32 $0xFFFFC000  }
0x454: {  	[hbm4b:s31+s2] =	stream.strided.scatter [tilespmem:s4], [sflag:$0x16], $0x2000, s3, s2, $0x38;
	[tilespmem:$0x19400] =	vst v63  }
0x455: {  	s8 =	simm.s32 $0x6800;
	s19 =	simm.s32 $0x1C  }
0x456: {  	[hbm4b:s6+s2] =	stream.strided.scatter [tilespmem:s8], [sflag:$0x17], $0x2000, s3, s2, $0x38;
	[tilespmem:$0x19400] =	vst v63  }
0x457: {  	_ =	swait.ge [sflag:s19], $0x2000  }
0x458: {  	[sflag:s19] =	ssyncset.done $0x0  }
0x459: {  	[sflag:s19] =	ssyncadd.s32 $0xFFFFE000  }
0x45a: {  	_ =	swait.ge [sflag:s25], $0x2000  }
0x45b: {  	s22 =	sld [smem:$0x7D5]  }
0x45c: {  	[sflag:s25] =	ssyncset.done $0x0  }
0x45d: {  	s6 =	simm.s32 $0x10800;
	[sflag:s25] =	ssyncadd.s32 $0xFFFFE000;
	s25 =	sld [smem:$0x7D6]  }
0x45e: {  	[tilespmem:s6], [sflag:$0xA] =	stream.strided.gather [hbm4b:s22+s2], $0x2000, s3, s2, $0x38;
	[tilespmem:$0x19400] =	vst v63  }
0x45f: {  	s19 =	simm.s32 $0x12800  }
0x460: {  	[tilespmem:s19], [sflag:$0xB] =	stream.strided.gather [hbm4b:s25+s2], $0x2000, s3, s2, $0x38;
	[tilespmem:$0x19400] =	vst v63  }
0x461: {  	_ =	swait.ge [sflag:s9], $0x2000  }
0x462: {  	[sflag:s9] =	ssyncset.done $0x0  }
0x463: {  	[sflag:s9] =	ssyncadd.s32 $0xFFFFE000  }
0x464: {  	_ =	swait.ge [sflag:s7], $0x2000  }
0x465: {  	s31 =	sld [smem:$0x7F7]  }
0x466: {  	[sflag:s7] =	ssyncset.done $0x0  }
0x467: {  	[sflag:s7] =	ssyncadd.s32 $0xFFFFE000  }
0x468: {  	[tilespmem:s24], [sflag:$0x11] =	stream.indirect.gather.add.f32 [spmem:s1], $0x80, s31, s18, $0xb8;
	[tilespmem:$0x19400] =	vst v63  }
0x469: {  	_ =	swait.ge [sflag:s29], $0x4000  }
0x46a: {  	s4 =	sld [smem:$0x7D7]  }
0x46b: {  	[sflag:s29] =	ssyncset.done $0x0  }
0x46c: {  	s21 =	simm.s32 $0x8800;
	s9 =	sld [smem:$0x7D8];
	[sflag:s29] =	ssyncadd.s32 $0xFFFFC000  }
0x46d: {  	[hbm4b:s4+s2] =	stream.strided.scatter [tilespmem:s21], [sflag:$0x18], $0x2000, s3, s2, $0x38;
	[tilespmem:$0x19400] =	vst v63  }
0x46e: {  	s21 =	simm.s32 $0xA800  }
0x46f: {  	[hbm4b:s9+s2] =	stream.strided.scatter [tilespmem:s21], [sflag:$0x19], $0x2000, s3, s2, $0x38;
	[tilespmem:$0x19400] =	vst v63  }
0x470: {  	_ =	swait.ge [sflag:s28], $0x2000  }
0x471: {  	[sflag:s28] =	ssyncset.done $0x0  }
0x472: {  	[sflag:s28] =	ssyncadd.s32 $0xFFFFE000;
	s28 =	simm.s32 $0x1F  }
0x473: {  	_ =	swait.ge [sflag:s28], $0x2000  }
0x474: {  	s5 =	sld [smem:$0x7D9]  }
0x475: {  	[sflag:s28] =	ssyncset.done $0x0  }
0x476: {  	s4 =	simm.s32 $0x14800;
	s22 =	sld [smem:$0x7DA];
	[sflag:s28] =	ssyncadd.s32 $0xFFFFE000  }
0x477: {  	[tilespmem:s4], [sflag:$0xC] =	stream.strided.gather [hbm4b:s5+s2], $0x2000, s3, s2, $0x38;
	[tilespmem:$0x19400] =	vst v63  }
0x478: {  	s4 =	simm.s32 $0x16800  }
0x479: {  	[tilespmem:s4], [sflag:$0xD] =	stream.strided.gather [hbm4b:s22+s2], $0x2000, s3, s2, $0x38;
	[tilespmem:$0x19400] =	vst v63  }
0x47a: {  	_ =	swait.ge [sflag:s15], $0x2000  }
0x47b: {  	[sflag:s15] =	ssyncset.done $0x0  }
0x47c: {  	[sflag:s15] =	ssyncadd.s32 $0xFFFFE000  }
0x47d: {  	_ =	swait.ge [sflag:s16], $0x2000  }
0x47e: {  	s22 =	sld [smem:$0x7F8]  }
0x47f: {  	[sflag:s16] =	ssyncset.done $0x0  }
0x480: {  	s15 =	simm.s32 $0x11;
	[sflag:s16] =	ssyncadd.s32 $0xFFFFE000  }
0x481: {  	[tilespmem:s6], [sflag:$0x12] =	stream.indirect.gather.add.f32 [spmem:s1], $0x80, s22, s18, $0xb8;
	[tilespmem:$0x19400] =	vst v63  }
0x482: {  	_ =	swait.ge [sflag:s15], $0x4000  }
0x483: {  	s22 =	sld [smem:$0x7DB]  }
0x484: {  	[sflag:s15] =	ssyncset.done $0x0  }
0x485: {  	s7 =	simm.s32 $0xC800;
	s6 =	sld [smem:$0x7DC];
	[sflag:s15] =	ssyncadd.s32 $0xFFFFC000  }
0x486: {  	[hbm4b:s22+s2] =	stream.strided.scatter [tilespmem:s7], [sflag:$0x1A], $0x2000, s3, s2, $0x38;
	[tilespmem:$0x19400] =	vst v63  }
0x487: {  	s7 =	simm.s32 $0x14  }
0x488: {  	[hbm4b:s6+s2] =	stream.strided.scatter [tilespmem:s17], [sflag:$0x1B], $0x2000, s3, s2, $0x38;
	[tilespmem:$0x19400] =	vst v63  }
0x489: {  	_ =	swait.ge [sflag:s7], $0x2000  }
0x48a: {  	[sflag:s7] =	ssyncset.done $0x0  }
0x48b: {  	s17 =	simm.s32 $0x15;
	[sflag:s7] =	ssyncadd.s32 $0xFFFFE000  }
0x48c: {  	_ =	swait.ge [sflag:s17], $0x2000  }
0x48d: {  	s22 =	sld [smem:$0x7DD]  }
0x48e: {  	[sflag:s17] =	ssyncset.done $0x0  }
0x48f: {  	s6 =	sld [smem:$0x7DE];
	[sflag:s17] =	ssyncadd.s32 $0xFFFFE000  }
0x490: {  	[tilespmem:s3], [sflag:$0x2] =	stream.strided.gather [hbm4b:s22+s2], $0x2000, s3, s2, $0x38;
	[tilespmem:$0x19400] =	vst v63  }
0x491: {  	s7 =	simm.s32 $0x2800  }
0x492: {  	[tilespmem:s7], [sflag:$0x3] =	stream.strided.gather [hbm4b:s6+s2], $0x2000, s3, s2, $0x38;
	[tilespmem:$0x19400] =	vst v63  }
0x493: {  	_ =	swait.ge [sflag:s20], $0x2000  }
0x494: {  	[sflag:s20] =	ssyncset.done $0x0  }
0x495: {  	[sflag:s20] =	ssyncadd.s32 $0xFFFFE000  }
0x496: {  	_ =	swait.ge [sflag:s26], $0x2000  }
0x497: {  	s22 =	sld [smem:$0x7F9]  }
0x498: {  	[sflag:s26] =	ssyncset.done $0x0  }
0x499: {  	s6 =	simm.s32 $0x14800;
	[sflag:s26] =	ssyncadd.s32 $0xFFFFE000  }
0x49a: {  	[tilespmem:s6], [sflag:$0x13] =	stream.indirect.gather.add.f32 [spmem:s1], $0x80, s22, s18, $0xb8;
	[tilespmem:$0x19400] =	vst v63  }
0x49b: {  	_ =	swait.ge [sflag:s30], $0x4000  }
0x49c: {  	s26 =	sld [smem:$0x7DF]  }
0x49d: {  	[sflag:s30] =	ssyncset.done $0x0  }
0x49e: {  	s16 =	simm.s32 $0x10800;
	[sflag:s30] =	ssyncadd.s32 $0xFFFFC000;
	s30 =	sld [smem:$0x7E0]  }
0x49f: {  	[hbm4b:s26+s2] =	stream.strided.scatter [tilespmem:s16], [sflag:$0x1C], $0x2000, s3, s2, $0x38;
	[tilespmem:$0x19400] =	vst v63  }
0x4a0: {  	s16 =	simm.s32 $0x16  }
0x4a1: {  	[hbm4b:s30+s2] =	stream.strided.scatter [tilespmem:s19], [sflag:$0x1D], $0x2000, s3, s2, $0x38;
	[tilespmem:$0x19400] =	vst v63  }
0x4a2: {  	_ =	swait.ge [sflag:s16], $0x2000  }
0x4a3: {  	[sflag:s16] =	ssyncset.done $0x0  }
0x4a4: {  	[sflag:s16] =	ssyncadd.s32 $0xFFFFE000  }
0x4a5: {  	_ =	swait.ge [sflag:s23], $0x2000  }
0x4a6: {  	s19 =	sld [smem:$0x7E1]  }
0x4a7: {  	[sflag:s23] =	ssyncset.done $0x0  }
0x4a8: {  	s30 =	simm.s32 $0x4800;
	s20 =	sld [smem:$0x7E2];
	[sflag:s23] =	ssyncadd.s32 $0xFFFFE000  }
0x4a9: {  	[tilespmem:s30], [sflag:$0x4] =	stream.strided.gather [hbm4b:s19+s2], $0x2000, s3, s2, $0x38;
	[tilespmem:$0x19400] =	vst v63  }
0x4aa: {  	_ = 	snop  }
0x4ab: {  	[tilespmem:s8], [sflag:$0x5] =	stream.strided.gather [hbm4b:s20+s2], $0x2000, s3, s2, $0x38;
	[tilespmem:$0x19400] =	vst v63  }
0x4ac: {  	_ =	swait.ge [sflag:s10], $0x2000  }
0x4ad: {  	[sflag:s10] =	ssyncset.done $0x0  }
0x4ae: {  	[sflag:s10] =	ssyncadd.s32 $0xFFFFE000  }
0x4af: {  	_ =	swait.ge [sflag:s11], $0x2000  }
0x4b0: {  	s19 =	sld [smem:$0x7FA]  }
0x4b1: {  	[sflag:s11] =	ssyncset.done $0x0  }
0x4b2: {  	[sflag:s11] =	ssyncadd.s32 $0xFFFFE000  }
0x4b3: {  	[tilespmem:s3], [sflag:$0xE] =	stream.indirect.gather.add.f32 [spmem:s1], $0x80, s19, s18, $0xb8;
	[tilespmem:$0x19400] =	vst v63  }
0x4b4: {  	_ =	swait.ge [sflag:s0], $0x4000  }
0x4b5: {  	s22 =	sld [smem:$0x7E3]  }
0x4b6: {  	[sflag:s0] =	ssyncset.done $0x0  }
0x4b7: {  	s30 =	sld [smem:$0x7E4];
	[sflag:s0] =	ssyncadd.s32 $0xFFFFC000  }
0x4b8: {  	[hbm4b:s22+s2] =	stream.strided.scatter [tilespmem:s6], [sflag:$0x1E], $0x2000, s3, s2, $0x38;
	[tilespmem:$0x19400] =	vst v63  }
0x4b9: {  	_ = 	snop  }
0x4ba: {  	[hbm4b:s30+s2] =	stream.strided.scatter [tilespmem:s4], [sflag:$0x1F], $0x2000, s3, s2, $0x38;
	[tilespmem:$0x19400] =	vst v63  }
0x4bb: {  	_ =	swait.ge [sflag:s14], $0x2000  }
0x4bc: {  	[sflag:s14] =	ssyncset.done $0x0  }
0x4bd: {  	[sflag:s14] =	ssyncadd.s32 $0xFFFFE000  }
0x4be: {  	_ =	swait.ge [sflag:s13], $0x2000  }
0x4bf: {  	s0 =	sld [smem:$0x7E5]  }
0x4c0: {  	[sflag:s13] =	ssyncset.done $0x0  }
0x4c1: {  	s16 =	simm.s32 $0x8800;
	s4 =	sld [smem:$0x7E6];
	[sflag:s13] =	ssyncadd.s32 $0xFFFFE000  }
0x4c2: {  	[tilespmem:s16], [sflag:$0x6] =	stream.strided.gather [hbm4b:s0+s2], $0x2000, s3, s2, $0x38;
	[tilespmem:$0x19400] =	vst v63  }
0x4c3: {  	s10 =	simm.s32 $0xA800;
	s6 =	simm.s32 $0x4  }
0x4c4: {  	[tilespmem:s10], [sflag:$0x7] =	stream.strided.gather [hbm4b:s4+s2], $0x2000, s3, s2, $0x38;
	[tilespmem:$0x19400] =	vst v63  }
0x4c5: {  	_ =	swait.ge [sflag:s6], $0x2000  }
0x4c6: {  	[sflag:s6] =	ssyncset.done $0x0  }
0x4c7: {  	s8 =	simm.s32 $0x5;
	[sflag:s6] =	ssyncadd.s32 $0xFFFFE000  }
0x4c8: {  	_ =	swait.ge [sflag:s8], $0x2000  }
0x4c9: {  	s11 =	sld [smem:$0x7FB]  }
0x4ca: {  	[sflag:s8] =	ssyncset.done $0x0  }
0x4cb: {  	s19 =	simm.s32 $0xE;
	s4 =	simm.s32 $0x4800;
	[sflag:s8] =	ssyncadd.s32 $0xFFFFE000  }
0x4cc: {  	[tilespmem:s4], [sflag:$0xF] =	stream.indirect.gather.add.f32 [spmem:s1], $0x80, s11, s18, $0xb8;
	[tilespmem:$0x19400] =	vst v63  }
0x4cd: {  	_ =	swait.ge [sflag:s19], $0x4000  }
0x4ce: {  	s22 =	sld [smem:$0x7E7]  }
0x4cf: {  	[sflag:s19] =	ssyncset.done $0x0  }
0x4d0: {  	s30 =	sld [smem:$0x7E8];
	[sflag:s19] =	ssyncadd.s32 $0xFFFFC000  }
0x4d1: {  	[hbm4b:s22+s2] =	stream.strided.scatter [tilespmem:s3], [sflag:$0x14], $0x2000, s3, s2, $0x38;
	[tilespmem:$0x19400] =	vst v63  }
0x4d2: {  	_ = 	snop  }
0x4d3: {  	[hbm4b:s30+s2] =	stream.strided.scatter [tilespmem:s7], [sflag:$0x15], $0x2000, s3, s2, $0x38;
	[tilespmem:$0x19400] =	vst v63  }
0x4d4: {  	_ =	swait.ge [sflag:s12], $0x2000  }
0x4d5: {  	[sflag:s12] =	ssyncset.done $0x0  }
0x4d6: {  	s6 =	simm.s32 $0x1B;
	[sflag:s12] =	ssyncadd.s32 $0xFFFFE000  }
0x4d7: {  	_ =	swait.ge [sflag:s6], $0x2000  }
0x4d8: {  	s7 =	sld [smem:$0x7E9]  }
0x4d9: {  	[sflag:s6] =	ssyncset.done $0x0  }
0x4da: {  	s19 =	simm.s32 $0xC800;
	s11 =	sld [smem:$0x7EA];
	[sflag:s6] =	ssyncadd.s32 $0xFFFFE000  }
0x4db: {  	[tilespmem:s19], [sflag:$0x8] =	stream.strided.gather [hbm4b:s7+s2], $0x2000, s3, s2, $0x38;
	[tilespmem:$0x19400] =	vst v63  }
0x4dc: {  	s21 =	simm.s32 $0x6;
	s6 =	simm.s32 $0xE800  }
0x4dd: {  	[tilespmem:s6], [sflag:$0x9] =	stream.strided.gather [hbm4b:s11+s2], $0x2000, s3, s2, $0x38;
	[tilespmem:$0x19400] =	vst v63  }
0x4de: {  	_ =	swait.ge [sflag:s21], $0x2000  }
0x4df: {  	[sflag:s21] =	ssyncset.done $0x0  }
0x4e0: {  	s9 =	simm.s32 $0x7;
	[sflag:s21] =	ssyncadd.s32 $0xFFFFE000  }
0x4e1: {  	_ =	swait.ge [sflag:s9], $0x2000  }
0x4e2: {  	s22 =	sld [smem:$0x7FC]  }
0x4e3: {  	[sflag:s9] =	ssyncset.done $0x0  }
0x4e4: {  	s24 =	simm.s32 $0xF;
	[sflag:s9] =	ssyncadd.s32 $0xFFFFE000  }
0x4e5: {  	[tilespmem:s16], [sflag:$0x10] =	stream.indirect.gather.add.f32 [spmem:s1], $0x80, s22, s18, $0xb8;
	[tilespmem:$0x19400] =	vst v63  }
0x4e6: {  	_ =	swait.ge [sflag:s24], $0x4000  }
0x4e7: {  	s5 =	sld [smem:$0x7EB]  }
0x4e8: {  	[sflag:s24] =	ssyncset.done $0x0  }
0x4e9: {  	s9 =	sld [smem:$0x7EC];
	[sflag:s24] =	ssyncadd.s32 $0xFFFFC000  }
0x4ea: {  	[hbm4b:s5+s2] =	stream.strided.scatter [tilespmem:s4], [sflag:$0x16], $0x2000, s3, s2, $0x38;
	[tilespmem:$0x19400] =	vst v63  }
0x4eb: {  	s29 =	simm.s32 $0x8;
	s20 =	simm.s32 $0x6800  }
0x4ec: {  	[hbm4b:s9+s2] =	stream.strided.scatter [tilespmem:s20], [sflag:$0x17], $0x2000, s3, s2, $0x38;
	[tilespmem:$0x19400] =	vst v63  }
0x4ed: {  	_ =	swait.ge [sflag:s29], $0x2000  }
0x4ee: {  	[sflag:s29] =	ssyncset.done $0x0  }
0x4ef: {  	s25 =	simm.s32 $0x9;
	[sflag:s29] =	ssyncadd.s32 $0xFFFFE000  }
0x4f0: {  	_ =	swait.ge [sflag:s25], $0x2000  }
0x4f1: {  	s16 =	sld [smem:$0x7FD]  }
0x4f2: {  	[sflag:s25] =	ssyncset.done $0x0  }
0x4f3: {  	s20 =	simm.s32 $0x10;
	[sflag:s25] =	ssyncadd.s32 $0xFFFFE000  }
0x4f4: {  	[tilespmem:s19], [sflag:$0x11] =	stream.indirect.gather.add.f32 [spmem:s1], $0x80, s16, s18, $0xb8;
	[tilespmem:$0x19400] =	vst v63  }
0x4f5: {  	_ =	swait.ge [sflag:s20], $0x4000  }
0x4f6: {  	s21 =	sld [smem:$0x7ED]  }
0x4f7: {  	[sflag:s20] =	ssyncset.done $0x0  }
0x4f8: {  	s30 =	simm.s32 $0x8800;
	s22 =	sld [smem:$0x7EE];
	[sflag:s20] =	ssyncadd.s32 $0xFFFFC000  }
0x4f9: {  	[hbm4b:s21+s2] =	stream.strided.scatter [tilespmem:s30], [sflag:$0x18], $0x2000, s3, s2, $0x38;
	[tilespmem:$0x19400] =	vst v63  }
0x4fa: {  	s15 =	simm.s32 $0x11  }
0x4fb: {  	[hbm4b:s22+s2] =	stream.strided.scatter [tilespmem:s10], [sflag:$0x19], $0x2000, s3, s2, $0x38;
	[tilespmem:$0x19400] =	vst v63  }
0x4fc: {  	_ =	swait.ge [sflag:s15], $0x4000  }
0x4fd: {  	s24 =	sld [smem:$0x7EF]  }
0x4fe: {  	[sflag:s15] =	ssyncset.done $0x0  }
0x4ff: {  	s19 =	simm.s32 $0xC800;
	s25 =	sld [smem:$0x7F0];
	[sflag:s15] =	ssyncadd.s32 $0xFFFFC000  }
0x500: {  	[hbm4b:s24+s2] =	stream.strided.scatter [tilespmem:s19], [sflag:$0x1A], $0x2000, s3, s2, $0x38;
	[tilespmem:$0x19400] =	vst v63  }
0x501: {  	s29 =	simm.s32 $0x1C  }
0x502: {  	[hbm4b:s25+s2] =	stream.strided.scatter [tilespmem:s6], [sflag:$0x1B], $0x2000, s3, s2, $0x38;
	[tilespmem:$0x19400] =	vst v63  }
0x503: {  	_ =	swait.ge [sflag:s29], $0x2000  }
0x504: {  	[sflag:s29] =	ssyncset.done $0x0  }
0x505: {  	s31 =	simm.s32 $0x1D;
	[sflag:s29] =	ssyncadd.s32 $0xFFFFE000  }
0x506: {  	_ =	swait.ge [sflag:s31], $0x2000  }
0x507: {  	[sflag:s31] =	ssyncset.done $0x0  }
0x508: {  	s30 =	simm.s32 $0x1E;
	[sflag:s31] =	ssyncadd.s32 $0xFFFFE000  }
0x509: {  	_ =	swait.ge [sflag:s30], $0x2000  }
0x50a: {  	[sflag:s30] =	ssyncset.done $0x0  }
0x50b: {  	[sflag:s30] =	ssyncadd.s32 $0xFFFFE000  }
0x50c: {  	_ =	swait.ge [sflag:s28], $0x2000  }
0x50d: {  	[sflag:s28] =	ssyncset.done $0x0  }
0x50e: {  	s31 =	simm.s32 $0x14;
	[sflag:s28] =	ssyncadd.s32 $0xFFFFE000  }
0x50f: {  	_ =	swait.ge [sflag:s31], $0x2000  }
0x510: {  	[sflag:s31] =	ssyncset.done $0x0  }
0x511: {  	s17 =	simm.s32 $0x15;
	[sflag:s31] =	ssyncadd.s32 $0xFFFFE000  }
0x512: {  	_ =	swait.ge [sflag:s17], $0x2000  }
0x513: {  	[sflag:s17] =	ssyncset.done $0x0  }
0x514: {  	s26 =	simm.s32 $0x16;
	[sflag:s17] =	ssyncadd.s32 $0xFFFFE000  }
0x515: {  	_ =	swait.ge [sflag:s26], $0x2000  }
0x516: {  	[sflag:s26] =	ssyncset.done $0x0  }
0x517: {  	[sflag:s26] =	ssyncadd.s32 $0xFFFFE000  }
0x518: {  	_ =	swait.ge [sflag:s23], $0x2000  }
0x519: {  	[sflag:s23] =	ssyncset.done $0x0  }
0x51a: {  	[sflag:s23] =	ssyncadd.s32 $0xFFFFE000  }
0x51b: {  	_ =	swait.ge [sflag:s14], $0x2000  }
0x51c: {  	[sflag:s14] =	ssyncset.done $0x0  }
0x51d: {  	[sflag:s14] =	ssyncadd.s32 $0xFFFFE000  }
0x51e: {  	_ =	swait.ge [sflag:s13], $0x2000  }
0x51f: {  	[sflag:s13] =	ssyncset.done $0x0  }
0x520: {  	[sflag:s13] =	ssyncadd.s32 $0xFFFFE000  }
0x521: {  	_ =	swait.ge [sflag:s12], $0x2000  }
0x522: {  	[sflag:s12] =	ssyncset.done $0x0  }
0x523: {  	s8 =	simm.s32 $0x1B;
	[sflag:s12] =	ssyncadd.s32 $0xFFFFE000  }
0x524: {  	_ =	swait.ge [sflag:s8], $0x2000  }
0x525: {  	[sflag:s8] =	ssyncset.done $0x0  }
0x526: {  	[sflag:s8] =	ssyncadd.s32 $0xFFFFE000  }
0x527: {  	_ =	sfence.sel $0x180000  }
0x528: {  	[bflag:$0x0] =	sbarrier.arrive $0xFFFF  }
0x529: {  	_ =	strace $0x90000047  }
0x52a: {  	[bflag:$0x2] =	sbarrier.arrive $0xFFFF  }
0x52b: {  	s0 =	rddreg [dreg:$0x4]  }
0x52c: {  	s0 =	sadd.s32 @!p0 $0x100000, s0  }
0x52d: {  	[sflag:s0] =	ssyncadd.tile.s32 @!p0 $0x1;
	_ =	shalt  }
.LBB2_6:
.Ltmp3:
0x52e: {  	s5 =	simm.s32 $0x1B;
	s23 =	simm.s32 $0x2800;
	(pc) =	sbr.rel .LBB2_5-.Ltmp3, $4  }
0x52f: {  	s28 =	simm.s32 $0x1E;
	s29 =	simm.s32 $0x10;
	s25 =	simm.s32 $0x1D  }
0x530: {  	s7 =	simm.s32 $0x9;
	s9 =	simm.s32 $0x8;
	s19 =	simm.s32 $0xF  }
0x531: {  	s21 =	simm.s32 $0x6;
	s8 =	simm.s32 $0x7;
	s1 =	rddreg [dreg:$0x3]  }
0x532: {  	s30 =	simm.s32 $0x1;
	s10 =	sld [smem:$0x7C8];
	s12 =	simm.s32 $0x80  }
.Lfunc_end2:
_tile_overlayer_lowered:
.L_overlay_start_2:
0x533: {  	(tag) =	ssettag $0x2  }
0x534: {  	s0 =	rddreg [dreg:$0x0];
	s2 =	stileid.u32  }
0x535: {  	s1 =	rddreg [dreg:$0x1];
	p0 =	sne.s32 s2, $0x0  }
0x536: {  	s3 =	rddreg [dreg:$0x2];
	[bflag:$0x3] =	sbarrier.arrive $0xFFFF;
	s2 =	simm.s32 @!p0 $0x1C20  }
0x537: {  	[timem:s3], [sflag:s2] =	dma.local @!p0 [hbm:s0], s1  }
0x538: {  	s0 =	simm.s32 @!p0 $0x20  }
0x539: {  	_ =	swait.ge @!p0 [sflag:s0], s1  }
0x53a: {  	s1 =	ssub.s32 @!p0 $0x0, s1;
	[sflag:s0] =	ssyncset.done @!p0 $0x0  }
0x53b: {  	[sflag:s0] =	ssyncadd.s32 @!p0 s1  }
0x53c: {  	[bflag:$0x3] =	sbarrier.arrive $0xFFFF  }
0x53d: {  	_ =	shalt  }

</sc_bundles>
